<compile_context>
chip_gen: v7x
topology: tpu7x:2x2x1
jax: 0.10.2.dev20260603
libtpu: 0.0.44.dev20260713+nightly
codegen_flags: <defaults>
</compile_context>

<pallas_src>
import functools

import jax
import numpy as np
import jax.numpy as jnp
from jax import lax
from jax.experimental import pallas as pl
from jax.experimental.pallas import tpu as pltpu
from jax.experimental.pallas import tpu_sc as plsc

NC = 2
NS = 16
NW = NC * NS
CHUNK = 64
NBUF = 5
GA = NBUF - 1
NISLOT = NBUF + 1
N_BLK = 1024



def _hist_body(idx_hbm, out_hbm, idx_v, hist_v):
    cid = lax.axis_index("c")
    sid = lax.axis_index("s")
    wid = sid * NC + cid
    hc = idx_v.shape[0]
    pltpu.sync_copy(idx_hbm.at[pl.ds(wid * hc, hc)], idx_v)
    nvec = hist_v.shape[0] // 16

    def zero_body(i, c):
        hist_v[pl.ds(i * 16, 16)] = jnp.zeros((16,), jnp.float32)
        return c

    lax.fori_loop(0, nvec, zero_body, 0)
    ones = jnp.ones((16,), jnp.float32)
    nchunk = idx_v.shape[0]

    def chunk_body(j, c):
        for k in range(CHUNK // 16):
            idx = idx_v[j, 1, pl.ds(k * 16, 16)]
            plsc.addupdate_scatter(hist_v, [idx], ones)
        return c

    lax.fori_loop(0, nchunk, chunk_body, 0)
    pltpu.sync_copy(hist_v, out_hbm.at[wid])


def _sc_hist(idx4, n_hist):
    hc = idx4.shape[0] // NW
    mesh = plsc.VectorSubcoreMesh(core_axis_name="c", subcore_axis_name="s")
    f = pl.kernel(
        _hist_body,
        out_type=jax.ShapeDtypeStruct((NW, n_hist), jnp.float32),
        mesh=mesh,
        compiler_params=pltpu.CompilerParams(needs_layout_passes=False),
        scratch_types=[
            pltpu.VMEM((hc, 2, CHUNK), jnp.int32),
            pltpu.VMEM((n_hist,), jnp.float32),
        ],
    )
    return f(idx4)


def _agg_body(n0, n1, y_hbm, idx_hbm, out_hbm,
              ib, fr, acc_sh, isem, gsem, ssem):
    cid = lax.axis_index("c")
    sid = lax.axis_index("s")
    n_acc = acc_sh.shape[0]
    d = acc_sh.shape[1]
    nis = ib.shape[0]
    nchunk = jnp.where(cid == 0, n0, n1)
    base = jnp.where(cid == 0, sid * n0, NS * n0 + sid * n1)

    for i in range(GA + 1):
        pltpu.async_copy(idx_hbm.at[base + i], ib.at[i], isem.at[i])

    def zstore(r, c):
        for k in range(d // 16):
            fr[0, r, pl.ds(k * 16, 16)] = jnp.zeros((16,), jnp.float32)
        return c

    lax.fori_loop(0, CHUNK, zstore, 0)
    zrow = n_acc // NS
    nfull = zrow // CHUNK
    rem = zrow - nfull * CHUNK
    for t in range(nfull):
        pltpu.sync_copy(fr.at[0],
                        acc_sh.at[pl.ds(sid * zrow + t * CHUNK, CHUNK)])
    if rem:
        pltpu.sync_copy(fr.at[0, pl.ds(0, rem)],
                        acc_sh.at[pl.ds(sid * zrow + nfull * CHUNK, rem)])
    plsc.subcore_barrier()

    for i in range(GA):
        pltpu.make_async_copy(idx_hbm.at[base + i], ib.at[i], isem.at[i]).wait()
        pltpu.async_copy(y_hbm.at[ib.at[i, 0]], fr.at[i], gsem.at[i])

    def chunk_body(j, c):
        @pl.when(j >= 1)
        def _():
            b = lax.rem(j - 1, NBUF)
            i = lax.rem(j - 1, nis)
            pltpu.make_async_copy(fr.at[b], acc_sh.at[ib.at[i, 1]],
                                  ssem.at[b]).wait()

        @pl.when(j + GA + 1 < nchunk)
        def _():
            i = lax.rem(j + GA + 1, nis)
            pltpu.async_copy(idx_hbm.at[base + j + GA + 1], ib.at[i],
                             isem.at[i])

        @pl.when(j + GA < nchunk)
        def _():
            b = lax.rem(j + GA, NBUF)
            i = lax.rem(j + GA, nis)
            pltpu.make_async_copy(idx_hbm.at[base + j + GA], ib.at[i],
                                  isem.at[i]).wait()
            pltpu.async_copy(y_hbm.at[ib.at[i, 0]], fr.at[b], gsem.at[b])

        b = lax.rem(j, NBUF)
        i = lax.rem(j, nis)
        pltpu.make_async_copy(y_hbm.at[ib.at[i, 0]], fr.at[b],
                              gsem.at[b]).wait()
        pltpu.async_copy(fr.at[b], acc_sh.at[ib.at[i, 1]], ssem.at[b],
                         add=True)
        return c

    lax.fori_loop(0, nchunk, chunk_body, 0)
    j = nchunk - 1
    pltpu.make_async_copy(fr.at[lax.rem(j, NBUF)],
                          acc_sh.at[ib.at[lax.rem(j, nis), 1]],
                          ssem.at[lax.rem(j, NBUF)]).wait()
    plsc.subcore_barrier()
    orow = n_acc // NS
    pltpu.sync_copy(acc_sh.at[pl.ds(sid * orow, orow)],
                    out_hbm.at[cid, pl.ds(sid * orow, orow)])


def _sc_aggregate(y, idx4, n0, n1, n_acc):
    d = y.shape[1]
    mesh = plsc.VectorSubcoreMesh(core_axis_name="c", subcore_axis_name="s")
    f = pl.kernel(
        functools.partial(_agg_body, n0, n1),
        out_type=jax.ShapeDtypeStruct((NC, n_acc, d), jnp.float32),
        mesh=mesh,
        scratch_types=[
            pltpu.VMEM((NISLOT, 2, CHUNK), jnp.int32),
            pltpu.VMEM((NBUF, CHUNK, d), jnp.float32),
            pltpu.VMEM_SHARED((n_acc, d), jnp.float32),
            pltpu.SemaphoreType.DMA((NISLOT,)),
            pltpu.SemaphoreType.DMA((NBUF,)),
            pltpu.SemaphoreType.DMA((NBUF,)),
        ],
    )
    return f(y, idx4)



def _prep_tc(hist, x, w1):
    n, d = x.shape
    g = pl.cdiv(n, N_BLK)

    def body(hist_ref, x_ref, w_ref, y_ref, dis_ref):
        deg = jnp.sum(hist_ref[...], axis=0) + 1.0
        dis = lax.rsqrt(deg)
        y_ref[...] = jnp.dot(x_ref[...], w_ref[...],
                             preferred_element_type=jnp.float32) * dis[:, None]
        dis_ref[...] = dis[:, None]

    return pl.pallas_call(
        body,
        grid=(g,),
        in_specs=[
            pl.BlockSpec((NW, N_BLK), lambda i: (0, i)),
            pl.BlockSpec((N_BLK, d), lambda i: (i, 0)),
            pl.BlockSpec((d, d), lambda i: (0, 0)),
        ],
        out_specs=[
            pl.BlockSpec((N_BLK, d), lambda i: (i, 0)),
            pl.BlockSpec((N_BLK, 1), lambda i: (i, 0)),
        ],
        out_shape=[
            jax.ShapeDtypeStruct((n, d), jnp.float32),
            jax.ShapeDtypeStruct((n, 1), jnp.float32),
        ],
    )(hist, x, w1)


def _mid_tc(p, y, dis, b, w_next):
    n, d = y.shape
    g = pl.cdiv(n, N_BLK)

    def body(p0_ref, p1_ref, y_ref, dis_ref, b_ref, w_ref, o_ref):
        t = p0_ref[0] + p1_ref[0] + y_ref[...]
        h = jnp.maximum(t * dis_ref[...] + b_ref[...], 0.0)
        o_ref[...] = jnp.dot(h, w_ref[...],
                             preferred_element_type=jnp.float32) * dis_ref[...]

    return pl.pallas_call(
        body,
        grid=(g,),
        in_specs=[
            pl.BlockSpec((1, N_BLK, d), lambda i: (0, i, 0)),
            pl.BlockSpec((1, N_BLK, d), lambda i: (1, i, 0)),
            pl.BlockSpec((N_BLK, d), lambda i: (i, 0)),
            pl.BlockSpec((N_BLK, 1), lambda i: (i, 0)),
            pl.BlockSpec((1, d), lambda i: (0, 0)),
            pl.BlockSpec((d, d), lambda i: (0, 0)),
        ],
        out_specs=pl.BlockSpec((N_BLK, d), lambda i: (i, 0)),
        out_shape=jax.ShapeDtypeStruct((n, d), jnp.float32),
    )(p, p, y, dis, b.reshape(1, d), w_next)


def _final_tc(p, y, dis, b):
    n, d = y.shape
    g = pl.cdiv(n, N_BLK)

    def body(p0_ref, p1_ref, y_ref, dis_ref, b_ref, o_ref):
        t = p0_ref[0] + p1_ref[0] + y_ref[...]
        o_ref[...] = jnp.maximum(t * dis_ref[...] + b_ref[...], 0.0)

    return pl.pallas_call(
        body,
        grid=(g,),
        in_specs=[
            pl.BlockSpec((1, N_BLK, d), lambda i: (0, i, 0)),
            pl.BlockSpec((1, N_BLK, d), lambda i: (1, i, 0)),
            pl.BlockSpec((N_BLK, d), lambda i: (i, 0)),
            pl.BlockSpec((N_BLK, 1), lambda i: (i, 0)),
            pl.BlockSpec((1, d), lambda i: (0, 0)),
        ],
        out_specs=pl.BlockSpec((N_BLK, d), lambda i: (i, 0)),
        out_shape=jax.ShapeDtypeStruct((n, d), jnp.float32),
    )(p, p, y, dis, b.reshape(1, d))



def kernel(x, edge_index, W1, b1, W2, b2, W3, b3):
    n, d = x.shape
    e = edge_index.shape[1]
    ei = edge_index.astype(jnp.int32)
    per_pair = (-(-e // CHUNK) + NS - 1) // NS
    if per_pair % 2:
        per_pair += 1
    n0 = int(round(per_pair * 0.74))
    n1 = per_pair - n0
    tot = NS * (n0 + n1)
    e_pad = tot * CHUNK
    pad = e_pad - e
    dummy = n + (jnp.arange(pad, dtype=jnp.int32) % 112)
    src_p = jnp.concatenate([ei[0], jnp.zeros((pad,), jnp.int32)])
    dst_p = jnp.concatenate([ei[1], dummy])
    idx4 = jnp.stack([src_p.reshape(tot, CHUNK),
                      dst_p.reshape(tot, CHUNK)], axis=1)

    n_hist = n + 144
    hist = _sc_hist(idx4, n_hist)
    y, dis = _prep_tc(hist[:, :n], x, W1)

    n_acc = -(-n // (NS * 8)) * NS * 8
    p = _sc_aggregate(y, idx4, n0, n1, n_acc)
    y = _mid_tc(p, y, dis, b1, W2)
    p = _sc_aggregate(y, idx4, n0, n1, n_acc)
    y = _mid_tc(p, y, dis, b2, W3)
    p = _sc_aggregate(y, idx4, n0, n1, n_acc)
    return _final_tc(p, y, dis, b3)

# --- scband reference (transcript-rebuilt; emitter-appended) ---
"""Pipeline reference for scband-gnnencoder-51144470561002 (READ-ONLY COPY).

The authoritative reference and input builder live on the scoring server;
editing this copy changes nothing except your own understanding.
"""

import jax, jax.numpy as jnp
import numpy as np

N_NODES = 10000
N_EDGES = 320000
D = 128


def setup_inputs(seed: int = 0) -> dict:
    key = jax.random.key(seed)
    kx, ke, k1, k2, k3 = jax.random.split(key, 5)
    x = jax.random.normal(kx, (N_NODES, D), dtype=jnp.float32)
    edge_index = jax.random.randint(ke, (2, N_EDGES), 0, N_NODES, dtype=jnp.int64)
    scale = 1.0 / np.sqrt(D)
    W1 = jax.random.normal(k1, (D, D), dtype=jnp.float32) * scale
    W2 = jax.random.normal(k2, (D, D), dtype=jnp.float32) * scale
    W3 = jax.random.normal(k3, (D, D), dtype=jnp.float32) * scale
    b1 = jnp.zeros((D,), dtype=jnp.float32)
    b2 = jnp.zeros((D,), dtype=jnp.float32)
    b3 = jnp.zeros((D,), dtype=jnp.float32)
    return {"x": x, "edge_index": edge_index, "W1": W1, "b1": b1, "W2": W2, "b2": b2, "W3": W3, "b3": b3}


def _gcn_layer(x, src, dst, norm, W, b):
    # GCNConv: x' = D^{-1/2} (A + I) D^{-1/2} (x W) + b
    h = x @ W
    msg = h[src] * norm[:, None]
    out = jax.ops.segment_sum(msg, dst, num_segments=x.shape[0])
    return out + b


def reference(x, edge_index, W1, b1, W2, b2, W3, b3):
    N = x.shape[0]
    src = edge_index[0]
    dst = edge_index[1]
    loop = jnp.arange(N, dtype=src.dtype)
    src = jnp.concatenate([src, loop])
    dst = jnp.concatenate([dst, loop])
    # symmetric normalization with self-loops (PyG gcn_norm, degree from dst/col)
    deg = jnp.zeros((N,), dtype=x.dtype).at[dst].add(1.0)
    deg_inv_sqrt = jnp.where(deg > 0, 1.0 / jnp.sqrt(deg), 0.0)
    norm = deg_inv_sqrt[src] * deg_inv_sqrt[dst]
    h = _gcn_layer(x, src, dst, norm, W1, b1)
    h = jax.nn.relu(h)
    h = _gcn_layer(h, src, dst, norm, W2, b2)
    h = jax.nn.relu(h)
    h = _gcn_layer(h, src, dst, norm, W3, b3)
    h = jax.nn.relu(h)
    return h

if __name__ == "__main__":
    import jax
    _d = setup_inputs()
    print(jax.jit(kernel)(*tuple(_d.values())))

</pallas_src>

<mosaic_0001>
#map = affine_map<(d0, d1) -> (0, 0, 0)>
#map1 = affine_map<(d0, d1) -> (0, 0)>
module attributes {stable_mosaic.version = 14 : i64} {
  func.func @_hist_body(%arg0: i32, %arg1: i32, %arg2: memref<5024x2x64xi32, #tpu.memory_space<hbm>>, %arg3: memref<32x10144xf32, #tpu.memory_space<hbm>>, %arg4: memref<157x2x64xi32, #tpu.memory_space<vmem>>, %arg5: memref<10144xf32, #tpu.memory_space<vmem>>) attributes {dimension_semantics = [#tpu.dimension_semantics<core_parallel>, #tpu.dimension_semantics<subcore_parallel>], iteration_bounds = array<i64: 2, 16>, scalar_prefetch = 0 : i64, scratch_operands = 2 : i64, tpu.core_type = #tpu.core_type<sc_vector_subcore>, window_params = [{transform_indices = #map}, {transform_indices = #map1}]} {
    %mul3A = arith.constant 2 : i32
    %mul3A_0 = arith.muli %arg1, %mul3A : i32
    %add3A = arith.addi %mul3A_0, %arg0 : i32
    %mul3A_1 = arith.constant 157 : i32
    %mul3A_2 = arith.muli %add3A, %mul3A_1 : i32
    "tpu.region"() ({
      %run_scoped3A = tpu.sem_alloc : memref<!tpu.dma_semaphore, #tpu.memory_space<semaphore_mem>>
      %dma_start3A = arith.constant 0 : i32
      %dma_start3A_15 = arith.constant 0 : i32
      %dma_start3A_16 = tpu.memref_slice %arg2[%mul3A_2, %dma_start3A, %dma_start3A_15] : memref<5024x2x64xi32, #tpu.memory_space<hbm>> -> memref<157x2x64xi32, #tpu.memory_space<hbm>>
      %dma_start3A_17 = arith.constant 0 : i32
      %dma_start3A_18 = arith.constant 0 : i32
      %dma_start3A_19 = tpu.memref_slice %arg2[%mul3A_2, %dma_start3A_17, %dma_start3A_18] : memref<5024x2x64xi32, #tpu.memory_space<hbm>> -> memref<157x2x64xi32, #tpu.memory_space<hbm>>
      tpu.enqueue_dma source(%dma_start3A_19 : memref<157x2x64xi32, #tpu.memory_space<hbm>>) target(%arg4 : memref<157x2x64xi32, #tpu.memory_space<vmem>>) target_semaphore(%run_scoped3A : memref<!tpu.dma_semaphore, #tpu.memory_space<semaphore_mem>>)
      %dma_wait3A = arith.constant 0 : i32
      %dma_wait3A_20 = arith.constant 0 : i32
      %dma_wait3A_21 = tpu.memref_slice %arg2[%mul3A_2, %dma_wait3A, %dma_wait3A_20] : memref<5024x2x64xi32, #tpu.memory_space<hbm>> -> memref<157x2x64xi32, #tpu.memory_space<hbm>>
      %dma_wait3A_22 = arith.constant 0 : i32
      %dma_wait3A_23 = arith.constant 0 : i32
      %dma_wait3A_24 = tpu.memref_slice %arg2[%mul3A_2, %dma_wait3A_22, %dma_wait3A_23] : memref<5024x2x64xi32, #tpu.memory_space<hbm>> -> memref<157x2x64xi32, #tpu.memory_space<hbm>>
      tpu.wait_dma2 semaphore(%run_scoped3A : memref<!tpu.dma_semaphore, #tpu.memory_space<semaphore_mem>>) src(%dma_wait3A_24 : memref<157x2x64xi32, #tpu.memory_space<hbm>>) dst(%arg4 : memref<157x2x64xi32, #tpu.memory_space<vmem>>)
      tpu.yield
    }) : () -> ()
    %scan3A = arith.constant 0 : i32
    %scan3A_3 = arith.constant 0 : i32
    %scan3A_4 = arith.constant 634 : i32
    %scan3A_5 = arith.addi %scan3A_3, %scan3A_4 : i32
    %scan3A_6 = arith.constant 1 : i32
    scf.for %scan3A_15 = %scan3A_3 to %scan3A_5 step %scan3A_6  : i32 {
      %broadcast_in_dim3A_16 = arith.constant 0.000000e+00 : f32
      %broadcast_in_dim3A_17 = vector.broadcast %broadcast_in_dim3A_16 : f32 to vector<16xf32>
      %mul3A_18 = arith.constant 16 : i32
      %mul3A_19 = arith.muli %scan3A_15, %mul3A_18 : i32
      %swap3A = arith.index_cast %mul3A_19 : i32 to index
      %swap3A_20 = tpu.vector_load %arg5[%swap3A] {strides = array<i32>} : memref<10144xf32, #tpu.memory_space<vmem>>, vector<16xf32>,
      tpu.vector_store %arg5[%swap3A], %broadcast_in_dim3A_17 {strides = array<i32>} : memref<10144xf32, #tpu.memory_space<vmem>>, vector<16xf32>,
    }
    %scan3A_7 = arith.constant 634 : i32
    %broadcast_in_dim3A = arith.constant 1.000000e+00 : f32
    %broadcast_in_dim3A_8 = vector.broadcast %broadcast_in_dim3A : f32 to vector<16xf32>
    %scan3A_9 = arith.constant 0 : i32
    %scan3A_10 = arith.constant 0 : i32
    %scan3A_11 = arith.constant 157 : i32
    %scan3A_12 = arith.addi %scan3A_10, %scan3A_11 : i32
    %scan3A_13 = arith.constant 1 : i32
    scf.for %scan3A_15 = %scan3A_10 to %scan3A_12 step %scan3A_13  : i32 {
      %get3A = arith.constant 1 : i32
      %get3A_16 = arith.index_cast %scan3A_15 : i32 to index
      %get3A_17 = arith.index_cast %get3A : i32 to index
      %get3A_18 = arith.constant 0 : index
      %get3A_19 = tpu.vector_load %arg4[%get3A_16, %get3A_17, %get3A_18] {strides = array<i32>} : memref<157x2x64xi32, #tpu.memory_space<vmem>>, vector<16xi32>,
      tpu.vector_store_idx %arg5[%get3A_19], %broadcast_in_dim3A_8 {add = true} : memref<10144xf32, #tpu.memory_space<vmem>>[vector<16xi32>], vector<16xf32>,
      %get3A_20 = arith.constant 1 : i32
      %get3A_21 = arith.index_cast %scan3A_15 : i32 to index
      %get3A_22 = arith.index_cast %get3A_20 : i32 to index
      %get3A_23 = arith.constant 16 : index
      %get3A_24 = tpu.vector_load %arg4[%get3A_21, %get3A_22, %get3A_23] {strides = array<i32>} : memref<157x2x64xi32, #tpu.memory_space<vmem>>, vector<16xi32>,
      tpu.vector_store_idx %arg5[%get3A_24], %broadcast_in_dim3A_8 {add = true} : memref<10144xf32, #tpu.memory_space<vmem>>[vector<16xi32>], vector<16xf32>,
      %get3A_25 = arith.constant 1 : i32
      %get3A_26 = arith.index_cast %scan3A_15 : i32 to index
      %get3A_27 = arith.index_cast %get3A_25 : i32 to index
      %get3A_28 = arith.constant 32 : index
      %get3A_29 = tpu.vector_load %arg4[%get3A_26, %get3A_27, %get3A_28] {strides = array<i32>} : memref<157x2x64xi32, #tpu.memory_space<vmem>>, vector<16xi32>,
      tpu.vector_store_idx %arg5[%get3A_29], %broadcast_in_dim3A_8 {add = true} : memref<10144xf32, #tpu.memory_space<vmem>>[vector<16xi32>], vector<16xf32>,
      %get3A_30 = arith.constant 1 : i32
      %get3A_31 = arith.index_cast %scan3A_15 : i32 to index
      %get3A_32 = arith.index_cast %get3A_30 : i32 to index
      %get3A_33 = arith.constant 48 : index
      %get3A_34 = tpu.vector_load %arg4[%get3A_31, %get3A_32, %get3A_33] {strides = array<i32>} : memref<157x2x64xi32, #tpu.memory_space<vmem>>, vector<16xi32>,
      tpu.vector_store_idx %arg5[%get3A_34], %broadcast_in_dim3A_8 {add = true} : memref<10144xf32, #tpu.memory_space<vmem>>[vector<16xi32>], vector<16xf32>,
    }
    %scan3A_14 = arith.constant 157 : i32
    "tpu.region"() ({
      %run_scoped3A = tpu.sem_alloc : memref<!tpu.dma_semaphore, #tpu.memory_space<semaphore_mem>>
      %dma_start3A = arith.constant 0 : i32
      %dma_start3A_15 = tpu.memref_slice %arg3[%add3A, %dma_start3A] : memref<32x10144xf32, #tpu.memory_space<hbm>> -> memref<1x10144xf32, #tpu.memory_space<hbm>>
      %dma_start3A_16 = tpu.memref_squeeze %dma_start3A_15 : memref<1x10144xf32, #tpu.memory_space<hbm>> -> memref<10144xf32, #tpu.memory_space<hbm>>
      %dma_start3A_17 = arith.constant 0 : i32
      %dma_start3A_18 = tpu.memref_slice %arg3[%add3A, %dma_start3A_17] : memref<32x10144xf32, #tpu.memory_space<hbm>> -> memref<1x10144xf32, #tpu.memory_space<hbm>>
      %dma_start3A_19 = tpu.memref_squeeze %dma_start3A_18 : memref<1x10144xf32, #tpu.memory_space<hbm>> -> memref<10144xf32, #tpu.memory_space<hbm>>
      tpu.enqueue_dma source(%arg5 : memref<10144xf32, #tpu.memory_space<vmem>>) target(%dma_start3A_19 : memref<10144xf32, #tpu.memory_space<hbm>>) target_semaphore(%run_scoped3A : memref<!tpu.dma_semaphore, #tpu.memory_space<semaphore_mem>>)
      %dma_wait3A = arith.constant 0 : i32
      %dma_wait3A_20 = tpu.memref_slice %arg3[%add3A, %dma_wait3A] : memref<32x10144xf32, #tpu.memory_space<hbm>> -> memref<1x10144xf32, #tpu.memory_space<hbm>>
      %dma_wait3A_21 = tpu.memref_squeeze %dma_wait3A_20 : memref<1x10144xf32, #tpu.memory_space<hbm>> -> memref<10144xf32, #tpu.memory_space<hbm>>
      %dma_wait3A_22 = arith.constant 0 : i32
      %dma_wait3A_23 = tpu.memref_slice %arg3[%add3A, %dma_wait3A_22] : memref<32x10144xf32, #tpu.memory_space<hbm>> -> memref<1x10144xf32, #tpu.memory_space<hbm>>
      %dma_wait3A_24 = tpu.memref_squeeze %dma_wait3A_23 : memref<1x10144xf32, #tpu.memory_space<hbm>> -> memref<10144xf32, #tpu.memory_space<hbm>>
      tpu.wait_dma2 semaphore(%run_scoped3A : memref<!tpu.dma_semaphore, #tpu.memory_space<semaphore_mem>>) src(%arg5 : memref<10144xf32, #tpu.memory_space<vmem>>) dst(%dma_wait3A_24 : memref<10144xf32, #tpu.memory_space<hbm>>)
      tpu.yield
    }) : () -> ()
    return
  }
}

#map = affine_map<(d0, d1) -> (0, 0)>
#map1 = affine_map<(d0, d1) -> (0, 0, 0)>
module attributes {stable_mosaic.version = 14 : i64} {
  func.func @_agg_body(%arg0: i32, %arg1: i32, %arg2: memref<10000x128xf32, #tpu.memory_space<hbm>>, %arg3: memref<5024x2x64xi32, #tpu.memory_space<hbm>>, %arg4: memref<2x10112x128xf32, #tpu.memory_space<hbm>>, %arg5: memref<6x2x64xi32, #tpu.memory_space<vmem>>, %arg6: memref<5x64x128xf32, #tpu.memory_space<vmem>>, %arg7: memref<10112x128xf32, #tpu.memory_space<vmem_shared>>, %arg8: memref<6x!tpu.dma_semaphore, #tpu.memory_space<semaphore_mem>>, %arg9: memref<5x!tpu.dma_semaphore, #tpu.memory_space<semaphore_mem>>, %arg10: memref<5x!tpu.dma_semaphore, #tpu.memory_space<semaphore_mem>>) attributes {dimension_semantics = [#tpu.dimension_semantics<core_parallel>, #tpu.dimension_semantics<subcore_parallel>], iteration_bounds = array<i64: 2, 16>, scalar_prefetch = 0 : i64, scratch_operands = 6 : i64, tpu.core_type = #tpu.core_type<sc_vector_subcore>, window_params = [{transform_indices = #map}, {transform_indices = #map1}, {transform_indices = #map1}]} {
    %eq3A = arith.constant 0 : i32
    %eq3A_0 = arith.cmpi eq, %arg0, %eq3A : i32
    %jit3A = arith.constant 232 : i32
    %jit3A_1 = arith.constant 82 : i32
    %select_n3A = arith.select %eq3A_0, %jit3A, %jit3A_1 : i32
    %eq3A_2 = arith.constant 0 : i32
    %eq3A_3 = arith.cmpi eq, %arg0, %eq3A_2 : i32
    %mul3A = arith.constant 232 : i32
    %mul3A_4 = arith.muli %arg1, %mul3A : i32
    %mul3A_5 = arith.constant 82 : i32
    %mul3A_6 = arith.muli %arg1, %mul3A_5 : i32
    %add3A = arith.constant 3712 : i32
    %add3A_7 = arith.addi %add3A, %mul3A_6 : i32
    %select_n3A_8 = arith.select %eq3A_3, %mul3A_4, %add3A_7 : i32
    %add3A_9 = arith.constant 0 : i32
    %add3A_10 = arith.addi %select_n3A_8, %add3A_9 : i32
    %dma_start3A = arith.constant 0 : i32
    %dma_start3A_11 = arith.constant 0 : i32
    %dma_start3A_12 = arith.constant 0 : i32
    %dma_start3A_13 = arith.constant 0 : i32
    %dma_start3A_14 = tpu.memref_slice %arg5[%dma_start3A, %dma_start3A_12, %dma_start3A_13] : memref<6x2x64xi32, #tpu.memory_space<vmem>> -> memref<1x2x64xi32, #tpu.memory_space<vmem>>
    %dma_start3A_15 = tpu.memref_squeeze %dma_start3A_14 : memref<1x2x64xi32, #tpu.memory_space<vmem>> -> memref<2x64xi32, #tpu.memory_space<vmem>>
    %dma_start3A_16 = arith.constant 0 : i32
    %dma_start3A_17 = arith.constant 0 : i32
    %dma_start3A_18 = tpu.memref_slice %arg3[%add3A_10, %dma_start3A_16, %dma_start3A_17] : memref<5024x2x64xi32, #tpu.memory_space<hbm>> -> memref<1x2x64xi32, #tpu.memory_space<hbm>>
    %dma_start3A_19 = tpu.memref_squeeze %dma_start3A_18 : memref<1x2x64xi32, #tpu.memory_space<hbm>> -> memref<2x64xi32, #tpu.memory_space<hbm>>
    %dma_start3A_20 = tpu.memref_slice %arg8[%dma_start3A_11] : memref<6x!tpu.dma_semaphore, #tpu.memory_space<semaphore_mem>> -> memref<1x!tpu.dma_semaphore, #tpu.memory_space<semaphore_mem>>
    %dma_start3A_21 = tpu.memref_squeeze %dma_start3A_20 : memref<1x!tpu.dma_semaphore, #tpu.memory_space<semaphore_mem>> -> memref<!tpu.dma_semaphore, #tpu.memory_space<semaphore_mem>>
    %dma_start3A_22 = arith.constant 0 : i32
    %dma_start3A_23 = arith.constant 0 : i32
    %dma_start3A_24 = tpu.memref_slice %arg5[%dma_start3A, %dma_start3A_22, %dma_start3A_23] : memref<6x2x64xi32, #tpu.memory_space<vmem>> -> memref<1x2x64xi32, #tpu.memory_space<vmem>>
    %dma_start3A_25 = tpu.memref_squeeze %dma_start3A_24 : memref<1x2x64xi32, #tpu.memory_space<vmem>> -> memref<2x64xi32, #tpu.memory_space<vmem>>
    %dma_start3A_26 = arith.constant 0 : i32
    %dma_start3A_27 = arith.constant 0 : i32
    %dma_start3A_28 = tpu.memref_slice %arg3[%add3A_10, %dma_start3A_26, %dma_start3A_27] : memref<5024x2x64xi32, #tpu.memory_space<hbm>> -> memref<1x2x64xi32, #tpu.memory_space<hbm>>
    %dma_start3A_29 = tpu.memref_squeeze %dma_start3A_28 : memref<1x2x64xi32, #tpu.memory_space<hbm>> -> memref<2x64xi32, #tpu.memory_space<hbm>>
    tpu.enqueue_dma source(%dma_start3A_29 : memref<2x64xi32, #tpu.memory_space<hbm>>) target(%dma_start3A_25 : memref<2x64xi32, #tpu.memory_space<vmem>>) target_semaphore(%dma_start3A_21 : memref<!tpu.dma_semaphore, #tpu.memory_space<semaphore_mem>>)
    %add3A_30 = arith.constant 1 : i32
    %add3A_31 = arith.addi %select_n3A_8, %add3A_30 : i32
    %dma_start3A_32 = arith.constant 1 : i32
    %dma_start3A_33 = arith.constant 1 : i32
    %dma_start3A_34 = arith.constant 0 : i32
    %dma_start3A_35 = arith.constant 0 : i32
    %dma_start3A_36 = tpu.memref_slice %arg5[%dma_start3A_32, %dma_start3A_34, %dma_start3A_35] : memref<6x2x64xi32, #tpu.memory_space<vmem>> -> memref<1x2x64xi32, #tpu.memory_space<vmem>>
    %dma_start3A_37 = tpu.memref_squeeze %dma_start3A_36 : memref<1x2x64xi32, #tpu.memory_space<vmem>> -> memref<2x64xi32, #tpu.memory_space<vmem>>
    %dma_start3A_38 = arith.constant 0 : i32
    %dma_start3A_39 = arith.constant 0 : i32
    %dma_start3A_40 = tpu.memref_slice %arg3[%add3A_31, %dma_start3A_38, %dma_start3A_39] : memref<5024x2x64xi32, #tpu.memory_space<hbm>> -> memref<1x2x64xi32, #tpu.memory_space<hbm>>
    %dma_start3A_41 = tpu.memref_squeeze %dma_start3A_40 : memref<1x2x64xi32, #tpu.memory_space<hbm>> -> memref<2x64xi32, #tpu.memory_space<hbm>>
    %dma_start3A_42 = tpu.memref_slice %arg8[%dma_start3A_33] : memref<6x!tpu.dma_semaphore, #tpu.memory_space<semaphore_mem>> -> memref<1x!tpu.dma_semaphore, #tpu.memory_space<semaphore_mem>>
    %dma_start3A_43 = tpu.memref_squeeze %dma_start3A_42 : memref<1x!tpu.dma_semaphore, #tpu.memory_space<semaphore_mem>> -> memref<!tpu.dma_semaphore, #tpu.memory_space<semaphore_mem>>
    %dma_start3A_44 = arith.constant 0 : i32
    %dma_start3A_45 = arith.constant 0 : i32
    %dma_start3A_46 = tpu.memref_slice %arg5[%dma_start3A_32, %dma_start3A_44, %dma_start3A_45] : memref<6x2x64xi32, #tpu.memory_space<vmem>> -> memref<1x2x64xi32, #tpu.memory_space<vmem>>
    %dma_start3A_47 = tpu.memref_squeeze %dma_start3A_46 : memref<1x2x64xi32, #tpu.memory_space<vmem>> -> memref<2x64xi32, #tpu.memory_space<vmem>>
    %dma_start3A_48 = arith.constant 0 : i32
    %dma_start3A_49 = arith.constant 0 : i32
    %dma_start3A_50 = tpu.memref_slice %arg3[%add3A_31, %dma_start3A_48, %dma_start3A_49] : memref<5024x2x64xi32, #tpu.memory_space<hbm>> -> memref<1x2x64xi32, #tpu.memory_space<hbm>>
    %dma_start3A_51 = tpu.memref_squeeze %dma_start3A_50 : memref<1x2x64xi32, #tpu.memory_space<hbm>> -> memref<2x64xi32, #tpu.memory_space<hbm>>
    tpu.enqueue_dma source(%dma_start3A_51 : memref<2x64xi32, #tpu.memory_space<hbm>>) target(%dma_start3A_47 : memref<2x64xi32, #tpu.memory_space<vmem>>) target_semaphore(%dma_start3A_43 : memref<!tpu.dma_semaphore, #tpu.memory_space<semaphore_mem>>)
    %add3A_52 = arith.constant 2 : i32
    %add3A_53 = arith.addi %select_n3A_8, %add3A_52 : i32
    %dma_start3A_54 = arith.constant 2 : i32
    %dma_start3A_55 = arith.constant 2 : i32
    %dma_start3A_56 = arith.constant 0 : i32
    %dma_start3A_57 = arith.constant 0 : i32
    %dma_start3A_58 = tpu.memref_slice %arg5[%dma_start3A_54, %dma_start3A_56, %dma_start3A_57] : memref<6x2x64xi32, #tpu.memory_space<vmem>> -> memref<1x2x64xi32, #tpu.memory_space<vmem>>
    %dma_start3A_59 = tpu.memref_squeeze %dma_start3A_58 : memref<1x2x64xi32, #tpu.memory_space<vmem>> -> memref<2x64xi32, #tpu.memory_space<vmem>>
    %dma_start3A_60 = arith.constant 0 : i32
    %dma_start3A_61 = arith.constant 0 : i32
    %dma_start3A_62 = tpu.memref_slice %arg3[%add3A_53, %dma_start3A_60, %dma_start3A_61] : memref<5024x2x64xi32, #tpu.memory_space<hbm>> -> memref<1x2x64xi32, #tpu.memory_space<hbm>>
    %dma_start3A_63 = tpu.memref_squeeze %dma_start3A_62 : memref<1x2x64xi32, #tpu.memory_space<hbm>> -> memref<2x64xi32, #tpu.memory_space<hbm>>
    %dma_start3A_64 = tpu.memref_slice %arg8[%dma_start3A_55] : memref<6x!tpu.dma_semaphore, #tpu.memory_space<semaphore_mem>> -> memref<1x!tpu.dma_semaphore, #tpu.memory_space<semaphore_mem>>
    %dma_start3A_65 = tpu.memref_squeeze %dma_start3A_64 : memref<1x!tpu.dma_semaphore, #tpu.memory_space<semaphore_mem>> -> memref<!tpu.dma_semaphore, #tpu.memory_space<semaphore_mem>>
    %dma_start3A_66 = arith.constant 0 : i32
    %dma_start3A_67 = arith.constant 0 : i32
    %dma_start3A_68 = tpu.memref_slice %arg5[%dma_start3A_54, %dma_start3A_66, %dma_start3A_67] : memref<6x2x64xi32, #tpu.memory_space<vmem>> -> memref<1x2x64xi32, #tpu.memory_space<vmem>>
    %dma_start3A_69 = tpu.memref_squeeze %dma_start3A_68 : memref<1x2x64xi32, #tpu.memory_space<vmem>> -> memref<2x64xi32, #tpu.memory_space<vmem>>
    %dma_start3A_70 = arith.constant 0 : i32
    %dma_start3A_71 = arith.constant 0 : i32
    %dma_start3A_72 = tpu.memref_slice %arg3[%add3A_53, %dma_start3A_70, %dma_start3A_71] : memref<5024x2x64xi32, #tpu.memory_space<hbm>> -> memref<1x2x64xi32, #tpu.memory_space<hbm>>
    %dma_start3A_73 = tpu.memref_squeeze %dma_start3A_72 : memref<1x2x64xi32, #tpu.memory_space<hbm>> -> memref<2x64xi32, #tpu.memory_space<hbm>>
    tpu.enqueue_dma source(%dma_start3A_73 : memref<2x64xi32, #tpu.memory_space<hbm>>) target(%dma_start3A_69 : memref<2x64xi32, #tpu.memory_space<vmem>>) target_semaphore(%dma_start3A_65 : memref<!tpu.dma_semaphore, #tpu.memory_space<semaphore_mem>>)
    %add3A_74 = arith.constant 3 : i32
    %add3A_75 = arith.addi %select_n3A_8, %add3A_74 : i32
    %dma_start3A_76 = arith.constant 3 : i32
    %dma_start3A_77 = arith.constant 3 : i32
    %dma_start3A_78 = arith.constant 0 : i32
    %dma_start3A_79 = arith.constant 0 : i32
    %dma_start3A_80 = tpu.memref_slice %arg5[%dma_start3A_76, %dma_start3A_78, %dma_start3A_79] : memref<6x2x64xi32, #tpu.memory_space<vmem>> -> memref<1x2x64xi32, #tpu.memory_space<vmem>>
    %dma_start3A_81 = tpu.memref_squeeze %dma_start3A_80 : memref<1x2x64xi32, #tpu.memory_space<vmem>> -> memref<2x64xi32, #tpu.memory_space<vmem>>
    %dma_start3A_82 = arith.constant 0 : i32
    %dma_start3A_83 = arith.constant 0 : i32
    %dma_start3A_84 = tpu.memref_slice %arg3[%add3A_75, %dma_start3A_82, %dma_start3A_83] : memref<5024x2x64xi32, #tpu.memory_space<hbm>> -> memref<1x2x64xi32, #tpu.memory_space<hbm>>
    %dma_start3A_85 = tpu.memref_squeeze %dma_start3A_84 : memref<1x2x64xi32, #tpu.memory_space<hbm>> -> memref<2x64xi32, #tpu.memory_space<hbm>>
    %dma_start3A_86 = tpu.memref_slice %arg8[%dma_start3A_77] : memref<6x!tpu.dma_semaphore, #tpu.memory_space<semaphore_mem>> -> memref<1x!tpu.dma_semaphore, #tpu.memory_space<semaphore_mem>>
    %dma_start3A_87 = tpu.memref_squeeze %dma_start3A_86 : memref<1x!tpu.dma_semaphore, #tpu.memory_space<semaphore_mem>> -> memref<!tpu.dma_semaphore, #tpu.memory_space<semaphore_mem>>
    %dma_start3A_88 = arith.constant 0 : i32
    %dma_start3A_89 = arith.constant 0 : i32
    %dma_start3A_90 = tpu.memref_slice %arg5[%dma_start3A_76, %dma_start3A_88, %dma_start3A_89] : memref<6x2x64xi32, #tpu.memory_space<vmem>> -> memref<1x2x64xi32, #tpu.memory_space<vmem>>
    %dma_start3A_91 = tpu.memref_squeeze %dma_start3A_90 : memref<1x2x64xi32, #tpu.memory_space<vmem>> -> memref<2x64xi32, #tpu.memory_space<vmem>>
    %dma_start3A_92 = arith.constant 0 : i32
    %dma_start3A_93 = arith.constant 0 : i32
    %dma_start3A_94 = tpu.memref_slice %arg3[%add3A_75, %dma_start3A_92, %dma_start3A_93] : memref<5024x2x64xi32, #tpu.memory_space<hbm>> -> memref<1x2x64xi32, #tpu.memory_space<hbm>>
    %dma_start3A_95 = tpu.memref_squeeze %dma_start3A_94 : memref<1x2x64xi32, #tpu.memory_space<hbm>> -> memref<2x64xi32, #tpu.memory_space<hbm>>
    tpu.enqueue_dma source(%dma_start3A_95 : memref<2x64xi32, #tpu.memory_space<hbm>>) target(%dma_start3A_91 : memref<2x64xi32, #tpu.memory_space<vmem>>) target_semaphore(%dma_start3A_87 : memref<!tpu.dma_semaphore, #tpu.memory_space<semaphore_mem>>)
    %add3A_96 = arith.constant 4 : i32
    %add3A_97 = arith.addi %select_n3A_8, %add3A_96 : i32
    %dma_start3A_98 = arith.constant 4 : i32
    %dma_start3A_99 = arith.constant 4 : i32
    %dma_start3A_100 = arith.constant 0 : i32
    %dma_start3A_101 = arith.constant 0 : i32
    %dma_start3A_102 = tpu.memref_slice %arg5[%dma_start3A_98, %dma_start3A_100, %dma_start3A_101] : memref<6x2x64xi32, #tpu.memory_space<vmem>> -> memref<1x2x64xi32, #tpu.memory_space<vmem>>
    %dma_start3A_103 = tpu.memref_squeeze %dma_start3A_102 : memref<1x2x64xi32, #tpu.memory_space<vmem>> -> memref<2x64xi32, #tpu.memory_space<vmem>>
    %dma_start3A_104 = arith.constant 0 : i32
    %dma_start3A_105 = arith.constant 0 : i32
    %dma_start3A_106 = tpu.memref_slice %arg3[%add3A_97, %dma_start3A_104, %dma_start3A_105] : memref<5024x2x64xi32, #tpu.memory_space<hbm>> -> memref<1x2x64xi32, #tpu.memory_space<hbm>>
    %dma_start3A_107 = tpu.memref_squeeze %dma_start3A_106 : memref<1x2x64xi32, #tpu.memory_space<hbm>> -> memref<2x64xi32, #tpu.memory_space<hbm>>
    %dma_start3A_108 = tpu.memref_slice %arg8[%dma_start3A_99] : memref<6x!tpu.dma_semaphore, #tpu.memory_space<semaphore_mem>> -> memref<1x!tpu.dma_semaphore, #tpu.memory_space<semaphore_mem>>
    %dma_start3A_109 = tpu.memref_squeeze %dma_start3A_108 : memref<1x!tpu.dma_semaphore, #tpu.memory_space<semaphore_mem>> -> memref<!tpu.dma_semaphore, #tpu.memory_space<semaphore_mem>>
    %dma_start3A_110 = arith.constant 0 : i32
    %dma_start3A_111 = arith.constant 0 : i32
    %dma_start3A_112 = tpu.memref_slice %arg5[%dma_start3A_98, %dma_start3A_110, %dma_start3A_111] : memref<6x2x64xi32, #tpu.memory_space<vmem>> -> memref<1x2x64xi32, #tpu.memory_space<vmem>>
    %dma_start3A_113 = tpu.memref_squeeze %dma_start3A_112 : memref<1x2x64xi32, #tpu.memory_space<vmem>> -> memref<2x64xi32, #tpu.memory_space<vmem>>
    %dma_start3A_114 = arith.constant 0 : i32
    %dma_start3A_115 = arith.constant 0 : i32
    %dma_start3A_116 = tpu.memref_slice %arg3[%add3A_97, %dma_start3A_114, %dma_start3A_115] : memref<5024x2x64xi32, #tpu.memory_space<hbm>> -> memref<1x2x64xi32, #tpu.memory_space<hbm>>
    %dma_start3A_117 = tpu.memref_squeeze %dma_start3A_116 : memref<1x2x64xi32, #tpu.memory_space<hbm>> -> memref<2x64xi32, #tpu.memory_space<hbm>>
    tpu.enqueue_dma source(%dma_start3A_117 : memref<2x64xi32, #tpu.memory_space<hbm>>) target(%dma_start3A_113 : memref<2x64xi32, #tpu.memory_space<vmem>>) target_semaphore(%dma_start3A_109 : memref<!tpu.dma_semaphore, #tpu.memory_space<semaphore_mem>>)
    %scan3A = arith.constant 0 : i32
    %scan3A_118 = arith.constant 0 : i32
    %scan3A_119 = arith.constant 64 : i32
    %scan3A_120 = arith.addi %scan3A_118, %scan3A_119 : i32
    %scan3A_121 = arith.constant 1 : i32
    scf.for %scan3A_356 = %scan3A_118 to %scan3A_120 step %scan3A_121  : i32 {
      %broadcast_in_dim3A = arith.constant 0.000000e+00 : f32
      %broadcast_in_dim3A_357 = vector.broadcast %broadcast_in_dim3A : f32 to vector<16xf32>
      %swap3A = arith.constant 0 : i32
      %swap3A_358 = arith.index_cast %swap3A : i32 to index
      %swap3A_359 = arith.index_cast %scan3A_356 : i32 to index
      %swap3A_360 = arith.constant 0 : index
      %swap3A_361 = tpu.vector_load %arg6[%swap3A_358, %swap3A_359, %swap3A_360] {strides = array<i32>} : memref<5x64x128xf32, #tpu.memory_space<vmem>>, vector<1x1x16xf32>,
      %swap3A_362 = vector.shape_cast %swap3A_361 : vector<1x1x16xf32> to vector<16xf32>
      %swap3A_363 = vector.shape_cast %broadcast_in_dim3A_357 : vector<16xf32> to vector<1x1x16xf32>
      tpu.vector_store %arg6[%swap3A_358, %swap3A_359, %swap3A_360], %swap3A_363 {strides = array<i32>} : memref<5x64x128xf32, #tpu.memory_space<vmem>>, vector<1x1x16xf32>,
      %broadcast_in_dim3A_364 = arith.constant 0.000000e+00 : f32
      %broadcast_in_dim3A_365 = vector.broadcast %broadcast_in_dim3A_364 : f32 to vector<16xf32>
      %swap3A_366 = arith.constant 0 : i32
      %swap3A_367 = arith.index_cast %swap3A_366 : i32 to index
      %swap3A_368 = arith.index_cast %scan3A_356 : i32 to index
      %swap3A_369 = arith.constant 16 : index
      %swap3A_370 = tpu.vector_load %arg6[%swap3A_367, %swap3A_368, %swap3A_369] {strides = array<i32>} : memref<5x64x128xf32, #tpu.memory_space<vmem>>, vector<1x1x16xf32>,
      %swap3A_371 = vector.shape_cast %swap3A_370 : vector<1x1x16xf32> to vector<16xf32>
      %swap3A_372 = vector.shape_cast %broadcast_in_dim3A_365 : vector<16xf32> to vector<1x1x16xf32>
      tpu.vector_store %arg6[%swap3A_367, %swap3A_368, %swap3A_369], %swap3A_372 {strides = array<i32>} : memref<5x64x128xf32, #tpu.memory_space<vmem>>, vector<1x1x16xf32>,
      %broadcast_in_dim3A_373 = arith.constant 0.000000e+00 : f32
      %broadcast_in_dim3A_374 = vector.broadcast %broadcast_in_dim3A_373 : f32 to vector<16xf32>
      %swap3A_375 = arith.constant 0 : i32
      %swap3A_376 = arith.index_cast %swap3A_375 : i32 to index
      %swap3A_377 = arith.index_cast %scan3A_356 : i32 to index
      %swap3A_378 = arith.constant 32 : index
      %swap3A_379 = tpu.vector_load %arg6[%swap3A_376, %swap3A_377, %swap3A_378] {strides = array<i32>} : memref<5x64x128xf32, #tpu.memory_space<vmem>>, vector<1x1x16xf32>,
      %swap3A_380 = vector.shape_cast %swap3A_379 : vector<1x1x16xf32> to vector<16xf32>
      %swap3A_381 = vector.shape_cast %broadcast_in_dim3A_374 : vector<16xf32> to vector<1x1x16xf32>
      tpu.vector_store %arg6[%swap3A_376, %swap3A_377, %swap3A_378], %swap3A_381 {strides = array<i32>} : memref<5x64x128xf32, #tpu.memory_space<vmem>>, vector<1x1x16xf32>,
      %broadcast_in_dim3A_382 = arith.constant 0.000000e+00 : f32
      %broadcast_in_dim3A_383 = vector.broadcast %broadcast_in_dim3A_382 : f32 to vector<16xf32>
      %swap3A_384 = arith.constant 0 : i32
      %swap3A_385 = arith.index_cast %swap3A_384 : i32 to index
      %swap3A_386 = arith.index_cast %scan3A_356 : i32 to index
      %swap3A_387 = arith.constant 48 : index
      %swap3A_388 = tpu.vector_load %arg6[%swap3A_385, %swap3A_386, %swap3A_387] {strides = array<i32>} : memref<5x64x128xf32, #tpu.memory_space<vmem>>, vector<1x1x16xf32>,
      %swap3A_389 = vector.shape_cast %swap3A_388 : vector<1x1x16xf32> to vector<16xf32>
      %swap3A_390 = vector.shape_cast %broadcast_in_dim3A_383 : vector<16xf32> to vector<1x1x16xf32>
      tpu.vector_store %arg6[%swap3A_385, %swap3A_386, %swap3A_387], %swap3A_390 {strides = array<i32>} : memref<5x64x128xf32, #tpu.memory_space<vmem>>, vector<1x1x16xf32>,
      %broadcast_in_dim3A_391 = arith.constant 0.000000e+00 : f32
      %broadcast_in_dim3A_392 = vector.broadcast %broadcast_in_dim3A_391 : f32 to vector<16xf32>
      %swap3A_393 = arith.constant 0 : i32
      %swap3A_394 = arith.index_cast %swap3A_393 : i32 to index
      %swap3A_395 = arith.index_cast %scan3A_356 : i32 to index
      %swap3A_396 = arith.constant 64 : index
      %swap3A_397 = tpu.vector_load %arg6[%swap3A_394, %swap3A_395, %swap3A_396] {strides = array<i32>} : memref<5x64x128xf32, #tpu.memory_space<vmem>>, vector<1x1x16xf32>,
      %swap3A_398 = vector.shape_cast %swap3A_397 : vector<1x1x16xf32> to vector<16xf32>
      %swap3A_399 = vector.shape_cast %broadcast_in_dim3A_392 : vector<16xf32> to vector<1x1x16xf32>
      tpu.vector_store %arg6[%swap3A_394, %swap3A_395, %swap3A_396], %swap3A_399 {strides = array<i32>} : memref<5x64x128xf32, #tpu.memory_space<vmem>>, vector<1x1x16xf32>,
      %broadcast_in_dim3A_400 = arith.constant 0.000000e+00 : f32
      %broadcast_in_dim3A_401 = vector.broadcast %broadcast_in_dim3A_400 : f32 to vector<16xf32>
      %swap3A_402 = arith.constant 0 : i32
      %swap3A_403 = arith.index_cast %swap3A_402 : i32 to index
      %swap3A_404 = arith.index_cast %scan3A_356 : i32 to index
      %swap3A_405 = arith.constant 80 : index
      %swap3A_406 = tpu.vector_load %arg6[%swap3A_403, %swap3A_404, %swap3A_405] {strides = array<i32>} : memref<5x64x128xf32, #tpu.memory_space<vmem>>, vector<1x1x16xf32>,
      %swap3A_407 = vector.shape_cast %swap3A_406 : vector<1x1x16xf32> to vector<16xf32>
      %swap3A_408 = vector.shape_cast %broadcast_in_dim3A_401 : vector<16xf32> to vector<1x1x16xf32>
      tpu.vector_store %arg6[%swap3A_403, %swap3A_404, %swap3A_405], %swap3A_408 {strides = array<i32>} : memref<5x64x128xf32, #tpu.memory_space<vmem>>, vector<1x1x16xf32>,
      %broadcast_in_dim3A_409 = arith.constant 0.000000e+00 : f32
      %broadcast_in_dim3A_410 = vector.broadcast %broadcast_in_dim3A_409 : f32 to vector<16xf32>
      %swap3A_411 = arith.constant 0 : i32
      %swap3A_412 = arith.index_cast %swap3A_411 : i32 to index
      %swap3A_413 = arith.index_cast %scan3A_356 : i32 to index
      %swap3A_414 = arith.constant 96 : index
      %swap3A_415 = tpu.vector_load %arg6[%swap3A_412, %swap3A_413, %swap3A_414] {strides = array<i32>} : memref<5x64x128xf32, #tpu.memory_space<vmem>>, vector<1x1x16xf32>,
      %swap3A_416 = vector.shape_cast %swap3A_415 : vector<1x1x16xf32> to vector<16xf32>
      %swap3A_417 = vector.shape_cast %broadcast_in_dim3A_410 : vector<16xf32> to vector<1x1x16xf32>
      tpu.vector_store %arg6[%swap3A_412, %swap3A_413, %swap3A_414], %swap3A_417 {strides = array<i32>} : memref<5x64x128xf32, #tpu.memory_space<vmem>>, vector<1x1x16xf32>,
      %broadcast_in_dim3A_418 = arith.constant 0.000000e+00 : f32
      %broadcast_in_dim3A_419 = vector.broadcast %broadcast_in_dim3A_418 : f32 to vector<16xf32>
      %swap3A_420 = arith.constant 0 : i32
      %swap3A_421 = arith.index_cast %swap3A_420 : i32 to index
      %swap3A_422 = arith.index_cast %scan3A_356 : i32 to index
      %swap3A_423 = arith.constant 112 : index
      %swap3A_424 = tpu.vector_load %arg6[%swap3A_421, %swap3A_422, %swap3A_423] {strides = array<i32>} : memref<5x64x128xf32, #tpu.memory_space<vmem>>, vector<1x1x16xf32>,
      %swap3A_425 = vector.shape_cast %swap3A_424 : vector<1x1x16xf32> to vector<16xf32>
      %swap3A_426 = vector.shape_cast %broadcast_in_dim3A_419 : vector<16xf32> to vector<1x1x16xf32>
      tpu.vector_store %arg6[%swap3A_421, %swap3A_422, %swap3A_423], %swap3A_426 {strides = array<i32>} : memref<5x64x128xf32, #tpu.memory_space<vmem>>, vector<1x1x16xf32>,
    }
    %scan3A_122 = arith.constant 64 : i32
    %mul3A_123 = arith.constant 632 : i32
    %mul3A_124 = arith.muli %arg1, %mul3A_123 : i32
    %add3A_125 = arith.constant 0 : i32
    %add3A_126 = arith.addi %mul3A_124, %add3A_125 : i32
    %run_scoped3A = arith.constant 0 : i32
    "tpu.region"() ({
      %run_scoped3A_356 = tpu.sem_alloc : memref<!tpu.dma_semaphore, #tpu.memory_space<semaphore_mem>>
      %dma_start3A_357 = arith.constant 0 : i32
      %dma_start3A_358 = arith.constant 0 : i32
      %dma_start3A_359 = tpu.memref_slice %arg6[%run_scoped3A, %dma_start3A_357, %dma_start3A_358] : memref<5x64x128xf32, #tpu.memory_space<vmem>> -> memref<1x64x128xf32, #tpu.memory_space<vmem>>
      %dma_start3A_360 = tpu.memref_squeeze %dma_start3A_359 : memref<1x64x128xf32, #tpu.memory_space<vmem>> -> memref<64x128xf32, #tpu.memory_space<vmem>>
      %dma_start3A_361 = arith.constant 0 : i32
      %dma_start3A_362 = tpu.memref_slice %arg7[%add3A_126, %dma_start3A_361] : memref<10112x128xf32, #tpu.memory_space<vmem_shared>> -> memref<64x128xf32, #tpu.memory_space<vmem_shared>>
      %dma_start3A_363 = arith.constant 0 : i32
      %dma_start3A_364 = tpu.memref_slice %arg7[%add3A_126, %dma_start3A_363] : memref<10112x128xf32, #tpu.memory_space<vmem_shared>> -> memref<64x128xf32, #tpu.memory_space<vmem_shared>>
      %dma_start3A_365 = arith.constant 0 : i32
      %dma_start3A_366 = arith.constant 0 : i32
      %dma_start3A_367 = tpu.memref_slice %arg6[%run_scoped3A, %dma_start3A_365, %dma_start3A_366] : memref<5x64x128xf32, #tpu.memory_space<vmem>> -> memref<1x64x128xf32, #tpu.memory_space<vmem>>
      %dma_start3A_368 = tpu.memref_squeeze %dma_start3A_367 : memref<1x64x128xf32, #tpu.memory_space<vmem>> -> memref<64x128xf32, #tpu.memory_space<vmem>>
      tpu.enqueue_dma source(%dma_start3A_368 : memref<64x128xf32, #tpu.memory_space<vmem>>) target(%dma_start3A_364 : memref<64x128xf32, #tpu.memory_space<vmem_shared>>) target_semaphore(%run_scoped3A_356 : memref<!tpu.dma_semaphore, #tpu.memory_space<semaphore_mem>>)
      %dma_wait3A_369 = arith.constant 0 : i32
      %dma_wait3A_370 = arith.constant 0 : i32
      %dma_wait3A_371 = tpu.memref_slice %arg6[%run_scoped3A, %dma_wait3A_369, %dma_wait3A_370] : memref<5x64x128xf32, #tpu.memory_space<vmem>> -> memref<1x64x128xf32, #tpu.memory_space<vmem>>
      %dma_wait3A_372 = tpu.memref_squeeze %dma_wait3A_371 : memref<1x64x128xf32, #tpu.memory_space<vmem>> -> memref<64x128xf32, #tpu.memory_space<vmem>>
      %dma_wait3A_373 = arith.constant 0 : i32
      %dma_wait3A_374 = tpu.memref_slice %arg7[%add3A_126, %dma_wait3A_373] : memref<10112x128xf32, #tpu.memory_space<vmem_shared>> -> memref<64x128xf32, #tpu.memory_space<vmem_shared>>
      %dma_wait3A_375 = arith.constant 0 : i32
      %dma_wait3A_376 = tpu.memref_slice %arg7[%add3A_126, %dma_wait3A_375] : memref<10112x128xf32, #tpu.memory_space<vmem_shared>> -> memref<64x128xf32, #tpu.memory_space<vmem_shared>>
      %dma_wait3A_377 = arith.constant 0 : i32
      %dma_wait3A_378 = arith.constant 0 : i32
      %dma_wait3A_379 = tpu.memref_slice %arg6[%run_scoped3A, %dma_wait3A_377, %dma_wait3A_378] : memref<5x64x128xf32, #tpu.memory_space<vmem>> -> memref<1x64x128xf32, #tpu.memory_space<vmem>>
      %dma_wait3A_380 = tpu.memref_squeeze %dma_wait3A_379 : memref<1x64x128xf32, #tpu.memory_space<vmem>> -> memref<64x128xf32, #tpu.memory_space<vmem>>
      tpu.wait_dma2 semaphore(%run_scoped3A_356 : memref<!tpu.dma_semaphore, #tpu.memory_space<semaphore_mem>>) src(%dma_wait3A_380 : memref<64x128xf32, #tpu.memory_space<vmem>>) dst(%dma_wait3A_376 : memref<64x128xf32, #tpu.memory_space<vmem_shared>>)
      tpu.yield
    }) : () -> ()
    %mul3A_127 = arith.constant 632 : i32
    %mul3A_128 = arith.muli %arg1, %mul3A_127 : i32
    %add3A_129 = arith.constant 64 : i32
    %add3A_130 = arith.addi %mul3A_128, %add3A_129 : i32
    %run_scoped3A_131 = arith.constant 0 : i32
    "tpu.region"() ({
      %run_scoped3A_356 = tpu.sem_alloc : memref<!tpu.dma_semaphore, #tpu.memory_space<semaphore_mem>>
      %dma_start3A_357 = arith.constant 0 : i32
      %dma_start3A_358 = arith.constant 0 : i32
      %dma_start3A_359 = tpu.memref_slice %arg6[%run_scoped3A_131, %dma_start3A_357, %dma_start3A_358] : memref<5x64x128xf32, #tpu.memory_space<vmem>> -> memref<1x64x128xf32, #tpu.memory_space<vmem>>
      %dma_start3A_360 = tpu.memref_squeeze %dma_start3A_359 : memref<1x64x128xf32, #tpu.memory_space<vmem>> -> memref<64x128xf32, #tpu.memory_space<vmem>>
      %dma_start3A_361 = arith.constant 0 : i32
      %dma_start3A_362 = tpu.memref_slice %arg7[%add3A_130, %dma_start3A_361] : memref<10112x128xf32, #tpu.memory_space<vmem_shared>> -> memref<64x128xf32, #tpu.memory_space<vmem_shared>>
      %dma_start3A_363 = arith.constant 0 : i32
      %dma_start3A_364 = tpu.memref_slice %arg7[%add3A_130, %dma_start3A_363] : memref<10112x128xf32, #tpu.memory_space<vmem_shared>> -> memref<64x128xf32, #tpu.memory_space<vmem_shared>>
      %dma_start3A_365 = arith.constant 0 : i32
      %dma_start3A_366 = arith.constant 0 : i32
      %dma_start3A_367 = tpu.memref_slice %arg6[%run_scoped3A_131, %dma_start3A_365, %dma_start3A_366] : memref<5x64x128xf32, #tpu.memory_space<vmem>> -> memref<1x64x128xf32, #tpu.memory_space<vmem>>
      %dma_start3A_368 = tpu.memref_squeeze %dma_start3A_367 : memref<1x64x128xf32, #tpu.memory_space<vmem>> -> memref<64x128xf32, #tpu.memory_space<vmem>>
      tpu.enqueue_dma source(%dma_start3A_368 : memref<64x128xf32, #tpu.memory_space<vmem>>) target(%dma_start3A_364 : memref<64x128xf32, #tpu.memory_space<vmem_shared>>) target_semaphore(%run_scoped3A_356 : memref<!tpu.dma_semaphore, #tpu.memory_space<semaphore_mem>>)
      %dma_wait3A_369 = arith.constant 0 : i32
      %dma_wait3A_370 = arith.constant 0 : i32
      %dma_wait3A_371 = tpu.memref_slice %arg6[%run_scoped3A_131, %dma_wait3A_369, %dma_wait3A_370] : memref<5x64x128xf32, #tpu.memory_space<vmem>> -> memref<1x64x128xf32, #tpu.memory_space<vmem>>
      %dma_wait3A_372 = tpu.memref_squeeze %dma_wait3A_371 : memref<1x64x128xf32, #tpu.memory_space<vmem>> -> memref<64x128xf32, #tpu.memory_space<vmem>>
      %dma_wait3A_373 = arith.constant 0 : i32
      %dma_wait3A_374 = tpu.memref_slice %arg7[%add3A_130, %dma_wait3A_373] : memref<10112x128xf32, #tpu.memory_space<vmem_shared>> -> memref<64x128xf32, #tpu.memory_space<vmem_shared>>
      %dma_wait3A_375 = arith.constant 0 : i32
      %dma_wait3A_376 = tpu.memref_slice %arg7[%add3A_130, %dma_wait3A_375] : memref<10112x128xf32, #tpu.memory_space<vmem_shared>> -> memref<64x128xf32, #tpu.memory_space<vmem_shared>>
      %dma_wait3A_377 = arith.constant 0 : i32
      %dma_wait3A_378 = arith.constant 0 : i32
      %dma_wait3A_379 = tpu.memref_slice %arg6[%run_scoped3A_131, %dma_wait3A_377, %dma_wait3A_378] : memref<5x64x128xf32, #tpu.memory_space<vmem>> -> memref<1x64x128xf32, #tpu.memory_space<vmem>>
      %dma_wait3A_380 = tpu.memref_squeeze %dma_wait3A_379 : memref<1x64x128xf32, #tpu.memory_space<vmem>> -> memref<64x128xf32, #tpu.memory_space<vmem>>
      tpu.wait_dma2 semaphore(%run_scoped3A_356 : memref<!tpu.dma_semaphore, #tpu.memory_space<semaphore_mem>>) src(%dma_wait3A_380 : memref<64x128xf32, #tpu.memory_space<vmem>>) dst(%dma_wait3A_376 : memref<64x128xf32, #tpu.memory_space<vmem_shared>>)
      tpu.yield
    }) : () -> ()
    %mul3A_132 = arith.constant 632 : i32
    %mul3A_133 = arith.muli %arg1, %mul3A_132 : i32
    %add3A_134 = arith.constant 128 : i32
    %add3A_135 = arith.addi %mul3A_133, %add3A_134 : i32
    %run_scoped3A_136 = arith.constant 0 : i32
    "tpu.region"() ({
      %run_scoped3A_356 = tpu.sem_alloc : memref<!tpu.dma_semaphore, #tpu.memory_space<semaphore_mem>>
      %dma_start3A_357 = arith.constant 0 : i32
      %dma_start3A_358 = arith.constant 0 : i32
      %dma_start3A_359 = tpu.memref_slice %arg6[%run_scoped3A_136, %dma_start3A_357, %dma_start3A_358] : memref<5x64x128xf32, #tpu.memory_space<vmem>> -> memref<1x64x128xf32, #tpu.memory_space<vmem>>
      %dma_start3A_360 = tpu.memref_squeeze %dma_start3A_359 : memref<1x64x128xf32, #tpu.memory_space<vmem>> -> memref<64x128xf32, #tpu.memory_space<vmem>>
      %dma_start3A_361 = arith.constant 0 : i32
      %dma_start3A_362 = tpu.memref_slice %arg7[%add3A_135, %dma_start3A_361] : memref<10112x128xf32, #tpu.memory_space<vmem_shared>> -> memref<64x128xf32, #tpu.memory_space<vmem_shared>>
      %dma_start3A_363 = arith.constant 0 : i32
      %dma_start3A_364 = tpu.memref_slice %arg7[%add3A_135, %dma_start3A_363] : memref<10112x128xf32, #tpu.memory_space<vmem_shared>> -> memref<64x128xf32, #tpu.memory_space<vmem_shared>>
      %dma_start3A_365 = arith.constant 0 : i32
      %dma_start3A_366 = arith.constant 0 : i32
      %dma_start3A_367 = tpu.memref_slice %arg6[%run_scoped3A_136, %dma_start3A_365, %dma_start3A_366] : memref<5x64x128xf32, #tpu.memory_space<vmem>> -> memref<1x64x128xf32, #tpu.memory_space<vmem>>
      %dma_start3A_368 = tpu.memref_squeeze %dma_start3A_367 : memref<1x64x128xf32, #tpu.memory_space<vmem>> -> memref<64x128xf32, #tpu.memory_space<vmem>>
      tpu.enqueue_dma source(%dma_start3A_368 : memref<64x128xf32, #tpu.memory_space<vmem>>) target(%dma_start3A_364 : memref<64x128xf32, #tpu.memory_space<vmem_shared>>) target_semaphore(%run_scoped3A_356 : memref<!tpu.dma_semaphore, #tpu.memory_space<semaphore_mem>>)
      %dma_wait3A_369 = arith.constant 0 : i32
      %dma_wait3A_370 = arith.constant 0 : i32
      %dma_wait3A_371 = tpu.memref_slice %arg6[%run_scoped3A_136, %dma_wait3A_369, %dma_wait3A_370] : memref<5x64x128xf32, #tpu.memory_space<vmem>> -> memref<1x64x128xf32, #tpu.memory_space<vmem>>
      %dma_wait3A_372 = tpu.memref_squeeze %dma_wait3A_371 : memref<1x64x128xf32, #tpu.memory_space<vmem>> -> memref<64x128xf32, #tpu.memory_space<vmem>>
      %dma_wait3A_373 = arith.constant 0 : i32
      %dma_wait3A_374 = tpu.memref_slice %arg7[%add3A_135, %dma_wait3A_373] : memref<10112x128xf32, #tpu.memory_space<vmem_shared>> -> memref<64x128xf32, #tpu.memory_space<vmem_shared>>
      %dma_wait3A_375 = arith.constant 0 : i32
      %dma_wait3A_376 = tpu.memref_slice %arg7[%add3A_135, %dma_wait3A_375] : memref<10112x128xf32, #tpu.memory_space<vmem_shared>> -> memref<64x128xf32, #tpu.memory_space<vmem_shared>>
      %dma_wait3A_377 = arith.constant 0 : i32
      %dma_wait3A_378 = arith.constant 0 : i32
      %dma_wait3A_379 = tpu.memref_slice %arg6[%run_scoped3A_136, %dma_wait3A_377, %dma_wait3A_378] : memref<5x64x128xf32, #tpu.memory_space<vmem>> -> memref<1x64x128xf32, #tpu.memory_space<vmem>>
      %dma_wait3A_380 = tpu.memref_squeeze %dma_wait3A_379 : memref<1x64x128xf32, #tpu.memory_space<vmem>> -> memref<64x128xf32, #tpu.memory_space<vmem>>
      tpu.wait_dma2 semaphore(%run_scoped3A_356 : memref<!tpu.dma_semaphore, #tpu.memory_space<semaphore_mem>>) src(%dma_wait3A_380 : memref<64x128xf32, #tpu.memory_space<vmem>>) dst(%dma_wait3A_376 : memref<64x128xf32, #tpu.memory_space<vmem_shared>>)
      tpu.yield
    }) : () -> ()
    %mul3A_137 = arith.constant 632 : i32
    %mul3A_138 = arith.muli %arg1, %mul3A_137 : i32
    %add3A_139 = arith.constant 192 : i32
    %add3A_140 = arith.addi %mul3A_138, %add3A_139 : i32
    %run_scoped3A_141 = arith.constant 0 : i32
    "tpu.region"() ({
      %run_scoped3A_356 = tpu.sem_alloc : memref<!tpu.dma_semaphore, #tpu.memory_space<semaphore_mem>>
      %dma_start3A_357 = arith.constant 0 : i32
      %dma_start3A_358 = arith.constant 0 : i32
      %dma_start3A_359 = tpu.memref_slice %arg6[%run_scoped3A_141, %dma_start3A_357, %dma_start3A_358] : memref<5x64x128xf32, #tpu.memory_space<vmem>> -> memref<1x64x128xf32, #tpu.memory_space<vmem>>
      %dma_start3A_360 = tpu.memref_squeeze %dma_start3A_359 : memref<1x64x128xf32, #tpu.memory_space<vmem>> -> memref<64x128xf32, #tpu.memory_space<vmem>>
      %dma_start3A_361 = arith.constant 0 : i32
      %dma_start3A_362 = tpu.memref_slice %arg7[%add3A_140, %dma_start3A_361] : memref<10112x128xf32, #tpu.memory_space<vmem_shared>> -> memref<64x128xf32, #tpu.memory_space<vmem_shared>>
      %dma_start3A_363 = arith.constant 0 : i32
      %dma_start3A_364 = tpu.memref_slice %arg7[%add3A_140, %dma_start3A_363] : memref<10112x128xf32, #tpu.memory_space<vmem_shared>> -> memref<64x128xf32, #tpu.memory_space<vmem_shared>>
      %dma_start3A_365 = arith.constant 0 : i32
      %dma_start3A_366 = arith.constant 0 : i32
      %dma_start3A_367 = tpu.memref_slice %arg6[%run_scoped3A_141, %dma_start3A_365, %dma_start3A_366] : memref<5x64x128xf32, #tpu.memory_space<vmem>> -> memref<1x64x128xf32, #tpu.memory_space<vmem>>
      %dma_start3A_368 = tpu.memref_squeeze %dma_start3A_367 : memref<1x64x128xf32, #tpu.memory_space<vmem>> -> memref<64x128xf32, #tpu.memory_space<vmem>>
      tpu.enqueue_dma source(%dma_start3A_368 : memref<64x128xf32, #tpu.memory_space<vmem>>) target(%dma_start3A_364 : memref<64x128xf32, #tpu.memory_space<vmem_shared>>) target_semaphore(%run_scoped3A_356 : memref<!tpu.dma_semaphore, #tpu.memory_space<semaphore_mem>>)
      %dma_wait3A_369 = arith.constant 0 : i32
      %dma_wait3A_370 = arith.constant 0 : i32
      %dma_wait3A_371 = tpu.memref_slice %arg6[%run_scoped3A_141, %dma_wait3A_369, %dma_wait3A_370] : memref<5x64x128xf32, #tpu.memory_space<vmem>> -> memref<1x64x128xf32, #tpu.memory_space<vmem>>
      %dma_wait3A_372 = tpu.memref_squeeze %dma_wait3A_371 : memref<1x64x128xf32, #tpu.memory_space<vmem>> -> memref<64x128xf32, #tpu.memory_space<vmem>>
      %dma_wait3A_373 = arith.constant 0 : i32
      %dma_wait3A_374 = tpu.memref_slice %arg7[%add3A_140, %dma_wait3A_373] : memref<10112x128xf32, #tpu.memory_space<vmem_shared>> -> memref<64x128xf32, #tpu.memory_space<vmem_shared>>
      %dma_wait3A_375 = arith.constant 0 : i32
      %dma_wait3A_376 = tpu.memref_slice %arg7[%add3A_140, %dma_wait3A_375] : memref<10112x128xf32, #tpu.memory_space<vmem_shared>> -> memref<64x128xf32, #tpu.memory_space<vmem_shared>>
      %dma_wait3A_377 = arith.constant 0 : i32
      %dma_wait3A_378 = arith.constant 0 : i32
      %dma_wait3A_379 = tpu.memref_slice %arg6[%run_scoped3A_141, %dma_wait3A_377, %dma_wait3A_378] : memref<5x64x128xf32, #tpu.memory_space<vmem>> -> memref<1x64x128xf32, #tpu.memory_space<vmem>>
      %dma_wait3A_380 = tpu.memref_squeeze %dma_wait3A_379 : memref<1x64x128xf32, #tpu.memory_space<vmem>> -> memref<64x128xf32, #tpu.memory_space<vmem>>
      tpu.wait_dma2 semaphore(%run_scoped3A_356 : memref<!tpu.dma_semaphore, #tpu.memory_space<semaphore_mem>>) src(%dma_wait3A_380 : memref<64x128xf32, #tpu.memory_space<vmem>>) dst(%dma_wait3A_376 : memref<64x128xf32, #tpu.memory_space<vmem_shared>>)
      tpu.yield
    }) : () -> ()
    %mul3A_142 = arith.constant 632 : i32
    %mul3A_143 = arith.muli %arg1, %mul3A_142 : i32
    %add3A_144 = arith.constant 256 : i32
    %add3A_145 = arith.addi %mul3A_143, %add3A_144 : i32
    %run_scoped3A_146 = arith.constant 0 : i32
    "tpu.region"() ({
      %run_scoped3A_356 = tpu.sem_alloc : memref<!tpu.dma_semaphore, #tpu.memory_space<semaphore_mem>>
      %dma_start3A_357 = arith.constant 0 : i32
      %dma_start3A_358 = arith.constant 0 : i32
      %dma_start3A_359 = tpu.memref_slice %arg6[%run_scoped3A_146, %dma_start3A_357, %dma_start3A_358] : memref<5x64x128xf32, #tpu.memory_space<vmem>> -> memref<1x64x128xf32, #tpu.memory_space<vmem>>
      %dma_start3A_360 = tpu.memref_squeeze %dma_start3A_359 : memref<1x64x128xf32, #tpu.memory_space<vmem>> -> memref<64x128xf32, #tpu.memory_space<vmem>>
      %dma_start3A_361 = arith.constant 0 : i32
      %dma_start3A_362 = tpu.memref_slice %arg7[%add3A_145, %dma_start3A_361] : memref<10112x128xf32, #tpu.memory_space<vmem_shared>> -> memref<64x128xf32, #tpu.memory_space<vmem_shared>>
      %dma_start3A_363 = arith.constant 0 : i32
      %dma_start3A_364 = tpu.memref_slice %arg7[%add3A_145, %dma_start3A_363] : memref<10112x128xf32, #tpu.memory_space<vmem_shared>> -> memref<64x128xf32, #tpu.memory_space<vmem_shared>>
      %dma_start3A_365 = arith.constant 0 : i32
      %dma_start3A_366 = arith.constant 0 : i32
      %dma_start3A_367 = tpu.memref_slice %arg6[%run_scoped3A_146, %dma_start3A_365, %dma_start3A_366] : memref<5x64x128xf32, #tpu.memory_space<vmem>> -> memref<1x64x128xf32, #tpu.memory_space<vmem>>
      %dma_start3A_368 = tpu.memref_squeeze %dma_start3A_367 : memref<1x64x128xf32, #tpu.memory_space<vmem>> -> memref<64x128xf32, #tpu.memory_space<vmem>>
      tpu.enqueue_dma source(%dma_start3A_368 : memref<64x128xf32, #tpu.memory_space<vmem>>) target(%dma_start3A_364 : memref<64x128xf32, #tpu.memory_space<vmem_shared>>) target_semaphore(%run_scoped3A_356 : memref<!tpu.dma_semaphore, #tpu.memory_space<semaphore_mem>>)
      %dma_wait3A_369 = arith.constant 0 : i32
      %dma_wait3A_370 = arith.constant 0 : i32
      %dma_wait3A_371 = tpu.memref_slice %arg6[%run_scoped3A_146, %dma_wait3A_369, %dma_wait3A_370] : memref<5x64x128xf32, #tpu.memory_space<vmem>> -> memref<1x64x128xf32, #tpu.memory_space<vmem>>
      %dma_wait3A_372 = tpu.memref_squeeze %dma_wait3A_371 : memref<1x64x128xf32, #tpu.memory_space<vmem>> -> memref<64x128xf32, #tpu.memory_space<vmem>>
      %dma_wait3A_373 = arith.constant 0 : i32
      %dma_wait3A_374 = tpu.memref_slice %arg7[%add3A_145, %dma_wait3A_373] : memref<10112x128xf32, #tpu.memory_space<vmem_shared>> -> memref<64x128xf32, #tpu.memory_space<vmem_shared>>
      %dma_wait3A_375 = arith.constant 0 : i32
      %dma_wait3A_376 = tpu.memref_slice %arg7[%add3A_145, %dma_wait3A_375] : memref<10112x128xf32, #tpu.memory_space<vmem_shared>> -> memref<64x128xf32, #tpu.memory_space<vmem_shared>>
      %dma_wait3A_377 = arith.constant 0 : i32
      %dma_wait3A_378 = arith.constant 0 : i32
      %dma_wait3A_379 = tpu.memref_slice %arg6[%run_scoped3A_146, %dma_wait3A_377, %dma_wait3A_378] : memref<5x64x128xf32, #tpu.memory_space<vmem>> -> memref<1x64x128xf32, #tpu.memory_space<vmem>>
      %dma_wait3A_380 = tpu.memref_squeeze %dma_wait3A_379 : memref<1x64x128xf32, #tpu.memory_space<vmem>> -> memref<64x128xf32, #tpu.memory_space<vmem>>
      tpu.wait_dma2 semaphore(%run_scoped3A_356 : memref<!tpu.dma_semaphore, #tpu.memory_space<semaphore_mem>>) src(%dma_wait3A_380 : memref<64x128xf32, #tpu.memory_space<vmem>>) dst(%dma_wait3A_376 : memref<64x128xf32, #tpu.memory_space<vmem_shared>>)
      tpu.yield
    }) : () -> ()
    %mul3A_147 = arith.constant 632 : i32
    %mul3A_148 = arith.muli %arg1, %mul3A_147 : i32
    %add3A_149 = arith.constant 320 : i32
    %add3A_150 = arith.addi %mul3A_148, %add3A_149 : i32
    %run_scoped3A_151 = arith.constant 0 : i32
    "tpu.region"() ({
      %run_scoped3A_356 = tpu.sem_alloc : memref<!tpu.dma_semaphore, #tpu.memory_space<semaphore_mem>>
      %dma_start3A_357 = arith.constant 0 : i32
      %dma_start3A_358 = arith.constant 0 : i32
      %dma_start3A_359 = tpu.memref_slice %arg6[%run_scoped3A_151, %dma_start3A_357, %dma_start3A_358] : memref<5x64x128xf32, #tpu.memory_space<vmem>> -> memref<1x64x128xf32, #tpu.memory_space<vmem>>
      %dma_start3A_360 = tpu.memref_squeeze %dma_start3A_359 : memref<1x64x128xf32, #tpu.memory_space<vmem>> -> memref<64x128xf32, #tpu.memory_space<vmem>>
      %dma_start3A_361 = arith.constant 0 : i32
      %dma_start3A_362 = tpu.memref_slice %arg7[%add3A_150, %dma_start3A_361] : memref<10112x128xf32, #tpu.memory_space<vmem_shared>> -> memref<64x128xf32, #tpu.memory_space<vmem_shared>>
      %dma_start3A_363 = arith.constant 0 : i32
      %dma_start3A_364 = tpu.memref_slice %arg7[%add3A_150, %dma_start3A_363] : memref<10112x128xf32, #tpu.memory_space<vmem_shared>> -> memref<64x128xf32, #tpu.memory_space<vmem_shared>>
      %dma_start3A_365 = arith.constant 0 : i32
      %dma_start3A_366 = arith.constant 0 : i32
      %dma_start3A_367 = tpu.memref_slice %arg6[%run_scoped3A_151, %dma_start3A_365, %dma_start3A_366] : memref<5x64x128xf32, #tpu.memory_space<vmem>> -> memref<1x64x128xf32, #tpu.memory_space<vmem>>
      %dma_start3A_368 = tpu.memref_squeeze %dma_start3A_367 : memref<1x64x128xf32, #tpu.memory_space<vmem>> -> memref<64x128xf32, #tpu.memory_space<vmem>>
      tpu.enqueue_dma source(%dma_start3A_368 : memref<64x128xf32, #tpu.memory_space<vmem>>) target(%dma_start3A_364 : memref<64x128xf32, #tpu.memory_space<vmem_shared>>) target_semaphore(%run_scoped3A_356 : memref<!tpu.dma_semaphore, #tpu.memory_space<semaphore_mem>>)
      %dma_wait3A_369 = arith.constant 0 : i32
      %dma_wait3A_370 = arith.constant 0 : i32
      %dma_wait3A_371 = tpu.memref_slice %arg6[%run_scoped3A_151, %dma_wait3A_369, %dma_wait3A_370] : memref<5x64x128xf32, #tpu.memory_space<vmem>> -> memref<1x64x128xf32, #tpu.memory_space<vmem>>
      %dma_wait3A_372 = tpu.memref_squeeze %dma_wait3A_371 : memref<1x64x128xf32, #tpu.memory_space<vmem>> -> memref<64x128xf32, #tpu.memory_space<vmem>>
      %dma_wait3A_373 = arith.constant 0 : i32
      %dma_wait3A_374 = tpu.memref_slice %arg7[%add3A_150, %dma_wait3A_373] : memref<10112x128xf32, #tpu.memory_space<vmem_shared>> -> memref<64x128xf32, #tpu.memory_space<vmem_shared>>
      %dma_wait3A_375 = arith.constant 0 : i32
      %dma_wait3A_376 = tpu.memref_slice %arg7[%add3A_150, %dma_wait3A_375] : memref<10112x128xf32, #tpu.memory_space<vmem_shared>> -> memref<64x128xf32, #tpu.memory_space<vmem_shared>>
      %dma_wait3A_377 = arith.constant 0 : i32
      %dma_wait3A_378 = arith.constant 0 : i32
      %dma_wait3A_379 = tpu.memref_slice %arg6[%run_scoped3A_151, %dma_wait3A_377, %dma_wait3A_378] : memref<5x64x128xf32, #tpu.memory_space<vmem>> -> memref<1x64x128xf32, #tpu.memory_space<vmem>>
      %dma_wait3A_380 = tpu.memref_squeeze %dma_wait3A_379 : memref<1x64x128xf32, #tpu.memory_space<vmem>> -> memref<64x128xf32, #tpu.memory_space<vmem>>
      tpu.wait_dma2 semaphore(%run_scoped3A_356 : memref<!tpu.dma_semaphore, #tpu.memory_space<semaphore_mem>>) src(%dma_wait3A_380 : memref<64x128xf32, #tpu.memory_space<vmem>>) dst(%dma_wait3A_376 : memref<64x128xf32, #tpu.memory_space<vmem_shared>>)
      tpu.yield
    }) : () -> ()
    %mul3A_152 = arith.constant 632 : i32
    %mul3A_153 = arith.muli %arg1, %mul3A_152 : i32
    %add3A_154 = arith.constant 384 : i32
    %add3A_155 = arith.addi %mul3A_153, %add3A_154 : i32
    %run_scoped3A_156 = arith.constant 0 : i32
    "tpu.region"() ({
      %run_scoped3A_356 = tpu.sem_alloc : memref<!tpu.dma_semaphore, #tpu.memory_space<semaphore_mem>>
      %dma_start3A_357 = arith.constant 0 : i32
      %dma_start3A_358 = arith.constant 0 : i32
      %dma_start3A_359 = tpu.memref_slice %arg6[%run_scoped3A_156, %dma_start3A_357, %dma_start3A_358] : memref<5x64x128xf32, #tpu.memory_space<vmem>> -> memref<1x64x128xf32, #tpu.memory_space<vmem>>
      %dma_start3A_360 = tpu.memref_squeeze %dma_start3A_359 : memref<1x64x128xf32, #tpu.memory_space<vmem>> -> memref<64x128xf32, #tpu.memory_space<vmem>>
      %dma_start3A_361 = arith.constant 0 : i32
      %dma_start3A_362 = tpu.memref_slice %arg7[%add3A_155, %dma_start3A_361] : memref<10112x128xf32, #tpu.memory_space<vmem_shared>> -> memref<64x128xf32, #tpu.memory_space<vmem_shared>>
      %dma_start3A_363 = arith.constant 0 : i32
      %dma_start3A_364 = tpu.memref_slice %arg7[%add3A_155, %dma_start3A_363] : memref<10112x128xf32, #tpu.memory_space<vmem_shared>> -> memref<64x128xf32, #tpu.memory_space<vmem_shared>>
      %dma_start3A_365 = arith.constant 0 : i32
      %dma_start3A_366 = arith.constant 0 : i32
      %dma_start3A_367 = tpu.memref_slice %arg6[%run_scoped3A_156, %dma_start3A_365, %dma_start3A_366] : memref<5x64x128xf32, #tpu.memory_space<vmem>> -> memref<1x64x128xf32, #tpu.memory_space<vmem>>
      %dma_start3A_368 = tpu.memref_squeeze %dma_start3A_367 : memref<1x64x128xf32, #tpu.memory_space<vmem>> -> memref<64x128xf32, #tpu.memory_space<vmem>>
      tpu.enqueue_dma source(%dma_start3A_368 : memref<64x128xf32, #tpu.memory_space<vmem>>) target(%dma_start3A_364 : memref<64x128xf32, #tpu.memory_space<vmem_shared>>) target_semaphore(%run_scoped3A_356 : memref<!tpu.dma_semaphore, #tpu.memory_space<semaphore_mem>>)
      %dma_wait3A_369 = arith.constant 0 : i32
      %dma_wait3A_370 = arith.constant 0 : i32
      %dma_wait3A_371 = tpu.memref_slice %arg6[%run_scoped3A_156, %dma_wait3A_369, %dma_wait3A_370] : memref<5x64x128xf32, #tpu.memory_space<vmem>> -> memref<1x64x128xf32, #tpu.memory_space<vmem>>
      %dma_wait3A_372 = tpu.memref_squeeze %dma_wait3A_371 : memref<1x64x128xf32, #tpu.memory_space<vmem>> -> memref<64x128xf32, #tpu.memory_space<vmem>>
      %dma_wait3A_373 = arith.constant 0 : i32
      %dma_wait3A_374 = tpu.memref_slice %arg7[%add3A_155, %dma_wait3A_373] : memref<10112x128xf32, #tpu.memory_space<vmem_shared>> -> memref<64x128xf32, #tpu.memory_space<vmem_shared>>
      %dma_wait3A_375 = arith.constant 0 : i32
      %dma_wait3A_376 = tpu.memref_slice %arg7[%add3A_155, %dma_wait3A_375] : memref<10112x128xf32, #tpu.memory_space<vmem_shared>> -> memref<64x128xf32, #tpu.memory_space<vmem_shared>>
      %dma_wait3A_377 = arith.constant 0 : i32
      %dma_wait3A_378 = arith.constant 0 : i32
      %dma_wait3A_379 = tpu.memref_slice %arg6[%run_scoped3A_156, %dma_wait3A_377, %dma_wait3A_378] : memref<5x64x128xf32, #tpu.memory_space<vmem>> -> memref<1x64x128xf32, #tpu.memory_space<vmem>>
      %dma_wait3A_380 = tpu.memref_squeeze %dma_wait3A_379 : memref<1x64x128xf32, #tpu.memory_space<vmem>> -> memref<64x128xf32, #tpu.memory_space<vmem>>
      tpu.wait_dma2 semaphore(%run_scoped3A_356 : memref<!tpu.dma_semaphore, #tpu.memory_space<semaphore_mem>>) src(%dma_wait3A_380 : memref<64x128xf32, #tpu.memory_space<vmem>>) dst(%dma_wait3A_376 : memref<64x128xf32, #tpu.memory_space<vmem_shared>>)
      tpu.yield
    }) : () -> ()
    %mul3A_157 = arith.constant 632 : i32
    %mul3A_158 = arith.muli %arg1, %mul3A_157 : i32
    %add3A_159 = arith.constant 448 : i32
    %add3A_160 = arith.addi %mul3A_158, %add3A_159 : i32
    %run_scoped3A_161 = arith.constant 0 : i32
    "tpu.region"() ({
      %run_scoped3A_356 = tpu.sem_alloc : memref<!tpu.dma_semaphore, #tpu.memory_space<semaphore_mem>>
      %dma_start3A_357 = arith.constant 0 : i32
      %dma_start3A_358 = arith.constant 0 : i32
      %dma_start3A_359 = tpu.memref_slice %arg6[%run_scoped3A_161, %dma_start3A_357, %dma_start3A_358] : memref<5x64x128xf32, #tpu.memory_space<vmem>> -> memref<1x64x128xf32, #tpu.memory_space<vmem>>
      %dma_start3A_360 = tpu.memref_squeeze %dma_start3A_359 : memref<1x64x128xf32, #tpu.memory_space<vmem>> -> memref<64x128xf32, #tpu.memory_space<vmem>>
      %dma_start3A_361 = arith.constant 0 : i32
      %dma_start3A_362 = tpu.memref_slice %arg7[%add3A_160, %dma_start3A_361] : memref<10112x128xf32, #tpu.memory_space<vmem_shared>> -> memref<64x128xf32, #tpu.memory_space<vmem_shared>>
      %dma_start3A_363 = arith.constant 0 : i32
      %dma_start3A_364 = tpu.memref_slice %arg7[%add3A_160, %dma_start3A_363] : memref<10112x128xf32, #tpu.memory_space<vmem_shared>> -> memref<64x128xf32, #tpu.memory_space<vmem_shared>>
      %dma_start3A_365 = arith.constant 0 : i32
      %dma_start3A_366 = arith.constant 0 : i32
      %dma_start3A_367 = tpu.memref_slice %arg6[%run_scoped3A_161, %dma_start3A_365, %dma_start3A_366] : memref<5x64x128xf32, #tpu.memory_space<vmem>> -> memref<1x64x128xf32, #tpu.memory_space<vmem>>
      %dma_start3A_368 = tpu.memref_squeeze %dma_start3A_367 : memref<1x64x128xf32, #tpu.memory_space<vmem>> -> memref<64x128xf32, #tpu.memory_space<vmem>>
      tpu.enqueue_dma source(%dma_start3A_368 : memref<64x128xf32, #tpu.memory_space<vmem>>) target(%dma_start3A_364 : memref<64x128xf32, #tpu.memory_space<vmem_shared>>) target_semaphore(%run_scoped3A_356 : memref<!tpu.dma_semaphore, #tpu.memory_space<semaphore_mem>>)
      %dma_wait3A_369 = arith.constant 0 : i32
      %dma_wait3A_370 = arith.constant 0 : i32
      %dma_wait3A_371 = tpu.memref_slice %arg6[%run_scoped3A_161, %dma_wait3A_369, %dma_wait3A_370] : memref<5x64x128xf32, #tpu.memory_space<vmem>> -> memref<1x64x128xf32, #tpu.memory_space<vmem>>
      %dma_wait3A_372 = tpu.memref_squeeze %dma_wait3A_371 : memref<1x64x128xf32, #tpu.memory_space<vmem>> -> memref<64x128xf32, #tpu.memory_space<vmem>>
      %dma_wait3A_373 = arith.constant 0 : i32
      %dma_wait3A_374 = tpu.memref_slice %arg7[%add3A_160, %dma_wait3A_373] : memref<10112x128xf32, #tpu.memory_space<vmem_shared>> -> memref<64x128xf32, #tpu.memory_space<vmem_shared>>
      %dma_wait3A_375 = arith.constant 0 : i32
      %dma_wait3A_376 = tpu.memref_slice %arg7[%add3A_160, %dma_wait3A_375] : memref<10112x128xf32, #tpu.memory_space<vmem_shared>> -> memref<64x128xf32, #tpu.memory_space<vmem_shared>>
      %dma_wait3A_377 = arith.constant 0 : i32
      %dma_wait3A_378 = arith.constant 0 : i32
      %dma_wait3A_379 = tpu.memref_slice %arg6[%run_scoped3A_161, %dma_wait3A_377, %dma_wait3A_378] : memref<5x64x128xf32, #tpu.memory_space<vmem>> -> memref<1x64x128xf32, #tpu.memory_space<vmem>>
      %dma_wait3A_380 = tpu.memref_squeeze %dma_wait3A_379 : memref<1x64x128xf32, #tpu.memory_space<vmem>> -> memref<64x128xf32, #tpu.memory_space<vmem>>
      tpu.wait_dma2 semaphore(%run_scoped3A_356 : memref<!tpu.dma_semaphore, #tpu.memory_space<semaphore_mem>>) src(%dma_wait3A_380 : memref<64x128xf32, #tpu.memory_space<vmem>>) dst(%dma_wait3A_376 : memref<64x128xf32, #tpu.memory_space<vmem_shared>>)
      tpu.yield
    }) : () -> ()
    %mul3A_162 = arith.constant 632 : i32
    %mul3A_163 = arith.muli %arg1, %mul3A_162 : i32
    %add3A_164 = arith.constant 512 : i32
    %add3A_165 = arith.addi %mul3A_163, %add3A_164 : i32
    %run_scoped3A_166 = arith.constant 0 : i32
    "tpu.region"() ({
      %run_scoped3A_356 = tpu.sem_alloc : memref<!tpu.dma_semaphore, #tpu.memory_space<semaphore_mem>>
      %dma_start3A_357 = arith.constant 0 : i32
      %dma_start3A_358 = arith.constant 0 : i32
      %dma_start3A_359 = tpu.memref_slice %arg6[%run_scoped3A_166, %dma_start3A_357, %dma_start3A_358] : memref<5x64x128xf32, #tpu.memory_space<vmem>> -> memref<1x64x128xf32, #tpu.memory_space<vmem>>
      %dma_start3A_360 = tpu.memref_squeeze %dma_start3A_359 : memref<1x64x128xf32, #tpu.memory_space<vmem>> -> memref<64x128xf32, #tpu.memory_space<vmem>>
      %dma_start3A_361 = arith.constant 0 : i32
      %dma_start3A_362 = tpu.memref_slice %arg7[%add3A_165, %dma_start3A_361] : memref<10112x128xf32, #tpu.memory_space<vmem_shared>> -> memref<64x128xf32, #tpu.memory_space<vmem_shared>>
      %dma_start3A_363 = arith.constant 0 : i32
      %dma_start3A_364 = tpu.memref_slice %arg7[%add3A_165, %dma_start3A_363] : memref<10112x128xf32, #tpu.memory_space<vmem_shared>> -> memref<64x128xf32, #tpu.memory_space<vmem_shared>>
      %dma_start3A_365 = arith.constant 0 : i32
      %dma_start3A_366 = arith.constant 0 : i32
      %dma_start3A_367 = tpu.memref_slice %arg6[%run_scoped3A_166, %dma_start3A_365, %dma_start3A_366] : memref<5x64x128xf32, #tpu.memory_space<vmem>> -> memref<1x64x128xf32, #tpu.memory_space<vmem>>
      %dma_start3A_368 = tpu.memref_squeeze %dma_start3A_367 : memref<1x64x128xf32, #tpu.memory_space<vmem>> -> memref<64x128xf32, #tpu.memory_space<vmem>>
      tpu.enqueue_dma source(%dma_start3A_368 : memref<64x128xf32, #tpu.memory_space<vmem>>) target(%dma_start3A_364 : memref<64x128xf32, #tpu.memory_space<vmem_shared>>) target_semaphore(%run_scoped3A_356 : memref<!tpu.dma_semaphore, #tpu.memory_space<semaphore_mem>>)
      %dma_wait3A_369 = arith.constant 0 : i32
      %dma_wait3A_370 = arith.constant 0 : i32
      %dma_wait3A_371 = tpu.memref_slice %arg6[%run_scoped3A_166, %dma_wait3A_369, %dma_wait3A_370] : memref<5x64x128xf32, #tpu.memory_space<vmem>> -> memref<1x64x128xf32, #tpu.memory_space<vmem>>
      %dma_wait3A_372 = tpu.memref_squeeze %dma_wait3A_371 : memref<1x64x128xf32, #tpu.memory_space<vmem>> -> memref<64x128xf32, #tpu.memory_space<vmem>>
      %dma_wait3A_373 = arith.constant 0 : i32
      %dma_wait3A_374 = tpu.memref_slice %arg7[%add3A_165, %dma_wait3A_373] : memref<10112x128xf32, #tpu.memory_space<vmem_shared>> -> memref<64x128xf32, #tpu.memory_space<vmem_shared>>
      %dma_wait3A_375 = arith.constant 0 : i32
      %dma_wait3A_376 = tpu.memref_slice %arg7[%add3A_165, %dma_wait3A_375] : memref<10112x128xf32, #tpu.memory_space<vmem_shared>> -> memref<64x128xf32, #tpu.memory_space<vmem_shared>>
      %dma_wait3A_377 = arith.constant 0 : i32
      %dma_wait3A_378 = arith.constant 0 : i32
      %dma_wait3A_379 = tpu.memref_slice %arg6[%run_scoped3A_166, %dma_wait3A_377, %dma_wait3A_378] : memref<5x64x128xf32, #tpu.memory_space<vmem>> -> memref<1x64x128xf32, #tpu.memory_space<vmem>>
      %dma_wait3A_380 = tpu.memref_squeeze %dma_wait3A_379 : memref<1x64x128xf32, #tpu.memory_space<vmem>> -> memref<64x128xf32, #tpu.memory_space<vmem>>
      tpu.wait_dma2 semaphore(%run_scoped3A_356 : memref<!tpu.dma_semaphore, #tpu.memory_space<semaphore_mem>>) src(%dma_wait3A_380 : memref<64x128xf32, #tpu.memory_space<vmem>>) dst(%dma_wait3A_376 : memref<64x128xf32, #tpu.memory_space<vmem_shared>>)
      tpu.yield
    }) : () -> ()
    %mul3A_167 = arith.constant 632 : i32
    %mul3A_168 = arith.muli %arg1, %mul3A_167 : i32
    %add3A_169 = arith.constant 576 : i32
    %add3A_170 = arith.addi %mul3A_168, %add3A_169 : i32
    %run_scoped3A_171 = arith.constant 0 : i32
    "tpu.region"() ({
      %run_scoped3A_356 = tpu.sem_alloc : memref<!tpu.dma_semaphore, #tpu.memory_space<semaphore_mem>>
      %dma_start3A_357 = arith.constant 0 : i32
      %dma_start3A_358 = arith.constant 0 : i32
      %dma_start3A_359 = tpu.memref_slice %arg6[%run_scoped3A_171, %dma_start3A_357, %dma_start3A_358] : memref<5x64x128xf32, #tpu.memory_space<vmem>> -> memref<1x56x128xf32, #tpu.memory_space<vmem>>
      %dma_start3A_360 = tpu.memref_squeeze %dma_start3A_359 : memref<1x56x128xf32, #tpu.memory_space<vmem>> -> memref<56x128xf32, #tpu.memory_space<vmem>>
      %dma_start3A_361 = arith.constant 0 : i32
      %dma_start3A_362 = tpu.memref_slice %arg7[%add3A_170, %dma_start3A_361] : memref<10112x128xf32, #tpu.memory_space<vmem_shared>> -> memref<56x128xf32, #tpu.memory_space<vmem_shared>>
      %dma_start3A_363 = arith.constant 0 : i32
      %dma_start3A_364 = tpu.memref_slice %arg7[%add3A_170, %dma_start3A_363] : memref<10112x128xf32, #tpu.memory_space<vmem_shared>> -> memref<56x128xf32, #tpu.memory_space<vmem_shared>>
      %dma_start3A_365 = arith.constant 0 : i32
      %dma_start3A_366 = arith.constant 0 : i32
      %dma_start3A_367 = tpu.memref_slice %arg6[%run_scoped3A_171, %dma_start3A_365, %dma_start3A_366] : memref<5x64x128xf32, #tpu.memory_space<vmem>> -> memref<1x56x128xf32, #tpu.memory_space<vmem>>
      %dma_start3A_368 = tpu.memref_squeeze %dma_start3A_367 : memref<1x56x128xf32, #tpu.memory_space<vmem>> -> memref<56x128xf32, #tpu.memory_space<vmem>>
      tpu.enqueue_dma source(%dma_start3A_368 : memref<56x128xf32, #tpu.memory_space<vmem>>) target(%dma_start3A_364 : memref<56x128xf32, #tpu.memory_space<vmem_shared>>) target_semaphore(%run_scoped3A_356 : memref<!tpu.dma_semaphore, #tpu.memory_space<semaphore_mem>>)
      %dma_wait3A_369 = arith.constant 0 : i32
      %dma_wait3A_370 = arith.constant 0 : i32
      %dma_wait3A_371 = tpu.memref_slice %arg6[%run_scoped3A_171, %dma_wait3A_369, %dma_wait3A_370] : memref<5x64x128xf32, #tpu.memory_space<vmem>> -> memref<1x56x128xf32, #tpu.memory_space<vmem>>
      %dma_wait3A_372 = tpu.memref_squeeze %dma_wait3A_371 : memref<1x56x128xf32, #tpu.memory_space<vmem>> -> memref<56x128xf32, #tpu.memory_space<vmem>>
      %dma_wait3A_373 = arith.constant 0 : i32
      %dma_wait3A_374 = tpu.memref_slice %arg7[%add3A_170, %dma_wait3A_373] : memref<10112x128xf32, #tpu.memory_space<vmem_shared>> -> memref<56x128xf32, #tpu.memory_space<vmem_shared>>
      %dma_wait3A_375 = arith.constant 0 : i32
      %dma_wait3A_376 = tpu.memref_slice %arg7[%add3A_170, %dma_wait3A_375] : memref<10112x128xf32, #tpu.memory_space<vmem_shared>> -> memref<56x128xf32, #tpu.memory_space<vmem_shared>>
      %dma_wait3A_377 = arith.constant 0 : i32
      %dma_wait3A_378 = arith.constant 0 : i32
      %dma_wait3A_379 = tpu.memref_slice %arg6[%run_scoped3A_171, %dma_wait3A_377, %dma_wait3A_378] : memref<5x64x128xf32, #tpu.memory_space<vmem>> -> memref<1x56x128xf32, #tpu.memory_space<vmem>>
      %dma_wait3A_380 = tpu.memref_squeeze %dma_wait3A_379 : memref<1x56x128xf32, #tpu.memory_space<vmem>> -> memref<56x128xf32, #tpu.memory_space<vmem>>
      tpu.wait_dma2 semaphore(%run_scoped3A_356 : memref<!tpu.dma_semaphore, #tpu.memory_space<semaphore_mem>>) src(%dma_wait3A_380 : memref<56x128xf32, #tpu.memory_space<vmem>>) dst(%dma_wait3A_376 : memref<56x128xf32, #tpu.memory_space<vmem_shared>>)
      tpu.yield
    }) : () -> ()
    %barrier3A = arith.constant 0 : index
    tpu.barrier barrier_id(%barrier3A)
    %add3A_172 = arith.constant 0 : i32
    %add3A_173 = arith.addi %select_n3A_8, %add3A_172 : i32
    %dma_wait3A = arith.constant 0 : i32
    %dma_wait3A_174 = arith.constant 0 : i32
    %dma_wait3A_175 = arith.constant 0 : i32
    %dma_wait3A_176 = arith.constant 0 : i32
    %dma_wait3A_177 = tpu.memref_slice %arg5[%dma_wait3A, %dma_wait3A_175, %dma_wait3A_176] : memref<6x2x64xi32, #tpu.memory_space<vmem>> -> memref<1x2x64xi32, #tpu.memory_space<vmem>>
    %dma_wait3A_178 = tpu.memref_squeeze %dma_wait3A_177 : memref<1x2x64xi32, #tpu.memory_space<vmem>> -> memref<2x64xi32, #tpu.memory_space<vmem>>
    %dma_wait3A_179 = arith.constant 0 : i32
    %dma_wait3A_180 = arith.constant 0 : i32
    %dma_wait3A_181 = tpu.memref_slice %arg3[%add3A_173, %dma_wait3A_179, %dma_wait3A_180] : memref<5024x2x64xi32, #tpu.memory_space<hbm>> -> memref<1x2x64xi32, #tpu.memory_space<hbm>>
    %dma_wait3A_182 = tpu.memref_squeeze %dma_wait3A_181 : memref<1x2x64xi32, #tpu.memory_space<hbm>> -> memref<2x64xi32, #tpu.memory_space<hbm>>
    %dma_wait3A_183 = tpu.memref_slice %arg8[%dma_wait3A_174] : memref<6x!tpu.dma_semaphore, #tpu.memory_space<semaphore_mem>> -> memref<1x!tpu.dma_semaphore, #tpu.memory_space<semaphore_mem>>
    %dma_wait3A_184 = tpu.memref_squeeze %dma_wait3A_183 : memref<1x!tpu.dma_semaphore, #tpu.memory_space<semaphore_mem>> -> memref<!tpu.dma_semaphore, #tpu.memory_space<semaphore_mem>>
    %dma_wait3A_185 = arith.constant 0 : i32
    %dma_wait3A_186 = arith.constant 0 : i32
    %dma_wait3A_187 = tpu.memref_slice %arg5[%dma_wait3A, %dma_wait3A_185, %dma_wait3A_186] : memref<6x2x64xi32, #tpu.memory_space<vmem>> -> memref<1x2x64xi32, #tpu.memory_space<vmem>>
    %dma_wait3A_188 = tpu.memref_squeeze %dma_wait3A_187 : memref<1x2x64xi32, #tpu.memory_space<vmem>> -> memref<2x64xi32, #tpu.memory_space<vmem>>
    %dma_wait3A_189 = arith.constant 0 : i32
    %dma_wait3A_190 = arith.constant 0 : i32
    %dma_wait3A_191 = tpu.memref_slice %arg3[%add3A_173, %dma_wait3A_189, %dma_wait3A_190] : memref<5024x2x64xi32, #tpu.memory_space<hbm>> -> memref<1x2x64xi32, #tpu.memory_space<hbm>>
    %dma_wait3A_192 = tpu.memref_squeeze %dma_wait3A_191 : memref<1x2x64xi32, #tpu.memory_space<hbm>> -> memref<2x64xi32, #tpu.memory_space<hbm>>
    tpu.wait_dma2 semaphore(%dma_wait3A_184 : memref<!tpu.dma_semaphore, #tpu.memory_space<semaphore_mem>>) src(%dma_wait3A_192 : memref<2x64xi32, #tpu.memory_space<hbm>>) dst(%dma_wait3A_188 : memref<2x64xi32, #tpu.memory_space<vmem>>)
    %dma_start3A_193 = arith.constant 0 : i32
    %dma_start3A_194 = arith.constant 0 : i32
    %dma_start3A_195 = arith.constant 0 : i32
    %dma_start3A_196 = arith.constant 0 : i32
    %dma_start3A_197 = arith.constant 0 : i32
    %dma_start3A_198 = arith.constant 0 : i32
    %dma_start3A_199 = tpu.memref_slice %arg6[%dma_start3A_195, %dma_start3A_197, %dma_start3A_198] : memref<5x64x128xf32, #tpu.memory_space<vmem>> -> memref<1x64x128xf32, #tpu.memory_space<vmem>>
    %dma_start3A_200 = tpu.memref_squeeze %dma_start3A_199 : memref<1x64x128xf32, #tpu.memory_space<vmem>> -> memref<64x128xf32, #tpu.memory_space<vmem>>
    %dma_start3A_201 = arith.constant 0 : i32
    %dma_start3A_202 = tpu.memref_slice %arg5[%dma_start3A_193, %dma_start3A_194, %dma_start3A_201] : memref<6x2x64xi32, #tpu.memory_space<vmem>> -> memref<1x1x64xi32, #tpu.memory_space<vmem>>
    %dma_start3A_203 = tpu.memref_squeeze %dma_start3A_202 : memref<1x1x64xi32, #tpu.memory_space<vmem>> -> memref<64xi32, #tpu.memory_space<vmem>>
    %dma_start3A_204 = arith.constant 0 : i32
    %dma_start3A_205 = arith.constant 0 : i32
    %dma_start3A_206 = tpu.memref_slice %arg2[%dma_start3A_204, %dma_start3A_205] : memref<10000x128xf32, #tpu.memory_space<hbm>> -> memref<10000x128xf32, #tpu.memory_space<hbm>>
    %dma_start3A_207 = tpu.memref_slice %arg9[%dma_start3A_196] : memref<5x!tpu.dma_semaphore, #tpu.memory_space<semaphore_mem>> -> memref<1x!tpu.dma_semaphore, #tpu.memory_space<semaphore_mem>>
    %dma_start3A_208 = tpu.memref_squeeze %dma_start3A_207 : memref<1x!tpu.dma_semaphore, #tpu.memory_space<semaphore_mem>> -> memref<!tpu.dma_semaphore, #tpu.memory_space<semaphore_mem>>
    tpu.enqueue_indirect_dma source(%dma_start3A_206 : memref<10000x128xf32, #tpu.memory_space<hbm>>) target(%dma_start3A_200 : memref<64x128xf32, #tpu.memory_space<vmem>>) offsets(%dma_start3A_203 : memref<64xi32, #tpu.memory_space<vmem>>) semaphore(%dma_start3A_208 : memref<!tpu.dma_semaphore, #tpu.memory_space<semaphore_mem>>)
    %add3A_209 = arith.constant 1 : i32
    %add3A_210 = arith.addi %select_n3A_8, %add3A_209 : i32
    %dma_wait3A_211 = arith.constant 1 : i32
    %dma_wait3A_212 = arith.constant 1 : i32
    %dma_wait3A_213 = arith.constant 0 : i32
    %dma_wait3A_214 = arith.constant 0 : i32
    %dma_wait3A_215 = tpu.memref_slice %arg5[%dma_wait3A_211, %dma_wait3A_213, %dma_wait3A_214] : memref<6x2x64xi32, #tpu.memory_space<vmem>> -> memref<1x2x64xi32, #tpu.memory_space<vmem>>
    %dma_wait3A_216 = tpu.memref_squeeze %dma_wait3A_215 : memref<1x2x64xi32, #tpu.memory_space<vmem>> -> memref<2x64xi32, #tpu.memory_space<vmem>>
    %dma_wait3A_217 = arith.constant 0 : i32
    %dma_wait3A_218 = arith.constant 0 : i32
    %dma_wait3A_219 = tpu.memref_slice %arg3[%add3A_210, %dma_wait3A_217, %dma_wait3A_218] : memref<5024x2x64xi32, #tpu.memory_space<hbm>> -> memref<1x2x64xi32, #tpu.memory_space<hbm>>
    %dma_wait3A_220 = tpu.memref_squeeze %dma_wait3A_219 : memref<1x2x64xi32, #tpu.memory_space<hbm>> -> memref<2x64xi32, #tpu.memory_space<hbm>>
    %dma_wait3A_221 = tpu.memref_slice %arg8[%dma_wait3A_212] : memref<6x!tpu.dma_semaphore, #tpu.memory_space<semaphore_mem>> -> memref<1x!tpu.dma_semaphore, #tpu.memory_space<semaphore_mem>>
    %dma_wait3A_222 = tpu.memref_squeeze %dma_wait3A_221 : memref<1x!tpu.dma_semaphore, #tpu.memory_space<semaphore_mem>> -> memref<!tpu.dma_semaphore, #tpu.memory_space<semaphore_mem>>
    %dma_wait3A_223 = arith.constant 0 : i32
    %dma_wait3A_224 = arith.constant 0 : i32
    %dma_wait3A_225 = tpu.memref_slice %arg5[%dma_wait3A_211, %dma_wait3A_223, %dma_wait3A_224] : memref<6x2x64xi32, #tpu.memory_space<vmem>> -> memref<1x2x64xi32, #tpu.memory_space<vmem>>
    %dma_wait3A_226 = tpu.memref_squeeze %dma_wait3A_225 : memref<1x2x64xi32, #tpu.memory_space<vmem>> -> memref<2x64xi32, #tpu.memory_space<vmem>>
    %dma_wait3A_227 = arith.constant 0 : i32
    %dma_wait3A_228 = arith.constant 0 : i32
    %dma_wait3A_229 = tpu.memref_slice %arg3[%add3A_210, %dma_wait3A_227, %dma_wait3A_228] : memref<5024x2x64xi32, #tpu.memory_space<hbm>> -> memref<1x2x64xi32, #tpu.memory_space<hbm>>
    %dma_wait3A_230 = tpu.memref_squeeze %dma_wait3A_229 : memref<1x2x64xi32, #tpu.memory_space<hbm>> -> memref<2x64xi32, #tpu.memory_space<hbm>>
    tpu.wait_dma2 semaphore(%dma_wait3A_222 : memref<!tpu.dma_semaphore, #tpu.memory_space<semaphore_mem>>) src(%dma_wait3A_230 : memref<2x64xi32, #tpu.memory_space<hbm>>) dst(%dma_wait3A_226 : memref<2x64xi32, #tpu.memory_space<vmem>>)
    %dma_start3A_231 = arith.constant 1 : i32
    %dma_start3A_232 = arith.constant 0 : i32
    %dma_start3A_233 = arith.constant 1 : i32
    %dma_start3A_234 = arith.constant 1 : i32
    %dma_start3A_235 = arith.constant 0 : i32
    %dma_start3A_236 = arith.constant 0 : i32
    %dma_start3A_237 = tpu.memref_slice %arg6[%dma_start3A_233, %dma_start3A_235, %dma_start3A_236] : memref<5x64x128xf32, #tpu.memory_space<vmem>> -> memref<1x64x128xf32, #tpu.memory_space<vmem>>
    %dma_start3A_238 = tpu.memref_squeeze %dma_start3A_237 : memref<1x64x128xf32, #tpu.memory_space<vmem>> -> memref<64x128xf32, #tpu.memory_space<vmem>>
    %dma_start3A_239 = arith.constant 0 : i32
    %dma_start3A_240 = tpu.memref_slice %arg5[%dma_start3A_231, %dma_start3A_232, %dma_start3A_239] : memref<6x2x64xi32, #tpu.memory_space<vmem>> -> memref<1x1x64xi32, #tpu.memory_space<vmem>>
    %dma_start3A_241 = tpu.memref_squeeze %dma_start3A_240 : memref<1x1x64xi32, #tpu.memory_space<vmem>> -> memref<64xi32, #tpu.memory_space<vmem>>
    %dma_start3A_242 = arith.constant 0 : i32
    %dma_start3A_243 = arith.constant 0 : i32
    %dma_start3A_244 = tpu.memref_slice %arg2[%dma_start3A_242, %dma_start3A_243] : memref<10000x128xf32, #tpu.memory_space<hbm>> -> memref<10000x128xf32, #tpu.memory_space<hbm>>
    %dma_start3A_245 = tpu.memref_slice %arg9[%dma_start3A_234] : memref<5x!tpu.dma_semaphore, #tpu.memory_space<semaphore_mem>> -> memref<1x!tpu.dma_semaphore, #tpu.memory_space<semaphore_mem>>
    %dma_start3A_246 = tpu.memref_squeeze %dma_start3A_245 : memref<1x!tpu.dma_semaphore, #tpu.memory_space<semaphore_mem>> -> memref<!tpu.dma_semaphore, #tpu.memory_space<semaphore_mem>>
    tpu.enqueue_indirect_dma source(%dma_start3A_244 : memref<10000x128xf32, #tpu.memory_space<hbm>>) target(%dma_start3A_238 : memref<64x128xf32, #tpu.memory_space<vmem>>) offsets(%dma_start3A_241 : memref<64xi32, #tpu.memory_space<vmem>>) semaphore(%dma_start3A_246 : memref<!tpu.dma_semaphore, #tpu.memory_space<semaphore_mem>>)
    %add3A_247 = arith.constant 2 : i32
    %add3A_248 = arith.addi %select_n3A_8, %add3A_247 : i32
    %dma_wait3A_249 = arith.constant 2 : i32
    %dma_wait3A_250 = arith.constant 2 : i32
    %dma_wait3A_251 = arith.constant 0 : i32
    %dma_wait3A_252 = arith.constant 0 : i32
    %dma_wait3A_253 = tpu.memref_slice %arg5[%dma_wait3A_249, %dma_wait3A_251, %dma_wait3A_252] : memref<6x2x64xi32, #tpu.memory_space<vmem>> -> memref<1x2x64xi32, #tpu.memory_space<vmem>>
    %dma_wait3A_254 = tpu.memref_squeeze %dma_wait3A_253 : memref<1x2x64xi32, #tpu.memory_space<vmem>> -> memref<2x64xi32, #tpu.memory_space<vmem>>
    %dma_wait3A_255 = arith.constant 0 : i32
    %dma_wait3A_256 = arith.constant 0 : i32
    %dma_wait3A_257 = tpu.memref_slice %arg3[%add3A_248, %dma_wait3A_255, %dma_wait3A_256] : memref<5024x2x64xi32, #tpu.memory_space<hbm>> -> memref<1x2x64xi32, #tpu.memory_space<hbm>>
    %dma_wait3A_258 = tpu.memref_squeeze %dma_wait3A_257 : memref<1x2x64xi32, #tpu.memory_space<hbm>> -> memref<2x64xi32, #tpu.memory_space<hbm>>
    %dma_wait3A_259 = tpu.memref_slice %arg8[%dma_wait3A_250] : memref<6x!tpu.dma_semaphore, #tpu.memory_space<semaphore_mem>> -> memref<1x!tpu.dma_semaphore, #tpu.memory_space<semaphore_mem>>
    %dma_wait3A_260 = tpu.memref_squeeze %dma_wait3A_259 : memref<1x!tpu.dma_semaphore, #tpu.memory_space<semaphore_mem>> -> memref<!tpu.dma_semaphore, #tpu.memory_space<semaphore_mem>>
    %dma_wait3A_261 = arith.constant 0 : i32
    %dma_wait3A_262 = arith.constant 0 : i32
    %dma_wait3A_263 = tpu.memref_slice %arg5[%dma_wait3A_249, %dma_wait3A_261, %dma_wait3A_262] : memref<6x2x64xi32, #tpu.memory_space<vmem>> -> memref<1x2x64xi32, #tpu.memory_space<vmem>>
    %dma_wait3A_264 = tpu.memref_squeeze %dma_wait3A_263 : memref<1x2x64xi32, #tpu.memory_space<vmem>> -> memref<2x64xi32, #tpu.memory_space<vmem>>
    %dma_wait3A_265 = arith.constant 0 : i32
    %dma_wait3A_266 = arith.constant 0 : i32
    %dma_wait3A_267 = tpu.memref_slice %arg3[%add3A_248, %dma_wait3A_265, %dma_wait3A_266] : memref<5024x2x64xi32, #tpu.memory_space<hbm>> -> memref<1x2x64xi32, #tpu.memory_space<hbm>>
    %dma_wait3A_268 = tpu.memref_squeeze %dma_wait3A_267 : memref<1x2x64xi32, #tpu.memory_space<hbm>> -> memref<2x64xi32, #tpu.memory_space<hbm>>
    tpu.wait_dma2 semaphore(%dma_wait3A_260 : memref<!tpu.dma_semaphore, #tpu.memory_space<semaphore_mem>>) src(%dma_wait3A_268 : memref<2x64xi32, #tpu.memory_space<hbm>>) dst(%dma_wait3A_264 : memref<2x64xi32, #tpu.memory_space<vmem>>)
    %dma_start3A_269 = arith.constant 2 : i32
    %dma_start3A_270 = arith.constant 0 : i32
    %dma_start3A_271 = arith.constant 2 : i32
    %dma_start3A_272 = arith.constant 2 : i32
    %dma_start3A_273 = arith.constant 0 : i32
    %dma_start3A_274 = arith.constant 0 : i32
    %dma_start3A_275 = tpu.memref_slice %arg6[%dma_start3A_271, %dma_start3A_273, %dma_start3A_274] : memref<5x64x128xf32, #tpu.memory_space<vmem>> -> memref<1x64x128xf32, #tpu.memory_space<vmem>>
    %dma_start3A_276 = tpu.memref_squeeze %dma_start3A_275 : memref<1x64x128xf32, #tpu.memory_space<vmem>> -> memref<64x128xf32, #tpu.memory_space<vmem>>
    %dma_start3A_277 = arith.constant 0 : i32
    %dma_start3A_278 = tpu.memref_slice %arg5[%dma_start3A_269, %dma_start3A_270, %dma_start3A_277] : memref<6x2x64xi32, #tpu.memory_space<vmem>> -> memref<1x1x64xi32, #tpu.memory_space<vmem>>
    %dma_start3A_279 = tpu.memref_squeeze %dma_start3A_278 : memref<1x1x64xi32, #tpu.memory_space<vmem>> -> memref<64xi32, #tpu.memory_space<vmem>>
    %dma_start3A_280 = arith.constant 0 : i32
    %dma_start3A_281 = arith.constant 0 : i32
    %dma_start3A_282 = tpu.memref_slice %arg2[%dma_start3A_280, %dma_start3A_281] : memref<10000x128xf32, #tpu.memory_space<hbm>> -> memref<10000x128xf32, #tpu.memory_space<hbm>>
    %dma_start3A_283 = tpu.memref_slice %arg9[%dma_start3A_272] : memref<5x!tpu.dma_semaphore, #tpu.memory_space<semaphore_mem>> -> memref<1x!tpu.dma_semaphore, #tpu.memory_space<semaphore_mem>>
    %dma_start3A_284 = tpu.memref_squeeze %dma_start3A_283 : memref<1x!tpu.dma_semaphore, #tpu.memory_space<semaphore_mem>> -> memref<!tpu.dma_semaphore, #tpu.memory_space<semaphore_mem>>
    tpu.enqueue_indirect_dma source(%dma_start3A_282 : memref<10000x128xf32, #tpu.memory_space<hbm>>) target(%dma_start3A_276 : memref<64x128xf32, #tpu.memory_space<vmem>>) offsets(%dma_start3A_279 : memref<64xi32, #tpu.memory_space<vmem>>) semaphore(%dma_start3A_284 : memref<!tpu.dma_semaphore, #tpu.memory_space<semaphore_mem>>)
    %add3A_285 = arith.constant 3 : i32
    %add3A_286 = arith.addi %select_n3A_8, %add3A_285 : i32
    %dma_wait3A_287 = arith.constant 3 : i32
    %dma_wait3A_288 = arith.constant 3 : i32
    %dma_wait3A_289 = arith.constant 0 : i32
    %dma_wait3A_290 = arith.constant 0 : i32
    %dma_wait3A_291 = tpu.memref_slice %arg5[%dma_wait3A_287, %dma_wait3A_289, %dma_wait3A_290] : memref<6x2x64xi32, #tpu.memory_space<vmem>> -> memref<1x2x64xi32, #tpu.memory_space<vmem>>
    %dma_wait3A_292 = tpu.memref_squeeze %dma_wait3A_291 : memref<1x2x64xi32, #tpu.memory_space<vmem>> -> memref<2x64xi32, #tpu.memory_space<vmem>>
    %dma_wait3A_293 = arith.constant 0 : i32
    %dma_wait3A_294 = arith.constant 0 : i32
    %dma_wait3A_295 = tpu.memref_slice %arg3[%add3A_286, %dma_wait3A_293, %dma_wait3A_294] : memref<5024x2x64xi32, #tpu.memory_space<hbm>> -> memref<1x2x64xi32, #tpu.memory_space<hbm>>
    %dma_wait3A_296 = tpu.memref_squeeze %dma_wait3A_295 : memref<1x2x64xi32, #tpu.memory_space<hbm>> -> memref<2x64xi32, #tpu.memory_space<hbm>>
    %dma_wait3A_297 = tpu.memref_slice %arg8[%dma_wait3A_288] : memref<6x!tpu.dma_semaphore, #tpu.memory_space<semaphore_mem>> -> memref<1x!tpu.dma_semaphore, #tpu.memory_space<semaphore_mem>>
    %dma_wait3A_298 = tpu.memref_squeeze %dma_wait3A_297 : memref<1x!tpu.dma_semaphore, #tpu.memory_space<semaphore_mem>> -> memref<!tpu.dma_semaphore, #tpu.memory_space<semaphore_mem>>
    %dma_wait3A_299 = arith.constant 0 : i32
    %dma_wait3A_300 = arith.constant 0 : i32
    %dma_wait3A_301 = tpu.memref_slice %arg5[%dma_wait3A_287, %dma_wait3A_299, %dma_wait3A_300] : memref<6x2x64xi32, #tpu.memory_space<vmem>> -> memref<1x2x64xi32, #tpu.memory_space<vmem>>
    %dma_wait3A_302 = tpu.memref_squeeze %dma_wait3A_301 : memref<1x2x64xi32, #tpu.memory_space<vmem>> -> memref<2x64xi32, #tpu.memory_space<vmem>>
    %dma_wait3A_303 = arith.constant 0 : i32
    %dma_wait3A_304 = arith.constant 0 : i32
    %dma_wait3A_305 = tpu.memref_slice %arg3[%add3A_286, %dma_wait3A_303, %dma_wait3A_304] : memref<5024x2x64xi32, #tpu.memory_space<hbm>> -> memref<1x2x64xi32, #tpu.memory_space<hbm>>
    %dma_wait3A_306 = tpu.memref_squeeze %dma_wait3A_305 : memref<1x2x64xi32, #tpu.memory_space<hbm>> -> memref<2x64xi32, #tpu.memory_space<hbm>>
    tpu.wait_dma2 semaphore(%dma_wait3A_298 : memref<!tpu.dma_semaphore, #tpu.memory_space<semaphore_mem>>) src(%dma_wait3A_306 : memref<2x64xi32, #tpu.memory_space<hbm>>) dst(%dma_wait3A_302 : memref<2x64xi32, #tpu.memory_space<vmem>>)
    %dma_start3A_307 = arith.constant 3 : i32
    %dma_start3A_308 = arith.constant 0 : i32
    %dma_start3A_309 = arith.constant 3 : i32
    %dma_start3A_310 = arith.constant 3 : i32
    %dma_start3A_311 = arith.constant 0 : i32
    %dma_start3A_312 = arith.constant 0 : i32
    %dma_start3A_313 = tpu.memref_slice %arg6[%dma_start3A_309, %dma_start3A_311, %dma_start3A_312] : memref<5x64x128xf32, #tpu.memory_space<vmem>> -> memref<1x64x128xf32, #tpu.memory_space<vmem>>
    %dma_start3A_314 = tpu.memref_squeeze %dma_start3A_313 : memref<1x64x128xf32, #tpu.memory_space<vmem>> -> memref<64x128xf32, #tpu.memory_space<vmem>>
    %dma_start3A_315 = arith.constant 0 : i32
    %dma_start3A_316 = tpu.memref_slice %arg5[%dma_start3A_307, %dma_start3A_308, %dma_start3A_315] : memref<6x2x64xi32, #tpu.memory_space<vmem>> -> memref<1x1x64xi32, #tpu.memory_space<vmem>>
    %dma_start3A_317 = tpu.memref_squeeze %dma_start3A_316 : memref<1x1x64xi32, #tpu.memory_space<vmem>> -> memref<64xi32, #tpu.memory_space<vmem>>
    %dma_start3A_318 = arith.constant 0 : i32
    %dma_start3A_319 = arith.constant 0 : i32
    %dma_start3A_320 = tpu.memref_slice %arg2[%dma_start3A_318, %dma_start3A_319] : memref<10000x128xf32, #tpu.memory_space<hbm>> -> memref<10000x128xf32, #tpu.memory_space<hbm>>
    %dma_start3A_321 = tpu.memref_slice %arg9[%dma_start3A_310] : memref<5x!tpu.dma_semaphore, #tpu.memory_space<semaphore_mem>> -> memref<1x!tpu.dma_semaphore, #tpu.memory_space<semaphore_mem>>
    %dma_start3A_322 = tpu.memref_squeeze %dma_start3A_321 : memref<1x!tpu.dma_semaphore, #tpu.memory_space<semaphore_mem>> -> memref<!tpu.dma_semaphore, #tpu.memory_space<semaphore_mem>>
    tpu.enqueue_indirect_dma source(%dma_start3A_320 : memref<10000x128xf32, #tpu.memory_space<hbm>>) target(%dma_start3A_314 : memref<64x128xf32, #tpu.memory_space<vmem>>) offsets(%dma_start3A_317 : memref<64xi32, #tpu.memory_space<vmem>>) semaphore(%dma_start3A_322 : memref<!tpu.dma_semaphore, #tpu.memory_space<semaphore_mem>>)
    %while3A = arith.constant 0 : i32
    %while3A_323 = arith.constant 0 : i32
    %while3A_324 = arith.subi %select_n3A, %while3A_323 : i32
    %while3A_325 = arith.addi %while3A_323, %while3A_324 : i32
    %while3A_326 = arith.constant 1 : i32
    %while3A_327 = arith.divsi %while3A_324, %while3A_326 : i32
    %while3A_328 = arith.muli %while3A_327, %while3A_326 : i32
    %while3A_329 = arith.addi %while3A_323, %while3A_328 : i32
    %while3A_330 = arith.constant 1 : i32
    scf.for %while3A_356 = %while3A_323 to %while3A_329 step %while3A_330  : i32 {
      %ge3A = arith.constant 1 : i32
      %ge3A_357 = arith.cmpi sge, %while3A_356, %ge3A : i32
      %convert_element_type3A = arith.extui %ge3A_357 : i1 to i32
      %cond3A = arith.constant 0 : i32
      %cond3A_358 = arith.cmpi ne, %convert_element_type3A, %cond3A : i32
      scf.if %cond3A_358 {
        %sub3A_402 = arith.constant 1 : i32
        %sub3A_403 = arith.subi %while3A_356, %sub3A_402 : i32
        %rem3A_404 = arith.constant 5 : i32
        %rem3A_405 = arith.remsi %sub3A_403, %rem3A_404 : i32
        %sub3A_406 = arith.constant 1 : i32
        %sub3A_407 = arith.subi %while3A_356, %sub3A_406 : i32
        %rem3A_408 = arith.constant 6 : i32
        %rem3A_409 = arith.remsi %sub3A_407, %rem3A_408 : i32
        %dma_wait3A_410 = arith.constant 1 : i32
        %dma_wait3A_411 = arith.constant 0 : i32
        %dma_wait3A_412 = arith.constant 0 : i32
        %dma_wait3A_413 = tpu.memref_slice %arg6[%rem3A_405, %dma_wait3A_411, %dma_wait3A_412] : memref<5x64x128xf32, #tpu.memory_space<vmem>> -> memref<1x64x128xf32, #tpu.memory_space<vmem>>
        %dma_wait3A_414 = tpu.memref_squeeze %dma_wait3A_413 : memref<1x64x128xf32, #tpu.memory_space<vmem>> -> memref<64x128xf32, #tpu.memory_space<vmem>>
        %dma_wait3A_415 = arith.constant 0 : i32
        %dma_wait3A_416 = tpu.memref_slice %arg5[%rem3A_409, %dma_wait3A_410, %dma_wait3A_415] : memref<6x2x64xi32, #tpu.memory_space<vmem>> -> memref<1x1x64xi32, #tpu.memory_space<vmem>>
        %dma_wait3A_417 = tpu.memref_squeeze %dma_wait3A_416 : memref<1x1x64xi32, #tpu.memory_space<vmem>> -> memref<64xi32, #tpu.memory_space<vmem>>
        %dma_wait3A_418 = arith.constant 0 : i32
        %dma_wait3A_419 = arith.constant 0 : i32
        %dma_wait3A_420 = tpu.memref_slice %arg7[%dma_wait3A_418, %dma_wait3A_419] : memref<10112x128xf32, #tpu.memory_space<vmem_shared>> -> memref<10112x128xf32, #tpu.memory_space<vmem_shared>>
        %dma_wait3A_421 = tpu.memref_slice %arg10[%rem3A_405] : memref<5x!tpu.dma_semaphore, #tpu.memory_space<semaphore_mem>> -> memref<1x!tpu.dma_semaphore, #tpu.memory_space<semaphore_mem>>
        %dma_wait3A_422 = tpu.memref_squeeze %dma_wait3A_421 : memref<1x!tpu.dma_semaphore, #tpu.memory_space<semaphore_mem>> -> memref<!tpu.dma_semaphore, #tpu.memory_space<semaphore_mem>>
        tpu.wait_indirect_dma semaphore(%dma_wait3A_422 : memref<!tpu.dma_semaphore, #tpu.memory_space<semaphore_mem>>) src(%dma_wait3A_414 : memref<64x128xf32, #tpu.memory_space<vmem>>) dst(%dma_wait3A_420 : memref<10112x128xf32, #tpu.memory_space<vmem_shared>>)
      } else {
      }
      %add3A_359 = arith.constant 4 : i32
      %add3A_360 = arith.addi %while3A_356, %add3A_359 : i32
      %add3A_361 = arith.constant 1 : i32
      %add3A_362 = arith.addi %add3A_360, %add3A_361 : i32
      %lt3A = arith.cmpi slt, %add3A_362, %select_n3A : i32
      %convert_element_type3A_363 = arith.extui %lt3A : i1 to i32
      %cond3A_364 = arith.constant 0 : i32
      %cond3A_365 = arith.cmpi ne, %convert_element_type3A_363, %cond3A_364 : i32
      scf.if %cond3A_365 {
        %add3A_402 = arith.constant 4 : i32
        %add3A_403 = arith.addi %while3A_356, %add3A_402 : i32
        %add3A_404 = arith.constant 1 : i32
        %add3A_405 = arith.addi %add3A_403, %add3A_404 : i32
        %rem3A_406 = arith.constant 6 : i32
        %rem3A_407 = arith.remsi %add3A_405, %rem3A_406 : i32
        %add3A_408 = arith.addi %select_n3A_8, %while3A_356 : i32
        %add3A_409 = arith.constant 4 : i32
        %add3A_410 = arith.addi %add3A_408, %add3A_409 : i32
        %add3A_411 = arith.constant 1 : i32
        %add3A_412 = arith.addi %add3A_410, %add3A_411 : i32
        %dma_start3A_413 = arith.constant 0 : i32
        %dma_start3A_414 = arith.constant 0 : i32
        %dma_start3A_415 = tpu.memref_slice %arg5[%rem3A_407, %dma_start3A_413, %dma_start3A_414] : memref<6x2x64xi32, #tpu.memory_space<vmem>> -> memref<1x2x64xi32, #tpu.memory_space<vmem>>
        %dma_start3A_416 = tpu.memref_squeeze %dma_start3A_415 : memref<1x2x64xi32, #tpu.memory_space<vmem>> -> memref<2x64xi32, #tpu.memory_space<vmem>>
        %dma_start3A_417 = arith.constant 0 : i32
        %dma_start3A_418 = arith.constant 0 : i32
        %dma_start3A_419 = tpu.memref_slice %arg3[%add3A_412, %dma_start3A_417, %dma_start3A_418] : memref<5024x2x64xi32, #tpu.memory_space<hbm>> -> memref<1x2x64xi32, #tpu.memory_space<hbm>>
        %dma_start3A_420 = tpu.memref_squeeze %dma_start3A_419 : memref<1x2x64xi32, #tpu.memory_space<hbm>> -> memref<2x64xi32, #tpu.memory_space<hbm>>
        %dma_start3A_421 = tpu.memref_slice %arg8[%rem3A_407] : memref<6x!tpu.dma_semaphore, #tpu.memory_space<semaphore_mem>> -> memref<1x!tpu.dma_semaphore, #tpu.memory_space<semaphore_mem>>
        %dma_start3A_422 = tpu.memref_squeeze %dma_start3A_421 : memref<1x!tpu.dma_semaphore, #tpu.memory_space<semaphore_mem>> -> memref<!tpu.dma_semaphore, #tpu.memory_space<semaphore_mem>>
        %dma_start3A_423 = arith.constant 0 : i32
        %dma_start3A_424 = arith.constant 0 : i32
        %dma_start3A_425 = tpu.memref_slice %arg5[%rem3A_407, %dma_start3A_423, %dma_start3A_424] : memref<6x2x64xi32, #tpu.memory_space<vmem>> -> memref<1x2x64xi32, #tpu.memory_space<vmem>>
        %dma_start3A_426 = tpu.memref_squeeze %dma_start3A_425 : memref<1x2x64xi32, #tpu.memory_space<vmem>> -> memref<2x64xi32, #tpu.memory_space<vmem>>
        %dma_start3A_427 = arith.constant 0 : i32
        %dma_start3A_428 = arith.constant 0 : i32
        %dma_start3A_429 = tpu.memref_slice %arg3[%add3A_412, %dma_start3A_427, %dma_start3A_428] : memref<5024x2x64xi32, #tpu.memory_space<hbm>> -> memref<1x2x64xi32, #tpu.memory_space<hbm>>
        %dma_start3A_430 = tpu.memref_squeeze %dma_start3A_429 : memref<1x2x64xi32, #tpu.memory_space<hbm>> -> memref<2x64xi32, #tpu.memory_space<hbm>>
        tpu.enqueue_dma source(%dma_start3A_430 : memref<2x64xi32, #tpu.memory_space<hbm>>) target(%dma_start3A_426 : memref<2x64xi32, #tpu.memory_space<vmem>>) target_semaphore(%dma_start3A_422 : memref<!tpu.dma_semaphore, #tpu.memory_space<semaphore_mem>>)
      } else {
      }
      %add3A_366 = arith.constant 4 : i32
      %add3A_367 = arith.addi %while3A_356, %add3A_366 : i32
      %lt3A_368 = arith.cmpi slt, %add3A_367, %select_n3A : i32
      %convert_element_type3A_369 = arith.extui %lt3A_368 : i1 to i32
      %cond3A_370 = arith.constant 0 : i32
      %cond3A_371 = arith.cmpi ne, %convert_element_type3A_369, %cond3A_370 : i32
      scf.if %cond3A_371 {
        %add3A_402 = arith.constant 4 : i32
        %add3A_403 = arith.addi %while3A_356, %add3A_402 : i32
        %rem3A_404 = arith.constant 5 : i32
        %rem3A_405 = arith.remsi %add3A_403, %rem3A_404 : i32
        %add3A_406 = arith.constant 4 : i32
        %add3A_407 = arith.addi %while3A_356, %add3A_406 : i32
        %rem3A_408 = arith.constant 6 : i32
        %rem3A_409 = arith.remsi %add3A_407, %rem3A_408 : i32
        %add3A_410 = arith.addi %select_n3A_8, %while3A_356 : i32
        %add3A_411 = arith.constant 4 : i32
        %add3A_412 = arith.addi %add3A_410, %add3A_411 : i32
        %dma_wait3A_413 = arith.constant 0 : i32
        %dma_wait3A_414 = arith.constant 0 : i32
        %dma_wait3A_415 = tpu.memref_slice %arg5[%rem3A_409, %dma_wait3A_413, %dma_wait3A_414] : memref<6x2x64xi32, #tpu.memory_space<vmem>> -> memref<1x2x64xi32, #tpu.memory_space<vmem>>
        %dma_wait3A_416 = tpu.memref_squeeze %dma_wait3A_415 : memref<1x2x64xi32, #tpu.memory_space<vmem>> -> memref<2x64xi32, #tpu.memory_space<vmem>>
        %dma_wait3A_417 = arith.constant 0 : i32
        %dma_wait3A_418 = arith.constant 0 : i32
        %dma_wait3A_419 = tpu.memref_slice %arg3[%add3A_412, %dma_wait3A_417, %dma_wait3A_418] : memref<5024x2x64xi32, #tpu.memory_space<hbm>> -> memref<1x2x64xi32, #tpu.memory_space<hbm>>
        %dma_wait3A_420 = tpu.memref_squeeze %dma_wait3A_419 : memref<1x2x64xi32, #tpu.memory_space<hbm>> -> memref<2x64xi32, #tpu.memory_space<hbm>>
        %dma_wait3A_421 = tpu.memref_slice %arg8[%rem3A_409] : memref<6x!tpu.dma_semaphore, #tpu.memory_space<semaphore_mem>> -> memref<1x!tpu.dma_semaphore, #tpu.memory_space<semaphore_mem>>
        %dma_wait3A_422 = tpu.memref_squeeze %dma_wait3A_421 : memref<1x!tpu.dma_semaphore, #tpu.memory_space<semaphore_mem>> -> memref<!tpu.dma_semaphore, #tpu.memory_space<semaphore_mem>>
        %dma_wait3A_423 = arith.constant 0 : i32
        %dma_wait3A_424 = arith.constant 0 : i32
        %dma_wait3A_425 = tpu.memref_slice %arg5[%rem3A_409, %dma_wait3A_423, %dma_wait3A_424] : memref<6x2x64xi32, #tpu.memory_space<vmem>> -> memref<1x2x64xi32, #tpu.memory_space<vmem>>
        %dma_wait3A_426 = tpu.memref_squeeze %dma_wait3A_425 : memref<1x2x64xi32, #tpu.memory_space<vmem>> -> memref<2x64xi32, #tpu.memory_space<vmem>>
        %dma_wait3A_427 = arith.constant 0 : i32
        %dma_wait3A_428 = arith.constant 0 : i32
        %dma_wait3A_429 = tpu.memref_slice %arg3[%add3A_412, %dma_wait3A_427, %dma_wait3A_428] : memref<5024x2x64xi32, #tpu.memory_space<hbm>> -> memref<1x2x64xi32, #tpu.memory_space<hbm>>
        %dma_wait3A_430 = tpu.memref_squeeze %dma_wait3A_429 : memref<1x2x64xi32, #tpu.memory_space<hbm>> -> memref<2x64xi32, #tpu.memory_space<hbm>>
        tpu.wait_dma2 semaphore(%dma_wait3A_422 : memref<!tpu.dma_semaphore, #tpu.memory_space<semaphore_mem>>) src(%dma_wait3A_430 : memref<2x64xi32, #tpu.memory_space<hbm>>) dst(%dma_wait3A_426 : memref<2x64xi32, #tpu.memory_space<vmem>>)
        %dma_start3A_431 = arith.constant 0 : i32
        %dma_start3A_432 = arith.constant 0 : i32
        %dma_start3A_433 = arith.constant 0 : i32
        %dma_start3A_434 = tpu.memref_slice %arg6[%rem3A_405, %dma_start3A_432, %dma_start3A_433] : memref<5x64x128xf32, #tpu.memory_space<vmem>> -> memref<1x64x128xf32, #tpu.memory_space<vmem>>
        %dma_start3A_435 = tpu.memref_squeeze %dma_start3A_434 : memref<1x64x128xf32, #tpu.memory_space<vmem>> -> memref<64x128xf32, #tpu.memory_space<vmem>>
        %dma_start3A_436 = arith.constant 0 : i32
        %dma_start3A_437 = tpu.memref_slice %arg5[%rem3A_409, %dma_start3A_431, %dma_start3A_436] : memref<6x2x64xi32, #tpu.memory_space<vmem>> -> memref<1x1x64xi32, #tpu.memory_space<vmem>>
        %dma_start3A_438 = tpu.memref_squeeze %dma_start3A_437 : memref<1x1x64xi32, #tpu.memory_space<vmem>> -> memref<64xi32, #tpu.memory_space<vmem>>
        %dma_start3A_439 = arith.constant 0 : i32
        %dma_start3A_440 = arith.constant 0 : i32
        %dma_start3A_441 = tpu.memref_slice %arg2[%dma_start3A_439, %dma_start3A_440] : memref<10000x128xf32, #tpu.memory_space<hbm>> -> memref<10000x128xf32, #tpu.memory_space<hbm>>
        %dma_start3A_442 = tpu.memref_slice %arg9[%rem3A_405] : memref<5x!tpu.dma_semaphore, #tpu.memory_space<semaphore_mem>> -> memref<1x!tpu.dma_semaphore, #tpu.memory_space<semaphore_mem>>
        %dma_start3A_443 = tpu.memref_squeeze %dma_start3A_442 : memref<1x!tpu.dma_semaphore, #tpu.memory_space<semaphore_mem>> -> memref<!tpu.dma_semaphore, #tpu.memory_space<semaphore_mem>>
        tpu.enqueue_indirect_dma source(%dma_start3A_441 : memref<10000x128xf32, #tpu.memory_space<hbm>>) target(%dma_start3A_435 : memref<64x128xf32, #tpu.memory_space<vmem>>) offsets(%dma_start3A_438 : memref<64xi32, #tpu.memory_space<vmem>>) semaphore(%dma_start3A_443 : memref<!tpu.dma_semaphore, #tpu.memory_space<semaphore_mem>>)
      } else {
      }
      %rem3A_372 = arith.constant 5 : i32
      %rem3A_373 = arith.remsi %while3A_356, %rem3A_372 : i32
      %rem3A_374 = arith.constant 6 : i32
      %rem3A_375 = arith.remsi %while3A_356, %rem3A_374 : i32
      %dma_wait3A_376 = arith.constant 0 : i32
      %dma_wait3A_377 = arith.constant 0 : i32
      %dma_wait3A_378 = arith.constant 0 : i32
      %dma_wait3A_379 = tpu.memref_slice %arg6[%rem3A_373, %dma_wait3A_377, %dma_wait3A_378] : memref<5x64x128xf32, #tpu.memory_space<vmem>> -> memref<1x64x128xf32, #tpu.memory_space<vmem>>
      %dma_wait3A_380 = tpu.memref_squeeze %dma_wait3A_379 : memref<1x64x128xf32, #tpu.memory_space<vmem>> -> memref<64x128xf32, #tpu.memory_space<vmem>>
      %dma_wait3A_381 = arith.constant 0 : i32
      %dma_wait3A_382 = tpu.memref_slice %arg5[%rem3A_375, %dma_wait3A_376, %dma_wait3A_381] : memref<6x2x64xi32, #tpu.memory_space<vmem>> -> memref<1x1x64xi32, #tpu.memory_space<vmem>>
      %dma_wait3A_383 = tpu.memref_squeeze %dma_wait3A_382 : memref<1x1x64xi32, #tpu.memory_space<vmem>> -> memref<64xi32, #tpu.memory_space<vmem>>
      %dma_wait3A_384 = arith.constant 0 : i32
      %dma_wait3A_385 = arith.constant 0 : i32
      %dma_wait3A_386 = tpu.memref_slice %arg2[%dma_wait3A_384, %dma_wait3A_385] : memref<10000x128xf32, #tpu.memory_space<hbm>> -> memref<10000x128xf32, #tpu.memory_space<hbm>>
      %dma_wait3A_387 = tpu.memref_slice %arg9[%rem3A_373] : memref<5x!tpu.dma_semaphore, #tpu.memory_space<semaphore_mem>> -> memref<1x!tpu.dma_semaphore, #tpu.memory_space<semaphore_mem>>
      %dma_wait3A_388 = tpu.memref_squeeze %dma_wait3A_387 : memref<1x!tpu.dma_semaphore, #tpu.memory_space<semaphore_mem>> -> memref<!tpu.dma_semaphore, #tpu.memory_space<semaphore_mem>>
      tpu.wait_indirect_dma semaphore(%dma_wait3A_388 : memref<!tpu.dma_semaphore, #tpu.memory_space<semaphore_mem>>) src(%dma_wait3A_386 : memref<10000x128xf32, #tpu.memory_space<hbm>>) dst(%dma_wait3A_380 : memref<64x128xf32, #tpu.memory_space<vmem>>)
      %dma_start3A_389 = arith.constant 1 : i32
      %dma_start3A_390 = arith.constant 0 : i32
      %dma_start3A_391 = arith.constant 0 : i32
      %dma_start3A_392 = tpu.memref_slice %arg6[%rem3A_373, %dma_start3A_390, %dma_start3A_391] : memref<5x64x128xf32, #tpu.memory_space<vmem>> -> memref<1x64x128xf32, #tpu.memory_space<vmem>>
      %dma_start3A_393 = tpu.memref_squeeze %dma_start3A_392 : memref<1x64x128xf32, #tpu.memory_space<vmem>> -> memref<64x128xf32, #tpu.memory_space<vmem>>
      %dma_start3A_394 = arith.constant 0 : i32
      %dma_start3A_395 = tpu.memref_slice %arg5[%rem3A_375, %dma_start3A_389, %dma_start3A_394] : memref<6x2x64xi32, #tpu.memory_space<vmem>> -> memref<1x1x64xi32, #tpu.memory_space<vmem>>
      %dma_start3A_396 = tpu.memref_squeeze %dma_start3A_395 : memref<1x1x64xi32, #tpu.memory_space<vmem>> -> memref<64xi32, #tpu.memory_space<vmem>>
      %dma_start3A_397 = arith.constant 0 : i32
      %dma_start3A_398 = arith.constant 0 : i32
      %dma_start3A_399 = tpu.memref_slice %arg7[%dma_start3A_397, %dma_start3A_398] : memref<10112x128xf32, #tpu.memory_space<vmem_shared>> -> memref<10112x128xf32, #tpu.memory_space<vmem_shared>>
      %dma_start3A_400 = tpu.memref_slice %arg10[%rem3A_373] : memref<5x!tpu.dma_semaphore, #tpu.memory_space<semaphore_mem>> -> memref<1x!tpu.dma_semaphore, #tpu.memory_space<semaphore_mem>>
      %dma_start3A_401 = tpu.memref_squeeze %dma_start3A_400 : memref<1x!tpu.dma_semaphore, #tpu.memory_space<semaphore_mem>> -> memref<!tpu.dma_semaphore, #tpu.memory_space<semaphore_mem>>
      tpu.enqueue_indirect_dma source(%dma_start3A_393 : memref<64x128xf32, #tpu.memory_space<vmem>>) target(%dma_start3A_399 : memref<10112x128xf32, #tpu.memory_space<vmem_shared>>) offsets(%dma_start3A_396 : memref<64xi32, #tpu.memory_space<vmem>>) semaphore(%dma_start3A_401 : memref<!tpu.dma_semaphore, #tpu.memory_space<semaphore_mem>>) {add = true}
    }
    %while3A_331 = arith.constant 1 : i32
    scf.for %while3A_356 = %while3A_329 to %while3A_325 step %while3A_331  : i32 {
      %ge3A = arith.constant 1 : i32
      %ge3A_357 = arith.cmpi sge, %while3A_356, %ge3A : i32
      %convert_element_type3A = arith.extui %ge3A_357 : i1 to i32
      %cond3A = arith.constant 0 : i32
      %cond3A_358 = arith.cmpi ne, %convert_element_type3A, %cond3A : i32
      scf.if %cond3A_358 {
        %sub3A_402 = arith.constant 1 : i32
        %sub3A_403 = arith.subi %while3A_356, %sub3A_402 : i32
        %rem3A_404 = arith.constant 5 : i32
        %rem3A_405 = arith.remsi %sub3A_403, %rem3A_404 : i32
        %sub3A_406 = arith.constant 1 : i32
        %sub3A_407 = arith.subi %while3A_356, %sub3A_406 : i32
        %rem3A_408 = arith.constant 6 : i32
        %rem3A_409 = arith.remsi %sub3A_407, %rem3A_408 : i32
        %dma_wait3A_410 = arith.constant 1 : i32
        %dma_wait3A_411 = arith.constant 0 : i32
        %dma_wait3A_412 = arith.constant 0 : i32
        %dma_wait3A_413 = tpu.memref_slice %arg6[%rem3A_405, %dma_wait3A_411, %dma_wait3A_412] : memref<5x64x128xf32, #tpu.memory_space<vmem>> -> memref<1x64x128xf32, #tpu.memory_space<vmem>>
        %dma_wait3A_414 = tpu.memref_squeeze %dma_wait3A_413 : memref<1x64x128xf32, #tpu.memory_space<vmem>> -> memref<64x128xf32, #tpu.memory_space<vmem>>
        %dma_wait3A_415 = arith.constant 0 : i32
        %dma_wait3A_416 = tpu.memref_slice %arg5[%rem3A_409, %dma_wait3A_410, %dma_wait3A_415] : memref<6x2x64xi32, #tpu.memory_space<vmem>> -> memref<1x1x64xi32, #tpu.memory_space<vmem>>
        %dma_wait3A_417 = tpu.memref_squeeze %dma_wait3A_416 : memref<1x1x64xi32, #tpu.memory_space<vmem>> -> memref<64xi32, #tpu.memory_space<vmem>>
        %dma_wait3A_418 = arith.constant 0 : i32
        %dma_wait3A_419 = arith.constant 0 : i32
        %dma_wait3A_420 = tpu.memref_slice %arg7[%dma_wait3A_418, %dma_wait3A_419] : memref<10112x128xf32, #tpu.memory_space<vmem_shared>> -> memref<10112x128xf32, #tpu.memory_space<vmem_shared>>
        %dma_wait3A_421 = tpu.memref_slice %arg10[%rem3A_405] : memref<5x!tpu.dma_semaphore, #tpu.memory_space<semaphore_mem>> -> memref<1x!tpu.dma_semaphore, #tpu.memory_space<semaphore_mem>>
        %dma_wait3A_422 = tpu.memref_squeeze %dma_wait3A_421 : memref<1x!tpu.dma_semaphore, #tpu.memory_space<semaphore_mem>> -> memref<!tpu.dma_semaphore, #tpu.memory_space<semaphore_mem>>
        tpu.wait_indirect_dma semaphore(%dma_wait3A_422 : memref<!tpu.dma_semaphore, #tpu.memory_space<semaphore_mem>>) src(%dma_wait3A_414 : memref<64x128xf32, #tpu.memory_space<vmem>>) dst(%dma_wait3A_420 : memref<10112x128xf32, #tpu.memory_space<vmem_shared>>)
      } else {
      }
      %add3A_359 = arith.constant 4 : i32
      %add3A_360 = arith.addi %while3A_356, %add3A_359 : i32
      %add3A_361 = arith.constant 1 : i32
      %add3A_362 = arith.addi %add3A_360, %add3A_361 : i32
      %lt3A = arith.cmpi slt, %add3A_362, %select_n3A : i32
      %convert_element_type3A_363 = arith.extui %lt3A : i1 to i32
      %cond3A_364 = arith.constant 0 : i32
      %cond3A_365 = arith.cmpi ne, %convert_element_type3A_363, %cond3A_364 : i32
      scf.if %cond3A_365 {
        %add3A_402 = arith.constant 4 : i32
        %add3A_403 = arith.addi %while3A_356, %add3A_402 : i32
        %add3A_404 = arith.constant 1 : i32
        %add3A_405 = arith.addi %add3A_403, %add3A_404 : i32
        %rem3A_406 = arith.constant 6 : i32
        %rem3A_407 = arith.remsi %add3A_405, %rem3A_406 : i32
        %add3A_408 = arith.addi %select_n3A_8, %while3A_356 : i32
        %add3A_409 = arith.constant 4 : i32
        %add3A_410 = arith.addi %add3A_408, %add3A_409 : i32
        %add3A_411 = arith.constant 1 : i32
        %add3A_412 = arith.addi %add3A_410, %add3A_411 : i32
        %dma_start3A_413 = arith.constant 0 : i32
        %dma_start3A_414 = arith.constant 0 : i32
        %dma_start3A_415 = tpu.memref_slice %arg5[%rem3A_407, %dma_start3A_413, %dma_start3A_414] : memref<6x2x64xi32, #tpu.memory_space<vmem>> -> memref<1x2x64xi32, #tpu.memory_space<vmem>>
        %dma_start3A_416 = tpu.memref_squeeze %dma_start3A_415 : memref<1x2x64xi32, #tpu.memory_space<vmem>> -> memref<2x64xi32, #tpu.memory_space<vmem>>
        %dma_start3A_417 = arith.constant 0 : i32
        %dma_start3A_418 = arith.constant 0 : i32
        %dma_start3A_419 = tpu.memref_slice %arg3[%add3A_412, %dma_start3A_417, %dma_start3A_418] : memref<5024x2x64xi32, #tpu.memory_space<hbm>> -> memref<1x2x64xi32, #tpu.memory_space<hbm>>
        %dma_start3A_420 = tpu.memref_squeeze %dma_start3A_419 : memref<1x2x64xi32, #tpu.memory_space<hbm>> -> memref<2x64xi32, #tpu.memory_space<hbm>>
        %dma_start3A_421 = tpu.memref_slice %arg8[%rem3A_407] : memref<6x!tpu.dma_semaphore, #tpu.memory_space<semaphore_mem>> -> memref<1x!tpu.dma_semaphore, #tpu.memory_space<semaphore_mem>>
        %dma_start3A_422 = tpu.memref_squeeze %dma_start3A_421 : memref<1x!tpu.dma_semaphore, #tpu.memory_space<semaphore_mem>> -> memref<!tpu.dma_semaphore, #tpu.memory_space<semaphore_mem>>
        %dma_start3A_423 = arith.constant 0 : i32
        %dma_start3A_424 = arith.constant 0 : i32
        %dma_start3A_425 = tpu.memref_slice %arg5[%rem3A_407, %dma_start3A_423, %dma_start3A_424] : memref<6x2x64xi32, #tpu.memory_space<vmem>> -> memref<1x2x64xi32, #tpu.memory_space<vmem>>
        %dma_start3A_426 = tpu.memref_squeeze %dma_start3A_425 : memref<1x2x64xi32, #tpu.memory_space<vmem>> -> memref<2x64xi32, #tpu.memory_space<vmem>>
        %dma_start3A_427 = arith.constant 0 : i32
        %dma_start3A_428 = arith.constant 0 : i32
        %dma_start3A_429 = tpu.memref_slice %arg3[%add3A_412, %dma_start3A_427, %dma_start3A_428] : memref<5024x2x64xi32, #tpu.memory_space<hbm>> -> memref<1x2x64xi32, #tpu.memory_space<hbm>>
        %dma_start3A_430 = tpu.memref_squeeze %dma_start3A_429 : memref<1x2x64xi32, #tpu.memory_space<hbm>> -> memref<2x64xi32, #tpu.memory_space<hbm>>
        tpu.enqueue_dma source(%dma_start3A_430 : memref<2x64xi32, #tpu.memory_space<hbm>>) target(%dma_start3A_426 : memref<2x64xi32, #tpu.memory_space<vmem>>) target_semaphore(%dma_start3A_422 : memref<!tpu.dma_semaphore, #tpu.memory_space<semaphore_mem>>)
      } else {
      }
      %add3A_366 = arith.constant 4 : i32
      %add3A_367 = arith.addi %while3A_356, %add3A_366 : i32
      %lt3A_368 = arith.cmpi slt, %add3A_367, %select_n3A : i32
      %convert_element_type3A_369 = arith.extui %lt3A_368 : i1 to i32
      %cond3A_370 = arith.constant 0 : i32
      %cond3A_371 = arith.cmpi ne, %convert_element_type3A_369, %cond3A_370 : i32
      scf.if %cond3A_371 {
        %add3A_402 = arith.constant 4 : i32
        %add3A_403 = arith.addi %while3A_356, %add3A_402 : i32
        %rem3A_404 = arith.constant 5 : i32
        %rem3A_405 = arith.remsi %add3A_403, %rem3A_404 : i32
        %add3A_406 = arith.constant 4 : i32
        %add3A_407 = arith.addi %while3A_356, %add3A_406 : i32
        %rem3A_408 = arith.constant 6 : i32
        %rem3A_409 = arith.remsi %add3A_407, %rem3A_408 : i32
        %add3A_410 = arith.addi %select_n3A_8, %while3A_356 : i32
        %add3A_411 = arith.constant 4 : i32
        %add3A_412 = arith.addi %add3A_410, %add3A_411 : i32
        %dma_wait3A_413 = arith.constant 0 : i32
        %dma_wait3A_414 = arith.constant 0 : i32
        %dma_wait3A_415 = tpu.memref_slice %arg5[%rem3A_409, %dma_wait3A_413, %dma_wait3A_414] : memref<6x2x64xi32, #tpu.memory_space<vmem>> -> memref<1x2x64xi32, #tpu.memory_space<vmem>>
        %dma_wait3A_416 = tpu.memref_squeeze %dma_wait3A_415 : memref<1x2x64xi32, #tpu.memory_space<vmem>> -> memref<2x64xi32, #tpu.memory_space<vmem>>
        %dma_wait3A_417 = arith.constant 0 : i32
        %dma_wait3A_418 = arith.constant 0 : i32
        %dma_wait3A_419 = tpu.memref_slice %arg3[%add3A_412, %dma_wait3A_417, %dma_wait3A_418] : memref<5024x2x64xi32, #tpu.memory_space<hbm>> -> memref<1x2x64xi32, #tpu.memory_space<hbm>>
        %dma_wait3A_420 = tpu.memref_squeeze %dma_wait3A_419 : memref<1x2x64xi32, #tpu.memory_space<hbm>> -> memref<2x64xi32, #tpu.memory_space<hbm>>
        %dma_wait3A_421 = tpu.memref_slice %arg8[%rem3A_409] : memref<6x!tpu.dma_semaphore, #tpu.memory_space<semaphore_mem>> -> memref<1x!tpu.dma_semaphore, #tpu.memory_space<semaphore_mem>>
        %dma_wait3A_422 = tpu.memref_squeeze %dma_wait3A_421 : memref<1x!tpu.dma_semaphore, #tpu.memory_space<semaphore_mem>> -> memref<!tpu.dma_semaphore, #tpu.memory_space<semaphore_mem>>
        %dma_wait3A_423 = arith.constant 0 : i32
        %dma_wait3A_424 = arith.constant 0 : i32
        %dma_wait3A_425 = tpu.memref_slice %arg5[%rem3A_409, %dma_wait3A_423, %dma_wait3A_424] : memref<6x2x64xi32, #tpu.memory_space<vmem>> -> memref<1x2x64xi32, #tpu.memory_space<vmem>>
        %dma_wait3A_426 = tpu.memref_squeeze %dma_wait3A_425 : memref<1x2x64xi32, #tpu.memory_space<vmem>> -> memref<2x64xi32, #tpu.memory_space<vmem>>
        %dma_wait3A_427 = arith.constant 0 : i32
        %dma_wait3A_428 = arith.constant 0 : i32
        %dma_wait3A_429 = tpu.memref_slice %arg3[%add3A_412, %dma_wait3A_427, %dma_wait3A_428] : memref<5024x2x64xi32, #tpu.memory_space<hbm>> -> memref<1x2x64xi32, #tpu.memory_space<hbm>>
        %dma_wait3A_430 = tpu.memref_squeeze %dma_wait3A_429 : memref<1x2x64xi32, #tpu.memory_space<hbm>> -> memref<2x64xi32, #tpu.memory_space<hbm>>
        tpu.wait_dma2 semaphore(%dma_wait3A_422 : memref<!tpu.dma_semaphore, #tpu.memory_space<semaphore_mem>>) src(%dma_wait3A_430 : memref<2x64xi32, #tpu.memory_space<hbm>>) dst(%dma_wait3A_426 : memref<2x64xi32, #tpu.memory_space<vmem>>)
        %dma_start3A_431 = arith.constant 0 : i32
        %dma_start3A_432 = arith.constant 0 : i32
        %dma_start3A_433 = arith.constant 0 : i32
        %dma_start3A_434 = tpu.memref_slice %arg6[%rem3A_405, %dma_start3A_432, %dma_start3A_433] : memref<5x64x128xf32, #tpu.memory_space<vmem>> -> memref<1x64x128xf32, #tpu.memory_space<vmem>>
        %dma_start3A_435 = tpu.memref_squeeze %dma_start3A_434 : memref<1x64x128xf32, #tpu.memory_space<vmem>> -> memref<64x128xf32, #tpu.memory_space<vmem>>
        %dma_start3A_436 = arith.constant 0 : i32
        %dma_start3A_437 = tpu.memref_slice %arg5[%rem3A_409, %dma_start3A_431, %dma_start3A_436] : memref<6x2x64xi32, #tpu.memory_space<vmem>> -> memref<1x1x64xi32, #tpu.memory_space<vmem>>
        %dma_start3A_438 = tpu.memref_squeeze %dma_start3A_437 : memref<1x1x64xi32, #tpu.memory_space<vmem>> -> memref<64xi32, #tpu.memory_space<vmem>>
        %dma_start3A_439 = arith.constant 0 : i32
        %dma_start3A_440 = arith.constant 0 : i32
        %dma_start3A_441 = tpu.memref_slice %arg2[%dma_start3A_439, %dma_start3A_440] : memref<10000x128xf32, #tpu.memory_space<hbm>> -> memref<10000x128xf32, #tpu.memory_space<hbm>>
        %dma_start3A_442 = tpu.memref_slice %arg9[%rem3A_405] : memref<5x!tpu.dma_semaphore, #tpu.memory_space<semaphore_mem>> -> memref<1x!tpu.dma_semaphore, #tpu.memory_space<semaphore_mem>>
        %dma_start3A_443 = tpu.memref_squeeze %dma_start3A_442 : memref<1x!tpu.dma_semaphore, #tpu.memory_space<semaphore_mem>> -> memref<!tpu.dma_semaphore, #tpu.memory_space<semaphore_mem>>
        tpu.enqueue_indirect_dma source(%dma_start3A_441 : memref<10000x128xf32, #tpu.memory_space<hbm>>) target(%dma_start3A_435 : memref<64x128xf32, #tpu.memory_space<vmem>>) offsets(%dma_start3A_438 : memref<64xi32, #tpu.memory_space<vmem>>) semaphore(%dma_start3A_443 : memref<!tpu.dma_semaphore, #tpu.memory_space<semaphore_mem>>)
      } else {
      }
      %rem3A_372 = arith.constant 5 : i32
      %rem3A_373 = arith.remsi %while3A_356, %rem3A_372 : i32
      %rem3A_374 = arith.constant 6 : i32
      %rem3A_375 = arith.remsi %while3A_356, %rem3A_374 : i32
      %dma_wait3A_376 = arith.constant 0 : i32
      %dma_wait3A_377 = arith.constant 0 : i32
      %dma_wait3A_378 = arith.constant 0 : i32
      %dma_wait3A_379 = tpu.memref_slice %arg6[%rem3A_373, %dma_wait3A_377, %dma_wait3A_378] : memref<5x64x128xf32, #tpu.memory_space<vmem>> -> memref<1x64x128xf32, #tpu.memory_space<vmem>>
      %dma_wait3A_380 = tpu.memref_squeeze %dma_wait3A_379 : memref<1x64x128xf32, #tpu.memory_space<vmem>> -> memref<64x128xf32, #tpu.memory_space<vmem>>
      %dma_wait3A_381 = arith.constant 0 : i32
      %dma_wait3A_382 = tpu.memref_slice %arg5[%rem3A_375, %dma_wait3A_376, %dma_wait3A_381] : memref<6x2x64xi32, #tpu.memory_space<vmem>> -> memref<1x1x64xi32, #tpu.memory_space<vmem>>
      %dma_wait3A_383 = tpu.memref_squeeze %dma_wait3A_382 : memref<1x1x64xi32, #tpu.memory_space<vmem>> -> memref<64xi32, #tpu.memory_space<vmem>>
      %dma_wait3A_384 = arith.constant 0 : i32
      %dma_wait3A_385 = arith.constant 0 : i32
      %dma_wait3A_386 = tpu.memref_slice %arg2[%dma_wait3A_384, %dma_wait3A_385] : memref<10000x128xf32, #tpu.memory_space<hbm>> -> memref<10000x128xf32, #tpu.memory_space<hbm>>
      %dma_wait3A_387 = tpu.memref_slice %arg9[%rem3A_373] : memref<5x!tpu.dma_semaphore, #tpu.memory_space<semaphore_mem>> -> memref<1x!tpu.dma_semaphore, #tpu.memory_space<semaphore_mem>>
      %dma_wait3A_388 = tpu.memref_squeeze %dma_wait3A_387 : memref<1x!tpu.dma_semaphore, #tpu.memory_space<semaphore_mem>> -> memref<!tpu.dma_semaphore, #tpu.memory_space<semaphore_mem>>
      tpu.wait_indirect_dma semaphore(%dma_wait3A_388 : memref<!tpu.dma_semaphore, #tpu.memory_space<semaphore_mem>>) src(%dma_wait3A_386 : memref<10000x128xf32, #tpu.memory_space<hbm>>) dst(%dma_wait3A_380 : memref<64x128xf32, #tpu.memory_space<vmem>>)
      %dma_start3A_389 = arith.constant 1 : i32
      %dma_start3A_390 = arith.constant 0 : i32
      %dma_start3A_391 = arith.constant 0 : i32
      %dma_start3A_392 = tpu.memref_slice %arg6[%rem3A_373, %dma_start3A_390, %dma_start3A_391] : memref<5x64x128xf32, #tpu.memory_space<vmem>> -> memref<1x64x128xf32, #tpu.memory_space<vmem>>
      %dma_start3A_393 = tpu.memref_squeeze %dma_start3A_392 : memref<1x64x128xf32, #tpu.memory_space<vmem>> -> memref<64x128xf32, #tpu.memory_space<vmem>>
      %dma_start3A_394 = arith.constant 0 : i32
      %dma_start3A_395 = tpu.memref_slice %arg5[%rem3A_375, %dma_start3A_389, %dma_start3A_394] : memref<6x2x64xi32, #tpu.memory_space<vmem>> -> memref<1x1x64xi32, #tpu.memory_space<vmem>>
      %dma_start3A_396 = tpu.memref_squeeze %dma_start3A_395 : memref<1x1x64xi32, #tpu.memory_space<vmem>> -> memref<64xi32, #tpu.memory_space<vmem>>
      %dma_start3A_397 = arith.constant 0 : i32
      %dma_start3A_398 = arith.constant 0 : i32
      %dma_start3A_399 = tpu.memref_slice %arg7[%dma_start3A_397, %dma_start3A_398] : memref<10112x128xf32, #tpu.memory_space<vmem_shared>> -> memref<10112x128xf32, #tpu.memory_space<vmem_shared>>
      %dma_start3A_400 = tpu.memref_slice %arg10[%rem3A_373] : memref<5x!tpu.dma_semaphore, #tpu.memory_space<semaphore_mem>> -> memref<1x!tpu.dma_semaphore, #tpu.memory_space<semaphore_mem>>
      %dma_start3A_401 = tpu.memref_squeeze %dma_start3A_400 : memref<1x!tpu.dma_semaphore, #tpu.memory_space<semaphore_mem>> -> memref<!tpu.dma_semaphore, #tpu.memory_space<semaphore_mem>>
      tpu.enqueue_indirect_dma source(%dma_start3A_393 : memref<64x128xf32, #tpu.memory_space<vmem>>) target(%dma_start3A_399 : memref<10112x128xf32, #tpu.memory_space<vmem_shared>>) offsets(%dma_start3A_396 : memref<64xi32, #tpu.memory_space<vmem>>) semaphore(%dma_start3A_401 : memref<!tpu.dma_semaphore, #tpu.memory_space<semaphore_mem>>) {add = true}
    }
    %sub3A = arith.constant 1 : i32
    %sub3A_332 = arith.subi %select_n3A, %sub3A : i32
    %rem3A = arith.constant 5 : i32
    %rem3A_333 = arith.remsi %sub3A_332, %rem3A : i32
    %rem3A_334 = arith.constant 6 : i32
    %rem3A_335 = arith.remsi %sub3A_332, %rem3A_334 : i32
    %rem3A_336 = arith.constant 5 : i32
    %rem3A_337 = arith.remsi %sub3A_332, %rem3A_336 : i32
    %dma_wait3A_338 = arith.constant 1 : i32
    %dma_wait3A_339 = arith.constant 0 : i32
    %dma_wait3A_340 = arith.constant 0 : i32
    %dma_wait3A_341 = tpu.memref_slice %arg6[%rem3A_333, %dma_wait3A_339, %dma_wait3A_340] : memref<5x64x128xf32, #tpu.memory_space<vmem>> -> memref<1x64x128xf32, #tpu.memory_space<vmem>>
    %dma_wait3A_342 = tpu.memref_squeeze %dma_wait3A_341 : memref<1x64x128xf32, #tpu.memory_space<vmem>> -> memref<64x128xf32, #tpu.memory_space<vmem>>
    %dma_wait3A_343 = arith.constant 0 : i32
    %dma_wait3A_344 = tpu.memref_slice %arg5[%rem3A_335, %dma_wait3A_338, %dma_wait3A_343] : memref<6x2x64xi32, #tpu.memory_space<vmem>> -> memref<1x1x64xi32, #tpu.memory_space<vmem>>
    %dma_wait3A_345 = tpu.memref_squeeze %dma_wait3A_344 : memref<1x1x64xi32, #tpu.memory_space<vmem>> -> memref<64xi32, #tpu.memory_space<vmem>>
    %dma_wait3A_346 = arith.constant 0 : i32
    %dma_wait3A_347 = arith.constant 0 : i32
    %dma_wait3A_348 = tpu.memref_slice %arg7[%dma_wait3A_346, %dma_wait3A_347] : memref<10112x128xf32, #tpu.memory_space<vmem_shared>> -> memref<10112x128xf32, #tpu.memory_space<vmem_shared>>
    %dma_wait3A_349 = tpu.memref_slice %arg10[%rem3A_337] : memref<5x!tpu.dma_semaphore, #tpu.memory_space<semaphore_mem>> -> memref<1x!tpu.dma_semaphore, #tpu.memory_space<semaphore_mem>>
    %dma_wait3A_350 = tpu.memref_squeeze %dma_wait3A_349 : memref<1x!tpu.dma_semaphore, #tpu.memory_space<semaphore_mem>> -> memref<!tpu.dma_semaphore, #tpu.memory_space<semaphore_mem>>
    tpu.wait_indirect_dma semaphore(%dma_wait3A_350 : memref<!tpu.dma_semaphore, #tpu.memory_space<semaphore_mem>>) src(%dma_wait3A_342 : memref<64x128xf32, #tpu.memory_space<vmem>>) dst(%dma_wait3A_348 : memref<10112x128xf32, #tpu.memory_space<vmem_shared>>)
    %barrier3A_351 = arith.constant 0 : index
    tpu.barrier barrier_id(%barrier3A_351)
    %mul3A_352 = arith.constant 632 : i32
    %mul3A_353 = arith.muli %arg1, %mul3A_352 : i32
    %mul3A_354 = arith.constant 632 : i32
    %mul3A_355 = arith.muli %arg1, %mul3A_354 : i32
    "tpu.region"() ({
      %run_scoped3A_356 = tpu.sem_alloc : memref<!tpu.dma_semaphore, #tpu.memory_space<semaphore_mem>>
      %dma_start3A_357 = arith.constant 0 : i32
      %dma_start3A_358 = tpu.memref_slice %arg4[%arg0, %mul3A_355, %dma_start3A_357] : memref<2x10112x128xf32, #tpu.memory_space<hbm>> -> memref<1x632x128xf32, #tpu.memory_space<hbm>>
      %dma_start3A_359 = tpu.memref_squeeze %dma_start3A_358 : memref<1x632x128xf32, #tpu.memory_space<hbm>> -> memref<632x128xf32, #tpu.memory_space<hbm>>
      %dma_start3A_360 = arith.constant 0 : i32
      %dma_start3A_361 = tpu.memref_slice %arg7[%mul3A_353, %dma_start3A_360] : memref<10112x128xf32, #tpu.memory_space<vmem_shared>> -> memref<632x128xf32, #tpu.memory_space<vmem_shared>>
      tpu.enqueue_dma source(%dma_start3A_361 : memref<632x128xf32, #tpu.memory_space<vmem_shared>>) target(%dma_start3A_359 : memref<632x128xf32, #tpu.memory_space<hbm>>) target_semaphore(%run_scoped3A_356 : memref<!tpu.dma_semaphore, #tpu.memory_space<semaphore_mem>>)
      %dma_wait3A_362 = arith.constant 0 : i32
      %dma_wait3A_363 = tpu.memref_slice %arg4[%arg0, %mul3A_355, %dma_wait3A_362] : memref<2x10112x128xf32, #tpu.memory_space<hbm>> -> memref<1x632x128xf32, #tpu.memory_space<hbm>>
      %dma_wait3A_364 = tpu.memref_squeeze %dma_wait3A_363 : memref<1x632x128xf32, #tpu.memory_space<hbm>> -> memref<632x128xf32, #tpu.memory_space<hbm>>
      %dma_wait3A_365 = arith.constant 0 : i32
      %dma_wait3A_366 = tpu.memref_slice %arg7[%mul3A_353, %dma_wait3A_365] : memref<10112x128xf32, #tpu.memory_space<vmem_shared>> -> memref<632x128xf32, #tpu.memory_space<vmem_shared>>
      tpu.wait_dma2 semaphore(%run_scoped3A_356 : memref<!tpu.dma_semaphore, #tpu.memory_space<semaphore_mem>>) src(%dma_wait3A_366 : memref<632x128xf32, #tpu.memory_space<vmem_shared>>) dst(%dma_wait3A_364 : memref<632x128xf32, #tpu.memory_space<hbm>>)
      tpu.yield
    }) : () -> ()
    return
  }
}

#map = affine_map<(d0, d1) -> (0, 0)>
#map1 = affine_map<(d0, d1) -> (0, 0, 0)>
module attributes {stable_mosaic.version = 14 : i64} {
  func.func @_agg_body(%arg0: i32, %arg1: i32, %arg2: memref<10000x128xf32, #tpu.memory_space<hbm>>, %arg3: memref<5024x2x64xi32, #tpu.memory_space<hbm>>, %arg4: memref<2x10112x128xf32, #tpu.memory_space<hbm>>, %arg5: memref<6x2x64xi32, #tpu.memory_space<vmem>>, %arg6: memref<5x64x128xf32, #tpu.memory_space<vmem>>, %arg7: memref<10112x128xf32, #tpu.memory_space<vmem_shared>>, %arg8: memref<6x!tpu.dma_semaphore, #tpu.memory_space<semaphore_mem>>, %arg9: memref<5x!tpu.dma_semaphore, #tpu.memory_space<semaphore_mem>>, %arg10: memref<5x!tpu.dma_semaphore, #tpu.memory_space<semaphore_mem>>) attributes {dimension_semantics = [#tpu.dimension_semantics<core_parallel>, #tpu.dimension_semantics<subcore_parallel>], iteration_bounds = array<i64: 2, 16>, scalar_prefetch = 0 : i64, scratch_operands = 6 : i64, tpu.core_type = #tpu.core_type<sc_vector_subcore>, window_params = [{transform_indices = #map}, {transform_indices = #map1}, {transform_indices = #map1}]} {
    %eq3A = arith.constant 0 : i32
    %eq3A_0 = arith.cmpi eq, %arg0, %eq3A : i32
    %jit3A = arith.constant 232 : i32
    %jit3A_1 = arith.constant 82 : i32
    %select_n3A = arith.select %eq3A_0, %jit3A, %jit3A_1 : i32
    %eq3A_2 = arith.constant 0 : i32
    %eq3A_3 = arith.cmpi eq, %arg0, %eq3A_2 : i32
    %mul3A = arith.constant 232 : i32
    %mul3A_4 = arith.muli %arg1, %mul3A : i32
    %mul3A_5 = arith.constant 82 : i32
    %mul3A_6 = arith.muli %arg1, %mul3A_5 : i32
    %add3A = arith.constant 3712 : i32
    %add3A_7 = arith.addi %add3A, %mul3A_6 : i32
    %select_n3A_8 = arith.select %eq3A_3, %mul3A_4, %add3A_7 : i32
    %add3A_9 = arith.constant 0 : i32
    %add3A_10 = arith.addi %select_n3A_8, %add3A_9 : i32
    %dma_start3A = arith.constant 0 : i32
    %dma_start3A_11 = arith.constant 0 : i32
    %dma_start3A_12 = arith.constant 0 : i32
    %dma_start3A_13 = arith.constant 0 : i32
    %dma_start3A_14 = tpu.memref_slice %arg5[%dma_start3A, %dma_start3A_12, %dma_start3A_13] : memref<6x2x64xi32, #tpu.memory_space<vmem>> -> memref<1x2x64xi32, #tpu.memory_space<vmem>>
    %dma_start3A_15 = tpu.memref_squeeze %dma_start3A_14 : memref<1x2x64xi32, #tpu.memory_space<vmem>> -> memref<2x64xi32, #tpu.memory_space<vmem>>
    %dma_start3A_16 = arith.constant 0 : i32
    %dma_start3A_17 = arith.constant 0 : i32
    %dma_start3A_18 = tpu.memref_slice %arg3[%add3A_10, %dma_start3A_16, %dma_start3A_17] : memref<5024x2x64xi32, #tpu.memory_space<hbm>> -> memref<1x2x64xi32, #tpu.memory_space<hbm>>
    %dma_start3A_19 = tpu.memref_squeeze %dma_start3A_18 : memref<1x2x64xi32, #tpu.memory_space<hbm>> -> memref<2x64xi32, #tpu.memory_space<hbm>>
    %dma_start3A_20 = tpu.memref_slice %arg8[%dma_start3A_11] : memref<6x!tpu.dma_semaphore, #tpu.memory_space<semaphore_mem>> -> memref<1x!tpu.dma_semaphore, #tpu.memory_space<semaphore_mem>>
    %dma_start3A_21 = tpu.memref_squeeze %dma_start3A_20 : memref<1x!tpu.dma_semaphore, #tpu.memory_space<semaphore_mem>> -> memref<!tpu.dma_semaphore, #tpu.memory_space<semaphore_mem>>
    %dma_start3A_22 = arith.constant 0 : i32
    %dma_start3A_23 = arith.constant 0 : i32
    %dma_start3A_24 = tpu.memref_slice %arg5[%dma_start3A, %dma_start3A_22, %dma_start3A_23] : memref<6x2x64xi32, #tpu.memory_space<vmem>> -> memref<1x2x64xi32, #tpu.memory_space<vmem>>
    %dma_start3A_25 = tpu.memref_squeeze %dma_start3A_24 : memref<1x2x64xi32, #tpu.memory_space<vmem>> -> memref<2x64xi32, #tpu.memory_space<vmem>>
    %dma_start3A_26 = arith.constant 0 : i32
    %dma_start3A_27 = arith.constant 0 : i32
    %dma_start3A_28 = tpu.memref_slice %arg3[%add3A_10, %dma_start3A_26, %dma_start3A_27] : memref<5024x2x64xi32, #tpu.memory_space<hbm>> -> memref<1x2x64xi32, #tpu.memory_space<hbm>>
    %dma_start3A_29 = tpu.memref_squeeze %dma_start3A_28 : memref<1x2x64xi32, #tpu.memory_space<hbm>> -> memref<2x64xi32, #tpu.memory_space<hbm>>
    tpu.enqueue_dma source(%dma_start3A_29 : memref<2x64xi32, #tpu.memory_space<hbm>>) target(%dma_start3A_25 : memref<2x64xi32, #tpu.memory_space<vmem>>) target_semaphore(%dma_start3A_21 : memref<!tpu.dma_semaphore, #tpu.memory_space<semaphore_mem>>)
    %add3A_30 = arith.constant 1 : i32
    %add3A_31 = arith.addi %select_n3A_8, %add3A_30 : i32
    %dma_start3A_32 = arith.constant 1 : i32
    %dma_start3A_33 = arith.constant 1 : i32
    %dma_start3A_34 = arith.constant 0 : i32
    %dma_start3A_35 = arith.constant 0 : i32
    %dma_start3A_36 = tpu.memref_slice %arg5[%dma_start3A_32, %dma_start3A_34, %dma_start3A_35] : memref<6x2x64xi32, #tpu.memory_space<vmem>> -> memref<1x2x64xi32, #tpu.memory_space<vmem>>
    %dma_start3A_37 = tpu.memref_squeeze %dma_start3A_36 : memref<1x2x64xi32, #tpu.memory_space<vmem>> -> memref<2x64xi32, #tpu.memory_space<vmem>>
    %dma_start3A_38 = arith.constant 0 : i32
    %dma_start3A_39 = arith.constant 0 : i32
    %dma_start3A_40 = tpu.memref_slice %arg3[%add3A_31, %dma_start3A_38, %dma_start3A_39] : memref<5024x2x64xi32, #tpu.memory_space<hbm>> -> memref<1x2x64xi32, #tpu.memory_space<hbm>>
    %dma_start3A_41 = tpu.memref_squeeze %dma_start3A_40 : memref<1x2x64xi32, #tpu.memory_space<hbm>> -> memref<2x64xi32, #tpu.memory_space<hbm>>
    %dma_start3A_42 = tpu.memref_slice %arg8[%dma_start3A_33] : memref<6x!tpu.dma_semaphore, #tpu.memory_space<semaphore_mem>> -> memref<1x!tpu.dma_semaphore, #tpu.memory_space<semaphore_mem>>
    %dma_start3A_43 = tpu.memref_squeeze %dma_start3A_42 : memref<1x!tpu.dma_semaphore, #tpu.memory_space<semaphore_mem>> -> memref<!tpu.dma_semaphore, #tpu.memory_space<semaphore_mem>>
    %dma_start3A_44 = arith.constant 0 : i32
    %dma_start3A_45 = arith.constant 0 : i32
    %dma_start3A_46 = tpu.memref_slice %arg5[%dma_start3A_32, %dma_start3A_44, %dma_start3A_45] : memref<6x2x64xi32, #tpu.memory_space<vmem>> -> memref<1x2x64xi32, #tpu.memory_space<vmem>>
    %dma_start3A_47 = tpu.memref_squeeze %dma_start3A_46 : memref<1x2x64xi32, #tpu.memory_space<vmem>> -> memref<2x64xi32, #tpu.memory_space<vmem>>
    %dma_start3A_48 = arith.constant 0 : i32
    %dma_start3A_49 = arith.constant 0 : i32
    %dma_start3A_50 = tpu.memref_slice %arg3[%add3A_31, %dma_start3A_48, %dma_start3A_49] : memref<5024x2x64xi32, #tpu.memory_space<hbm>> -> memref<1x2x64xi32, #tpu.memory_space<hbm>>
    %dma_start3A_51 = tpu.memref_squeeze %dma_start3A_50 : memref<1x2x64xi32, #tpu.memory_space<hbm>> -> memref<2x64xi32, #tpu.memory_space<hbm>>
    tpu.enqueue_dma source(%dma_start3A_51 : memref<2x64xi32, #tpu.memory_space<hbm>>) target(%dma_start3A_47 : memref<2x64xi32, #tpu.memory_space<vmem>>) target_semaphore(%dma_start3A_43 : memref<!tpu.dma_semaphore, #tpu.memory_space<semaphore_mem>>)
    %add3A_52 = arith.constant 2 : i32
    %add3A_53 = arith.addi %select_n3A_8, %add3A_52 : i32
    %dma_start3A_54 = arith.constant 2 : i32
    %dma_start3A_55 = arith.constant 2 : i32
    %dma_start3A_56 = arith.constant 0 : i32
    %dma_start3A_57 = arith.constant 0 : i32
    %dma_start3A_58 = tpu.memref_slice %arg5[%dma_start3A_54, %dma_start3A_56, %dma_start3A_57] : memref<6x2x64xi32, #tpu.memory_space<vmem>> -> memref<1x2x64xi32, #tpu.memory_space<vmem>>
    %dma_start3A_59 = tpu.memref_squeeze %dma_start3A_58 : memref<1x2x64xi32, #tpu.memory_space<vmem>> -> memref<2x64xi32, #tpu.memory_space<vmem>>
    %dma_start3A_60 = arith.constant 0 : i32
    %dma_start3A_61 = arith.constant 0 : i32
    %dma_start3A_62 = tpu.memref_slice %arg3[%add3A_53, %dma_start3A_60, %dma_start3A_61] : memref<5024x2x64xi32, #tpu.memory_space<hbm>> -> memref<1x2x64xi32, #tpu.memory_space<hbm>>
    %dma_start3A_63 = tpu.memref_squeeze %dma_start3A_62 : memref<1x2x64xi32, #tpu.memory_space<hbm>> -> memref<2x64xi32, #tpu.memory_space<hbm>>
    %dma_start3A_64 = tpu.memref_slice %arg8[%dma_start3A_55] : memref<6x!tpu.dma_semaphore, #tpu.memory_space<semaphore_mem>> -> memref<1x!tpu.dma_semaphore, #tpu.memory_space<semaphore_mem>>
    %dma_start3A_65 = tpu.memref_squeeze %dma_start3A_64 : memref<1x!tpu.dma_semaphore, #tpu.memory_space<semaphore_mem>> -> memref<!tpu.dma_semaphore, #tpu.memory_space<semaphore_mem>>
    %dma_start3A_66 = arith.constant 0 : i32
    %dma_start3A_67 = arith.constant 0 : i32
    %dma_start3A_68 = tpu.memref_slice %arg5[%dma_start3A_54, %dma_start3A_66, %dma_start3A_67] : memref<6x2x64xi32, #tpu.memory_space<vmem>> -> memref<1x2x64xi32, #tpu.memory_space<vmem>>
    %dma_start3A_69 = tpu.memref_squeeze %dma_start3A_68 : memref<1x2x64xi32, #tpu.memory_space<vmem>> -> memref<2x64xi32, #tpu.memory_space<vmem>>
    %dma_start3A_70 = arith.constant 0 : i32
    %dma_start3A_71 = arith.constant 0 : i32
    %dma_start3A_72 = tpu.memref_slice %arg3[%add3A_53, %dma_start3A_70, %dma_start3A_71] : memref<5024x2x64xi32, #tpu.memory_space<hbm>> -> memref<1x2x64xi32, #tpu.memory_space<hbm>>
    %dma_start3A_73 = tpu.memref_squeeze %dma_start3A_72 : memref<1x2x64xi32, #tpu.memory_space<hbm>> -> memref<2x64xi32, #tpu.memory_space<hbm>>
    tpu.enqueue_dma source(%dma_start3A_73 : memref<2x64xi32, #tpu.memory_space<hbm>>) target(%dma_start3A_69 : memref<2x64xi32, #tpu.memory_space<vmem>>) target_semaphore(%dma_start3A_65 : memref<!tpu.dma_semaphore, #tpu.memory_space<semaphore_mem>>)
    %add3A_74 = arith.constant 3 : i32
    %add3A_75 = arith.addi %select_n3A_8, %add3A_74 : i32
    %dma_start3A_76 = arith.constant 3 : i32
    %dma_start3A_77 = arith.constant 3 : i32
    %dma_start3A_78 = arith.constant 0 : i32
    %dma_start3A_79 = arith.constant 0 : i32
    %dma_start3A_80 = tpu.memref_slice %arg5[%dma_start3A_76, %dma_start3A_78, %dma_start3A_79] : memref<6x2x64xi32, #tpu.memory_space<vmem>> -> memref<1x2x64xi32, #tpu.memory_space<vmem>>
    %dma_start3A_81 = tpu.memref_squeeze %dma_start3A_80 : memref<1x2x64xi32, #tpu.memory_space<vmem>> -> memref<2x64xi32, #tpu.memory_space<vmem>>
    %dma_start3A_82 = arith.constant 0 : i32
    %dma_start3A_83 = arith.constant 0 : i32
    %dma_start3A_84 = tpu.memref_slice %arg3[%add3A_75, %dma_start3A_82, %dma_start3A_83] : memref<5024x2x64xi32, #tpu.memory_space<hbm>> -> memref<1x2x64xi32, #tpu.memory_space<hbm>>
    %dma_start3A_85 = tpu.memref_squeeze %dma_start3A_84 : memref<1x2x64xi32, #tpu.memory_space<hbm>> -> memref<2x64xi32, #tpu.memory_space<hbm>>
    %dma_start3A_86 = tpu.memref_slice %arg8[%dma_start3A_77] : memref<6x!tpu.dma_semaphore, #tpu.memory_space<semaphore_mem>> -> memref<1x!tpu.dma_semaphore, #tpu.memory_space<semaphore_mem>>
    %dma_start3A_87 = tpu.memref_squeeze %dma_start3A_86 : memref<1x!tpu.dma_semaphore, #tpu.memory_space<semaphore_mem>> -> memref<!tpu.dma_semaphore, #tpu.memory_space<semaphore_mem>>
    %dma_start3A_88 = arith.constant 0 : i32
    %dma_start3A_89 = arith.constant 0 : i32
    %dma_start3A_90 = tpu.memref_slice %arg5[%dma_start3A_76, %dma_start3A_88, %dma_start3A_89] : memref<6x2x64xi32, #tpu.memory_space<vmem>> -> memref<1x2x64xi32, #tpu.memory_space<vmem>>
    %dma_start3A_91 = tpu.memref_squeeze %dma_start3A_90 : memref<1x2x64xi32, #tpu.memory_space<vmem>> -> memref<2x64xi32, #tpu.memory_space<vmem>>
    %dma_start3A_92 = arith.constant 0 : i32
    %dma_start3A_93 = arith.constant 0 : i32
    %dma_start3A_94 = tpu.memref_slice %arg3[%add3A_75, %dma_start3A_92, %dma_start3A_93] : memref<5024x2x64xi32, #tpu.memory_space<hbm>> -> memref<1x2x64xi32, #tpu.memory_space<hbm>>
    %dma_start3A_95 = tpu.memref_squeeze %dma_start3A_94 : memref<1x2x64xi32, #tpu.memory_space<hbm>> -> memref<2x64xi32, #tpu.memory_space<hbm>>
    tpu.enqueue_dma source(%dma_start3A_95 : memref<2x64xi32, #tpu.memory_space<hbm>>) target(%dma_start3A_91 : memref<2x64xi32, #tpu.memory_space<vmem>>) target_semaphore(%dma_start3A_87 : memref<!tpu.dma_semaphore, #tpu.memory_space<semaphore_mem>>)
    %add3A_96 = arith.constant 4 : i32
    %add3A_97 = arith.addi %select_n3A_8, %add3A_96 : i32
    %dma_start3A_98 = arith.constant 4 : i32
    %dma_start3A_99 = arith.constant 4 : i32
    %dma_start3A_100 = arith.constant 0 : i32
    %dma_start3A_101 = arith.constant 0 : i32
    %dma_start3A_102 = tpu.memref_slice %arg5[%dma_start3A_98, %dma_start3A_100, %dma_start3A_101] : memref<6x2x64xi32, #tpu.memory_space<vmem>> -> memref<1x2x64xi32, #tpu.memory_space<vmem>>
    %dma_start3A_103 = tpu.memref_squeeze %dma_start3A_102 : memref<1x2x64xi32, #tpu.memory_space<vmem>> -> memref<2x64xi32, #tpu.memory_space<vmem>>
    %dma_start3A_104 = arith.constant 0 : i32
    %dma_start3A_105 = arith.constant 0 : i32
    %dma_start3A_106 = tpu.memref_slice %arg3[%add3A_97, %dma_start3A_104, %dma_start3A_105] : memref<5024x2x64xi32, #tpu.memory_space<hbm>> -> memref<1x2x64xi32, #tpu.memory_space<hbm>>
    %dma_start3A_107 = tpu.memref_squeeze %dma_start3A_106 : memref<1x2x64xi32, #tpu.memory_space<hbm>> -> memref<2x64xi32, #tpu.memory_space<hbm>>
    %dma_start3A_108 = tpu.memref_slice %arg8[%dma_start3A_99] : memref<6x!tpu.dma_semaphore, #tpu.memory_space<semaphore_mem>> -> memref<1x!tpu.dma_semaphore, #tpu.memory_space<semaphore_mem>>
    %dma_start3A_109 = tpu.memref_squeeze %dma_start3A_108 : memref<1x!tpu.dma_semaphore, #tpu.memory_space<semaphore_mem>> -> memref<!tpu.dma_semaphore, #tpu.memory_space<semaphore_mem>>
    %dma_start3A_110 = arith.constant 0 : i32
    %dma_start3A_111 = arith.constant 0 : i32
    %dma_start3A_112 = tpu.memref_slice %arg5[%dma_start3A_98, %dma_start3A_110, %dma_start3A_111] : memref<6x2x64xi32, #tpu.memory_space<vmem>> -> memref<1x2x64xi32, #tpu.memory_space<vmem>>
    %dma_start3A_113 = tpu.memref_squeeze %dma_start3A_112 : memref<1x2x64xi32, #tpu.memory_space<vmem>> -> memref<2x64xi32, #tpu.memory_space<vmem>>
    %dma_start3A_114 = arith.constant 0 : i32
    %dma_start3A_115 = arith.constant 0 : i32
    %dma_start3A_116 = tpu.memref_slice %arg3[%add3A_97, %dma_start3A_114, %dma_start3A_115] : memref<5024x2x64xi32, #tpu.memory_space<hbm>> -> memref<1x2x64xi32, #tpu.memory_space<hbm>>
    %dma_start3A_117 = tpu.memref_squeeze %dma_start3A_116 : memref<1x2x64xi32, #tpu.memory_space<hbm>> -> memref<2x64xi32, #tpu.memory_space<hbm>>
    tpu.enqueue_dma source(%dma_start3A_117 : memref<2x64xi32, #tpu.memory_space<hbm>>) target(%dma_start3A_113 : memref<2x64xi32, #tpu.memory_space<vmem>>) target_semaphore(%dma_start3A_109 : memref<!tpu.dma_semaphore, #tpu.memory_space<semaphore_mem>>)
    %scan3A = arith.constant 0 : i32
    %scan3A_118 = arith.constant 0 : i32
    %scan3A_119 = arith.constant 64 : i32
    %scan3A_120 = arith.addi %scan3A_118, %scan3A_119 : i32
    %scan3A_121 = arith.constant 1 : i32
    scf.for %scan3A_356 = %scan3A_118 to %scan3A_120 step %scan3A_121  : i32 {
      %broadcast_in_dim3A = arith.constant 0.000000e+00 : f32
      %broadcast_in_dim3A_357 = vector.broadcast %broadcast_in_dim3A : f32 to vector<16xf32>
      %swap3A = arith.constant 0 : i32
      %swap3A_358 = arith.index_cast %swap3A : i32 to index
      %swap3A_359 = arith.index_cast %scan3A_356 : i32 to index
      %swap3A_360 = arith.constant 0 : index
      %swap3A_361 = tpu.vector_load %arg6[%swap3A_358, %swap3A_359, %swap3A_360] {strides = array<i32>} : memref<5x64x128xf32, #tpu.memory_space<vmem>>, vector<1x1x16xf32>,
      %swap3A_362 = vector.shape_cast %swap3A_361 : vector<1x1x16xf32> to vector<16xf32>
      %swap3A_363 = vector.shape_cast %broadcast_in_dim3A_357 : vector<16xf32> to vector<1x1x16xf32>
      tpu.vector_store %arg6[%swap3A_358, %swap3A_359, %swap3A_360], %swap3A_363 {strides = array<i32>} : memref<5x64x128xf32, #tpu.memory_space<vmem>>, vector<1x1x16xf32>,
      %broadcast_in_dim3A_364 = arith.constant 0.000000e+00 : f32
      %broadcast_in_dim3A_365 = vector.broadcast %broadcast_in_dim3A_364 : f32 to vector<16xf32>
      %swap3A_366 = arith.constant 0 : i32
      %swap3A_367 = arith.index_cast %swap3A_366 : i32 to index
      %swap3A_368 = arith.index_cast %scan3A_356 : i32 to index
      %swap3A_369 = arith.constant 16 : index
      %swap3A_370 = tpu.vector_load %arg6[%swap3A_367, %swap3A_368, %swap3A_369] {strides = array<i32>} : memref<5x64x128xf32, #tpu.memory_space<vmem>>, vector<1x1x16xf32>,
      %swap3A_371 = vector.shape_cast %swap3A_370 : vector<1x1x16xf32> to vector<16xf32>
      %swap3A_372 = vector.shape_cast %broadcast_in_dim3A_365 : vector<16xf32> to vector<1x1x16xf32>
      tpu.vector_store %arg6[%swap3A_367, %swap3A_368, %swap3A_369], %swap3A_372 {strides = array<i32>} : memref<5x64x128xf32, #tpu.memory_space<vmem>>, vector<1x1x16xf32>,
      %broadcast_in_dim3A_373 = arith.constant 0.000000e+00 : f32
      %broadcast_in_dim3A_374 = vector.broadcast %broadcast_in_dim3A_373 : f32 to vector<16xf32>
      %swap3A_375 = arith.constant 0 : i32
      %swap3A_376 = arith.index_cast %swap3A_375 : i32 to index
      %swap3A_377 = arith.index_cast %scan3A_356 : i32 to index
      %swap3A_378 = arith.constant 32 : index
      %swap3A_379 = tpu.vector_load %arg6[%swap3A_376, %swap3A_377, %swap3A_378] {strides = array<i32>} : memref<5x64x128xf32, #tpu.memory_space<vmem>>, vector<1x1x16xf32>,
      %swap3A_380 = vector.shape_cast %swap3A_379 : vector<1x1x16xf32> to vector<16xf32>
      %swap3A_381 = vector.shape_cast %broadcast_in_dim3A_374 : vector<16xf32> to vector<1x1x16xf32>
      tpu.vector_store %arg6[%swap3A_376, %swap3A_377, %swap3A_378], %swap3A_381 {strides = array<i32>} : memref<5x64x128xf32, #tpu.memory_space<vmem>>, vector<1x1x16xf32>,
      %broadcast_in_dim3A_382 = arith.constant 0.000000e+00 : f32
      %broadcast_in_dim3A_383 = vector.broadcast %broadcast_in_dim3A_382 : f32 to vector<16xf32>
      %swap3A_384 = arith.constant 0 : i32
      %swap3A_385 = arith.index_cast %swap3A_384 : i32 to index
      %swap3A_386 = arith.index_cast %scan3A_356 : i32 to index
      %swap3A_387 = arith.constant 48 : index
      %swap3A_388 = tpu.vector_load %arg6[%swap3A_385, %swap3A_386, %swap3A_387] {strides = array<i32>} : memref<5x64x128xf32, #tpu.memory_space<vmem>>, vector<1x1x16xf32>,
      %swap3A_389 = vector.shape_cast %swap3A_388 : vector<1x1x16xf32> to vector<16xf32>
      %swap3A_390 = vector.shape_cast %broadcast_in_dim3A_383 : vector<16xf32> to vector<1x1x16xf32>
      tpu.vector_store %arg6[%swap3A_385, %swap3A_386, %swap3A_387], %swap3A_390 {strides = array<i32>} : memref<5x64x128xf32, #tpu.memory_space<vmem>>, vector<1x1x16xf32>,
      %broadcast_in_dim3A_391 = arith.constant 0.000000e+00 : f32
      %broadcast_in_dim3A_392 = vector.broadcast %broadcast_in_dim3A_391 : f32 to vector<16xf32>
      %swap3A_393 = arith.constant 0 : i32
      %swap3A_394 = arith.index_cast %swap3A_393 : i32 to index
      %swap3A_395 = arith.index_cast %scan3A_356 : i32 to index
      %swap3A_396 = arith.constant 64 : index
      %swap3A_397 = tpu.vector_load %arg6[%swap3A_394, %swap3A_395, %swap3A_396] {strides = array<i32>} : memref<5x64x128xf32, #tpu.memory_space<vmem>>, vector<1x1x16xf32>,
      %swap3A_398 = vector.shape_cast %swap3A_397 : vector<1x1x16xf32> to vector<16xf32>
      %swap3A_399 = vector.shape_cast %broadcast_in_dim3A_392 : vector<16xf32> to vector<1x1x16xf32>
      tpu.vector_store %arg6[%swap3A_394, %swap3A_395, %swap3A_396], %swap3A_399 {strides = array<i32>} : memref<5x64x128xf32, #tpu.memory_space<vmem>>, vector<1x1x16xf32>,
      %broadcast_in_dim3A_400 = arith.constant 0.000000e+00 : f32
      %broadcast_in_dim3A_401 = vector.broadcast %broadcast_in_dim3A_400 : f32 to vector<16xf32>
      %swap3A_402 = arith.constant 0 : i32
      %swap3A_403 = arith.index_cast %swap3A_402 : i32 to index
      %swap3A_404 = arith.index_cast %scan3A_356 : i32 to index
      %swap3A_405 = arith.constant 80 : index
      %swap3A_406 = tpu.vector_load %arg6[%swap3A_403, %swap3A_404, %swap3A_405] {strides = array<i32>} : memref<5x64x128xf32, #tpu.memory_space<vmem>>, vector<1x1x16xf32>,
      %swap3A_407 = vector.shape_cast %swap3A_406 : vector<1x1x16xf32> to vector<16xf32>
      %swap3A_408 = vector.shape_cast %broadcast_in_dim3A_401 : vector<16xf32> to vector<1x1x16xf32>
      tpu.vector_store %arg6[%swap3A_403, %swap3A_404, %swap3A_405], %swap3A_408 {strides = array<i32>} : memref<5x64x128xf32, #tpu.memory_space<vmem>>, vector<1x1x16xf32>,
      %broadcast_in_dim3A_409 = arith.constant 0.000000e+00 : f32
      %broadcast_in_dim3A_410 = vector.broadcast %broadcast_in_dim3A_409 : f32 to vector<16xf32>
      %swap3A_411 = arith.constant 0 : i32
      %swap3A_412 = arith.index_cast %swap3A_411 : i32 to index
      %swap3A_413 = arith.index_cast %scan3A_356 : i32 to index
      %swap3A_414 = arith.constant 96 : index
      %swap3A_415 = tpu.vector_load %arg6[%swap3A_412, %swap3A_413, %swap3A_414] {strides = array<i32>} : memref<5x64x128xf32, #tpu.memory_space<vmem>>, vector<1x1x16xf32>,
      %swap3A_416 = vector.shape_cast %swap3A_415 : vector<1x1x16xf32> to vector<16xf32>
      %swap3A_417 = vector.shape_cast %broadcast_in_dim3A_410 : vector<16xf32> to vector<1x1x16xf32>
      tpu.vector_store %arg6[%swap3A_412, %swap3A_413, %swap3A_414], %swap3A_417 {strides = array<i32>} : memref<5x64x128xf32, #tpu.memory_space<vmem>>, vector<1x1x16xf32>,
      %broadcast_in_dim3A_418 = arith.constant 0.000000e+00 : f32
      %broadcast_in_dim3A_419 = vector.broadcast %broadcast_in_dim3A_418 : f32 to vector<16xf32>
      %swap3A_420 = arith.constant 0 : i32
      %swap3A_421 = arith.index_cast %swap3A_420 : i32 to index
      %swap3A_422 = arith.index_cast %scan3A_356 : i32 to index
      %swap3A_423 = arith.constant 112 : index
      %swap3A_424 = tpu.vector_load %arg6[%swap3A_421, %swap3A_422, %swap3A_423] {strides = array<i32>} : memref<5x64x128xf32, #tpu.memory_space<vmem>>, vector<1x1x16xf32>,
      %swap3A_425 = vector.shape_cast %swap3A_424 : vector<1x1x16xf32> to vector<16xf32>
      %swap3A_426 = vector.shape_cast %broadcast_in_dim3A_419 : vector<16xf32> to vector<1x1x16xf32>
      tpu.vector_store %arg6[%swap3A_421, %swap3A_422, %swap3A_423], %swap3A_426 {strides = array<i32>} : memref<5x64x128xf32, #tpu.memory_space<vmem>>, vector<1x1x16xf32>,
    }
    %scan3A_122 = arith.constant 64 : i32
    %mul3A_123 = arith.constant 632 : i32
    %mul3A_124 = arith.muli %arg1, %mul3A_123 : i32
    %add3A_125 = arith.constant 0 : i32
    %add3A_126 = arith.addi %mul3A_124, %add3A_125 : i32
    %run_scoped3A = arith.constant 0 : i32
    "tpu.region"() ({
      %run_scoped3A_356 = tpu.sem_alloc : memref<!tpu.dma_semaphore, #tpu.memory_space<semaphore_mem>>
      %dma_start3A_357 = arith.constant 0 : i32
      %dma_start3A_358 = arith.constant 0 : i32
      %dma_start3A_359 = tpu.memref_slice %arg6[%run_scoped3A, %dma_start3A_357, %dma_start3A_358] : memref<5x64x128xf32, #tpu.memory_space<vmem>> -> memref<1x64x128xf32, #tpu.memory_space<vmem>>
      %dma_start3A_360 = tpu.memref_squeeze %dma_start3A_359 : memref<1x64x128xf32, #tpu.memory_space<vmem>> -> memref<64x128xf32, #tpu.memory_space<vmem>>
      %dma_start3A_361 = arith.constant 0 : i32
      %dma_start3A_362 = tpu.memref_slice %arg7[%add3A_126, %dma_start3A_361] : memref<10112x128xf32, #tpu.memory_space<vmem_shared>> -> memref<64x128xf32, #tpu.memory_space<vmem_shared>>
      %dma_start3A_363 = arith.constant 0 : i32
      %dma_start3A_364 = tpu.memref_slice %arg7[%add3A_126, %dma_start3A_363] : memref<10112x128xf32, #tpu.memory_space<vmem_shared>> -> memref<64x128xf32, #tpu.memory_space<vmem_shared>>
      %dma_start3A_365 = arith.constant 0 : i32
      %dma_start3A_366 = arith.constant 0 : i32
      %dma_start3A_367 = tpu.memref_slice %arg6[%run_scoped3A, %dma_start3A_365, %dma_start3A_366] : memref<5x64x128xf32, #tpu.memory_space<vmem>> -> memref<1x64x128xf32, #tpu.memory_space<vmem>>
      %dma_start3A_368 = tpu.memref_squeeze %dma_start3A_367 : memref<1x64x128xf32, #tpu.memory_space<vmem>> -> memref<64x128xf32, #tpu.memory_space<vmem>>
      tpu.enqueue_dma source(%dma_start3A_368 : memref<64x128xf32, #tpu.memory_space<vmem>>) target(%dma_start3A_364 : memref<64x128xf32, #tpu.memory_space<vmem_shared>>) target_semaphore(%run_scoped3A_356 : memref<!tpu.dma_semaphore, #tpu.memory_space<semaphore_mem>>)
      %dma_wait3A_369 = arith.constant 0 : i32
      %dma_wait3A_370 = arith.constant 0 : i32
      %dma_wait3A_371 = tpu.memref_slice %arg6[%run_scoped3A, %dma_wait3A_369, %dma_wait3A_370] : memref<5x64x128xf32, #tpu.memory_space<vmem>> -> memref<1x64x128xf32, #tpu.memory_space<vmem>>
      %dma_wait3A_372 = tpu.memref_squeeze %dma_wait3A_371 : memref<1x64x128xf32, #tpu.memory_space<vmem>> -> memref<64x128xf32, #tpu.memory_space<vmem>>
      %dma_wait3A_373 = arith.constant 0 : i32
      %dma_wait3A_374 = tpu.memref_slice %arg7[%add3A_126, %dma_wait3A_373] : memref<10112x128xf32, #tpu.memory_space<vmem_shared>> -> memref<64x128xf32, #tpu.memory_space<vmem_shared>>
      %dma_wait3A_375 = arith.constant 0 : i32
      %dma_wait3A_376 = tpu.memref_slice %arg7[%add3A_126, %dma_wait3A_375] : memref<10112x128xf32, #tpu.memory_space<vmem_shared>> -> memref<64x128xf32, #tpu.memory_space<vmem_shared>>
      %dma_wait3A_377 = arith.constant 0 : i32
      %dma_wait3A_378 = arith.constant 0 : i32
      %dma_wait3A_379 = tpu.memref_slice %arg6[%run_scoped3A, %dma_wait3A_377, %dma_wait3A_378] : memref<5x64x128xf32, #tpu.memory_space<vmem>> -> memref<1x64x128xf32, #tpu.memory_space<vmem>>
      %dma_wait3A_380 = tpu.memref_squeeze %dma_wait3A_379 : memref<1x64x128xf32, #tpu.memory_space<vmem>> -> memref<64x128xf32, #tpu.memory_space<vmem>>
      tpu.wait_dma2 semaphore(%run_scoped3A_356 : memref<!tpu.dma_semaphore, #tpu.memory_space<semaphore_mem>>) src(%dma_wait3A_380 : memref<64x128xf32, #tpu.memory_space<vmem>>) dst(%dma_wait3A_376 : memref<64x128xf32, #tpu.memory_space<vmem_shared>>)
      tpu.yield
    }) : () -> ()
    %mul3A_127 = arith.constant 632 : i32
    %mul3A_128 = arith.muli %arg1, %mul3A_127 : i32
    %add3A_129 = arith.constant 64 : i32
    %add3A_130 = arith.addi %mul3A_128, %add3A_129 : i32
    %run_scoped3A_131 = arith.constant 0 : i32
    "tpu.region"() ({
      %run_scoped3A_356 = tpu.sem_alloc : memref<!tpu.dma_semaphore, #tpu.memory_space<semaphore_mem>>
      %dma_start3A_357 = arith.constant 0 : i32
      %dma_start3A_358 = arith.constant 0 : i32
      %dma_start3A_359 = tpu.memref_slice %arg6[%run_scoped3A_131, %dma_start3A_357, %dma_start3A_358] : memref<5x64x128xf32, #tpu.memory_space<vmem>> -> memref<1x64x128xf32, #tpu.memory_space<vmem>>
      %dma_start3A_360 = tpu.memref_squeeze %dma_start3A_359 : memref<1x64x128xf32, #tpu.memory_space<vmem>> -> memref<64x128xf32, #tpu.memory_space<vmem>>
      %dma_start3A_361 = arith.constant 0 : i32
      %dma_start3A_362 = tpu.memref_slice %arg7[%add3A_130, %dma_start3A_361] : memref<10112x128xf32, #tpu.memory_space<vmem_shared>> -> memref<64x128xf32, #tpu.memory_space<vmem_shared>>
      %dma_start3A_363 = arith.constant 0 : i32
      %dma_start3A_364 = tpu.memref_slice %arg7[%add3A_130, %dma_start3A_363] : memref<10112x128xf32, #tpu.memory_space<vmem_shared>> -> memref<64x128xf32, #tpu.memory_space<vmem_shared>>
      %dma_start3A_365 = arith.constant 0 : i32
      %dma_start3A_366 = arith.constant 0 : i32
      %dma_start3A_367 = tpu.memref_slice %arg6[%run_scoped3A_131, %dma_start3A_365, %dma_start3A_366] : memref<5x64x128xf32, #tpu.memory_space<vmem>> -> memref<1x64x128xf32, #tpu.memory_space<vmem>>
      %dma_start3A_368 = tpu.memref_squeeze %dma_start3A_367 : memref<1x64x128xf32, #tpu.memory_space<vmem>> -> memref<64x128xf32, #tpu.memory_space<vmem>>
      tpu.enqueue_dma source(%dma_start3A_368 : memref<64x128xf32, #tpu.memory_space<vmem>>) target(%dma_start3A_364 : memref<64x128xf32, #tpu.memory_space<vmem_shared>>) target_semaphore(%run_scoped3A_356 : memref<!tpu.dma_semaphore, #tpu.memory_space<semaphore_mem>>)
      %dma_wait3A_369 = arith.constant 0 : i32
      %dma_wait3A_370 = arith.constant 0 : i32
      %dma_wait3A_371 = tpu.memref_slice %arg6[%run_scoped3A_131, %dma_wait3A_369, %dma_wait3A_370] : memref<5x64x128xf32, #tpu.memory_space<vmem>> -> memref<1x64x128xf32, #tpu.memory_space<vmem>>
      %dma_wait3A_372 = tpu.memref_squeeze %dma_wait3A_371 : memref<1x64x128xf32, #tpu.memory_space<vmem>> -> memref<64x128xf32, #tpu.memory_space<vmem>>
      %dma_wait3A_373 = arith.constant 0 : i32
      %dma_wait3A_374 = tpu.memref_slice %arg7[%add3A_130, %dma_wait3A_373] : memref<10112x128xf32, #tpu.memory_space<vmem_shared>> -> memref<64x128xf32, #tpu.memory_space<vmem_shared>>
      %dma_wait3A_375 = arith.constant 0 : i32
      %dma_wait3A_376 = tpu.memref_slice %arg7[%add3A_130, %dma_wait3A_375] : memref<10112x128xf32, #tpu.memory_space<vmem_shared>> -> memref<64x128xf32, #tpu.memory_space<vmem_shared>>
      %dma_wait3A_377 = arith.constant 0 : i32
      %dma_wait3A_378 = arith.constant 0 : i32
      %dma_wait3A_379 = tpu.memref_slice %arg6[%run_scoped3A_131, %dma_wait3A_377, %dma_wait3A_378] : memref<5x64x128xf32, #tpu.memory_space<vmem>> -> memref<1x64x128xf32, #tpu.memory_space<vmem>>
      %dma_wait3A_380 = tpu.memref_squeeze %dma_wait3A_379 : memref<1x64x128xf32, #tpu.memory_space<vmem>> -> memref<64x128xf32, #tpu.memory_space<vmem>>
      tpu.wait_dma2 semaphore(%run_scoped3A_356 : memref<!tpu.dma_semaphore, #tpu.memory_space<semaphore_mem>>) src(%dma_wait3A_380 : memref<64x128xf32, #tpu.memory_space<vmem>>) dst(%dma_wait3A_376 : memref<64x128xf32, #tpu.memory_space<vmem_shared>>)
      tpu.yield
    }) : () -> ()
    %mul3A_132 = arith.constant 632 : i32
    %mul3A_133 = arith.muli %arg1, %mul3A_132 : i32
    %add3A_134 = arith.constant 128 : i32
    %add3A_135 = arith.addi %mul3A_133, %add3A_134 : i32
    %run_scoped3A_136 = arith.constant 0 : i32
    "tpu.region"() ({
      %run_scoped3A_356 = tpu.sem_alloc : memref<!tpu.dma_semaphore, #tpu.memory_space<semaphore_mem>>
      %dma_start3A_357 = arith.constant 0 : i32
      %dma_start3A_358 = arith.constant 0 : i32
      %dma_start3A_359 = tpu.memref_slice %arg6[%run_scoped3A_136, %dma_start3A_357, %dma_start3A_358] : memref<5x64x128xf32, #tpu.memory_space<vmem>> -> memref<1x64x128xf32, #tpu.memory_space<vmem>>
      %dma_start3A_360 = tpu.memref_squeeze %dma_start3A_359 : memref<1x64x128xf32, #tpu.memory_space<vmem>> -> memref<64x128xf32, #tpu.memory_space<vmem>>
      %dma_start3A_361 = arith.constant 0 : i32
      %dma_start3A_362 = tpu.memref_slice %arg7[%add3A_135, %dma_start3A_361] : memref<10112x128xf32, #tpu.memory_space<vmem_shared>> -> memref<64x128xf32, #tpu.memory_space<vmem_shared>>
      %dma_start3A_363 = arith.constant 0 : i32
      %dma_start3A_364 = tpu.memref_slice %arg7[%add3A_135, %dma_start3A_363] : memref<10112x128xf32, #tpu.memory_space<vmem_shared>> -> memref<64x128xf32, #tpu.memory_space<vmem_shared>>
      %dma_start3A_365 = arith.constant 0 : i32
      %dma_start3A_366 = arith.constant 0 : i32
      %dma_start3A_367 = tpu.memref_slice %arg6[%run_scoped3A_136, %dma_start3A_365, %dma_start3A_366] : memref<5x64x128xf32, #tpu.memory_space<vmem>> -> memref<1x64x128xf32, #tpu.memory_space<vmem>>
      %dma_start3A_368 = tpu.memref_squeeze %dma_start3A_367 : memref<1x64x128xf32, #tpu.memory_space<vmem>> -> memref<64x128xf32, #tpu.memory_space<vmem>>
      tpu.enqueue_dma source(%dma_start3A_368 : memref<64x128xf32, #tpu.memory_space<vmem>>) target(%dma_start3A_364 : memref<64x128xf32, #tpu.memory_space<vmem_shared>>) target_semaphore(%run_scoped3A_356 : memref<!tpu.dma_semaphore, #tpu.memory_space<semaphore_mem>>)
      %dma_wait3A_369 = arith.constant 0 : i32
      %dma_wait3A_370 = arith.constant 0 : i32
      %dma_wait3A_371 = tpu.memref_slice %arg6[%run_scoped3A_136, %dma_wait3A_369, %dma_wait3A_370] : memref<5x64x128xf32, #tpu.memory_space<vmem>> -> memref<1x64x128xf32, #tpu.memory_space<vmem>>
      %dma_wait3A_372 = tpu.memref_squeeze %dma_wait3A_371 : memref<1x64x128xf32, #tpu.memory_space<vmem>> -> memref<64x128xf32, #tpu.memory_space<vmem>>
      %dma_wait3A_373 = arith.constant 0 : i32
      %dma_wait3A_374 = tpu.memref_slice %arg7[%add3A_135, %dma_wait3A_373] : memref<10112x128xf32, #tpu.memory_space<vmem_shared>> -> memref<64x128xf32, #tpu.memory_space<vmem_shared>>
      %dma_wait3A_375 = arith.constant 0 : i32
      %dma_wait3A_376 = tpu.memref_slice %arg7[%add3A_135, %dma_wait3A_375] : memref<10112x128xf32, #tpu.memory_space<vmem_shared>> -> memref<64x128xf32, #tpu.memory_space<vmem_shared>>
      %dma_wait3A_377 = arith.constant 0 : i32
      %dma_wait3A_378 = arith.constant 0 : i32
      %dma_wait3A_379 = tpu.memref_slice %arg6[%run_scoped3A_136, %dma_wait3A_377, %dma_wait3A_378] : memref<5x64x128xf32, #tpu.memory_space<vmem>> -> memref<1x64x128xf32, #tpu.memory_space<vmem>>
      %dma_wait3A_380 = tpu.memref_squeeze %dma_wait3A_379 : memref<1x64x128xf32, #tpu.memory_space<vmem>> -> memref<64x128xf32, #tpu.memory_space<vmem>>
      tpu.wait_dma2 semaphore(%run_scoped3A_356 : memref<!tpu.dma_semaphore, #tpu.memory_space<semaphore_mem>>) src(%dma_wait3A_380 : memref<64x128xf32, #tpu.memory_space<vmem>>) dst(%dma_wait3A_376 : memref<64x128xf32, #tpu.memory_space<vmem_shared>>)
      tpu.yield
    }) : () -> ()
    %mul3A_137 = arith.constant 632 : i32
    %mul3A_138 = arith.muli %arg1, %mul3A_137 : i32
    %add3A_139 = arith.constant 192 : i32
    %add3A_140 = arith.addi %mul3A_138, %add3A_139 : i32
    %run_scoped3A_141 = arith.constant 0 : i32
    "tpu.region"() ({
      %run_scoped3A_356 = tpu.sem_alloc : memref<!tpu.dma_semaphore, #tpu.memory_space<semaphore_mem>>
      %dma_start3A_357 = arith.constant 0 : i32
      %dma_start3A_358 = arith.constant 0 : i32
      %dma_start3A_359 = tpu.memref_slice %arg6[%run_scoped3A_141, %dma_start3A_357, %dma_start3A_358] : memref<5x64x128xf32, #tpu.memory_space<vmem>> -> memref<1x64x128xf32, #tpu.memory_space<vmem>>
      %dma_start3A_360 = tpu.memref_squeeze %dma_start3A_359 : memref<1x64x128xf32, #tpu.memory_space<vmem>> -> memref<64x128xf32, #tpu.memory_space<vmem>>
      %dma_start3A_361 = arith.constant 0 : i32
      %dma_start3A_362 = tpu.memref_slice %arg7[%add3A_140, %dma_start3A_361] : memref<10112x128xf32, #tpu.memory_space<vmem_shared>> -> memref<64x128xf32, #tpu.memory_space<vmem_shared>>
      %dma_start3A_363 = arith.constant 0 : i32
      %dma_start3A_364 = tpu.memref_slice %arg7[%add3A_140, %dma_start3A_363] : memref<10112x128xf32, #tpu.memory_space<vmem_shared>> -> memref<64x128xf32, #tpu.memory_space<vmem_shared>>
      %dma_start3A_365 = arith.constant 0 : i32
      %dma_start3A_366 = arith.constant 0 : i32
      %dma_start3A_367 = tpu.memref_slice %arg6[%run_scoped3A_141, %dma_start3A_365, %dma_start3A_366] : memref<5x64x128xf32, #tpu.memory_space<vmem>> -> memref<1x64x128xf32, #tpu.memory_space<vmem>>
      %dma_start3A_368 = tpu.memref_squeeze %dma_start3A_367 : memref<1x64x128xf32, #tpu.memory_space<vmem>> -> memref<64x128xf32, #tpu.memory_space<vmem>>
      tpu.enqueue_dma source(%dma_start3A_368 : memref<64x128xf32, #tpu.memory_space<vmem>>) target(%dma_start3A_364 : memref<64x128xf32, #tpu.memory_space<vmem_shared>>) target_semaphore(%run_scoped3A_356 : memref<!tpu.dma_semaphore, #tpu.memory_space<semaphore_mem>>)
      %dma_wait3A_369 = arith.constant 0 : i32
      %dma_wait3A_370 = arith.constant 0 : i32
      %dma_wait3A_371 = tpu.memref_slice %arg6[%run_scoped3A_141, %dma_wait3A_369, %dma_wait3A_370] : memref<5x64x128xf32, #tpu.memory_space<vmem>> -> memref<1x64x128xf32, #tpu.memory_space<vmem>>
      %dma_wait3A_372 = tpu.memref_squeeze %dma_wait3A_371 : memref<1x64x128xf32, #tpu.memory_space<vmem>> -> memref<64x128xf32, #tpu.memory_space<vmem>>
      %dma_wait3A_373 = arith.constant 0 : i32
      %dma_wait3A_374 = tpu.memref_slice %arg7[%add3A_140, %dma_wait3A_373] : memref<10112x128xf32, #tpu.memory_space<vmem_shared>> -> memref<64x128xf32, #tpu.memory_space<vmem_shared>>
      %dma_wait3A_375 = arith.constant 0 : i32
      %dma_wait3A_376 = tpu.memref_slice %arg7[%add3A_140, %dma_wait3A_375] : memref<10112x128xf32, #tpu.memory_space<vmem_shared>> -> memref<64x128xf32, #tpu.memory_space<vmem_shared>>
      %dma_wait3A_377 = arith.constant 0 : i32
      %dma_wait3A_378 = arith.constant 0 : i32
      %dma_wait3A_379 = tpu.memref_slice %arg6[%run_scoped3A_141, %dma_wait3A_377, %dma_wait3A_378] : memref<5x64x128xf32, #tpu.memory_space<vmem>> -> memref<1x64x128xf32, #tpu.memory_space<vmem>>
      %dma_wait3A_380 = tpu.memref_squeeze %dma_wait3A_379 : memref<1x64x128xf32, #tpu.memory_space<vmem>> -> memref<64x128xf32, #tpu.memory_space<vmem>>
      tpu.wait_dma2 semaphore(%run_scoped3A_356 : memref<!tpu.dma_semaphore, #tpu.memory_space<semaphore_mem>>) src(%dma_wait3A_380 : memref<64x128xf32, #tpu.memory_space<vmem>>) dst(%dma_wait3A_376 : memref<64x128xf32, #tpu.memory_space<vmem_shared>>)
      tpu.yield
    }) : () -> ()
    %mul3A_142 = arith.constant 632 : i32
    %mul3A_143 = arith.muli %arg1, %mul3A_142 : i32
    %add3A_144 = arith.constant 256 : i32
    %add3A_145 = arith.addi %mul3A_143, %add3A_144 : i32
    %run_scoped3A_146 = arith.constant 0 : i32
    "tpu.region"() ({
      %run_scoped3A_356 = tpu.sem_alloc : memref<!tpu.dma_semaphore, #tpu.memory_space<semaphore_mem>>
      %dma_start3A_357 = arith.constant 0 : i32
      %dma_start3A_358 = arith.constant 0 : i32
      %dma_start3A_359 = tpu.memref_slice %arg6[%run_scoped3A_146, %dma_start3A_357, %dma_start3A_358] : memref<5x64x128xf32, #tpu.memory_space<vmem>> -> memref<1x64x128xf32, #tpu.memory_space<vmem>>
      %dma_start3A_360 = tpu.memref_squeeze %dma_start3A_359 : memref<1x64x128xf32, #tpu.memory_space<vmem>> -> memref<64x128xf32, #tpu.memory_space<vmem>>
      %dma_start3A_361 = arith.constant 0 : i32
      %dma_start3A_362 = tpu.memref_slice %arg7[%add3A_145, %dma_start3A_361] : memref<10112x128xf32, #tpu.memory_space<vmem_shared>> -> memref<64x128xf32, #tpu.memory_space<vmem_shared>>
      %dma_start3A_363 = arith.constant 0 : i32
      %dma_start3A_364 = tpu.memref_slice %arg7[%add3A_145, %dma_start3A_363] : memref<10112x128xf32, #tpu.memory_space<vmem_shared>> -> memref<64x128xf32, #tpu.memory_space<vmem_shared>>
      %dma_start3A_365 = arith.constant 0 : i32
      %dma_start3A_366 = arith.constant 0 : i32
      %dma_start3A_367 = tpu.memref_slice %arg6[%run_scoped3A_146, %dma_start3A_365, %dma_start3A_366] : memref<5x64x128xf32, #tpu.memory_space<vmem>> -> memref<1x64x128xf32, #tpu.memory_space<vmem>>
      %dma_start3A_368 = tpu.memref_squeeze %dma_start3A_367 : memref<1x64x128xf32, #tpu.memory_space<vmem>> -> memref<64x128xf32, #tpu.memory_space<vmem>>
      tpu.enqueue_dma source(%dma_start3A_368 : memref<64x128xf32, #tpu.memory_space<vmem>>) target(%dma_start3A_364 : memref<64x128xf32, #tpu.memory_space<vmem_shared>>) target_semaphore(%run_scoped3A_356 : memref<!tpu.dma_semaphore, #tpu.memory_space<semaphore_mem>>)
      %dma_wait3A_369 = arith.constant 0 : i32
      %dma_wait3A_370 = arith.constant 0 : i32
      %dma_wait3A_371 = tpu.memref_slice %arg6[%run_scoped3A_146, %dma_wait3A_369, %dma_wait3A_370] : memref<5x64x128xf32, #tpu.memory_space<vmem>> -> memref<1x64x128xf32, #tpu.memory_space<vmem>>
      %dma_wait3A_372 = tpu.memref_squeeze %dma_wait3A_371 : memref<1x64x128xf32, #tpu.memory_space<vmem>> -> memref<64x128xf32, #tpu.memory_space<vmem>>
      %dma_wait3A_373 = arith.constant 0 : i32
      %dma_wait3A_374 = tpu.memref_slice %arg7[%add3A_145, %dma_wait3A_373] : memref<10112x128xf32, #tpu.memory_space<vmem_shared>> -> memref<64x128xf32, #tpu.memory_space<vmem_shared>>
      %dma_wait3A_375 = arith.constant 0 : i32
      %dma_wait3A_376 = tpu.memref_slice %arg7[%add3A_145, %dma_wait3A_375] : memref<10112x128xf32, #tpu.memory_space<vmem_shared>> -> memref<64x128xf32, #tpu.memory_space<vmem_shared>>
      %dma_wait3A_377 = arith.constant 0 : i32
      %dma_wait3A_378 = arith.constant 0 : i32
      %dma_wait3A_379 = tpu.memref_slice %arg6[%run_scoped3A_146, %dma_wait3A_377, %dma_wait3A_378] : memref<5x64x128xf32, #tpu.memory_space<vmem>> -> memref<1x64x128xf32, #tpu.memory_space<vmem>>
      %dma_wait3A_380 = tpu.memref_squeeze %dma_wait3A_379 : memref<1x64x128xf32, #tpu.memory_space<vmem>> -> memref<64x128xf32, #tpu.memory_space<vmem>>
      tpu.wait_dma2 semaphore(%run_scoped3A_356 : memref<!tpu.dma_semaphore, #tpu.memory_space<semaphore_mem>>) src(%dma_wait3A_380 : memref<64x128xf32, #tpu.memory_space<vmem>>) dst(%dma_wait3A_376 : memref<64x128xf32, #tpu.memory_space<vmem_shared>>)
      tpu.yield
    }) : () -> ()
    %mul3A_147 = arith.constant 632 : i32
    %mul3A_148 = arith.muli %arg1, %mul3A_147 : i32
    %add3A_149 = arith.constant 320 : i32
    %add3A_150 = arith.addi %mul3A_148, %add3A_149 : i32
    %run_scoped3A_151 = arith.constant 0 : i32
    "tpu.region"() ({
      %run_scoped3A_356 = tpu.sem_alloc : memref<!tpu.dma_semaphore, #tpu.memory_space<semaphore_mem>>
      %dma_start3A_357 = arith.constant 0 : i32
      %dma_start3A_358 = arith.constant 0 : i32
      %dma_start3A_359 = tpu.memref_slice %arg6[%run_scoped3A_151, %dma_start3A_357, %dma_start3A_358] : memref<5x64x128xf32, #tpu.memory_space<vmem>> -> memref<1x64x128xf32, #tpu.memory_space<vmem>>
      %dma_start3A_360 = tpu.memref_squeeze %dma_start3A_359 : memref<1x64x128xf32, #tpu.memory_space<vmem>> -> memref<64x128xf32, #tpu.memory_space<vmem>>
      %dma_start3A_361 = arith.constant 0 : i32
      %dma_start3A_362 = tpu.memref_slice %arg7[%add3A_150, %dma_start3A_361] : memref<10112x128xf32, #tpu.memory_space<vmem_shared>> -> memref<64x128xf32, #tpu.memory_space<vmem_shared>>
      %dma_start3A_363 = arith.constant 0 : i32
      %dma_start3A_364 = tpu.memref_slice %arg7[%add3A_150, %dma_start3A_363] : memref<10112x128xf32, #tpu.memory_space<vmem_shared>> -> memref<64x128xf32, #tpu.memory_space<vmem_shared>>
      %dma_start3A_365 = arith.constant 0 : i32
      %dma_start3A_366 = arith.constant 0 : i32
      %dma_start3A_367 = tpu.memref_slice %arg6[%run_scoped3A_151, %dma_start3A_365, %dma_start3A_366] : memref<5x64x128xf32, #tpu.memory_space<vmem>> -> memref<1x64x128xf32, #tpu.memory_space<vmem>>
      %dma_start3A_368 = tpu.memref_squeeze %dma_start3A_367 : memref<1x64x128xf32, #tpu.memory_space<vmem>> -> memref<64x128xf32, #tpu.memory_space<vmem>>
      tpu.enqueue_dma source(%dma_start3A_368 : memref<64x128xf32, #tpu.memory_space<vmem>>) target(%dma_start3A_364 : memref<64x128xf32, #tpu.memory_space<vmem_shared>>) target_semaphore(%run_scoped3A_356 : memref<!tpu.dma_semaphore, #tpu.memory_space<semaphore_mem>>)
      %dma_wait3A_369 = arith.constant 0 : i32
      %dma_wait3A_370 = arith.constant 0 : i32
      %dma_wait3A_371 = tpu.memref_slice %arg6[%run_scoped3A_151, %dma_wait3A_369, %dma_wait3A_370] : memref<5x64x128xf32, #tpu.memory_space<vmem>> -> memref<1x64x128xf32, #tpu.memory_space<vmem>>
      %dma_wait3A_372 = tpu.memref_squeeze %dma_wait3A_371 : memref<1x64x128xf32, #tpu.memory_space<vmem>> -> memref<64x128xf32, #tpu.memory_space<vmem>>
      %dma_wait3A_373 = arith.constant 0 : i32
      %dma_wait3A_374 = tpu.memref_slice %arg7[%add3A_150, %dma_wait3A_373] : memref<10112x128xf32, #tpu.memory_space<vmem_shared>> -> memref<64x128xf32, #tpu.memory_space<vmem_shared>>
      %dma_wait3A_375 = arith.constant 0 : i32
      %dma_wait3A_376 = tpu.memref_slice %arg7[%add3A_150, %dma_wait3A_375] : memref<10112x128xf32, #tpu.memory_space<vmem_shared>> -> memref<64x128xf32, #tpu.memory_space<vmem_shared>>
      %dma_wait3A_377 = arith.constant 0 : i32
      %dma_wait3A_378 = arith.constant 0 : i32
      %dma_wait3A_379 = tpu.memref_slice %arg6[%run_scoped3A_151, %dma_wait3A_377, %dma_wait3A_378] : memref<5x64x128xf32, #tpu.memory_space<vmem>> -> memref<1x64x128xf32, #tpu.memory_space<vmem>>
      %dma_wait3A_380 = tpu.memref_squeeze %dma_wait3A_379 : memref<1x64x128xf32, #tpu.memory_space<vmem>> -> memref<64x128xf32, #tpu.memory_space<vmem>>
      tpu.wait_dma2 semaphore(%run_scoped3A_356 : memref<!tpu.dma_semaphore, #tpu.memory_space<semaphore_mem>>) src(%dma_wait3A_380 : memref<64x128xf32, #tpu.memory_space<vmem>>) dst(%dma_wait3A_376 : memref<64x128xf32, #tpu.memory_space<vmem_shared>>)
      tpu.yield
    }) : () -> ()
    %mul3A_152 = arith.constant 632 : i32
    %mul3A_153 = arith.muli %arg1, %mul3A_152 : i32
    %add3A_154 = arith.constant 384 : i32
    %add3A_155 = arith.addi %mul3A_153, %add3A_154 : i32
    %run_scoped3A_156 = arith.constant 0 : i32
    "tpu.region"() ({
      %run_scoped3A_356 = tpu.sem_alloc : memref<!tpu.dma_semaphore, #tpu.memory_space<semaphore_mem>>
      %dma_start3A_357 = arith.constant 0 : i32
      %dma_start3A_358 = arith.constant 0 : i32
      %dma_start3A_359 = tpu.memref_slice %arg6[%run_scoped3A_156, %dma_start3A_357, %dma_start3A_358] : memref<5x64x128xf32, #tpu.memory_space<vmem>> -> memref<1x64x128xf32, #tpu.memory_space<vmem>>
      %dma_start3A_360 = tpu.memref_squeeze %dma_start3A_359 : memref<1x64x128xf32, #tpu.memory_space<vmem>> -> memref<64x128xf32, #tpu.memory_space<vmem>>
      %dma_start3A_361 = arith.constant 0 : i32
      %dma_start3A_362 = tpu.memref_slice %arg7[%add3A_155, %dma_start3A_361] : memref<10112x128xf32, #tpu.memory_space<vmem_shared>> -> memref<64x128xf32, #tpu.memory_space<vmem_shared>>
      %dma_start3A_363 = arith.constant 0 : i32
      %dma_start3A_364 = tpu.memref_slice %arg7[%add3A_155, %dma_start3A_363] : memref<10112x128xf32, #tpu.memory_space<vmem_shared>> -> memref<64x128xf32, #tpu.memory_space<vmem_shared>>
      %dma_start3A_365 = arith.constant 0 : i32
      %dma_start3A_366 = arith.constant 0 : i32
      %dma_start3A_367 = tpu.memref_slice %arg6[%run_scoped3A_156, %dma_start3A_365, %dma_start3A_366] : memref<5x64x128xf32, #tpu.memory_space<vmem>> -> memref<1x64x128xf32, #tpu.memory_space<vmem>>
      %dma_start3A_368 = tpu.memref_squeeze %dma_start3A_367 : memref<1x64x128xf32, #tpu.memory_space<vmem>> -> memref<64x128xf32, #tpu.memory_space<vmem>>
      tpu.enqueue_dma source(%dma_start3A_368 : memref<64x128xf32, #tpu.memory_space<vmem>>) target(%dma_start3A_364 : memref<64x128xf32, #tpu.memory_space<vmem_shared>>) target_semaphore(%run_scoped3A_356 : memref<!tpu.dma_semaphore, #tpu.memory_space<semaphore_mem>>)
      %dma_wait3A_369 = arith.constant 0 : i32
      %dma_wait3A_370 = arith.constant 0 : i32
      %dma_wait3A_371 = tpu.memref_slice %arg6[%run_scoped3A_156, %dma_wait3A_369, %dma_wait3A_370] : memref<5x64x128xf32, #tpu.memory_space<vmem>> -> memref<1x64x128xf32, #tpu.memory_space<vmem>>
      %dma_wait3A_372 = tpu.memref_squeeze %dma_wait3A_371 : memref<1x64x128xf32, #tpu.memory_space<vmem>> -> memref<64x128xf32, #tpu.memory_space<vmem>>
      %dma_wait3A_373 = arith.constant 0 : i32
      %dma_wait3A_374 = tpu.memref_slice %arg7[%add3A_155, %dma_wait3A_373] : memref<10112x128xf32, #tpu.memory_space<vmem_shared>> -> memref<64x128xf32, #tpu.memory_space<vmem_shared>>
      %dma_wait3A_375 = arith.constant 0 : i32
      %dma_wait3A_376 = tpu.memref_slice %arg7[%add3A_155, %dma_wait3A_375] : memref<10112x128xf32, #tpu.memory_space<vmem_shared>> -> memref<64x128xf32, #tpu.memory_space<vmem_shared>>
      %dma_wait3A_377 = arith.constant 0 : i32
      %dma_wait3A_378 = arith.constant 0 : i32
      %dma_wait3A_379 = tpu.memref_slice %arg6[%run_scoped3A_156, %dma_wait3A_377, %dma_wait3A_378] : memref<5x64x128xf32, #tpu.memory_space<vmem>> -> memref<1x64x128xf32, #tpu.memory_space<vmem>>
      %dma_wait3A_380 = tpu.memref_squeeze %dma_wait3A_379 : memref<1x64x128xf32, #tpu.memory_space<vmem>> -> memref<64x128xf32, #tpu.memory_space<vmem>>
      tpu.wait_dma2 semaphore(%run_scoped3A_356 : memref<!tpu.dma_semaphore, #tpu.memory_space<semaphore_mem>>) src(%dma_wait3A_380 : memref<64x128xf32, #tpu.memory_space<vmem>>) dst(%dma_wait3A_376 : memref<64x128xf32, #tpu.memory_space<vmem_shared>>)
      tpu.yield
    }) : () -> ()
    %mul3A_157 = arith.constant 632 : i32
    %mul3A_158 = arith.muli %arg1, %mul3A_157 : i32
    %add3A_159 = arith.constant 448 : i32
    %add3A_160 = arith.addi %mul3A_158, %add3A_159 : i32
    %run_scoped3A_161 = arith.constant 0 : i32
    "tpu.region"() ({
      %run_scoped3A_356 = tpu.sem_alloc : memref<!tpu.dma_semaphore, #tpu.memory_space<semaphore_mem>>
      %dma_start3A_357 = arith.constant 0 : i32
      %dma_start3A_358 = arith.constant 0 : i32
      %dma_start3A_359 = tpu.memref_slice %arg6[%run_scoped3A_161, %dma_start3A_357, %dma_start3A_358] : memref<5x64x128xf32, #tpu.memory_space<vmem>> -> memref<1x64x128xf32, #tpu.memory_space<vmem>>
      %dma_start3A_360 = tpu.memref_squeeze %dma_start3A_359 : memref<1x64x128xf32, #tpu.memory_space<vmem>> -> memref<64x128xf32, #tpu.memory_space<vmem>>
      %dma_start3A_361 = arith.constant 0 : i32
      %dma_start3A_362 = tpu.memref_slice %arg7[%add3A_160, %dma_start3A_361] : memref<10112x128xf32, #tpu.memory_space<vmem_shared>> -> memref<64x128xf32, #tpu.memory_space<vmem_shared>>
      %dma_start3A_363 = arith.constant 0 : i32
      %dma_start3A_364 = tpu.memref_slice %arg7[%add3A_160, %dma_start3A_363] : memref<10112x128xf32, #tpu.memory_space<vmem_shared>> -> memref<64x128xf32, #tpu.memory_space<vmem_shared>>
      %dma_start3A_365 = arith.constant 0 : i32
      %dma_start3A_366 = arith.constant 0 : i32
      %dma_start3A_367 = tpu.memref_slice %arg6[%run_scoped3A_161, %dma_start3A_365, %dma_start3A_366] : memref<5x64x128xf32, #tpu.memory_space<vmem>> -> memref<1x64x128xf32, #tpu.memory_space<vmem>>
      %dma_start3A_368 = tpu.memref_squeeze %dma_start3A_367 : memref<1x64x128xf32, #tpu.memory_space<vmem>> -> memref<64x128xf32, #tpu.memory_space<vmem>>
      tpu.enqueue_dma source(%dma_start3A_368 : memref<64x128xf32, #tpu.memory_space<vmem>>) target(%dma_start3A_364 : memref<64x128xf32, #tpu.memory_space<vmem_shared>>) target_semaphore(%run_scoped3A_356 : memref<!tpu.dma_semaphore, #tpu.memory_space<semaphore_mem>>)
      %dma_wait3A_369 = arith.constant 0 : i32
      %dma_wait3A_370 = arith.constant 0 : i32
      %dma_wait3A_371 = tpu.memref_slice %arg6[%run_scoped3A_161, %dma_wait3A_369, %dma_wait3A_370] : memref<5x64x128xf32, #tpu.memory_space<vmem>> -> memref<1x64x128xf32, #tpu.memory_space<vmem>>
      %dma_wait3A_372 = tpu.memref_squeeze %dma_wait3A_371 : memref<1x64x128xf32, #tpu.memory_space<vmem>> -> memref<64x128xf32, #tpu.memory_space<vmem>>
      %dma_wait3A_373 = arith.constant 0 : i32
      %dma_wait3A_374 = tpu.memref_slice %arg7[%add3A_160, %dma_wait3A_373] : memref<10112x128xf32, #tpu.memory_space<vmem_shared>> -> memref<64x128xf32, #tpu.memory_space<vmem_shared>>
      %dma_wait3A_375 = arith.constant 0 : i32
      %dma_wait3A_376 = tpu.memref_slice %arg7[%add3A_160, %dma_wait3A_375] : memref<10112x128xf32, #tpu.memory_space<vmem_shared>> -> memref<64x128xf32, #tpu.memory_space<vmem_shared>>
      %dma_wait3A_377 = arith.constant 0 : i32
      %dma_wait3A_378 = arith.constant 0 : i32
      %dma_wait3A_379 = tpu.memref_slice %arg6[%run_scoped3A_161, %dma_wait3A_377, %dma_wait3A_378] : memref<5x64x128xf32, #tpu.memory_space<vmem>> -> memref<1x64x128xf32, #tpu.memory_space<vmem>>
      %dma_wait3A_380 = tpu.memref_squeeze %dma_wait3A_379 : memref<1x64x128xf32, #tpu.memory_space<vmem>> -> memref<64x128xf32, #tpu.memory_space<vmem>>
      tpu.wait_dma2 semaphore(%run_scoped3A_356 : memref<!tpu.dma_semaphore, #tpu.memory_space<semaphore_mem>>) src(%dma_wait3A_380 : memref<64x128xf32, #tpu.memory_space<vmem>>) dst(%dma_wait3A_376 : memref<64x128xf32, #tpu.memory_space<vmem_shared>>)
      tpu.yield
    }) : () -> ()
    %mul3A_162 = arith.constant 632 : i32
    %mul3A_163 = arith.muli %arg1, %mul3A_162 : i32
    %add3A_164 = arith.constant 512 : i32
    %add3A_165 = arith.addi %mul3A_163, %add3A_164 : i32
    %run_scoped3A_166 = arith.constant 0 : i32
    "tpu.region"() ({
      %run_scoped3A_356 = tpu.sem_alloc : memref<!tpu.dma_semaphore, #tpu.memory_space<semaphore_mem>>
      %dma_start3A_357 = arith.constant 0 : i32
      %dma_start3A_358 = arith.constant 0 : i32
      %dma_start3A_359 = tpu.memref_slice %arg6[%run_scoped3A_166, %dma_start3A_357, %dma_start3A_358] : memref<5x64x128xf32, #tpu.memory_space<vmem>> -> memref<1x64x128xf32, #tpu.memory_space<vmem>>
      %dma_start3A_360 = tpu.memref_squeeze %dma_start3A_359 : memref<1x64x128xf32, #tpu.memory_space<vmem>> -> memref<64x128xf32, #tpu.memory_space<vmem>>
      %dma_start3A_361 = arith.constant 0 : i32
      %dma_start3A_362 = tpu.memref_slice %arg7[%add3A_165, %dma_start3A_361] : memref<10112x128xf32, #tpu.memory_space<vmem_shared>> -> memref<64x128xf32, #tpu.memory_space<vmem_shared>>
      %dma_start3A_363 = arith.constant 0 : i32
      %dma_start3A_364 = tpu.memref_slice %arg7[%add3A_165, %dma_start3A_363] : memref<10112x128xf32, #tpu.memory_space<vmem_shared>> -> memref<64x128xf32, #tpu.memory_space<vmem_shared>>
      %dma_start3A_365 = arith.constant 0 : i32
      %dma_start3A_366 = arith.constant 0 : i32
      %dma_start3A_367 = tpu.memref_slice %arg6[%run_scoped3A_166, %dma_start3A_365, %dma_start3A_366] : memref<5x64x128xf32, #tpu.memory_space<vmem>> -> memref<1x64x128xf32, #tpu.memory_space<vmem>>
      %dma_start3A_368 = tpu.memref_squeeze %dma_start3A_367 : memref<1x64x128xf32, #tpu.memory_space<vmem>> -> memref<64x128xf32, #tpu.memory_space<vmem>>
      tpu.enqueue_dma source(%dma_start3A_368 : memref<64x128xf32, #tpu.memory_space<vmem>>) target(%dma_start3A_364 : memref<64x128xf32, #tpu.memory_space<vmem_shared>>) target_semaphore(%run_scoped3A_356 : memref<!tpu.dma_semaphore, #tpu.memory_space<semaphore_mem>>)
      %dma_wait3A_369 = arith.constant 0 : i32
      %dma_wait3A_370 = arith.constant 0 : i32
      %dma_wait3A_371 = tpu.memref_slice %arg6[%run_scoped3A_166, %dma_wait3A_369, %dma_wait3A_370] : memref<5x64x128xf32, #tpu.memory_space<vmem>> -> memref<1x64x128xf32, #tpu.memory_space<vmem>>
      %dma_wait3A_372 = tpu.memref_squeeze %dma_wait3A_371 : memref<1x64x128xf32, #tpu.memory_space<vmem>> -> memref<64x128xf32, #tpu.memory_space<vmem>>
      %dma_wait3A_373 = arith.constant 0 : i32
      %dma_wait3A_374 = tpu.memref_slice %arg7[%add3A_165, %dma_wait3A_373] : memref<10112x128xf32, #tpu.memory_space<vmem_shared>> -> memref<64x128xf32, #tpu.memory_space<vmem_shared>>
      %dma_wait3A_375 = arith.constant 0 : i32
      %dma_wait3A_376 = tpu.memref_slice %arg7[%add3A_165, %dma_wait3A_375] : memref<10112x128xf32, #tpu.memory_space<vmem_shared>> -> memref<64x128xf32, #tpu.memory_space<vmem_shared>>
      %dma_wait3A_377 = arith.constant 0 : i32
      %dma_wait3A_378 = arith.constant 0 : i32
      %dma_wait3A_379 = tpu.memref_slice %arg6[%run_scoped3A_166, %dma_wait3A_377, %dma_wait3A_378] : memref<5x64x128xf32, #tpu.memory_space<vmem>> -> memref<1x64x128xf32, #tpu.memory_space<vmem>>
      %dma_wait3A_380 = tpu.memref_squeeze %dma_wait3A_379 : memref<1x64x128xf32, #tpu.memory_space<vmem>> -> memref<64x128xf32, #tpu.memory_space<vmem>>
      tpu.wait_dma2 semaphore(%run_scoped3A_356 : memref<!tpu.dma_semaphore, #tpu.memory_space<semaphore_mem>>) src(%dma_wait3A_380 : memref<64x128xf32, #tpu.memory_space<vmem>>) dst(%dma_wait3A_376 : memref<64x128xf32, #tpu.memory_space<vmem_shared>>)
      tpu.yield
    }) : () -> ()
    %mul3A_167 = arith.constant 632 : i32
    %mul3A_168 = arith.muli %arg1, %mul3A_167 : i32
    %add3A_169 = arith.constant 576 : i32
    %add3A_170 = arith.addi %mul3A_168, %add3A_169 : i32
    %run_scoped3A_171 = arith.constant 0 : i32
    "tpu.region"() ({
      %run_scoped3A_356 = tpu.sem_alloc : memref<!tpu.dma_semaphore, #tpu.memory_space<semaphore_mem>>
      %dma_start3A_357 = arith.constant 0 : i32
      %dma_start3A_358 = arith.constant 0 : i32
      %dma_start3A_359 = tpu.memref_slice %arg6[%run_scoped3A_171, %dma_start3A_357, %dma_start3A_358] : memref<5x64x128xf32, #tpu.memory_space<vmem>> -> memref<1x56x128xf32, #tpu.memory_space<vmem>>
      %dma_start3A_360 = tpu.memref_squeeze %dma_start3A_359 : memref<1x56x128xf32, #tpu.memory_space<vmem>> -> memref<56x128xf32, #tpu.memory_space<vmem>>
      %dma_start3A_361 = arith.constant 0 : i32
      %dma_start3A_362 = tpu.memref_slice %arg7[%add3A_170, %dma_start3A_361] : memref<10112x128xf32, #tpu.memory_space<vmem_shared>> -> memref<56x128xf32, #tpu.memory_space<vmem_shared>>
      %dma_start3A_363 = arith.constant 0 : i32
      %dma_start3A_364 = tpu.memref_slice %arg7[%add3A_170, %dma_start3A_363] : memref<10112x128xf32, #tpu.memory_space<vmem_shared>> -> memref<56x128xf32, #tpu.memory_space<vmem_shared>>
      %dma_start3A_365 = arith.constant 0 : i32
      %dma_start3A_366 = arith.constant 0 : i32
      %dma_start3A_367 = tpu.memref_slice %arg6[%run_scoped3A_171, %dma_start3A_365, %dma_start3A_366] : memref<5x64x128xf32, #tpu.memory_space<vmem>> -> memref<1x56x128xf32, #tpu.memory_space<vmem>>
      %dma_start3A_368 = tpu.memref_squeeze %dma_start3A_367 : memref<1x56x128xf32, #tpu.memory_space<vmem>> -> memref<56x128xf32, #tpu.memory_space<vmem>>
      tpu.enqueue_dma source(%dma_start3A_368 : memref<56x128xf32, #tpu.memory_space<vmem>>) target(%dma_start3A_364 : memref<56x128xf32, #tpu.memory_space<vmem_shared>>) target_semaphore(%run_scoped3A_356 : memref<!tpu.dma_semaphore, #tpu.memory_space<semaphore_mem>>)
      %dma_wait3A_369 = arith.constant 0 : i32
      %dma_wait3A_370 = arith.constant 0 : i32
      %dma_wait3A_371 = tpu.memref_slice %arg6[%run_scoped3A_171, %dma_wait3A_369, %dma_wait3A_370] : memref<5x64x128xf32, #tpu.memory_space<vmem>> -> memref<1x56x128xf32, #tpu.memory_space<vmem>>
      %dma_wait3A_372 = tpu.memref_squeeze %dma_wait3A_371 : memref<1x56x128xf32, #tpu.memory_space<vmem>> -> memref<56x128xf32, #tpu.memory_space<vmem>>
      %dma_wait3A_373 = arith.constant 0 : i32
      %dma_wait3A_374 = tpu.memref_slice %arg7[%add3A_170, %dma_wait3A_373] : memref<10112x128xf32, #tpu.memory_space<vmem_shared>> -> memref<56x128xf32, #tpu.memory_space<vmem_shared>>
      %dma_wait3A_375 = arith.constant 0 : i32
      %dma_wait3A_376 = tpu.memref_slice %arg7[%add3A_170, %dma_wait3A_375] : memref<10112x128xf32, #tpu.memory_space<vmem_shared>> -> memref<56x128xf32, #tpu.memory_space<vmem_shared>>
      %dma_wait3A_377 = arith.constant 0 : i32
      %dma_wait3A_378 = arith.constant 0 : i32
      %dma_wait3A_379 = tpu.memref_slice %arg6[%run_scoped3A_171, %dma_wait3A_377, %dma_wait3A_378] : memref<5x64x128xf32, #tpu.memory_space<vmem>> -> memref<1x56x128xf32, #tpu.memory_space<vmem>>
      %dma_wait3A_380 = tpu.memref_squeeze %dma_wait3A_379 : memref<1x56x128xf32, #tpu.memory_space<vmem>> -> memref<56x128xf32, #tpu.memory_space<vmem>>
      tpu.wait_dma2 semaphore(%run_scoped3A_356 : memref<!tpu.dma_semaphore, #tpu.memory_space<semaphore_mem>>) src(%dma_wait3A_380 : memref<56x128xf32, #tpu.memory_space<vmem>>) dst(%dma_wait3A_376 : memref<56x128xf32, #tpu.memory_space<vmem_shared>>)
      tpu.yield
    }) : () -> ()
    %barrier3A = arith.constant 0 : index
    tpu.barrier barrier_id(%barrier3A)
    %add3A_172 = arith.constant 0 : i32
    %add3A_173 = arith.addi %select_n3A_8, %add3A_172 : i32
    %dma_wait3A = arith.constant 0 : i32
    %dma_wait3A_174 = arith.constant 0 : i32
    %dma_wait3A_175 = arith.constant 0 : i32
    %dma_wait3A_176 = arith.constant 0 : i32
    %dma_wait3A_177 = tpu.memref_slice %arg5[%dma_wait3A, %dma_wait3A_175, %dma_wait3A_176] : memref<6x2x64xi32, #tpu.memory_space<vmem>> -> memref<1x2x64xi32, #tpu.memory_space<vmem>>
    %dma_wait3A_178 = tpu.memref_squeeze %dma_wait3A_177 : memref<1x2x64xi32, #tpu.memory_space<vmem>> -> memref<2x64xi32, #tpu.memory_space<vmem>>
    %dma_wait3A_179 = arith.constant 0 : i32
    %dma_wait3A_180 = arith.constant 0 : i32
    %dma_wait3A_181 = tpu.memref_slice %arg3[%add3A_173, %dma_wait3A_179, %dma_wait3A_180] : memref<5024x2x64xi32, #tpu.memory_space<hbm>> -> memref<1x2x64xi32, #tpu.memory_space<hbm>>
    %dma_wait3A_182 = tpu.memref_squeeze %dma_wait3A_181 : memref<1x2x64xi32, #tpu.memory_space<hbm>> -> memref<2x64xi32, #tpu.memory_space<hbm>>
    %dma_wait3A_183 = tpu.memref_slice %arg8[%dma_wait3A_174] : memref<6x!tpu.dma_semaphore, #tpu.memory_space<semaphore_mem>> -> memref<1x!tpu.dma_semaphore, #tpu.memory_space<semaphore_mem>>
    %dma_wait3A_184 = tpu.memref_squeeze %dma_wait3A_183 : memref<1x!tpu.dma_semaphore, #tpu.memory_space<semaphore_mem>> -> memref<!tpu.dma_semaphore, #tpu.memory_space<semaphore_mem>>
    %dma_wait3A_185 = arith.constant 0 : i32
    %dma_wait3A_186 = arith.constant 0 : i32
    %dma_wait3A_187 = tpu.memref_slice %arg5[%dma_wait3A, %dma_wait3A_185, %dma_wait3A_186] : memref<6x2x64xi32, #tpu.memory_space<vmem>> -> memref<1x2x64xi32, #tpu.memory_space<vmem>>
    %dma_wait3A_188 = tpu.memref_squeeze %dma_wait3A_187 : memref<1x2x64xi32, #tpu.memory_space<vmem>> -> memref<2x64xi32, #tpu.memory_space<vmem>>
    %dma_wait3A_189 = arith.constant 0 : i32
    %dma_wait3A_190 = arith.constant 0 : i32
    %dma_wait3A_191 = tpu.memref_slice %arg3[%add3A_173, %dma_wait3A_189, %dma_wait3A_190] : memref<5024x2x64xi32, #tpu.memory_space<hbm>> -> memref<1x2x64xi32, #tpu.memory_space<hbm>>
    %dma_wait3A_192 = tpu.memref_squeeze %dma_wait3A_191 : memref<1x2x64xi32, #tpu.memory_space<hbm>> -> memref<2x64xi32, #tpu.memory_space<hbm>>
    tpu.wait_dma2 semaphore(%dma_wait3A_184 : memref<!tpu.dma_semaphore, #tpu.memory_space<semaphore_mem>>) src(%dma_wait3A_192 : memref<2x64xi32, #tpu.memory_space<hbm>>) dst(%dma_wait3A_188 : memref<2x64xi32, #tpu.memory_space<vmem>>)
    %dma_start3A_193 = arith.constant 0 : i32
    %dma_start3A_194 = arith.constant 0 : i32
    %dma_start3A_195 = arith.constant 0 : i32
    %dma_start3A_196 = arith.constant 0 : i32
    %dma_start3A_197 = arith.constant 0 : i32
    %dma_start3A_198 = arith.constant 0 : i32
    %dma_start3A_199 = tpu.memref_slice %arg6[%dma_start3A_195, %dma_start3A_197, %dma_start3A_198] : memref<5x64x128xf32, #tpu.memory_space<vmem>> -> memref<1x64x128xf32, #tpu.memory_space<vmem>>
    %dma_start3A_200 = tpu.memref_squeeze %dma_start3A_199 : memref<1x64x128xf32, #tpu.memory_space<vmem>> -> memref<64x128xf32, #tpu.memory_space<vmem>>
    %dma_start3A_201 = arith.constant 0 : i32
    %dma_start3A_202 = tpu.memref_slice %arg5[%dma_start3A_193, %dma_start3A_194, %dma_start3A_201] : memref<6x2x64xi32, #tpu.memory_space<vmem>> -> memref<1x1x64xi32, #tpu.memory_space<vmem>>
    %dma_start3A_203 = tpu.memref_squeeze %dma_start3A_202 : memref<1x1x64xi32, #tpu.memory_space<vmem>> -> memref<64xi32, #tpu.memory_space<vmem>>
    %dma_start3A_204 = arith.constant 0 : i32
    %dma_start3A_205 = arith.constant 0 : i32
    %dma_start3A_206 = tpu.memref_slice %arg2[%dma_start3A_204, %dma_start3A_205] : memref<10000x128xf32, #tpu.memory_space<hbm>> -> memref<10000x128xf32, #tpu.memory_space<hbm>>
    %dma_start3A_207 = tpu.memref_slice %arg9[%dma_start3A_196] : memref<5x!tpu.dma_semaphore, #tpu.memory_space<semaphore_mem>> -> memref<1x!tpu.dma_semaphore, #tpu.memory_space<semaphore_mem>>
    %dma_start3A_208 = tpu.memref_squeeze %dma_start3A_207 : memref<1x!tpu.dma_semaphore, #tpu.memory_space<semaphore_mem>> -> memref<!tpu.dma_semaphore, #tpu.memory_space<semaphore_mem>>
    tpu.enqueue_indirect_dma source(%dma_start3A_206 : memref<10000x128xf32, #tpu.memory_space<hbm>>) target(%dma_start3A_200 : memref<64x128xf32, #tpu.memory_space<vmem>>) offsets(%dma_start3A_203 : memref<64xi32, #tpu.memory_space<vmem>>) semaphore(%dma_start3A_208 : memref<!tpu.dma_semaphore, #tpu.memory_space<semaphore_mem>>)
    %add3A_209 = arith.constant 1 : i32
    %add3A_210 = arith.addi %select_n3A_8, %add3A_209 : i32
    %dma_wait3A_211 = arith.constant 1 : i32
    %dma_wait3A_212 = arith.constant 1 : i32
    %dma_wait3A_213 = arith.constant 0 : i32
    %dma_wait3A_214 = arith.constant 0 : i32
    %dma_wait3A_215 = tpu.memref_slice %arg5[%dma_wait3A_211, %dma_wait3A_213, %dma_wait3A_214] : memref<6x2x64xi32, #tpu.memory_space<vmem>> -> memref<1x2x64xi32, #tpu.memory_space<vmem>>
    %dma_wait3A_216 = tpu.memref_squeeze %dma_wait3A_215 : memref<1x2x64xi32, #tpu.memory_space<vmem>> -> memref<2x64xi32, #tpu.memory_space<vmem>>
    %dma_wait3A_217 = arith.constant 0 : i32
    %dma_wait3A_218 = arith.constant 0 : i32
    %dma_wait3A_219 = tpu.memref_slice %arg3[%add3A_210, %dma_wait3A_217, %dma_wait3A_218] : memref<5024x2x64xi32, #tpu.memory_space<hbm>> -> memref<1x2x64xi32, #tpu.memory_space<hbm>>
    %dma_wait3A_220 = tpu.memref_squeeze %dma_wait3A_219 : memref<1x2x64xi32, #tpu.memory_space<hbm>> -> memref<2x64xi32, #tpu.memory_space<hbm>>
    %dma_wait3A_221 = tpu.memref_slice %arg8[%dma_wait3A_212] : memref<6x!tpu.dma_semaphore, #tpu.memory_space<semaphore_mem>> -> memref<1x!tpu.dma_semaphore, #tpu.memory_space<semaphore_mem>>
    %dma_wait3A_222 = tpu.memref_squeeze %dma_wait3A_221 : memref<1x!tpu.dma_semaphore, #tpu.memory_space<semaphore_mem>> -> memref<!tpu.dma_semaphore, #tpu.memory_space<semaphore_mem>>
    %dma_wait3A_223 = arith.constant 0 : i32
    %dma_wait3A_224 = arith.constant 0 : i32
    %dma_wait3A_225 = tpu.memref_slice %arg5[%dma_wait3A_211, %dma_wait3A_223, %dma_wait3A_224] : memref<6x2x64xi32, #tpu.memory_space<vmem>> -> memref<1x2x64xi32, #tpu.memory_space<vmem>>
    %dma_wait3A_226 = tpu.memref_squeeze %dma_wait3A_225 : memref<1x2x64xi32, #tpu.memory_space<vmem>> -> memref<2x64xi32, #tpu.memory_space<vmem>>
    %dma_wait3A_227 = arith.constant 0 : i32
    %dma_wait3A_228 = arith.constant 0 : i32
    %dma_wait3A_229 = tpu.memref_slice %arg3[%add3A_210, %dma_wait3A_227, %dma_wait3A_228] : memref<5024x2x64xi32, #tpu.memory_space<hbm>> -> memref<1x2x64xi32, #tpu.memory_space<hbm>>
    %dma_wait3A_230 = tpu.memref_squeeze %dma_wait3A_229 : memref<1x2x64xi32, #tpu.memory_space<hbm>> -> memref<2x64xi32, #tpu.memory_space<hbm>>
    tpu.wait_dma2 semaphore(%dma_wait3A_222 : memref<!tpu.dma_semaphore, #tpu.memory_space<semaphore_mem>>) src(%dma_wait3A_230 : memref<2x64xi32, #tpu.memory_space<hbm>>) dst(%dma_wait3A_226 : memref<2x64xi32, #tpu.memory_space<vmem>>)
    %dma_start3A_231 = arith.constant 1 : i32
    %dma_start3A_232 = arith.constant 0 : i32
    %dma_start3A_233 = arith.constant 1 : i32
    %dma_start3A_234 = arith.constant 1 : i32
    %dma_start3A_235 = arith.constant 0 : i32
    %dma_start3A_236 = arith.constant 0 : i32
    %dma_start3A_237 = tpu.memref_slice %arg6[%dma_start3A_233, %dma_start3A_235, %dma_start3A_236] : memref<5x64x128xf32, #tpu.memory_space<vmem>> -> memref<1x64x128xf32, #tpu.memory_space<vmem>>
    %dma_start3A_238 = tpu.memref_squeeze %dma_start3A_237 : memref<1x64x128xf32, #tpu.memory_space<vmem>> -> memref<64x128xf32, #tpu.memory_space<vmem>>
    %dma_start3A_239 = arith.constant 0 : i32
    %dma_start3A_240 = tpu.memref_slice %arg5[%dma_start3A_231, %dma_start3A_232, %dma_start3A_239] : memref<6x2x64xi32, #tpu.memory_space<vmem>> -> memref<1x1x64xi32, #tpu.memory_space<vmem>>
    %dma_start3A_241 = tpu.memref_squeeze %dma_start3A_240 : memref<1x1x64xi32, #tpu.memory_space<vmem>> -> memref<64xi32, #tpu.memory_space<vmem>>
    %dma_start3A_242 = arith.constant 0 : i32
    %dma_start3A_243 = arith.constant 0 : i32
    %dma_start3A_244 = tpu.memref_slice %arg2[%dma_start3A_242, %dma_start3A_243] : memref<10000x128xf32, #tpu.memory_space<hbm>> -> memref<10000x128xf32, #tpu.memory_space<hbm>>
    %dma_start3A_245 = tpu.memref_slice %arg9[%dma_start3A_234] : memref<5x!tpu.dma_semaphore, #tpu.memory_space<semaphore_mem>> -> memref<1x!tpu.dma_semaphore, #tpu.memory_space<semaphore_mem>>
    %dma_start3A_246 = tpu.memref_squeeze %dma_start3A_245 : memref<1x!tpu.dma_semaphore, #tpu.memory_space<semaphore_mem>> -> memref<!tpu.dma_semaphore, #tpu.memory_space<semaphore_mem>>
    tpu.enqueue_indirect_dma source(%dma_start3A_244 : memref<10000x128xf32, #tpu.memory_space<hbm>>) target(%dma_start3A_238 : memref<64x128xf32, #tpu.memory_space<vmem>>) offsets(%dma_start3A_241 : memref<64xi32, #tpu.memory_space<vmem>>) semaphore(%dma_start3A_246 : memref<!tpu.dma_semaphore, #tpu.memory_space<semaphore_mem>>)
    %add3A_247 = arith.constant 2 : i32
    %add3A_248 = arith.addi %select_n3A_8, %add3A_247 : i32
    %dma_wait3A_249 = arith.constant 2 : i32
    %dma_wait3A_250 = arith.constant 2 : i32
    %dma_wait3A_251 = arith.constant 0 : i32
    %dma_wait3A_252 = arith.constant 0 : i32
    %dma_wait3A_253 = tpu.memref_slice %arg5[%dma_wait3A_249, %dma_wait3A_251, %dma_wait3A_252] : memref<6x2x64xi32, #tpu.memory_space<vmem>> -> memref<1x2x64xi32, #tpu.memory_space<vmem>>
    %dma_wait3A_254 = tpu.memref_squeeze %dma_wait3A_253 : memref<1x2x64xi32, #tpu.memory_space<vmem>> -> memref<2x64xi32, #tpu.memory_space<vmem>>
    %dma_wait3A_255 = arith.constant 0 : i32
    %dma_wait3A_256 = arith.constant 0 : i32
    %dma_wait3A_257 = tpu.memref_slice %arg3[%add3A_248, %dma_wait3A_255, %dma_wait3A_256] : memref<5024x2x64xi32, #tpu.memory_space<hbm>> -> memref<1x2x64xi32, #tpu.memory_space<hbm>>
    %dma_wait3A_258 = tpu.memref_squeeze %dma_wait3A_257 : memref<1x2x64xi32, #tpu.memory_space<hbm>> -> memref<2x64xi32, #tpu.memory_space<hbm>>
    %dma_wait3A_259 = tpu.memref_slice %arg8[%dma_wait3A_250] : memref<6x!tpu.dma_semaphore, #tpu.memory_space<semaphore_mem>> -> memref<1x!tpu.dma_semaphore, #tpu.memory_space<semaphore_mem>>
    %dma_wait3A_260 = tpu.memref_squeeze %dma_wait3A_259 : memref<1x!tpu.dma_semaphore, #tpu.memory_space<semaphore_mem>> -> memref<!tpu.dma_semaphore, #tpu.memory_space<semaphore_mem>>
    %dma_wait3A_261 = arith.constant 0 : i32
    %dma_wait3A_262 = arith.constant 0 : i32
    %dma_wait3A_263 = tpu.memref_slice %arg5[%dma_wait3A_249, %dma_wait3A_261, %dma_wait3A_262] : memref<6x2x64xi32, #tpu.memory_space<vmem>> -> memref<1x2x64xi32, #tpu.memory_space<vmem>>
    %dma_wait3A_264 = tpu.memref_squeeze %dma_wait3A_263 : memref<1x2x64xi32, #tpu.memory_space<vmem>> -> memref<2x64xi32, #tpu.memory_space<vmem>>
    %dma_wait3A_265 = arith.constant 0 : i32
    %dma_wait3A_266 = arith.constant 0 : i32
    %dma_wait3A_267 = tpu.memref_slice %arg3[%add3A_248, %dma_wait3A_265, %dma_wait3A_266] : memref<5024x2x64xi32, #tpu.memory_space<hbm>> -> memref<1x2x64xi32, #tpu.memory_space<hbm>>
    %dma_wait3A_268 = tpu.memref_squeeze %dma_wait3A_267 : memref<1x2x64xi32, #tpu.memory_space<hbm>> -> memref<2x64xi32, #tpu.memory_space<hbm>>
    tpu.wait_dma2 semaphore(%dma_wait3A_260 : memref<!tpu.dma_semaphore, #tpu.memory_space<semaphore_mem>>) src(%dma_wait3A_268 : memref<2x64xi32, #tpu.memory_space<hbm>>) dst(%dma_wait3A_264 : memref<2x64xi32, #tpu.memory_space<vmem>>)
    %dma_start3A_269 = arith.constant 2 : i32
    %dma_start3A_270 = arith.constant 0 : i32
    %dma_start3A_271 = arith.constant 2 : i32
    %dma_start3A_272 = arith.constant 2 : i32
    %dma_start3A_273 = arith.constant 0 : i32
    %dma_start3A_274 = arith.constant 0 : i32
    %dma_start3A_275 = tpu.memref_slice %arg6[%dma_start3A_271, %dma_start3A_273, %dma_start3A_274] : memref<5x64x128xf32, #tpu.memory_space<vmem>> -> memref<1x64x128xf32, #tpu.memory_space<vmem>>
    %dma_start3A_276 = tpu.memref_squeeze %dma_start3A_275 : memref<1x64x128xf32, #tpu.memory_space<vmem>> -> memref<64x128xf32, #tpu.memory_space<vmem>>
    %dma_start3A_277 = arith.constant 0 : i32
    %dma_start3A_278 = tpu.memref_slice %arg5[%dma_start3A_269, %dma_start3A_270, %dma_start3A_277] : memref<6x2x64xi32, #tpu.memory_space<vmem>> -> memref<1x1x64xi32, #tpu.memory_space<vmem>>
    %dma_start3A_279 = tpu.memref_squeeze %dma_start3A_278 : memref<1x1x64xi32, #tpu.memory_space<vmem>> -> memref<64xi32, #tpu.memory_space<vmem>>
    %dma_start3A_280 = arith.constant 0 : i32
    %dma_start3A_281 = arith.constant 0 : i32
    %dma_start3A_282 = tpu.memref_slice %arg2[%dma_start3A_280, %dma_start3A_281] : memref<10000x128xf32, #tpu.memory_space<hbm>> -> memref<10000x128xf32, #tpu.memory_space<hbm>>
    %dma_start3A_283 = tpu.memref_slice %arg9[%dma_start3A_272] : memref<5x!tpu.dma_semaphore, #tpu.memory_space<semaphore_mem>> -> memref<1x!tpu.dma_semaphore, #tpu.memory_space<semaphore_mem>>
    %dma_start3A_284 = tpu.memref_squeeze %dma_start3A_283 : memref<1x!tpu.dma_semaphore, #tpu.memory_space<semaphore_mem>> -> memref<!tpu.dma_semaphore, #tpu.memory_space<semaphore_mem>>
    tpu.enqueue_indirect_dma source(%dma_start3A_282 : memref<10000x128xf32, #tpu.memory_space<hbm>>) target(%dma_start3A_276 : memref<64x128xf32, #tpu.memory_space<vmem>>) offsets(%dma_start3A_279 : memref<64xi32, #tpu.memory_space<vmem>>) semaphore(%dma_start3A_284 : memref<!tpu.dma_semaphore, #tpu.memory_space<semaphore_mem>>)
    %add3A_285 = arith.constant 3 : i32
    %add3A_286 = arith.addi %select_n3A_8, %add3A_285 : i32
    %dma_wait3A_287 = arith.constant 3 : i32
    %dma_wait3A_288 = arith.constant 3 : i32
    %dma_wait3A_289 = arith.constant 0 : i32
    %dma_wait3A_290 = arith.constant 0 : i32
    %dma_wait3A_291 = tpu.memref_slice %arg5[%dma_wait3A_287, %dma_wait3A_289, %dma_wait3A_290] : memref<6x2x64xi32, #tpu.memory_space<vmem>> -> memref<1x2x64xi32, #tpu.memory_space<vmem>>
    %dma_wait3A_292 = tpu.memref_squeeze %dma_wait3A_291 : memref<1x2x64xi32, #tpu.memory_space<vmem>> -> memref<2x64xi32, #tpu.memory_space<vmem>>
    %dma_wait3A_293 = arith.constant 0 : i32
    %dma_wait3A_294 = arith.constant 0 : i32
    %dma_wait3A_295 = tpu.memref_slice %arg3[%add3A_286, %dma_wait3A_293, %dma_wait3A_294] : memref<5024x2x64xi32, #tpu.memory_space<hbm>> -> memref<1x2x64xi32, #tpu.memory_space<hbm>>
    %dma_wait3A_296 = tpu.memref_squeeze %dma_wait3A_295 : memref<1x2x64xi32, #tpu.memory_space<hbm>> -> memref<2x64xi32, #tpu.memory_space<hbm>>
    %dma_wait3A_297 = tpu.memref_slice %arg8[%dma_wait3A_288] : memref<6x!tpu.dma_semaphore, #tpu.memory_space<semaphore_mem>> -> memref<1x!tpu.dma_semaphore, #tpu.memory_space<semaphore_mem>>
    %dma_wait3A_298 = tpu.memref_squeeze %dma_wait3A_297 : memref<1x!tpu.dma_semaphore, #tpu.memory_space<semaphore_mem>> -> memref<!tpu.dma_semaphore, #tpu.memory_space<semaphore_mem>>
    %dma_wait3A_299 = arith.constant 0 : i32
    %dma_wait3A_300 = arith.constant 0 : i32
    %dma_wait3A_301 = tpu.memref_slice %arg5[%dma_wait3A_287, %dma_wait3A_299, %dma_wait3A_300] : memref<6x2x64xi32, #tpu.memory_space<vmem>> -> memref<1x2x64xi32, #tpu.memory_space<vmem>>
    %dma_wait3A_302 = tpu.memref_squeeze %dma_wait3A_301 : memref<1x2x64xi32, #tpu.memory_space<vmem>> -> memref<2x64xi32, #tpu.memory_space<vmem>>
    %dma_wait3A_303 = arith.constant 0 : i32
    %dma_wait3A_304 = arith.constant 0 : i32
    %dma_wait3A_305 = tpu.memref_slice %arg3[%add3A_286, %dma_wait3A_303, %dma_wait3A_304] : memref<5024x2x64xi32, #tpu.memory_space<hbm>> -> memref<1x2x64xi32, #tpu.memory_space<hbm>>
    %dma_wait3A_306 = tpu.memref_squeeze %dma_wait3A_305 : memref<1x2x64xi32, #tpu.memory_space<hbm>> -> memref<2x64xi32, #tpu.memory_space<hbm>>
    tpu.wait_dma2 semaphore(%dma_wait3A_298 : memref<!tpu.dma_semaphore, #tpu.memory_space<semaphore_mem>>) src(%dma_wait3A_306 : memref<2x64xi32, #tpu.memory_space<hbm>>) dst(%dma_wait3A_302 : memref<2x64xi32, #tpu.memory_space<vmem>>)
    %dma_start3A_307 = arith.constant 3 : i32
    %dma_start3A_308 = arith.constant 0 : i32
    %dma_start3A_309 = arith.constant 3 : i32
    %dma_start3A_310 = arith.constant 3 : i32
    %dma_start3A_311 = arith.constant 0 : i32
    %dma_start3A_312 = arith.constant 0 : i32
    %dma_start3A_313 = tpu.memref_slice %arg6[%dma_start3A_309, %dma_start3A_311, %dma_start3A_312] : memref<5x64x128xf32, #tpu.memory_space<vmem>> -> memref<1x64x128xf32, #tpu.memory_space<vmem>>
    %dma_start3A_314 = tpu.memref_squeeze %dma_start3A_313 : memref<1x64x128xf32, #tpu.memory_space<vmem>> -> memref<64x128xf32, #tpu.memory_space<vmem>>
    %dma_start3A_315 = arith.constant 0 : i32
    %dma_start3A_316 = tpu.memref_slice %arg5[%dma_start3A_307, %dma_start3A_308, %dma_start3A_315] : memref<6x2x64xi32, #tpu.memory_space<vmem>> -> memref<1x1x64xi32, #tpu.memory_space<vmem>>
    %dma_start3A_317 = tpu.memref_squeeze %dma_start3A_316 : memref<1x1x64xi32, #tpu.memory_space<vmem>> -> memref<64xi32, #tpu.memory_space<vmem>>
    %dma_start3A_318 = arith.constant 0 : i32
    %dma_start3A_319 = arith.constant 0 : i32
    %dma_start3A_320 = tpu.memref_slice %arg2[%dma_start3A_318, %dma_start3A_319] : memref<10000x128xf32, #tpu.memory_space<hbm>> -> memref<10000x128xf32, #tpu.memory_space<hbm>>
    %dma_start3A_321 = tpu.memref_slice %arg9[%dma_start3A_310] : memref<5x!tpu.dma_semaphore, #tpu.memory_space<semaphore_mem>> -> memref<1x!tpu.dma_semaphore, #tpu.memory_space<semaphore_mem>>
    %dma_start3A_322 = tpu.memref_squeeze %dma_start3A_321 : memref<1x!tpu.dma_semaphore, #tpu.memory_space<semaphore_mem>> -> memref<!tpu.dma_semaphore, #tpu.memory_space<semaphore_mem>>
    tpu.enqueue_indirect_dma source(%dma_start3A_320 : memref<10000x128xf32, #tpu.memory_space<hbm>>) target(%dma_start3A_314 : memref<64x128xf32, #tpu.memory_space<vmem>>) offsets(%dma_start3A_317 : memref<64xi32, #tpu.memory_space<vmem>>) semaphore(%dma_start3A_322 : memref<!tpu.dma_semaphore, #tpu.memory_space<semaphore_mem>>)
    %while3A = arith.constant 0 : i32
    %while3A_323 = arith.constant 0 : i32
    %while3A_324 = arith.subi %select_n3A, %while3A_323 : i32
    %while3A_325 = arith.addi %while3A_323, %while3A_324 : i32
    %while3A_326 = arith.constant 1 : i32
    %while3A_327 = arith.divsi %while3A_324, %while3A_326 : i32
    %while3A_328 = arith.muli %while3A_327, %while3A_326 : i32
    %while3A_329 = arith.addi %while3A_323, %while3A_328 : i32
    %while3A_330 = arith.constant 1 : i32
    scf.for %while3A_356 = %while3A_323 to %while3A_329 step %while3A_330  : i32 {
      %ge3A = arith.constant 1 : i32
      %ge3A_357 = arith.cmpi sge, %while3A_356, %ge3A : i32
      %convert_element_type3A = arith.extui %ge3A_357 : i1 to i32
      %cond3A = arith.constant 0 : i32
      %cond3A_358 = arith.cmpi ne, %convert_element_type3A, %cond3A : i32
      scf.if %cond3A_358 {
        %sub3A_402 = arith.constant 1 : i32
        %sub3A_403 = arith.subi %while3A_356, %sub3A_402 : i32
        %rem3A_404 = arith.constant 5 : i32
        %rem3A_405 = arith.remsi %sub3A_403, %rem3A_404 : i32
        %sub3A_406 = arith.constant 1 : i32
        %sub3A_407 = arith.subi %while3A_356, %sub3A_406 : i32
        %rem3A_408 = arith.constant 6 : i32
        %rem3A_409 = arith.remsi %sub3A_407, %rem3A_408 : i32
        %dma_wait3A_410 = arith.constant 1 : i32
        %dma_wait3A_411 = arith.constant 0 : i32
        %dma_wait3A_412 = arith.constant 0 : i32
        %dma_wait3A_413 = tpu.memref_slice %arg6[%rem3A_405, %dma_wait3A_411, %dma_wait3A_412] : memref<5x64x128xf32, #tpu.memory_space<vmem>> -> memref<1x64x128xf32, #tpu.memory_space<vmem>>
        %dma_wait3A_414 = tpu.memref_squeeze %dma_wait3A_413 : memref<1x64x128xf32, #tpu.memory_space<vmem>> -> memref<64x128xf32, #tpu.memory_space<vmem>>
        %dma_wait3A_415 = arith.constant 0 : i32
        %dma_wait3A_416 = tpu.memref_slice %arg5[%rem3A_409, %dma_wait3A_410, %dma_wait3A_415] : memref<6x2x64xi32, #tpu.memory_space<vmem>> -> memref<1x1x64xi32, #tpu.memory_space<vmem>>
        %dma_wait3A_417 = tpu.memref_squeeze %dma_wait3A_416 : memref<1x1x64xi32, #tpu.memory_space<vmem>> -> memref<64xi32, #tpu.memory_space<vmem>>
        %dma_wait3A_418 = arith.constant 0 : i32
        %dma_wait3A_419 = arith.constant 0 : i32
        %dma_wait3A_420 = tpu.memref_slice %arg7[%dma_wait3A_418, %dma_wait3A_419] : memref<10112x128xf32, #tpu.memory_space<vmem_shared>> -> memref<10112x128xf32, #tpu.memory_space<vmem_shared>>
        %dma_wait3A_421 = tpu.memref_slice %arg10[%rem3A_405] : memref<5x!tpu.dma_semaphore, #tpu.memory_space<semaphore_mem>> -> memref<1x!tpu.dma_semaphore, #tpu.memory_space<semaphore_mem>>
        %dma_wait3A_422 = tpu.memref_squeeze %dma_wait3A_421 : memref<1x!tpu.dma_semaphore, #tpu.memory_space<semaphore_mem>> -> memref<!tpu.dma_semaphore, #tpu.memory_space<semaphore_mem>>
        tpu.wait_indirect_dma semaphore(%dma_wait3A_422 : memref<!tpu.dma_semaphore, #tpu.memory_space<semaphore_mem>>) src(%dma_wait3A_414 : memref<64x128xf32, #tpu.memory_space<vmem>>) dst(%dma_wait3A_420 : memref<10112x128xf32, #tpu.memory_space<vmem_shared>>)
      } else {
      }
      %add3A_359 = arith.constant 4 : i32
      %add3A_360 = arith.addi %while3A_356, %add3A_359 : i32
      %add3A_361 = arith.constant 1 : i32
      %add3A_362 = arith.addi %add3A_360, %add3A_361 : i32
      %lt3A = arith.cmpi slt, %add3A_362, %select_n3A : i32
      %convert_element_type3A_363 = arith.extui %lt3A : i1 to i32
      %cond3A_364 = arith.constant 0 : i32
      %cond3A_365 = arith.cmpi ne, %convert_element_type3A_363, %cond3A_364 : i32
      scf.if %cond3A_365 {
        %add3A_402 = arith.constant 4 : i32
        %add3A_403 = arith.addi %while3A_356, %add3A_402 : i32
        %add3A_404 = arith.constant 1 : i32
        %add3A_405 = arith.addi %add3A_403, %add3A_404 : i32
        %rem3A_406 = arith.constant 6 : i32
        %rem3A_407 = arith.remsi %add3A_405, %rem3A_406 : i32
        %add3A_408 = arith.addi %select_n3A_8, %while3A_356 : i32
        %add3A_409 = arith.constant 4 : i32
        %add3A_410 = arith.addi %add3A_408, %add3A_409 : i32
        %add3A_411 = arith.constant 1 : i32
        %add3A_412 = arith.addi %add3A_410, %add3A_411 : i32
        %dma_start3A_413 = arith.constant 0 : i32
        %dma_start3A_414 = arith.constant 0 : i32
        %dma_start3A_415 = tpu.memref_slice %arg5[%rem3A_407, %dma_start3A_413, %dma_start3A_414] : memref<6x2x64xi32, #tpu.memory_space<vmem>> -> memref<1x2x64xi32, #tpu.memory_space<vmem>>
        %dma_start3A_416 = tpu.memref_squeeze %dma_start3A_415 : memref<1x2x64xi32, #tpu.memory_space<vmem>> -> memref<2x64xi32, #tpu.memory_space<vmem>>
        %dma_start3A_417 = arith.constant 0 : i32
        %dma_start3A_418 = arith.constant 0 : i32
        %dma_start3A_419 = tpu.memref_slice %arg3[%add3A_412, %dma_start3A_417, %dma_start3A_418] : memref<5024x2x64xi32, #tpu.memory_space<hbm>> -> memref<1x2x64xi32, #tpu.memory_space<hbm>>
        %dma_start3A_420 = tpu.memref_squeeze %dma_start3A_419 : memref<1x2x64xi32, #tpu.memory_space<hbm>> -> memref<2x64xi32, #tpu.memory_space<hbm>>
        %dma_start3A_421 = tpu.memref_slice %arg8[%rem3A_407] : memref<6x!tpu.dma_semaphore, #tpu.memory_space<semaphore_mem>> -> memref<1x!tpu.dma_semaphore, #tpu.memory_space<semaphore_mem>>
        %dma_start3A_422 = tpu.memref_squeeze %dma_start3A_421 : memref<1x!tpu.dma_semaphore, #tpu.memory_space<semaphore_mem>> -> memref<!tpu.dma_semaphore, #tpu.memory_space<semaphore_mem>>
        %dma_start3A_423 = arith.constant 0 : i32
        %dma_start3A_424 = arith.constant 0 : i32
        %dma_start3A_425 = tpu.memref_slice %arg5[%rem3A_407, %dma_start3A_423, %dma_start3A_424] : memref<6x2x64xi32, #tpu.memory_space<vmem>> -> memref<1x2x64xi32, #tpu.memory_space<vmem>>
        %dma_start3A_426 = tpu.memref_squeeze %dma_start3A_425 : memref<1x2x64xi32, #tpu.memory_space<vmem>> -> memref<2x64xi32, #tpu.memory_space<vmem>>
        %dma_start3A_427 = arith.constant 0 : i32
        %dma_start3A_428 = arith.constant 0 : i32
        %dma_start3A_429 = tpu.memref_slice %arg3[%add3A_412, %dma_start3A_427, %dma_start3A_428] : memref<5024x2x64xi32, #tpu.memory_space<hbm>> -> memref<1x2x64xi32, #tpu.memory_space<hbm>>
        %dma_start3A_430 = tpu.memref_squeeze %dma_start3A_429 : memref<1x2x64xi32, #tpu.memory_space<hbm>> -> memref<2x64xi32, #tpu.memory_space<hbm>>
        tpu.enqueue_dma source(%dma_start3A_430 : memref<2x64xi32, #tpu.memory_space<hbm>>) target(%dma_start3A_426 : memref<2x64xi32, #tpu.memory_space<vmem>>) target_semaphore(%dma_start3A_422 : memref<!tpu.dma_semaphore, #tpu.memory_space<semaphore_mem>>)
      } else {
      }
      %add3A_366 = arith.constant 4 : i32
      %add3A_367 = arith.addi %while3A_356, %add3A_366 : i32
      %lt3A_368 = arith.cmpi slt, %add3A_367, %select_n3A : i32
      %convert_element_type3A_369 = arith.extui %lt3A_368 : i1 to i32
      %cond3A_370 = arith.constant 0 : i32
      %cond3A_371 = arith.cmpi ne, %convert_element_type3A_369, %cond3A_370 : i32
      scf.if %cond3A_371 {
        %add3A_402 = arith.constant 4 : i32
        %add3A_403 = arith.addi %while3A_356, %add3A_402 : i32
        %rem3A_404 = arith.constant 5 : i32
        %rem3A_405 = arith.remsi %add3A_403, %rem3A_404 : i32
        %add3A_406 = arith.constant 4 : i32
        %add3A_407 = arith.addi %while3A_356, %add3A_406 : i32
        %rem3A_408 = arith.constant 6 : i32
        %rem3A_409 = arith.remsi %add3A_407, %rem3A_408 : i32
        %add3A_410 = arith.addi %select_n3A_8, %while3A_356 : i32
        %add3A_411 = arith.constant 4 : i32
        %add3A_412 = arith.addi %add3A_410, %add3A_411 : i32
        %dma_wait3A_413 = arith.constant 0 : i32
        %dma_wait3A_414 = arith.constant 0 : i32
        %dma_wait3A_415 = tpu.memref_slice %arg5[%rem3A_409, %dma_wait3A_413, %dma_wait3A_414] : memref<6x2x64xi32, #tpu.memory_space<vmem>> -> memref<1x2x64xi32, #tpu.memory_space<vmem>>
        %dma_wait3A_416 = tpu.memref_squeeze %dma_wait3A_415 : memref<1x2x64xi32, #tpu.memory_space<vmem>> -> memref<2x64xi32, #tpu.memory_space<vmem>>
        %dma_wait3A_417 = arith.constant 0 : i32
        %dma_wait3A_418 = arith.constant 0 : i32
        %dma_wait3A_419 = tpu.memref_slice %arg3[%add3A_412, %dma_wait3A_417, %dma_wait3A_418] : memref<5024x2x64xi32, #tpu.memory_space<hbm>> -> memref<1x2x64xi32, #tpu.memory_space<hbm>>
        %dma_wait3A_420 = tpu.memref_squeeze %dma_wait3A_419 : memref<1x2x64xi32, #tpu.memory_space<hbm>> -> memref<2x64xi32, #tpu.memory_space<hbm>>
        %dma_wait3A_421 = tpu.memref_slice %arg8[%rem3A_409] : memref<6x!tpu.dma_semaphore, #tpu.memory_space<semaphore_mem>> -> memref<1x!tpu.dma_semaphore, #tpu.memory_space<semaphore_mem>>
        %dma_wait3A_422 = tpu.memref_squeeze %dma_wait3A_421 : memref<1x!tpu.dma_semaphore, #tpu.memory_space<semaphore_mem>> -> memref<!tpu.dma_semaphore, #tpu.memory_space<semaphore_mem>>
        %dma_wait3A_423 = arith.constant 0 : i32
        %dma_wait3A_424 = arith.constant 0 : i32
        %dma_wait3A_425 = tpu.memref_slice %arg5[%rem3A_409, %dma_wait3A_423, %dma_wait3A_424] : memref<6x2x64xi32, #tpu.memory_space<vmem>> -> memref<1x2x64xi32, #tpu.memory_space<vmem>>
        %dma_wait3A_426 = tpu.memref_squeeze %dma_wait3A_425 : memref<1x2x64xi32, #tpu.memory_space<vmem>> -> memref<2x64xi32, #tpu.memory_space<vmem>>
        %dma_wait3A_427 = arith.constant 0 : i32
        %dma_wait3A_428 = arith.constant 0 : i32
        %dma_wait3A_429 = tpu.memref_slice %arg3[%add3A_412, %dma_wait3A_427, %dma_wait3A_428] : memref<5024x2x64xi32, #tpu.memory_space<hbm>> -> memref<1x2x64xi32, #tpu.memory_space<hbm>>
        %dma_wait3A_430 = tpu.memref_squeeze %dma_wait3A_429 : memref<1x2x64xi32, #tpu.memory_space<hbm>> -> memref<2x64xi32, #tpu.memory_space<hbm>>
        tpu.wait_dma2 semaphore(%dma_wait3A_422 : memref<!tpu.dma_semaphore, #tpu.memory_space<semaphore_mem>>) src(%dma_wait3A_430 : memref<2x64xi32, #tpu.memory_space<hbm>>) dst(%dma_wait3A_426 : memref<2x64xi32, #tpu.memory_space<vmem>>)
        %dma_start3A_431 = arith.constant 0 : i32
        %dma_start3A_432 = arith.constant 0 : i32
        %dma_start3A_433 = arith.constant 0 : i32
        %dma_start3A_434 = tpu.memref_slice %arg6[%rem3A_405, %dma_start3A_432, %dma_start3A_433] : memref<5x64x128xf32, #tpu.memory_space<vmem>> -> memref<1x64x128xf32, #tpu.memory_space<vmem>>
        %dma_start3A_435 = tpu.memref_squeeze %dma_start3A_434 : memref<1x64x128xf32, #tpu.memory_space<vmem>> -> memref<64x128xf32, #tpu.memory_space<vmem>>
        %dma_start3A_436 = arith.constant 0 : i32
        %dma_start3A_437 = tpu.memref_slice %arg5[%rem3A_409, %dma_start3A_431, %dma_start3A_436] : memref<6x2x64xi32, #tpu.memory_space<vmem>> -> memref<1x1x64xi32, #tpu.memory_space<vmem>>
        %dma_start3A_438 = tpu.memref_squeeze %dma_start3A_437 : memref<1x1x64xi32, #tpu.memory_space<vmem>> -> memref<64xi32, #tpu.memory_space<vmem>>
        %dma_start3A_439 = arith.constant 0 : i32
        %dma_start3A_440 = arith.constant 0 : i32
        %dma_start3A_441 = tpu.memref_slice %arg2[%dma_start3A_439, %dma_start3A_440] : memref<10000x128xf32, #tpu.memory_space<hbm>> -> memref<10000x128xf32, #tpu.memory_space<hbm>>
        %dma_start3A_442 = tpu.memref_slice %arg9[%rem3A_405] : memref<5x!tpu.dma_semaphore, #tpu.memory_space<semaphore_mem>> -> memref<1x!tpu.dma_semaphore, #tpu.memory_space<semaphore_mem>>
        %dma_start3A_443 = tpu.memref_squeeze %dma_start3A_442 : memref<1x!tpu.dma_semaphore, #tpu.memory_space<semaphore_mem>> -> memref<!tpu.dma_semaphore, #tpu.memory_space<semaphore_mem>>
        tpu.enqueue_indirect_dma source(%dma_start3A_441 : memref<10000x128xf32, #tpu.memory_space<hbm>>) target(%dma_start3A_435 : memref<64x128xf32, #tpu.memory_space<vmem>>) offsets(%dma_start3A_438 : memref<64xi32, #tpu.memory_space<vmem>>) semaphore(%dma_start3A_443 : memref<!tpu.dma_semaphore, #tpu.memory_space<semaphore_mem>>)
      } else {
      }
      %rem3A_372 = arith.constant 5 : i32
      %rem3A_373 = arith.remsi %while3A_356, %rem3A_372 : i32
      %rem3A_374 = arith.constant 6 : i32
      %rem3A_375 = arith.remsi %while3A_356, %rem3A_374 : i32
      %dma_wait3A_376 = arith.constant 0 : i32
      %dma_wait3A_377 = arith.constant 0 : i32
      %dma_wait3A_378 = arith.constant 0 : i32
      %dma_wait3A_379 = tpu.memref_slice %arg6[%rem3A_373, %dma_wait3A_377, %dma_wait3A_378] : memref<5x64x128xf32, #tpu.memory_space<vmem>> -> memref<1x64x128xf32, #tpu.memory_space<vmem>>
      %dma_wait3A_380 = tpu.memref_squeeze %dma_wait3A_379 : memref<1x64x128xf32, #tpu.memory_space<vmem>> -> memref<64x128xf32, #tpu.memory_space<vmem>>
      %dma_wait3A_381 = arith.constant 0 : i32
      %dma_wait3A_382 = tpu.memref_slice %arg5[%rem3A_375, %dma_wait3A_376, %dma_wait3A_381] : memref<6x2x64xi32, #tpu.memory_space<vmem>> -> memref<1x1x64xi32, #tpu.memory_space<vmem>>
      %dma_wait3A_383 = tpu.memref_squeeze %dma_wait3A_382 : memref<1x1x64xi32, #tpu.memory_space<vmem>> -> memref<64xi32, #tpu.memory_space<vmem>>
      %dma_wait3A_384 = arith.constant 0 : i32
      %dma_wait3A_385 = arith.constant 0 : i32
      %dma_wait3A_386 = tpu.memref_slice %arg2[%dma_wait3A_384, %dma_wait3A_385] : memref<10000x128xf32, #tpu.memory_space<hbm>> -> memref<10000x128xf32, #tpu.memory_space<hbm>>
      %dma_wait3A_387 = tpu.memref_slice %arg9[%rem3A_373] : memref<5x!tpu.dma_semaphore, #tpu.memory_space<semaphore_mem>> -> memref<1x!tpu.dma_semaphore, #tpu.memory_space<semaphore_mem>>
      %dma_wait3A_388 = tpu.memref_squeeze %dma_wait3A_387 : memref<1x!tpu.dma_semaphore, #tpu.memory_space<semaphore_mem>> -> memref<!tpu.dma_semaphore, #tpu.memory_space<semaphore_mem>>
      tpu.wait_indirect_dma semaphore(%dma_wait3A_388 : memref<!tpu.dma_semaphore, #tpu.memory_space<semaphore_mem>>) src(%dma_wait3A_386 : memref<10000x128xf32, #tpu.memory_space<hbm>>) dst(%dma_wait3A_380 : memref<64x128xf32, #tpu.memory_space<vmem>>)
      %dma_start3A_389 = arith.constant 1 : i32
      %dma_start3A_390 = arith.constant 0 : i32
      %dma_start3A_391 = arith.constant 0 : i32
      %dma_start3A_392 = tpu.memref_slice %arg6[%rem3A_373, %dma_start3A_390, %dma_start3A_391] : memref<5x64x128xf32, #tpu.memory_space<vmem>> -> memref<1x64x128xf32, #tpu.memory_space<vmem>>
      %dma_start3A_393 = tpu.memref_squeeze %dma_start3A_392 : memref<1x64x128xf32, #tpu.memory_space<vmem>> -> memref<64x128xf32, #tpu.memory_space<vmem>>
      %dma_start3A_394 = arith.constant 0 : i32
      %dma_start3A_395 = tpu.memref_slice %arg5[%rem3A_375, %dma_start3A_389, %dma_start3A_394] : memref<6x2x64xi32, #tpu.memory_space<vmem>> -> memref<1x1x64xi32, #tpu.memory_space<vmem>>
      %dma_start3A_396 = tpu.memref_squeeze %dma_start3A_395 : memref<1x1x64xi32, #tpu.memory_space<vmem>> -> memref<64xi32, #tpu.memory_space<vmem>>
      %dma_start3A_397 = arith.constant 0 : i32
      %dma_start3A_398 = arith.constant 0 : i32
      %dma_start3A_399 = tpu.memref_slice %arg7[%dma_start3A_397, %dma_start3A_398] : memref<10112x128xf32, #tpu.memory_space<vmem_shared>> -> memref<10112x128xf32, #tpu.memory_space<vmem_shared>>
      %dma_start3A_400 = tpu.memref_slice %arg10[%rem3A_373] : memref<5x!tpu.dma_semaphore, #tpu.memory_space<semaphore_mem>> -> memref<1x!tpu.dma_semaphore, #tpu.memory_space<semaphore_mem>>
      %dma_start3A_401 = tpu.memref_squeeze %dma_start3A_400 : memref<1x!tpu.dma_semaphore, #tpu.memory_space<semaphore_mem>> -> memref<!tpu.dma_semaphore, #tpu.memory_space<semaphore_mem>>
      tpu.enqueue_indirect_dma source(%dma_start3A_393 : memref<64x128xf32, #tpu.memory_space<vmem>>) target(%dma_start3A_399 : memref<10112x128xf32, #tpu.memory_space<vmem_shared>>) offsets(%dma_start3A_396 : memref<64xi32, #tpu.memory_space<vmem>>) semaphore(%dma_start3A_401 : memref<!tpu.dma_semaphore, #tpu.memory_space<semaphore_mem>>) {add = true}
    }
    %while3A_331 = arith.constant 1 : i32
    scf.for %while3A_356 = %while3A_329 to %while3A_325 step %while3A_331  : i32 {
      %ge3A = arith.constant 1 : i32
      %ge3A_357 = arith.cmpi sge, %while3A_356, %ge3A : i32
      %convert_element_type3A = arith.extui %ge3A_357 : i1 to i32
      %cond3A = arith.constant 0 : i32
      %cond3A_358 = arith.cmpi ne, %convert_element_type3A, %cond3A : i32
      scf.if %cond3A_358 {
        %sub3A_402 = arith.constant 1 : i32
        %sub3A_403 = arith.subi %while3A_356, %sub3A_402 : i32
        %rem3A_404 = arith.constant 5 : i32
        %rem3A_405 = arith.remsi %sub3A_403, %rem3A_404 : i32
        %sub3A_406 = arith.constant 1 : i32
        %sub3A_407 = arith.subi %while3A_356, %sub3A_406 : i32
        %rem3A_408 = arith.constant 6 : i32
        %rem3A_409 = arith.remsi %sub3A_407, %rem3A_408 : i32
        %dma_wait3A_410 = arith.constant 1 : i32
        %dma_wait3A_411 = arith.constant 0 : i32
        %dma_wait3A_412 = arith.constant 0 : i32
        %dma_wait3A_413 = tpu.memref_slice %arg6[%rem3A_405, %dma_wait3A_411, %dma_wait3A_412] : memref<5x64x128xf32, #tpu.memory_space<vmem>> -> memref<1x64x128xf32, #tpu.memory_space<vmem>>
        %dma_wait3A_414 = tpu.memref_squeeze %dma_wait3A_413 : memref<1x64x128xf32, #tpu.memory_space<vmem>> -> memref<64x128xf32, #tpu.memory_space<vmem>>
        %dma_wait3A_415 = arith.constant 0 : i32
        %dma_wait3A_416 = tpu.memref_slice %arg5[%rem3A_409, %dma_wait3A_410, %dma_wait3A_415] : memref<6x2x64xi32, #tpu.memory_space<vmem>> -> memref<1x1x64xi32, #tpu.memory_space<vmem>>
        %dma_wait3A_417 = tpu.memref_squeeze %dma_wait3A_416 : memref<1x1x64xi32, #tpu.memory_space<vmem>> -> memref<64xi32, #tpu.memory_space<vmem>>
        %dma_wait3A_418 = arith.constant 0 : i32
        %dma_wait3A_419 = arith.constant 0 : i32
        %dma_wait3A_420 = tpu.memref_slice %arg7[%dma_wait3A_418, %dma_wait3A_419] : memref<10112x128xf32, #tpu.memory_space<vmem_shared>> -> memref<10112x128xf32, #tpu.memory_space<vmem_shared>>
        %dma_wait3A_421 = tpu.memref_slice %arg10[%rem3A_405] : memref<5x!tpu.dma_semaphore, #tpu.memory_space<semaphore_mem>> -> memref<1x!tpu.dma_semaphore, #tpu.memory_space<semaphore_mem>>
        %dma_wait3A_422 = tpu.memref_squeeze %dma_wait3A_421 : memref<1x!tpu.dma_semaphore, #tpu.memory_space<semaphore_mem>> -> memref<!tpu.dma_semaphore, #tpu.memory_space<semaphore_mem>>
        tpu.wait_indirect_dma semaphore(%dma_wait3A_422 : memref<!tpu.dma_semaphore, #tpu.memory_space<semaphore_mem>>) src(%dma_wait3A_414 : memref<64x128xf32, #tpu.memory_space<vmem>>) dst(%dma_wait3A_420 : memref<10112x128xf32, #tpu.memory_space<vmem_shared>>)
      } else {
      }
      %add3A_359 = arith.constant 4 : i32
      %add3A_360 = arith.addi %while3A_356, %add3A_359 : i32
      %add3A_361 = arith.constant 1 : i32
      %add3A_362 = arith.addi %add3A_360, %add3A_361 : i32
      %lt3A = arith.cmpi slt, %add3A_362, %select_n3A : i32
      %convert_element_type3A_363 = arith.extui %lt3A : i1 to i32
      %cond3A_364 = arith.constant 0 : i32
      %cond3A_365 = arith.cmpi ne, %convert_element_type3A_363, %cond3A_364 : i32
      scf.if %cond3A_365 {
        %add3A_402 = arith.constant 4 : i32
        %add3A_403 = arith.addi %while3A_356, %add3A_402 : i32
        %add3A_404 = arith.constant 1 : i32
        %add3A_405 = arith.addi %add3A_403, %add3A_404 : i32
        %rem3A_406 = arith.constant 6 : i32
        %rem3A_407 = arith.remsi %add3A_405, %rem3A_406 : i32
        %add3A_408 = arith.addi %select_n3A_8, %while3A_356 : i32
        %add3A_409 = arith.constant 4 : i32
        %add3A_410 = arith.addi %add3A_408, %add3A_409 : i32
        %add3A_411 = arith.constant 1 : i32
        %add3A_412 = arith.addi %add3A_410, %add3A_411 : i32
        %dma_start3A_413 = arith.constant 0 : i32
        %dma_start3A_414 = arith.constant 0 : i32
        %dma_start3A_415 = tpu.memref_slice %arg5[%rem3A_407, %dma_start3A_413, %dma_start3A_414] : memref<6x2x64xi32, #tpu.memory_space<vmem>> -> memref<1x2x64xi32, #tpu.memory_space<vmem>>
        %dma_start3A_416 = tpu.memref_squeeze %dma_start3A_415 : memref<1x2x64xi32, #tpu.memory_space<vmem>> -> memref<2x64xi32, #tpu.memory_space<vmem>>
        %dma_start3A_417 = arith.constant 0 : i32
        %dma_start3A_418 = arith.constant 0 : i32
        %dma_start3A_419 = tpu.memref_slice %arg3[%add3A_412, %dma_start3A_417, %dma_start3A_418] : memref<5024x2x64xi32, #tpu.memory_space<hbm>> -> memref<1x2x64xi32, #tpu.memory_space<hbm>>
        %dma_start3A_420 = tpu.memref_squeeze %dma_start3A_419 : memref<1x2x64xi32, #tpu.memory_space<hbm>> -> memref<2x64xi32, #tpu.memory_space<hbm>>
        %dma_start3A_421 = tpu.memref_slice %arg8[%rem3A_407] : memref<6x!tpu.dma_semaphore, #tpu.memory_space<semaphore_mem>> -> memref<1x!tpu.dma_semaphore, #tpu.memory_space<semaphore_mem>>
        %dma_start3A_422 = tpu.memref_squeeze %dma_start3A_421 : memref<1x!tpu.dma_semaphore, #tpu.memory_space<semaphore_mem>> -> memref<!tpu.dma_semaphore, #tpu.memory_space<semaphore_mem>>
        %dma_start3A_423 = arith.constant 0 : i32
        %dma_start3A_424 = arith.constant 0 : i32
        %dma_start3A_425 = tpu.memref_slice %arg5[%rem3A_407, %dma_start3A_423, %dma_start3A_424] : memref<6x2x64xi32, #tpu.memory_space<vmem>> -> memref<1x2x64xi32, #tpu.memory_space<vmem>>
        %dma_start3A_426 = tpu.memref_squeeze %dma_start3A_425 : memref<1x2x64xi32, #tpu.memory_space<vmem>> -> memref<2x64xi32, #tpu.memory_space<vmem>>
        %dma_start3A_427 = arith.constant 0 : i32
        %dma_start3A_428 = arith.constant 0 : i32
        %dma_start3A_429 = tpu.memref_slice %arg3[%add3A_412, %dma_start3A_427, %dma_start3A_428] : memref<5024x2x64xi32, #tpu.memory_space<hbm>> -> memref<1x2x64xi32, #tpu.memory_space<hbm>>
        %dma_start3A_430 = tpu.memref_squeeze %dma_start3A_429 : memref<1x2x64xi32, #tpu.memory_space<hbm>> -> memref<2x64xi32, #tpu.memory_space<hbm>>
        tpu.enqueue_dma source(%dma_start3A_430 : memref<2x64xi32, #tpu.memory_space<hbm>>) target(%dma_start3A_426 : memref<2x64xi32, #tpu.memory_space<vmem>>) target_semaphore(%dma_start3A_422 : memref<!tpu.dma_semaphore, #tpu.memory_space<semaphore_mem>>)
      } else {
      }
      %add3A_366 = arith.constant 4 : i32
      %add3A_367 = arith.addi %while3A_356, %add3A_366 : i32
      %lt3A_368 = arith.cmpi slt, %add3A_367, %select_n3A : i32
      %convert_element_type3A_369 = arith.extui %lt3A_368 : i1 to i32
      %cond3A_370 = arith.constant 0 : i32
      %cond3A_371 = arith.cmpi ne, %convert_element_type3A_369, %cond3A_370 : i32
      scf.if %cond3A_371 {
        %add3A_402 = arith.constant 4 : i32
        %add3A_403 = arith.addi %while3A_356, %add3A_402 : i32
        %rem3A_404 = arith.constant 5 : i32
        %rem3A_405 = arith.remsi %add3A_403, %rem3A_404 : i32
        %add3A_406 = arith.constant 4 : i32
        %add3A_407 = arith.addi %while3A_356, %add3A_406 : i32
        %rem3A_408 = arith.constant 6 : i32
        %rem3A_409 = arith.remsi %add3A_407, %rem3A_408 : i32
        %add3A_410 = arith.addi %select_n3A_8, %while3A_356 : i32
        %add3A_411 = arith.constant 4 : i32
        %add3A_412 = arith.addi %add3A_410, %add3A_411 : i32
        %dma_wait3A_413 = arith.constant 0 : i32
        %dma_wait3A_414 = arith.constant 0 : i32
        %dma_wait3A_415 = tpu.memref_slice %arg5[%rem3A_409, %dma_wait3A_413, %dma_wait3A_414] : memref<6x2x64xi32, #tpu.memory_space<vmem>> -> memref<1x2x64xi32, #tpu.memory_space<vmem>>
        %dma_wait3A_416 = tpu.memref_squeeze %dma_wait3A_415 : memref<1x2x64xi32, #tpu.memory_space<vmem>> -> memref<2x64xi32, #tpu.memory_space<vmem>>
        %dma_wait3A_417 = arith.constant 0 : i32
        %dma_wait3A_418 = arith.constant 0 : i32
        %dma_wait3A_419 = tpu.memref_slice %arg3[%add3A_412, %dma_wait3A_417, %dma_wait3A_418] : memref<5024x2x64xi32, #tpu.memory_space<hbm>> -> memref<1x2x64xi32, #tpu.memory_space<hbm>>
        %dma_wait3A_420 = tpu.memref_squeeze %dma_wait3A_419 : memref<1x2x64xi32, #tpu.memory_space<hbm>> -> memref<2x64xi32, #tpu.memory_space<hbm>>
        %dma_wait3A_421 = tpu.memref_slice %arg8[%rem3A_409] : memref<6x!tpu.dma_semaphore, #tpu.memory_space<semaphore_mem>> -> memref<1x!tpu.dma_semaphore, #tpu.memory_space<semaphore_mem>>
        %dma_wait3A_422 = tpu.memref_squeeze %dma_wait3A_421 : memref<1x!tpu.dma_semaphore, #tpu.memory_space<semaphore_mem>> -> memref<!tpu.dma_semaphore, #tpu.memory_space<semaphore_mem>>
        %dma_wait3A_423 = arith.constant 0 : i32
        %dma_wait3A_424 = arith.constant 0 : i32
        %dma_wait3A_425 = tpu.memref_slice %arg5[%rem3A_409, %dma_wait3A_423, %dma_wait3A_424] : memref<6x2x64xi32, #tpu.memory_space<vmem>> -> memref<1x2x64xi32, #tpu.memory_space<vmem>>
        %dma_wait3A_426 = tpu.memref_squeeze %dma_wait3A_425 : memref<1x2x64xi32, #tpu.memory_space<vmem>> -> memref<2x64xi32, #tpu.memory_space<vmem>>
        %dma_wait3A_427 = arith.constant 0 : i32
        %dma_wait3A_428 = arith.constant 0 : i32
        %dma_wait3A_429 = tpu.memref_slice %arg3[%add3A_412, %dma_wait3A_427, %dma_wait3A_428] : memref<5024x2x64xi32, #tpu.memory_space<hbm>> -> memref<1x2x64xi32, #tpu.memory_space<hbm>>
        %dma_wait3A_430 = tpu.memref_squeeze %dma_wait3A_429 : memref<1x2x64xi32, #tpu.memory_space<hbm>> -> memref<2x64xi32, #tpu.memory_space<hbm>>
        tpu.wait_dma2 semaphore(%dma_wait3A_422 : memref<!tpu.dma_semaphore, #tpu.memory_space<semaphore_mem>>) src(%dma_wait3A_430 : memref<2x64xi32, #tpu.memory_space<hbm>>) dst(%dma_wait3A_426 : memref<2x64xi32, #tpu.memory_space<vmem>>)
        %dma_start3A_431 = arith.constant 0 : i32
        %dma_start3A_432 = arith.constant 0 : i32
        %dma_start3A_433 = arith.constant 0 : i32
        %dma_start3A_434 = tpu.memref_slice %arg6[%rem3A_405, %dma_start3A_432, %dma_start3A_433] : memref<5x64x128xf32, #tpu.memory_space<vmem>> -> memref<1x64x128xf32, #tpu.memory_space<vmem>>
        %dma_start3A_435 = tpu.memref_squeeze %dma_start3A_434 : memref<1x64x128xf32, #tpu.memory_space<vmem>> -> memref<64x128xf32, #tpu.memory_space<vmem>>
        %dma_start3A_436 = arith.constant 0 : i32
        %dma_start3A_437 = tpu.memref_slice %arg5[%rem3A_409, %dma_start3A_431, %dma_start3A_436] : memref<6x2x64xi32, #tpu.memory_space<vmem>> -> memref<1x1x64xi32, #tpu.memory_space<vmem>>
        %dma_start3A_438 = tpu.memref_squeeze %dma_start3A_437 : memref<1x1x64xi32, #tpu.memory_space<vmem>> -> memref<64xi32, #tpu.memory_space<vmem>>
        %dma_start3A_439 = arith.constant 0 : i32
        %dma_start3A_440 = arith.constant 0 : i32
        %dma_start3A_441 = tpu.memref_slice %arg2[%dma_start3A_439, %dma_start3A_440] : memref<10000x128xf32, #tpu.memory_space<hbm>> -> memref<10000x128xf32, #tpu.memory_space<hbm>>
        %dma_start3A_442 = tpu.memref_slice %arg9[%rem3A_405] : memref<5x!tpu.dma_semaphore, #tpu.memory_space<semaphore_mem>> -> memref<1x!tpu.dma_semaphore, #tpu.memory_space<semaphore_mem>>
        %dma_start3A_443 = tpu.memref_squeeze %dma_start3A_442 : memref<1x!tpu.dma_semaphore, #tpu.memory_space<semaphore_mem>> -> memref<!tpu.dma_semaphore, #tpu.memory_space<semaphore_mem>>
        tpu.enqueue_indirect_dma source(%dma_start3A_441 : memref<10000x128xf32, #tpu.memory_space<hbm>>) target(%dma_start3A_435 : memref<64x128xf32, #tpu.memory_space<vmem>>) offsets(%dma_start3A_438 : memref<64xi32, #tpu.memory_space<vmem>>) semaphore(%dma_start3A_443 : memref<!tpu.dma_semaphore, #tpu.memory_space<semaphore_mem>>)
      } else {
      }
      %rem3A_372 = arith.constant 5 : i32
      %rem3A_373 = arith.remsi %while3A_356, %rem3A_372 : i32
      %rem3A_374 = arith.constant 6 : i32
      %rem3A_375 = arith.remsi %while3A_356, %rem3A_374 : i32
      %dma_wait3A_376 = arith.constant 0 : i32
      %dma_wait3A_377 = arith.constant 0 : i32
      %dma_wait3A_378 = arith.constant 0 : i32
      %dma_wait3A_379 = tpu.memref_slice %arg6[%rem3A_373, %dma_wait3A_377, %dma_wait3A_378] : memref<5x64x128xf32, #tpu.memory_space<vmem>> -> memref<1x64x128xf32, #tpu.memory_space<vmem>>
      %dma_wait3A_380 = tpu.memref_squeeze %dma_wait3A_379 : memref<1x64x128xf32, #tpu.memory_space<vmem>> -> memref<64x128xf32, #tpu.memory_space<vmem>>
      %dma_wait3A_381 = arith.constant 0 : i32
      %dma_wait3A_382 = tpu.memref_slice %arg5[%rem3A_375, %dma_wait3A_376, %dma_wait3A_381] : memref<6x2x64xi32, #tpu.memory_space<vmem>> -> memref<1x1x64xi32, #tpu.memory_space<vmem>>
      %dma_wait3A_383 = tpu.memref_squeeze %dma_wait3A_382 : memref<1x1x64xi32, #tpu.memory_space<vmem>> -> memref<64xi32, #tpu.memory_space<vmem>>
      %dma_wait3A_384 = arith.constant 0 : i32
      %dma_wait3A_385 = arith.constant 0 : i32
      %dma_wait3A_386 = tpu.memref_slice %arg2[%dma_wait3A_384, %dma_wait3A_385] : memref<10000x128xf32, #tpu.memory_space<hbm>> -> memref<10000x128xf32, #tpu.memory_space<hbm>>
      %dma_wait3A_387 = tpu.memref_slice %arg9[%rem3A_373] : memref<5x!tpu.dma_semaphore, #tpu.memory_space<semaphore_mem>> -> memref<1x!tpu.dma_semaphore, #tpu.memory_space<semaphore_mem>>
      %dma_wait3A_388 = tpu.memref_squeeze %dma_wait3A_387 : memref<1x!tpu.dma_semaphore, #tpu.memory_space<semaphore_mem>> -> memref<!tpu.dma_semaphore, #tpu.memory_space<semaphore_mem>>
      tpu.wait_indirect_dma semaphore(%dma_wait3A_388 : memref<!tpu.dma_semaphore, #tpu.memory_space<semaphore_mem>>) src(%dma_wait3A_386 : memref<10000x128xf32, #tpu.memory_space<hbm>>) dst(%dma_wait3A_380 : memref<64x128xf32, #tpu.memory_space<vmem>>)
      %dma_start3A_389 = arith.constant 1 : i32
      %dma_start3A_390 = arith.constant 0 : i32
      %dma_start3A_391 = arith.constant 0 : i32
      %dma_start3A_392 = tpu.memref_slice %arg6[%rem3A_373, %dma_start3A_390, %dma_start3A_391] : memref<5x64x128xf32, #tpu.memory_space<vmem>> -> memref<1x64x128xf32, #tpu.memory_space<vmem>>
      %dma_start3A_393 = tpu.memref_squeeze %dma_start3A_392 : memref<1x64x128xf32, #tpu.memory_space<vmem>> -> memref<64x128xf32, #tpu.memory_space<vmem>>
      %dma_start3A_394 = arith.constant 0 : i32
      %dma_start3A_395 = tpu.memref_slice %arg5[%rem3A_375, %dma_start3A_389, %dma_start3A_394] : memref<6x2x64xi32, #tpu.memory_space<vmem>> -> memref<1x1x64xi32, #tpu.memory_space<vmem>>
      %dma_start3A_396 = tpu.memref_squeeze %dma_start3A_395 : memref<1x1x64xi32, #tpu.memory_space<vmem>> -> memref<64xi32, #tpu.memory_space<vmem>>
      %dma_start3A_397 = arith.constant 0 : i32
      %dma_start3A_398 = arith.constant 0 : i32
      %dma_start3A_399 = tpu.memref_slice %arg7[%dma_start3A_397, %dma_start3A_398] : memref<10112x128xf32, #tpu.memory_space<vmem_shared>> -> memref<10112x128xf32, #tpu.memory_space<vmem_shared>>
      %dma_start3A_400 = tpu.memref_slice %arg10[%rem3A_373] : memref<5x!tpu.dma_semaphore, #tpu.memory_space<semaphore_mem>> -> memref<1x!tpu.dma_semaphore, #tpu.memory_space<semaphore_mem>>
      %dma_start3A_401 = tpu.memref_squeeze %dma_start3A_400 : memref<1x!tpu.dma_semaphore, #tpu.memory_space<semaphore_mem>> -> memref<!tpu.dma_semaphore, #tpu.memory_space<semaphore_mem>>
      tpu.enqueue_indirect_dma source(%dma_start3A_393 : memref<64x128xf32, #tpu.memory_space<vmem>>) target(%dma_start3A_399 : memref<10112x128xf32, #tpu.memory_space<vmem_shared>>) offsets(%dma_start3A_396 : memref<64xi32, #tpu.memory_space<vmem>>) semaphore(%dma_start3A_401 : memref<!tpu.dma_semaphore, #tpu.memory_space<semaphore_mem>>) {add = true}
    }
    %sub3A = arith.constant 1 : i32
    %sub3A_332 = arith.subi %select_n3A, %sub3A : i32
    %rem3A = arith.constant 5 : i32
    %rem3A_333 = arith.remsi %sub3A_332, %rem3A : i32
    %rem3A_334 = arith.constant 6 : i32
    %rem3A_335 = arith.remsi %sub3A_332, %rem3A_334 : i32
    %rem3A_336 = arith.constant 5 : i32
    %rem3A_337 = arith.remsi %sub3A_332, %rem3A_336 : i32
    %dma_wait3A_338 = arith.constant 1 : i32
    %dma_wait3A_339 = arith.constant 0 : i32
    %dma_wait3A_340 = arith.constant 0 : i32
    %dma_wait3A_341 = tpu.memref_slice %arg6[%rem3A_333, %dma_wait3A_339, %dma_wait3A_340] : memref<5x64x128xf32, #tpu.memory_space<vmem>> -> memref<1x64x128xf32, #tpu.memory_space<vmem>>
    %dma_wait3A_342 = tpu.memref_squeeze %dma_wait3A_341 : memref<1x64x128xf32, #tpu.memory_space<vmem>> -> memref<64x128xf32, #tpu.memory_space<vmem>>
    %dma_wait3A_343 = arith.constant 0 : i32
    %dma_wait3A_344 = tpu.memref_slice %arg5[%rem3A_335, %dma_wait3A_338, %dma_wait3A_343] : memref<6x2x64xi32, #tpu.memory_space<vmem>> -> memref<1x1x64xi32, #tpu.memory_space<vmem>>
    %dma_wait3A_345 = tpu.memref_squeeze %dma_wait3A_344 : memref<1x1x64xi32, #tpu.memory_space<vmem>> -> memref<64xi32, #tpu.memory_space<vmem>>
    %dma_wait3A_346 = arith.constant 0 : i32
    %dma_wait3A_347 = arith.constant 0 : i32
    %dma_wait3A_348 = tpu.memref_slice %arg7[%dma_wait3A_346, %dma_wait3A_347] : memref<10112x128xf32, #tpu.memory_space<vmem_shared>> -> memref<10112x128xf32, #tpu.memory_space<vmem_shared>>
    %dma_wait3A_349 = tpu.memref_slice %arg10[%rem3A_337] : memref<5x!tpu.dma_semaphore, #tpu.memory_space<semaphore_mem>> -> memref<1x!tpu.dma_semaphore, #tpu.memory_space<semaphore_mem>>
    %dma_wait3A_350 = tpu.memref_squeeze %dma_wait3A_349 : memref<1x!tpu.dma_semaphore, #tpu.memory_space<semaphore_mem>> -> memref<!tpu.dma_semaphore, #tpu.memory_space<semaphore_mem>>
    tpu.wait_indirect_dma semaphore(%dma_wait3A_350 : memref<!tpu.dma_semaphore, #tpu.memory_space<semaphore_mem>>) src(%dma_wait3A_342 : memref<64x128xf32, #tpu.memory_space<vmem>>) dst(%dma_wait3A_348 : memref<10112x128xf32, #tpu.memory_space<vmem_shared>>)
    %barrier3A_351 = arith.constant 0 : index
    tpu.barrier barrier_id(%barrier3A_351)
    %mul3A_352 = arith.constant 632 : i32
    %mul3A_353 = arith.muli %arg1, %mul3A_352 : i32
    %mul3A_354 = arith.constant 632 : i32
    %mul3A_355 = arith.muli %arg1, %mul3A_354 : i32
    "tpu.region"() ({
      %run_scoped3A_356 = tpu.sem_alloc : memref<!tpu.dma_semaphore, #tpu.memory_space<semaphore_mem>>
      %dma_start3A_357 = arith.constant 0 : i32
      %dma_start3A_358 = tpu.memref_slice %arg4[%arg0, %mul3A_355, %dma_start3A_357] : memref<2x10112x128xf32, #tpu.memory_space<hbm>> -> memref<1x632x128xf32, #tpu.memory_space<hbm>>
      %dma_start3A_359 = tpu.memref_squeeze %dma_start3A_358 : memref<1x632x128xf32, #tpu.memory_space<hbm>> -> memref<632x128xf32, #tpu.memory_space<hbm>>
      %dma_start3A_360 = arith.constant 0 : i32
      %dma_start3A_361 = tpu.memref_slice %arg7[%mul3A_353, %dma_start3A_360] : memref<10112x128xf32, #tpu.memory_space<vmem_shared>> -> memref<632x128xf32, #tpu.memory_space<vmem_shared>>
      tpu.enqueue_dma source(%dma_start3A_361 : memref<632x128xf32, #tpu.memory_space<vmem_shared>>) target(%dma_start3A_359 : memref<632x128xf32, #tpu.memory_space<hbm>>) target_semaphore(%run_scoped3A_356 : memref<!tpu.dma_semaphore, #tpu.memory_space<semaphore_mem>>)
      %dma_wait3A_362 = arith.constant 0 : i32
      %dma_wait3A_363 = tpu.memref_slice %arg4[%arg0, %mul3A_355, %dma_wait3A_362] : memref<2x10112x128xf32, #tpu.memory_space<hbm>> -> memref<1x632x128xf32, #tpu.memory_space<hbm>>
      %dma_wait3A_364 = tpu.memref_squeeze %dma_wait3A_363 : memref<1x632x128xf32, #tpu.memory_space<hbm>> -> memref<632x128xf32, #tpu.memory_space<hbm>>
      %dma_wait3A_365 = arith.constant 0 : i32
      %dma_wait3A_366 = tpu.memref_slice %arg7[%mul3A_353, %dma_wait3A_365] : memref<10112x128xf32, #tpu.memory_space<vmem_shared>> -> memref<632x128xf32, #tpu.memory_space<vmem_shared>>
      tpu.wait_dma2 semaphore(%run_scoped3A_356 : memref<!tpu.dma_semaphore, #tpu.memory_space<semaphore_mem>>) src(%dma_wait3A_366 : memref<632x128xf32, #tpu.memory_space<vmem_shared>>) dst(%dma_wait3A_364 : memref<632x128xf32, #tpu.memory_space<hbm>>)
      tpu.yield
    }) : () -> ()
    return
  }
}

#map = affine_map<(d0, d1) -> (0, 0)>
#map1 = affine_map<(d0, d1) -> (0, 0, 0)>
module attributes {stable_mosaic.version = 14 : i64} {
  func.func @_agg_body(%arg0: i32, %arg1: i32, %arg2: memref<10000x128xf32, #tpu.memory_space<hbm>>, %arg3: memref<5024x2x64xi32, #tpu.memory_space<hbm>>, %arg4: memref<2x10112x128xf32, #tpu.memory_space<hbm>>, %arg5: memref<6x2x64xi32, #tpu.memory_space<vmem>>, %arg6: memref<5x64x128xf32, #tpu.memory_space<vmem>>, %arg7: memref<10112x128xf32, #tpu.memory_space<vmem_shared>>, %arg8: memref<6x!tpu.dma_semaphore, #tpu.memory_space<semaphore_mem>>, %arg9: memref<5x!tpu.dma_semaphore, #tpu.memory_space<semaphore_mem>>, %arg10: memref<5x!tpu.dma_semaphore, #tpu.memory_space<semaphore_mem>>) attributes {dimension_semantics = [#tpu.dimension_semantics<core_parallel>, #tpu.dimension_semantics<subcore_parallel>], iteration_bounds = array<i64: 2, 16>, scalar_prefetch = 0 : i64, scratch_operands = 6 : i64, tpu.core_type = #tpu.core_type<sc_vector_subcore>, window_params = [{transform_indices = #map}, {transform_indices = #map1}, {transform_indices = #map1}]} {
    %eq3A = arith.constant 0 : i32
    %eq3A_0 = arith.cmpi eq, %arg0, %eq3A : i32
    %jit3A = arith.constant 232 : i32
    %jit3A_1 = arith.constant 82 : i32
    %select_n3A = arith.select %eq3A_0, %jit3A, %jit3A_1 : i32
    %eq3A_2 = arith.constant 0 : i32
    %eq3A_3 = arith.cmpi eq, %arg0, %eq3A_2 : i32
    %mul3A = arith.constant 232 : i32
    %mul3A_4 = arith.muli %arg1, %mul3A : i32
    %mul3A_5 = arith.constant 82 : i32
    %mul3A_6 = arith.muli %arg1, %mul3A_5 : i32
    %add3A = arith.constant 3712 : i32
    %add3A_7 = arith.addi %add3A, %mul3A_6 : i32
    %select_n3A_8 = arith.select %eq3A_3, %mul3A_4, %add3A_7 : i32
    %add3A_9 = arith.constant 0 : i32
    %add3A_10 = arith.addi %select_n3A_8, %add3A_9 : i32
    %dma_start3A = arith.constant 0 : i32
    %dma_start3A_11 = arith.constant 0 : i32
    %dma_start3A_12 = arith.constant 0 : i32
    %dma_start3A_13 = arith.constant 0 : i32
    %dma_start3A_14 = tpu.memref_slice %arg5[%dma_start3A, %dma_start3A_12, %dma_start3A_13] : memref<6x2x64xi32, #tpu.memory_space<vmem>> -> memref<1x2x64xi32, #tpu.memory_space<vmem>>
    %dma_start3A_15 = tpu.memref_squeeze %dma_start3A_14 : memref<1x2x64xi32, #tpu.memory_space<vmem>> -> memref<2x64xi32, #tpu.memory_space<vmem>>
    %dma_start3A_16 = arith.constant 0 : i32
    %dma_start3A_17 = arith.constant 0 : i32
    %dma_start3A_18 = tpu.memref_slice %arg3[%add3A_10, %dma_start3A_16, %dma_start3A_17] : memref<5024x2x64xi32, #tpu.memory_space<hbm>> -> memref<1x2x64xi32, #tpu.memory_space<hbm>>
    %dma_start3A_19 = tpu.memref_squeeze %dma_start3A_18 : memref<1x2x64xi32, #tpu.memory_space<hbm>> -> memref<2x64xi32, #tpu.memory_space<hbm>>
    %dma_start3A_20 = tpu.memref_slice %arg8[%dma_start3A_11] : memref<6x!tpu.dma_semaphore, #tpu.memory_space<semaphore_mem>> -> memref<1x!tpu.dma_semaphore, #tpu.memory_space<semaphore_mem>>
    %dma_start3A_21 = tpu.memref_squeeze %dma_start3A_20 : memref<1x!tpu.dma_semaphore, #tpu.memory_space<semaphore_mem>> -> memref<!tpu.dma_semaphore, #tpu.memory_space<semaphore_mem>>
    %dma_start3A_22 = arith.constant 0 : i32
    %dma_start3A_23 = arith.constant 0 : i32
    %dma_start3A_24 = tpu.memref_slice %arg5[%dma_start3A, %dma_start3A_22, %dma_start3A_23] : memref<6x2x64xi32, #tpu.memory_space<vmem>> -> memref<1x2x64xi32, #tpu.memory_space<vmem>>
    %dma_start3A_25 = tpu.memref_squeeze %dma_start3A_24 : memref<1x2x64xi32, #tpu.memory_space<vmem>> -> memref<2x64xi32, #tpu.memory_space<vmem>>
    %dma_start3A_26 = arith.constant 0 : i32
    %dma_start3A_27 = arith.constant 0 : i32
    %dma_start3A_28 = tpu.memref_slice %arg3[%add3A_10, %dma_start3A_26, %dma_start3A_27] : memref<5024x2x64xi32, #tpu.memory_space<hbm>> -> memref<1x2x64xi32, #tpu.memory_space<hbm>>
    %dma_start3A_29 = tpu.memref_squeeze %dma_start3A_28 : memref<1x2x64xi32, #tpu.memory_space<hbm>> -> memref<2x64xi32, #tpu.memory_space<hbm>>
    tpu.enqueue_dma source(%dma_start3A_29 : memref<2x64xi32, #tpu.memory_space<hbm>>) target(%dma_start3A_25 : memref<2x64xi32, #tpu.memory_space<vmem>>) target_semaphore(%dma_start3A_21 : memref<!tpu.dma_semaphore, #tpu.memory_space<semaphore_mem>>)
    %add3A_30 = arith.constant 1 : i32
    %add3A_31 = arith.addi %select_n3A_8, %add3A_30 : i32
    %dma_start3A_32 = arith.constant 1 : i32
    %dma_start3A_33 = arith.constant 1 : i32
    %dma_start3A_34 = arith.constant 0 : i32
    %dma_start3A_35 = arith.constant 0 : i32
    %dma_start3A_36 = tpu.memref_slice %arg5[%dma_start3A_32, %dma_start3A_34, %dma_start3A_35] : memref<6x2x64xi32, #tpu.memory_space<vmem>> -> memref<1x2x64xi32, #tpu.memory_space<vmem>>
    %dma_start3A_37 = tpu.memref_squeeze %dma_start3A_36 : memref<1x2x64xi32, #tpu.memory_space<vmem>> -> memref<2x64xi32, #tpu.memory_space<vmem>>
    %dma_start3A_38 = arith.constant 0 : i32
    %dma_start3A_39 = arith.constant 0 : i32
    %dma_start3A_40 = tpu.memref_slice %arg3[%add3A_31, %dma_start3A_38, %dma_start3A_39] : memref<5024x2x64xi32, #tpu.memory_space<hbm>> -> memref<1x2x64xi32, #tpu.memory_space<hbm>>
    %dma_start3A_41 = tpu.memref_squeeze %dma_start3A_40 : memref<1x2x64xi32, #tpu.memory_space<hbm>> -> memref<2x64xi32, #tpu.memory_space<hbm>>
    %dma_start3A_42 = tpu.memref_slice %arg8[%dma_start3A_33] : memref<6x!tpu.dma_semaphore, #tpu.memory_space<semaphore_mem>> -> memref<1x!tpu.dma_semaphore, #tpu.memory_space<semaphore_mem>>
    %dma_start3A_43 = tpu.memref_squeeze %dma_start3A_42 : memref<1x!tpu.dma_semaphore, #tpu.memory_space<semaphore_mem>> -> memref<!tpu.dma_semaphore, #tpu.memory_space<semaphore_mem>>
    %dma_start3A_44 = arith.constant 0 : i32
    %dma_start3A_45 = arith.constant 0 : i32
    %dma_start3A_46 = tpu.memref_slice %arg5[%dma_start3A_32, %dma_start3A_44, %dma_start3A_45] : memref<6x2x64xi32, #tpu.memory_space<vmem>> -> memref<1x2x64xi32, #tpu.memory_space<vmem>>
    %dma_start3A_47 = tpu.memref_squeeze %dma_start3A_46 : memref<1x2x64xi32, #tpu.memory_space<vmem>> -> memref<2x64xi32, #tpu.memory_space<vmem>>
    %dma_start3A_48 = arith.constant 0 : i32
    %dma_start3A_49 = arith.constant 0 : i32
    %dma_start3A_50 = tpu.memref_slice %arg3[%add3A_31, %dma_start3A_48, %dma_start3A_49] : memref<5024x2x64xi32, #tpu.memory_space<hbm>> -> memref<1x2x64xi32, #tpu.memory_space<hbm>>
    %dma_start3A_51 = tpu.memref_squeeze %dma_start3A_50 : memref<1x2x64xi32, #tpu.memory_space<hbm>> -> memref<2x64xi32, #tpu.memory_space<hbm>>
    tpu.enqueue_dma source(%dma_start3A_51 : memref<2x64xi32, #tpu.memory_space<hbm>>) target(%dma_start3A_47 : memref<2x64xi32, #tpu.memory_space<vmem>>) target_semaphore(%dma_start3A_43 : memref<!tpu.dma_semaphore, #tpu.memory_space<semaphore_mem>>)
    %add3A_52 = arith.constant 2 : i32
    %add3A_53 = arith.addi %select_n3A_8, %add3A_52 : i32
    %dma_start3A_54 = arith.constant 2 : i32
    %dma_start3A_55 = arith.constant 2 : i32
    %dma_start3A_56 = arith.constant 0 : i32
    %dma_start3A_57 = arith.constant 0 : i32
    %dma_start3A_58 = tpu.memref_slice %arg5[%dma_start3A_54, %dma_start3A_56, %dma_start3A_57] : memref<6x2x64xi32, #tpu.memory_space<vmem>> -> memref<1x2x64xi32, #tpu.memory_space<vmem>>
    %dma_start3A_59 = tpu.memref_squeeze %dma_start3A_58 : memref<1x2x64xi32, #tpu.memory_space<vmem>> -> memref<2x64xi32, #tpu.memory_space<vmem>>
    %dma_start3A_60 = arith.constant 0 : i32
    %dma_start3A_61 = arith.constant 0 : i32
    %dma_start3A_62 = tpu.memref_slice %arg3[%add3A_53, %dma_start3A_60, %dma_start3A_61] : memref<5024x2x64xi32, #tpu.memory_space<hbm>> -> memref<1x2x64xi32, #tpu.memory_space<hbm>>
    %dma_start3A_63 = tpu.memref_squeeze %dma_start3A_62 : memref<1x2x64xi32, #tpu.memory_space<hbm>> -> memref<2x64xi32, #tpu.memory_space<hbm>>
    %dma_start3A_64 = tpu.memref_slice %arg8[%dma_start3A_55] : memref<6x!tpu.dma_semaphore, #tpu.memory_space<semaphore_mem>> -> memref<1x!tpu.dma_semaphore, #tpu.memory_space<semaphore_mem>>
    %dma_start3A_65 = tpu.memref_squeeze %dma_start3A_64 : memref<1x!tpu.dma_semaphore, #tpu.memory_space<semaphore_mem>> -> memref<!tpu.dma_semaphore, #tpu.memory_space<semaphore_mem>>
    %dma_start3A_66 = arith.constant 0 : i32
    %dma_start3A_67 = arith.constant 0 : i32
    %dma_start3A_68 = tpu.memref_slice %arg5[%dma_start3A_54, %dma_start3A_66, %dma_start3A_67] : memref<6x2x64xi32, #tpu.memory_space<vmem>> -> memref<1x2x64xi32, #tpu.memory_space<vmem>>
    %dma_start3A_69 = tpu.memref_squeeze %dma_start3A_68 : memref<1x2x64xi32, #tpu.memory_space<vmem>> -> memref<2x64xi32, #tpu.memory_space<vmem>>
    %dma_start3A_70 = arith.constant 0 : i32
    %dma_start3A_71 = arith.constant 0 : i32
    %dma_start3A_72 = tpu.memref_slice %arg3[%add3A_53, %dma_start3A_70, %dma_start3A_71] : memref<5024x2x64xi32, #tpu.memory_space<hbm>> -> memref<1x2x64xi32, #tpu.memory_space<hbm>>
    %dma_start3A_73 = tpu.memref_squeeze %dma_start3A_72 : memref<1x2x64xi32, #tpu.memory_space<hbm>> -> memref<2x64xi32, #tpu.memory_space<hbm>>
    tpu.enqueue_dma source(%dma_start3A_73 : memref<2x64xi32, #tpu.memory_space<hbm>>) target(%dma_start3A_69 : memref<2x64xi32, #tpu.memory_space<vmem>>) target_semaphore(%dma_start3A_65 : memref<!tpu.dma_semaphore, #tpu.memory_space<semaphore_mem>>)
    %add3A_74 = arith.constant 3 : i32
    %add3A_75 = arith.addi %select_n3A_8, %add3A_74 : i32
    %dma_start3A_76 = arith.constant 3 : i32
    %dma_start3A_77 = arith.constant 3 : i32
    %dma_start3A_78 = arith.constant 0 : i32
    %dma_start3A_79 = arith.constant 0 : i32
    %dma_start3A_80 = tpu.memref_slice %arg5[%dma_start3A_76, %dma_start3A_78, %dma_start3A_79] : memref<6x2x64xi32, #tpu.memory_space<vmem>> -> memref<1x2x64xi32, #tpu.memory_space<vmem>>
    %dma_start3A_81 = tpu.memref_squeeze %dma_start3A_80 : memref<1x2x64xi32, #tpu.memory_space<vmem>> -> memref<2x64xi32, #tpu.memory_space<vmem>>
    %dma_start3A_82 = arith.constant 0 : i32
    %dma_start3A_83 = arith.constant 0 : i32
    %dma_start3A_84 = tpu.memref_slice %arg3[%add3A_75, %dma_start3A_82, %dma_start3A_83] : memref<5024x2x64xi32, #tpu.memory_space<hbm>> -> memref<1x2x64xi32, #tpu.memory_space<hbm>>
    %dma_start3A_85 = tpu.memref_squeeze %dma_start3A_84 : memref<1x2x64xi32, #tpu.memory_space<hbm>> -> memref<2x64xi32, #tpu.memory_space<hbm>>
    %dma_start3A_86 = tpu.memref_slice %arg8[%dma_start3A_77] : memref<6x!tpu.dma_semaphore, #tpu.memory_space<semaphore_mem>> -> memref<1x!tpu.dma_semaphore, #tpu.memory_space<semaphore_mem>>
    %dma_start3A_87 = tpu.memref_squeeze %dma_start3A_86 : memref<1x!tpu.dma_semaphore, #tpu.memory_space<semaphore_mem>> -> memref<!tpu.dma_semaphore, #tpu.memory_space<semaphore_mem>>
    %dma_start3A_88 = arith.constant 0 : i32
    %dma_start3A_89 = arith.constant 0 : i32
    %dma_start3A_90 = tpu.memref_slice %arg5[%dma_start3A_76, %dma_start3A_88, %dma_start3A_89] : memref<6x2x64xi32, #tpu.memory_space<vmem>> -> memref<1x2x64xi32, #tpu.memory_space<vmem>>
    %dma_start3A_91 = tpu.memref_squeeze %dma_start3A_90 : memref<1x2x64xi32, #tpu.memory_space<vmem>> -> memref<2x64xi32, #tpu.memory_space<vmem>>
    %dma_start3A_92 = arith.constant 0 : i32
    %dma_start3A_93 = arith.constant 0 : i32
    %dma_start3A_94 = tpu.memref_slice %arg3[%add3A_75, %dma_start3A_92, %dma_start3A_93] : memref<5024x2x64xi32, #tpu.memory_space<hbm>> -> memref<1x2x64xi32, #tpu.memory_space<hbm>>
    %dma_start3A_95 = tpu.memref_squeeze %dma_start3A_94 : memref<1x2x64xi32, #tpu.memory_space<hbm>> -> memref<2x64xi32, #tpu.memory_space<hbm>>
    tpu.enqueue_dma source(%dma_start3A_95 : memref<2x64xi32, #tpu.memory_space<hbm>>) target(%dma_start3A_91 : memref<2x64xi32, #tpu.memory_space<vmem>>) target_semaphore(%dma_start3A_87 : memref<!tpu.dma_semaphore, #tpu.memory_space<semaphore_mem>>)
    %add3A_96 = arith.constant 4 : i32
    %add3A_97 = arith.addi %select_n3A_8, %add3A_96 : i32
    %dma_start3A_98 = arith.constant 4 : i32
    %dma_start3A_99 = arith.constant 4 : i32
    %dma_start3A_100 = arith.constant 0 : i32
    %dma_start3A_101 = arith.constant 0 : i32
    %dma_start3A_102 = tpu.memref_slice %arg5[%dma_start3A_98, %dma_start3A_100, %dma_start3A_101] : memref<6x2x64xi32, #tpu.memory_space<vmem>> -> memref<1x2x64xi32, #tpu.memory_space<vmem>>
    %dma_start3A_103 = tpu.memref_squeeze %dma_start3A_102 : memref<1x2x64xi32, #tpu.memory_space<vmem>> -> memref<2x64xi32, #tpu.memory_space<vmem>>
    %dma_start3A_104 = arith.constant 0 : i32
    %dma_start3A_105 = arith.constant 0 : i32
    %dma_start3A_106 = tpu.memref_slice %arg3[%add3A_97, %dma_start3A_104, %dma_start3A_105] : memref<5024x2x64xi32, #tpu.memory_space<hbm>> -> memref<1x2x64xi32, #tpu.memory_space<hbm>>
    %dma_start3A_107 = tpu.memref_squeeze %dma_start3A_106 : memref<1x2x64xi32, #tpu.memory_space<hbm>> -> memref<2x64xi32, #tpu.memory_space<hbm>>
    %dma_start3A_108 = tpu.memref_slice %arg8[%dma_start3A_99] : memref<6x!tpu.dma_semaphore, #tpu.memory_space<semaphore_mem>> -> memref<1x!tpu.dma_semaphore, #tpu.memory_space<semaphore_mem>>
    %dma_start3A_109 = tpu.memref_squeeze %dma_start3A_108 : memref<1x!tpu.dma_semaphore, #tpu.memory_space<semaphore_mem>> -> memref<!tpu.dma_semaphore, #tpu.memory_space<semaphore_mem>>
    %dma_start3A_110 = arith.constant 0 : i32
    %dma_start3A_111 = arith.constant 0 : i32
    %dma_start3A_112 = tpu.memref_slice %arg5[%dma_start3A_98, %dma_start3A_110, %dma_start3A_111] : memref<6x2x64xi32, #tpu.memory_space<vmem>> -> memref<1x2x64xi32, #tpu.memory_space<vmem>>
    %dma_start3A_113 = tpu.memref_squeeze %dma_start3A_112 : memref<1x2x64xi32, #tpu.memory_space<vmem>> -> memref<2x64xi32, #tpu.memory_space<vmem>>
    %dma_start3A_114 = arith.constant 0 : i32
    %dma_start3A_115 = arith.constant 0 : i32
    %dma_start3A_116 = tpu.memref_slice %arg3[%add3A_97, %dma_start3A_114, %dma_start3A_115] : memref<5024x2x64xi32, #tpu.memory_space<hbm>> -> memref<1x2x64xi32, #tpu.memory_space<hbm>>
    %dma_start3A_117 = tpu.memref_squeeze %dma_start3A_116 : memref<1x2x64xi32, #tpu.memory_space<hbm>> -> memref<2x64xi32, #tpu.memory_space<hbm>>
    tpu.enqueue_dma source(%dma_start3A_117 : memref<2x64xi32, #tpu.memory_space<hbm>>) target(%dma_start3A_113 : memref<2x64xi32, #tpu.memory_space<vmem>>) target_semaphore(%dma_start3A_109 : memref<!tpu.dma_semaphore, #tpu.memory_space<semaphore_mem>>)
    %scan3A = arith.constant 0 : i32
    %scan3A_118 = arith.constant 0 : i32
    %scan3A_119 = arith.constant 64 : i32
    %scan3A_120 = arith.addi %scan3A_118, %scan3A_119 : i32
    %scan3A_121 = arith.constant 1 : i32
    scf.for %scan3A_356 = %scan3A_118 to %scan3A_120 step %scan3A_121  : i32 {
      %broadcast_in_dim3A = arith.constant 0.000000e+00 : f32
      %broadcast_in_dim3A_357 = vector.broadcast %broadcast_in_dim3A : f32 to vector<16xf32>
      %swap3A = arith.constant 0 : i32
      %swap3A_358 = arith.index_cast %swap3A : i32 to index
      %swap3A_359 = arith.index_cast %scan3A_356 : i32 to index
      %swap3A_360 = arith.constant 0 : index
      %swap3A_361 = tpu.vector_load %arg6[%swap3A_358, %swap3A_359, %swap3A_360] {strides = array<i32>} : memref<5x64x128xf32, #tpu.memory_space<vmem>>, vector<1x1x16xf32>,
      %swap3A_362 = vector.shape_cast %swap3A_361 : vector<1x1x16xf32> to vector<16xf32>
      %swap3A_363 = vector.shape_cast %broadcast_in_dim3A_357 : vector<16xf32> to vector<1x1x16xf32>
      tpu.vector_store %arg6[%swap3A_358, %swap3A_359, %swap3A_360], %swap3A_363 {strides = array<i32>} : memref<5x64x128xf32, #tpu.memory_space<vmem>>, vector<1x1x16xf32>,
      %broadcast_in_dim3A_364 = arith.constant 0.000000e+00 : f32
      %broadcast_in_dim3A_365 = vector.broadcast %broadcast_in_dim3A_364 : f32 to vector<16xf32>
      %swap3A_366 = arith.constant 0 : i32
      %swap3A_367 = arith.index_cast %swap3A_366 : i32 to index
      %swap3A_368 = arith.index_cast %scan3A_356 : i32 to index
      %swap3A_369 = arith.constant 16 : index
      %swap3A_370 = tpu.vector_load %arg6[%swap3A_367, %swap3A_368, %swap3A_369] {strides = array<i32>} : memref<5x64x128xf32, #tpu.memory_space<vmem>>, vector<1x1x16xf32>,
      %swap3A_371 = vector.shape_cast %swap3A_370 : vector<1x1x16xf32> to vector<16xf32>
      %swap3A_372 = vector.shape_cast %broadcast_in_dim3A_365 : vector<16xf32> to vector<1x1x16xf32>
      tpu.vector_store %arg6[%swap3A_367, %swap3A_368, %swap3A_369], %swap3A_372 {strides = array<i32>} : memref<5x64x128xf32, #tpu.memory_space<vmem>>, vector<1x1x16xf32>,
      %broadcast_in_dim3A_373 = arith.constant 0.000000e+00 : f32
      %broadcast_in_dim3A_374 = vector.broadcast %broadcast_in_dim3A_373 : f32 to vector<16xf32>
      %swap3A_375 = arith.constant 0 : i32
      %swap3A_376 = arith.index_cast %swap3A_375 : i32 to index
      %swap3A_377 = arith.index_cast %scan3A_356 : i32 to index
      %swap3A_378 = arith.constant 32 : index
      %swap3A_379 = tpu.vector_load %arg6[%swap3A_376, %swap3A_377, %swap3A_378] {strides = array<i32>} : memref<5x64x128xf32, #tpu.memory_space<vmem>>, vector<1x1x16xf32>,
      %swap3A_380 = vector.shape_cast %swap3A_379 : vector<1x1x16xf32> to vector<16xf32>
      %swap3A_381 = vector.shape_cast %broadcast_in_dim3A_374 : vector<16xf32> to vector<1x1x16xf32>
      tpu.vector_store %arg6[%swap3A_376, %swap3A_377, %swap3A_378], %swap3A_381 {strides = array<i32>} : memref<5x64x128xf32, #tpu.memory_space<vmem>>, vector<1x1x16xf32>,
      %broadcast_in_dim3A_382 = arith.constant 0.000000e+00 : f32
      %broadcast_in_dim3A_383 = vector.broadcast %broadcast_in_dim3A_382 : f32 to vector<16xf32>
      %swap3A_384 = arith.constant 0 : i32
      %swap3A_385 = arith.index_cast %swap3A_384 : i32 to index
      %swap3A_386 = arith.index_cast %scan3A_356 : i32 to index
      %swap3A_387 = arith.constant 48 : index
      %swap3A_388 = tpu.vector_load %arg6[%swap3A_385, %swap3A_386, %swap3A_387] {strides = array<i32>} : memref<5x64x128xf32, #tpu.memory_space<vmem>>, vector<1x1x16xf32>,
      %swap3A_389 = vector.shape_cast %swap3A_388 : vector<1x1x16xf32> to vector<16xf32>
      %swap3A_390 = vector.shape_cast %broadcast_in_dim3A_383 : vector<16xf32> to vector<1x1x16xf32>
      tpu.vector_store %arg6[%swap3A_385, %swap3A_386, %swap3A_387], %swap3A_390 {strides = array<i32>} : memref<5x64x128xf32, #tpu.memory_space<vmem>>, vector<1x1x16xf32>,
      %broadcast_in_dim3A_391 = arith.constant 0.000000e+00 : f32
      %broadcast_in_dim3A_392 = vector.broadcast %broadcast_in_dim3A_391 : f32 to vector<16xf32>
      %swap3A_393 = arith.constant 0 : i32
      %swap3A_394 = arith.index_cast %swap3A_393 : i32 to index
      %swap3A_395 = arith.index_cast %scan3A_356 : i32 to index
      %swap3A_396 = arith.constant 64 : index
      %swap3A_397 = tpu.vector_load %arg6[%swap3A_394, %swap3A_395, %swap3A_396] {strides = array<i32>} : memref<5x64x128xf32, #tpu.memory_space<vmem>>, vector<1x1x16xf32>,
      %swap3A_398 = vector.shape_cast %swap3A_397 : vector<1x1x16xf32> to vector<16xf32>
      %swap3A_399 = vector.shape_cast %broadcast_in_dim3A_392 : vector<16xf32> to vector<1x1x16xf32>
      tpu.vector_store %arg6[%swap3A_394, %swap3A_395, %swap3A_396], %swap3A_399 {strides = array<i32>} : memref<5x64x128xf32, #tpu.memory_space<vmem>>, vector<1x1x16xf32>,
      %broadcast_in_dim3A_400 = arith.constant 0.000000e+00 : f32
      %broadcast_in_dim3A_401 = vector.broadcast %broadcast_in_dim3A_400 : f32 to vector<16xf32>
      %swap3A_402 = arith.constant 0 : i32
      %swap3A_403 = arith.index_cast %swap3A_402 : i32 to index
      %swap3A_404 = arith.index_cast %scan3A_356 : i32 to index
      %swap3A_405 = arith.constant 80 : index
      %swap3A_406 = tpu.vector_load %arg6[%swap3A_403, %swap3A_404, %swap3A_405] {strides = array<i32>} : memref<5x64x128xf32, #tpu.memory_space<vmem>>, vector<1x1x16xf32>,
      %swap3A_407 = vector.shape_cast %swap3A_406 : vector<1x1x16xf32> to vector<16xf32>
      %swap3A_408 = vector.shape_cast %broadcast_in_dim3A_401 : vector<16xf32> to vector<1x1x16xf32>
      tpu.vector_store %arg6[%swap3A_403, %swap3A_404, %swap3A_405], %swap3A_408 {strides = array<i32>} : memref<5x64x128xf32, #tpu.memory_space<vmem>>, vector<1x1x16xf32>,
      %broadcast_in_dim3A_409 = arith.constant 0.000000e+00 : f32
      %broadcast_in_dim3A_410 = vector.broadcast %broadcast_in_dim3A_409 : f32 to vector<16xf32>
      %swap3A_411 = arith.constant 0 : i32
      %swap3A_412 = arith.index_cast %swap3A_411 : i32 to index
      %swap3A_413 = arith.index_cast %scan3A_356 : i32 to index
      %swap3A_414 = arith.constant 96 : index
      %swap3A_415 = tpu.vector_load %arg6[%swap3A_412, %swap3A_413, %swap3A_414] {strides = array<i32>} : memref<5x64x128xf32, #tpu.memory_space<vmem>>, vector<1x1x16xf32>,
      %swap3A_416 = vector.shape_cast %swap3A_415 : vector<1x1x16xf32> to vector<16xf32>
      %swap3A_417 = vector.shape_cast %broadcast_in_dim3A_410 : vector<16xf32> to vector<1x1x16xf32>
      tpu.vector_store %arg6[%swap3A_412, %swap3A_413, %swap3A_414], %swap3A_417 {strides = array<i32>} : memref<5x64x128xf32, #tpu.memory_space<vmem>>, vector<1x1x16xf32>,
      %broadcast_in_dim3A_418 = arith.constant 0.000000e+00 : f32
      %broadcast_in_dim3A_419 = vector.broadcast %broadcast_in_dim3A_418 : f32 to vector<16xf32>
      %swap3A_420 = arith.constant 0 : i32
      %swap3A_421 = arith.index_cast %swap3A_420 : i32 to index
      %swap3A_422 = arith.index_cast %scan3A_356 : i32 to index
      %swap3A_423 = arith.constant 112 : index
      %swap3A_424 = tpu.vector_load %arg6[%swap3A_421, %swap3A_422, %swap3A_423] {strides = array<i32>} : memref<5x64x128xf32, #tpu.memory_space<vmem>>, vector<1x1x16xf32>,
      %swap3A_425 = vector.shape_cast %swap3A_424 : vector<1x1x16xf32> to vector<16xf32>
      %swap3A_426 = vector.shape_cast %broadcast_in_dim3A_419 : vector<16xf32> to vector<1x1x16xf32>
      tpu.vector_store %arg6[%swap3A_421, %swap3A_422, %swap3A_423], %swap3A_426 {strides = array<i32>} : memref<5x64x128xf32, #tpu.memory_space<vmem>>, vector<1x1x16xf32>,
    }
    %scan3A_122 = arith.constant 64 : i32
    %mul3A_123 = arith.constant 632 : i32
    %mul3A_124 = arith.muli %arg1, %mul3A_123 : i32
    %add3A_125 = arith.constant 0 : i32
    %add3A_126 = arith.addi %mul3A_124, %add3A_125 : i32
    %run_scoped3A = arith.constant 0 : i32
    "tpu.region"() ({
      %run_scoped3A_356 = tpu.sem_alloc : memref<!tpu.dma_semaphore, #tpu.memory_space<semaphore_mem>>
      %dma_start3A_357 = arith.constant 0 : i32
      %dma_start3A_358 = arith.constant 0 : i32
      %dma_start3A_359 = tpu.memref_slice %arg6[%run_scoped3A, %dma_start3A_357, %dma_start3A_358] : memref<5x64x128xf32, #tpu.memory_space<vmem>> -> memref<1x64x128xf32, #tpu.memory_space<vmem>>
      %dma_start3A_360 = tpu.memref_squeeze %dma_start3A_359 : memref<1x64x128xf32, #tpu.memory_space<vmem>> -> memref<64x128xf32, #tpu.memory_space<vmem>>
      %dma_start3A_361 = arith.constant 0 : i32
      %dma_start3A_362 = tpu.memref_slice %arg7[%add3A_126, %dma_start3A_361] : memref<10112x128xf32, #tpu.memory_space<vmem_shared>> -> memref<64x128xf32, #tpu.memory_space<vmem_shared>>
      %dma_start3A_363 = arith.constant 0 : i32
      %dma_start3A_364 = tpu.memref_slice %arg7[%add3A_126, %dma_start3A_363] : memref<10112x128xf32, #tpu.memory_space<vmem_shared>> -> memref<64x128xf32, #tpu.memory_space<vmem_shared>>
      %dma_start3A_365 = arith.constant 0 : i32
      %dma_start3A_366 = arith.constant 0 : i32
      %dma_start3A_367 = tpu.memref_slice %arg6[%run_scoped3A, %dma_start3A_365, %dma_start3A_366] : memref<5x64x128xf32, #tpu.memory_space<vmem>> -> memref<1x64x128xf32, #tpu.memory_space<vmem>>
      %dma_start3A_368 = tpu.memref_squeeze %dma_start3A_367 : memref<1x64x128xf32, #tpu.memory_space<vmem>> -> memref<64x128xf32, #tpu.memory_space<vmem>>
      tpu.enqueue_dma source(%dma_start3A_368 : memref<64x128xf32, #tpu.memory_space<vmem>>) target(%dma_start3A_364 : memref<64x128xf32, #tpu.memory_space<vmem_shared>>) target_semaphore(%run_scoped3A_356 : memref<!tpu.dma_semaphore, #tpu.memory_space<semaphore_mem>>)
      %dma_wait3A_369 = arith.constant 0 : i32
      %dma_wait3A_370 = arith.constant 0 : i32
      %dma_wait3A_371 = tpu.memref_slice %arg6[%run_scoped3A, %dma_wait3A_369, %dma_wait3A_370] : memref<5x64x128xf32, #tpu.memory_space<vmem>> -> memref<1x64x128xf32, #tpu.memory_space<vmem>>
      %dma_wait3A_372 = tpu.memref_squeeze %dma_wait3A_371 : memref<1x64x128xf32, #tpu.memory_space<vmem>> -> memref<64x128xf32, #tpu.memory_space<vmem>>
      %dma_wait3A_373 = arith.constant 0 : i32
      %dma_wait3A_374 = tpu.memref_slice %arg7[%add3A_126, %dma_wait3A_373] : memref<10112x128xf32, #tpu.memory_space<vmem_shared>> -> memref<64x128xf32, #tpu.memory_space<vmem_shared>>
      %dma_wait3A_375 = arith.constant 0 : i32
      %dma_wait3A_376 = tpu.memref_slice %arg7[%add3A_126, %dma_wait3A_375] : memref<10112x128xf32, #tpu.memory_space<vmem_shared>> -> memref<64x128xf32, #tpu.memory_space<vmem_shared>>
      %dma_wait3A_377 = arith.constant 0 : i32
      %dma_wait3A_378 = arith.constant 0 : i32
      %dma_wait3A_379 = tpu.memref_slice %arg6[%run_scoped3A, %dma_wait3A_377, %dma_wait3A_378] : memref<5x64x128xf32, #tpu.memory_space<vmem>> -> memref<1x64x128xf32, #tpu.memory_space<vmem>>
      %dma_wait3A_380 = tpu.memref_squeeze %dma_wait3A_379 : memref<1x64x128xf32, #tpu.memory_space<vmem>> -> memref<64x128xf32, #tpu.memory_space<vmem>>
      tpu.wait_dma2 semaphore(%run_scoped3A_356 : memref<!tpu.dma_semaphore, #tpu.memory_space<semaphore_mem>>) src(%dma_wait3A_380 : memref<64x128xf32, #tpu.memory_space<vmem>>) dst(%dma_wait3A_376 : memref<64x128xf32, #tpu.memory_space<vmem_shared>>)
      tpu.yield
    }) : () -> ()
    %mul3A_127 = arith.constant 632 : i32
    %mul3A_128 = arith.muli %arg1, %mul3A_127 : i32
    %add3A_129 = arith.constant 64 : i32
    %add3A_130 = arith.addi %mul3A_128, %add3A_129 : i32
    %run_scoped3A_131 = arith.constant 0 : i32
    "tpu.region"() ({
      %run_scoped3A_356 = tpu.sem_alloc : memref<!tpu.dma_semaphore, #tpu.memory_space<semaphore_mem>>
      %dma_start3A_357 = arith.constant 0 : i32
      %dma_start3A_358 = arith.constant 0 : i32
      %dma_start3A_359 = tpu.memref_slice %arg6[%run_scoped3A_131, %dma_start3A_357, %dma_start3A_358] : memref<5x64x128xf32, #tpu.memory_space<vmem>> -> memref<1x64x128xf32, #tpu.memory_space<vmem>>
      %dma_start3A_360 = tpu.memref_squeeze %dma_start3A_359 : memref<1x64x128xf32, #tpu.memory_space<vmem>> -> memref<64x128xf32, #tpu.memory_space<vmem>>
      %dma_start3A_361 = arith.constant 0 : i32
      %dma_start3A_362 = tpu.memref_slice %arg7[%add3A_130, %dma_start3A_361] : memref<10112x128xf32, #tpu.memory_space<vmem_shared>> -> memref<64x128xf32, #tpu.memory_space<vmem_shared>>
      %dma_start3A_363 = arith.constant 0 : i32
      %dma_start3A_364 = tpu.memref_slice %arg7[%add3A_130, %dma_start3A_363] : memref<10112x128xf32, #tpu.memory_space<vmem_shared>> -> memref<64x128xf32, #tpu.memory_space<vmem_shared>>
      %dma_start3A_365 = arith.constant 0 : i32
      %dma_start3A_366 = arith.constant 0 : i32
      %dma_start3A_367 = tpu.memref_slice %arg6[%run_scoped3A_131, %dma_start3A_365, %dma_start3A_366] : memref<5x64x128xf32, #tpu.memory_space<vmem>> -> memref<1x64x128xf32, #tpu.memory_space<vmem>>
      %dma_start3A_368 = tpu.memref_squeeze %dma_start3A_367 : memref<1x64x128xf32, #tpu.memory_space<vmem>> -> memref<64x128xf32, #tpu.memory_space<vmem>>
      tpu.enqueue_dma source(%dma_start3A_368 : memref<64x128xf32, #tpu.memory_space<vmem>>) target(%dma_start3A_364 : memref<64x128xf32, #tpu.memory_space<vmem_shared>>) target_semaphore(%run_scoped3A_356 : memref<!tpu.dma_semaphore, #tpu.memory_space<semaphore_mem>>)
      %dma_wait3A_369 = arith.constant 0 : i32
      %dma_wait3A_370 = arith.constant 0 : i32
      %dma_wait3A_371 = tpu.memref_slice %arg6[%run_scoped3A_131, %dma_wait3A_369, %dma_wait3A_370] : memref<5x64x128xf32, #tpu.memory_space<vmem>> -> memref<1x64x128xf32, #tpu.memory_space<vmem>>
      %dma_wait3A_372 = tpu.memref_squeeze %dma_wait3A_371 : memref<1x64x128xf32, #tpu.memory_space<vmem>> -> memref<64x128xf32, #tpu.memory_space<vmem>>
      %dma_wait3A_373 = arith.constant 0 : i32
      %dma_wait3A_374 = tpu.memref_slice %arg7[%add3A_130, %dma_wait3A_373] : memref<10112x128xf32, #tpu.memory_space<vmem_shared>> -> memref<64x128xf32, #tpu.memory_space<vmem_shared>>
      %dma_wait3A_375 = arith.constant 0 : i32
      %dma_wait3A_376 = tpu.memref_slice %arg7[%add3A_130, %dma_wait3A_375] : memref<10112x128xf32, #tpu.memory_space<vmem_shared>> -> memref<64x128xf32, #tpu.memory_space<vmem_shared>>
      %dma_wait3A_377 = arith.constant 0 : i32
      %dma_wait3A_378 = arith.constant 0 : i32
      %dma_wait3A_379 = tpu.memref_slice %arg6[%run_scoped3A_131, %dma_wait3A_377, %dma_wait3A_378] : memref<5x64x128xf32, #tpu.memory_space<vmem>> -> memref<1x64x128xf32, #tpu.memory_space<vmem>>
      %dma_wait3A_380 = tpu.memref_squeeze %dma_wait3A_379 : memref<1x64x128xf32, #tpu.memory_space<vmem>> -> memref<64x128xf32, #tpu.memory_space<vmem>>
      tpu.wait_dma2 semaphore(%run_scoped3A_356 : memref<!tpu.dma_semaphore, #tpu.memory_space<semaphore_mem>>) src(%dma_wait3A_380 : memref<64x128xf32, #tpu.memory_space<vmem>>) dst(%dma_wait3A_376 : memref<64x128xf32, #tpu.memory_space<vmem_shared>>)
      tpu.yield
    }) : () -> ()
    %mul3A_132 = arith.constant 632 : i32
    %mul3A_133 = arith.muli %arg1, %mul3A_132 : i32
    %add3A_134 = arith.constant 128 : i32
    %add3A_135 = arith.addi %mul3A_133, %add3A_134 : i32
    %run_scoped3A_136 = arith.constant 0 : i32
    "tpu.region"() ({
      %run_scoped3A_356 = tpu.sem_alloc : memref<!tpu.dma_semaphore, #tpu.memory_space<semaphore_mem>>
      %dma_start3A_357 = arith.constant 0 : i32
      %dma_start3A_358 = arith.constant 0 : i32
      %dma_start3A_359 = tpu.memref_slice %arg6[%run_scoped3A_136, %dma_start3A_357, %dma_start3A_358] : memref<5x64x128xf32, #tpu.memory_space<vmem>> -> memref<1x64x128xf32, #tpu.memory_space<vmem>>
      %dma_start3A_360 = tpu.memref_squeeze %dma_start3A_359 : memref<1x64x128xf32, #tpu.memory_space<vmem>> -> memref<64x128xf32, #tpu.memory_space<vmem>>
      %dma_start3A_361 = arith.constant 0 : i32
      %dma_start3A_362 = tpu.memref_slice %arg7[%add3A_135, %dma_start3A_361] : memref<10112x128xf32, #tpu.memory_space<vmem_shared>> -> memref<64x128xf32, #tpu.memory_space<vmem_shared>>
      %dma_start3A_363 = arith.constant 0 : i32
      %dma_start3A_364 = tpu.memref_slice %arg7[%add3A_135, %dma_start3A_363] : memref<10112x128xf32, #tpu.memory_space<vmem_shared>> -> memref<64x128xf32, #tpu.memory_space<vmem_shared>>
      %dma_start3A_365 = arith.constant 0 : i32
      %dma_start3A_366 = arith.constant 0 : i32
      %dma_start3A_367 = tpu.memref_slice %arg6[%run_scoped3A_136, %dma_start3A_365, %dma_start3A_366] : memref<5x64x128xf32, #tpu.memory_space<vmem>> -> memref<1x64x128xf32, #tpu.memory_space<vmem>>
      %dma_start3A_368 = tpu.memref_squeeze %dma_start3A_367 : memref<1x64x128xf32, #tpu.memory_space<vmem>> -> memref<64x128xf32, #tpu.memory_space<vmem>>
      tpu.enqueue_dma source(%dma_start3A_368 : memref<64x128xf32, #tpu.memory_space<vmem>>) target(%dma_start3A_364 : memref<64x128xf32, #tpu.memory_space<vmem_shared>>) target_semaphore(%run_scoped3A_356 : memref<!tpu.dma_semaphore, #tpu.memory_space<semaphore_mem>>)
      %dma_wait3A_369 = arith.constant 0 : i32
      %dma_wait3A_370 = arith.constant 0 : i32
      %dma_wait3A_371 = tpu.memref_slice %arg6[%run_scoped3A_136, %dma_wait3A_369, %dma_wait3A_370] : memref<5x64x128xf32, #tpu.memory_space<vmem>> -> memref<1x64x128xf32, #tpu.memory_space<vmem>>
      %dma_wait3A_372 = tpu.memref_squeeze %dma_wait3A_371 : memref<1x64x128xf32, #tpu.memory_space<vmem>> -> memref<64x128xf32, #tpu.memory_space<vmem>>
      %dma_wait3A_373 = arith.constant 0 : i32
      %dma_wait3A_374 = tpu.memref_slice %arg7[%add3A_135, %dma_wait3A_373] : memref<10112x128xf32, #tpu.memory_space<vmem_shared>> -> memref<64x128xf32, #tpu.memory_space<vmem_shared>>
      %dma_wait3A_375 = arith.constant 0 : i32
      %dma_wait3A_376 = tpu.memref_slice %arg7[%add3A_135, %dma_wait3A_375] : memref<10112x128xf32, #tpu.memory_space<vmem_shared>> -> memref<64x128xf32, #tpu.memory_space<vmem_shared>>
      %dma_wait3A_377 = arith.constant 0 : i32
      %dma_wait3A_378 = arith.constant 0 : i32
      %dma_wait3A_379 = tpu.memref_slice %arg6[%run_scoped3A_136, %dma_wait3A_377, %dma_wait3A_378] : memref<5x64x128xf32, #tpu.memory_space<vmem>> -> memref<1x64x128xf32, #tpu.memory_space<vmem>>
      %dma_wait3A_380 = tpu.memref_squeeze %dma_wait3A_379 : memref<1x64x128xf32, #tpu.memory_space<vmem>> -> memref<64x128xf32, #tpu.memory_space<vmem>>
      tpu.wait_dma2 semaphore(%run_scoped3A_356 : memref<!tpu.dma_semaphore, #tpu.memory_space<semaphore_mem>>) src(%dma_wait3A_380 : memref<64x128xf32, #tpu.memory_space<vmem>>) dst(%dma_wait3A_376 : memref<64x128xf32, #tpu.memory_space<vmem_shared>>)
      tpu.yield
    }) : () -> ()
    %mul3A_137 = arith.constant 632 : i32
    %mul3A_138 = arith.muli %arg1, %mul3A_137 : i32
    %add3A_139 = arith.constant 192 : i32
    %add3A_140 = arith.addi %mul3A_138, %add3A_139 : i32
    %run_scoped3A_141 = arith.constant 0 : i32
    "tpu.region"() ({
      %run_scoped3A_356 = tpu.sem_alloc : memref<!tpu.dma_semaphore, #tpu.memory_space<semaphore_mem>>
      %dma_start3A_357 = arith.constant 0 : i32
      %dma_start3A_358 = arith.constant 0 : i32
      %dma_start3A_359 = tpu.memref_slice %arg6[%run_scoped3A_141, %dma_start3A_357, %dma_start3A_358] : memref<5x64x128xf32, #tpu.memory_space<vmem>> -> memref<1x64x128xf32, #tpu.memory_space<vmem>>
      %dma_start3A_360 = tpu.memref_squeeze %dma_start3A_359 : memref<1x64x128xf32, #tpu.memory_space<vmem>> -> memref<64x128xf32, #tpu.memory_space<vmem>>
      %dma_start3A_361 = arith.constant 0 : i32
      %dma_start3A_362 = tpu.memref_slice %arg7[%add3A_140, %dma_start3A_361] : memref<10112x128xf32, #tpu.memory_space<vmem_shared>> -> memref<64x128xf32, #tpu.memory_space<vmem_shared>>
      %dma_start3A_363 = arith.constant 0 : i32
      %dma_start3A_364 = tpu.memref_slice %arg7[%add3A_140, %dma_start3A_363] : memref<10112x128xf32, #tpu.memory_space<vmem_shared>> -> memref<64x128xf32, #tpu.memory_space<vmem_shared>>
      %dma_start3A_365 = arith.constant 0 : i32
      %dma_start3A_366 = arith.constant 0 : i32
      %dma_start3A_367 = tpu.memref_slice %arg6[%run_scoped3A_141, %dma_start3A_365, %dma_start3A_366] : memref<5x64x128xf32, #tpu.memory_space<vmem>> -> memref<1x64x128xf32, #tpu.memory_space<vmem>>
      %dma_start3A_368 = tpu.memref_squeeze %dma_start3A_367 : memref<1x64x128xf32, #tpu.memory_space<vmem>> -> memref<64x128xf32, #tpu.memory_space<vmem>>
      tpu.enqueue_dma source(%dma_start3A_368 : memref<64x128xf32, #tpu.memory_space<vmem>>) target(%dma_start3A_364 : memref<64x128xf32, #tpu.memory_space<vmem_shared>>) target_semaphore(%run_scoped3A_356 : memref<!tpu.dma_semaphore, #tpu.memory_space<semaphore_mem>>)
      %dma_wait3A_369 = arith.constant 0 : i32
      %dma_wait3A_370 = arith.constant 0 : i32
      %dma_wait3A_371 = tpu.memref_slice %arg6[%run_scoped3A_141, %dma_wait3A_369, %dma_wait3A_370] : memref<5x64x128xf32, #tpu.memory_space<vmem>> -> memref<1x64x128xf32, #tpu.memory_space<vmem>>
      %dma_wait3A_372 = tpu.memref_squeeze %dma_wait3A_371 : memref<1x64x128xf32, #tpu.memory_space<vmem>> -> memref<64x128xf32, #tpu.memory_space<vmem>>
      %dma_wait3A_373 = arith.constant 0 : i32
      %dma_wait3A_374 = tpu.memref_slice %arg7[%add3A_140, %dma_wait3A_373] : memref<10112x128xf32, #tpu.memory_space<vmem_shared>> -> memref<64x128xf32, #tpu.memory_space<vmem_shared>>
      %dma_wait3A_375 = arith.constant 0 : i32
      %dma_wait3A_376 = tpu.memref_slice %arg7[%add3A_140, %dma_wait3A_375] : memref<10112x128xf32, #tpu.memory_space<vmem_shared>> -> memref<64x128xf32, #tpu.memory_space<vmem_shared>>
      %dma_wait3A_377 = arith.constant 0 : i32
      %dma_wait3A_378 = arith.constant 0 : i32
      %dma_wait3A_379 = tpu.memref_slice %arg6[%run_scoped3A_141, %dma_wait3A_377, %dma_wait3A_378] : memref<5x64x128xf32, #tpu.memory_space<vmem>> -> memref<1x64x128xf32, #tpu.memory_space<vmem>>
      %dma_wait3A_380 = tpu.memref_squeeze %dma_wait3A_379 : memref<1x64x128xf32, #tpu.memory_space<vmem>> -> memref<64x128xf32, #tpu.memory_space<vmem>>
      tpu.wait_dma2 semaphore(%run_scoped3A_356 : memref<!tpu.dma_semaphore, #tpu.memory_space<semaphore_mem>>) src(%dma_wait3A_380 : memref<64x128xf32, #tpu.memory_space<vmem>>) dst(%dma_wait3A_376 : memref<64x128xf32, #tpu.memory_space<vmem_shared>>)
      tpu.yield
    }) : () -> ()
    %mul3A_142 = arith.constant 632 : i32
    %mul3A_143 = arith.muli %arg1, %mul3A_142 : i32
    %add3A_144 = arith.constant 256 : i32
    %add3A_145 = arith.addi %mul3A_143, %add3A_144 : i32
    %run_scoped3A_146 = arith.constant 0 : i32
    "tpu.region"() ({
      %run_scoped3A_356 = tpu.sem_alloc : memref<!tpu.dma_semaphore, #tpu.memory_space<semaphore_mem>>
      %dma_start3A_357 = arith.constant 0 : i32
      %dma_start3A_358 = arith.constant 0 : i32
      %dma_start3A_359 = tpu.memref_slice %arg6[%run_scoped3A_146, %dma_start3A_357, %dma_start3A_358] : memref<5x64x128xf32, #tpu.memory_space<vmem>> -> memref<1x64x128xf32, #tpu.memory_space<vmem>>
      %dma_start3A_360 = tpu.memref_squeeze %dma_start3A_359 : memref<1x64x128xf32, #tpu.memory_space<vmem>> -> memref<64x128xf32, #tpu.memory_space<vmem>>
      %dma_start3A_361 = arith.constant 0 : i32
      %dma_start3A_362 = tpu.memref_slice %arg7[%add3A_145, %dma_start3A_361] : memref<10112x128xf32, #tpu.memory_space<vmem_shared>> -> memref<64x128xf32, #tpu.memory_space<vmem_shared>>
      %dma_start3A_363 = arith.constant 0 : i32
      %dma_start3A_364 = tpu.memref_slice %arg7[%add3A_145, %dma_start3A_363] : memref<10112x128xf32, #tpu.memory_space<vmem_shared>> -> memref<64x128xf32, #tpu.memory_space<vmem_shared>>
      %dma_start3A_365 = arith.constant 0 : i32
      %dma_start3A_366 = arith.constant 0 : i32
      %dma_start3A_367 = tpu.memref_slice %arg6[%run_scoped3A_146, %dma_start3A_365, %dma_start3A_366] : memref<5x64x128xf32, #tpu.memory_space<vmem>> -> memref<1x64x128xf32, #tpu.memory_space<vmem>>
      %dma_start3A_368 = tpu.memref_squeeze %dma_start3A_367 : memref<1x64x128xf32, #tpu.memory_space<vmem>> -> memref<64x128xf32, #tpu.memory_space<vmem>>
      tpu.enqueue_dma source(%dma_start3A_368 : memref<64x128xf32, #tpu.memory_space<vmem>>) target(%dma_start3A_364 : memref<64x128xf32, #tpu.memory_space<vmem_shared>>) target_semaphore(%run_scoped3A_356 : memref<!tpu.dma_semaphore, #tpu.memory_space<semaphore_mem>>)
      %dma_wait3A_369 = arith.constant 0 : i32
      %dma_wait3A_370 = arith.constant 0 : i32
      %dma_wait3A_371 = tpu.memref_slice %arg6[%run_scoped3A_146, %dma_wait3A_369, %dma_wait3A_370] : memref<5x64x128xf32, #tpu.memory_space<vmem>> -> memref<1x64x128xf32, #tpu.memory_space<vmem>>
      %dma_wait3A_372 = tpu.memref_squeeze %dma_wait3A_371 : memref<1x64x128xf32, #tpu.memory_space<vmem>> -> memref<64x128xf32, #tpu.memory_space<vmem>>
      %dma_wait3A_373 = arith.constant 0 : i32
      %dma_wait3A_374 = tpu.memref_slice %arg7[%add3A_145, %dma_wait3A_373] : memref<10112x128xf32, #tpu.memory_space<vmem_shared>> -> memref<64x128xf32, #tpu.memory_space<vmem_shared>>
      %dma_wait3A_375 = arith.constant 0 : i32
      %dma_wait3A_376 = tpu.memref_slice %arg7[%add3A_145, %dma_wait3A_375] : memref<10112x128xf32, #tpu.memory_space<vmem_shared>> -> memref<64x128xf32, #tpu.memory_space<vmem_shared>>
      %dma_wait3A_377 = arith.constant 0 : i32
      %dma_wait3A_378 = arith.constant 0 : i32
      %dma_wait3A_379 = tpu.memref_slice %arg6[%run_scoped3A_146, %dma_wait3A_377, %dma_wait3A_378] : memref<5x64x128xf32, #tpu.memory_space<vmem>> -> memref<1x64x128xf32, #tpu.memory_space<vmem>>
      %dma_wait3A_380 = tpu.memref_squeeze %dma_wait3A_379 : memref<1x64x128xf32, #tpu.memory_space<vmem>> -> memref<64x128xf32, #tpu.memory_space<vmem>>
      tpu.wait_dma2 semaphore(%run_scoped3A_356 : memref<!tpu.dma_semaphore, #tpu.memory_space<semaphore_mem>>) src(%dma_wait3A_380 : memref<64x128xf32, #tpu.memory_space<vmem>>) dst(%dma_wait3A_376 : memref<64x128xf32, #tpu.memory_space<vmem_shared>>)
      tpu.yield
    }) : () -> ()
    %mul3A_147 = arith.constant 632 : i32
    %mul3A_148 = arith.muli %arg1, %mul3A_147 : i32
    %add3A_149 = arith.constant 320 : i32
    %add3A_150 = arith.addi %mul3A_148, %add3A_149 : i32
    %run_scoped3A_151 = arith.constant 0 : i32
    "tpu.region"() ({
      %run_scoped3A_356 = tpu.sem_alloc : memref<!tpu.dma_semaphore, #tpu.memory_space<semaphore_mem>>
      %dma_start3A_357 = arith.constant 0 : i32
      %dma_start3A_358 = arith.constant 0 : i32
      %dma_start3A_359 = tpu.memref_slice %arg6[%run_scoped3A_151, %dma_start3A_357, %dma_start3A_358] : memref<5x64x128xf32, #tpu.memory_space<vmem>> -> memref<1x64x128xf32, #tpu.memory_space<vmem>>
      %dma_start3A_360 = tpu.memref_squeeze %dma_start3A_359 : memref<1x64x128xf32, #tpu.memory_space<vmem>> -> memref<64x128xf32, #tpu.memory_space<vmem>>
      %dma_start3A_361 = arith.constant 0 : i32
      %dma_start3A_362 = tpu.memref_slice %arg7[%add3A_150, %dma_start3A_361] : memref<10112x128xf32, #tpu.memory_space<vmem_shared>> -> memref<64x128xf32, #tpu.memory_space<vmem_shared>>
      %dma_start3A_363 = arith.constant 0 : i32
      %dma_start3A_364 = tpu.memref_slice %arg7[%add3A_150, %dma_start3A_363] : memref<10112x128xf32, #tpu.memory_space<vmem_shared>> -> memref<64x128xf32, #tpu.memory_space<vmem_shared>>
      %dma_start3A_365 = arith.constant 0 : i32
      %dma_start3A_366 = arith.constant 0 : i32
      %dma_start3A_367 = tpu.memref_slice %arg6[%run_scoped3A_151, %dma_start3A_365, %dma_start3A_366] : memref<5x64x128xf32, #tpu.memory_space<vmem>> -> memref<1x64x128xf32, #tpu.memory_space<vmem>>
      %dma_start3A_368 = tpu.memref_squeeze %dma_start3A_367 : memref<1x64x128xf32, #tpu.memory_space<vmem>> -> memref<64x128xf32, #tpu.memory_space<vmem>>
      tpu.enqueue_dma source(%dma_start3A_368 : memref<64x128xf32, #tpu.memory_space<vmem>>) target(%dma_start3A_364 : memref<64x128xf32, #tpu.memory_space<vmem_shared>>) target_semaphore(%run_scoped3A_356 : memref<!tpu.dma_semaphore, #tpu.memory_space<semaphore_mem>>)
      %dma_wait3A_369 = arith.constant 0 : i32
      %dma_wait3A_370 = arith.constant 0 : i32
      %dma_wait3A_371 = tpu.memref_slice %arg6[%run_scoped3A_151, %dma_wait3A_369, %dma_wait3A_370] : memref<5x64x128xf32, #tpu.memory_space<vmem>> -> memref<1x64x128xf32, #tpu.memory_space<vmem>>
      %dma_wait3A_372 = tpu.memref_squeeze %dma_wait3A_371 : memref<1x64x128xf32, #tpu.memory_space<vmem>> -> memref<64x128xf32, #tpu.memory_space<vmem>>
      %dma_wait3A_373 = arith.constant 0 : i32
      %dma_wait3A_374 = tpu.memref_slice %arg7[%add3A_150, %dma_wait3A_373] : memref<10112x128xf32, #tpu.memory_space<vmem_shared>> -> memref<64x128xf32, #tpu.memory_space<vmem_shared>>
      %dma_wait3A_375 = arith.constant 0 : i32
      %dma_wait3A_376 = tpu.memref_slice %arg7[%add3A_150, %dma_wait3A_375] : memref<10112x128xf32, #tpu.memory_space<vmem_shared>> -> memref<64x128xf32, #tpu.memory_space<vmem_shared>>
      %dma_wait3A_377 = arith.constant 0 : i32
      %dma_wait3A_378 = arith.constant 0 : i32
      %dma_wait3A_379 = tpu.memref_slice %arg6[%run_scoped3A_151, %dma_wait3A_377, %dma_wait3A_378] : memref<5x64x128xf32, #tpu.memory_space<vmem>> -> memref<1x64x128xf32, #tpu.memory_space<vmem>>
      %dma_wait3A_380 = tpu.memref_squeeze %dma_wait3A_379 : memref<1x64x128xf32, #tpu.memory_space<vmem>> -> memref<64x128xf32, #tpu.memory_space<vmem>>
      tpu.wait_dma2 semaphore(%run_scoped3A_356 : memref<!tpu.dma_semaphore, #tpu.memory_space<semaphore_mem>>) src(%dma_wait3A_380 : memref<64x128xf32, #tpu.memory_space<vmem>>) dst(%dma_wait3A_376 : memref<64x128xf32, #tpu.memory_space<vmem_shared>>)
      tpu.yield
    }) : () -> ()
    %mul3A_152 = arith.constant 632 : i32
    %mul3A_153 = arith.muli %arg1, %mul3A_152 : i32
    %add3A_154 = arith.constant 384 : i32
    %add3A_155 = arith.addi %mul3A_153, %add3A_154 : i32
    %run_scoped3A_156 = arith.constant 0 : i32
    "tpu.region"() ({
      %run_scoped3A_356 = tpu.sem_alloc : memref<!tpu.dma_semaphore, #tpu.memory_space<semaphore_mem>>
      %dma_start3A_357 = arith.constant 0 : i32
      %dma_start3A_358 = arith.constant 0 : i32
      %dma_start3A_359 = tpu.memref_slice %arg6[%run_scoped3A_156, %dma_start3A_357, %dma_start3A_358] : memref<5x64x128xf32, #tpu.memory_space<vmem>> -> memref<1x64x128xf32, #tpu.memory_space<vmem>>
      %dma_start3A_360 = tpu.memref_squeeze %dma_start3A_359 : memref<1x64x128xf32, #tpu.memory_space<vmem>> -> memref<64x128xf32, #tpu.memory_space<vmem>>
      %dma_start3A_361 = arith.constant 0 : i32
      %dma_start3A_362 = tpu.memref_slice %arg7[%add3A_155, %dma_start3A_361] : memref<10112x128xf32, #tpu.memory_space<vmem_shared>> -> memref<64x128xf32, #tpu.memory_space<vmem_shared>>
      %dma_start3A_363 = arith.constant 0 : i32
      %dma_start3A_364 = tpu.memref_slice %arg7[%add3A_155, %dma_start3A_363] : memref<10112x128xf32, #tpu.memory_space<vmem_shared>> -> memref<64x128xf32, #tpu.memory_space<vmem_shared>>
      %dma_start3A_365 = arith.constant 0 : i32
      %dma_start3A_366 = arith.constant 0 : i32
      %dma_start3A_367 = tpu.memref_slice %arg6[%run_scoped3A_156, %dma_start3A_365, %dma_start3A_366] : memref<5x64x128xf32, #tpu.memory_space<vmem>> -> memref<1x64x128xf32, #tpu.memory_space<vmem>>
      %dma_start3A_368 = tpu.memref_squeeze %dma_start3A_367 : memref<1x64x128xf32, #tpu.memory_space<vmem>> -> memref<64x128xf32, #tpu.memory_space<vmem>>
      tpu.enqueue_dma source(%dma_start3A_368 : memref<64x128xf32, #tpu.memory_space<vmem>>) target(%dma_start3A_364 : memref<64x128xf32, #tpu.memory_space<vmem_shared>>) target_semaphore(%run_scoped3A_356 : memref<!tpu.dma_semaphore, #tpu.memory_space<semaphore_mem>>)
      %dma_wait3A_369 = arith.constant 0 : i32
      %dma_wait3A_370 = arith.constant 0 : i32
      %dma_wait3A_371 = tpu.memref_slice %arg6[%run_scoped3A_156, %dma_wait3A_369, %dma_wait3A_370] : memref<5x64x128xf32, #tpu.memory_space<vmem>> -> memref<1x64x128xf32, #tpu.memory_space<vmem>>
      %dma_wait3A_372 = tpu.memref_squeeze %dma_wait3A_371 : memref<1x64x128xf32, #tpu.memory_space<vmem>> -> memref<64x128xf32, #tpu.memory_space<vmem>>
      %dma_wait3A_373 = arith.constant 0 : i32
      %dma_wait3A_374 = tpu.memref_slice %arg7[%add3A_155, %dma_wait3A_373] : memref<10112x128xf32, #tpu.memory_space<vmem_shared>> -> memref<64x128xf32, #tpu.memory_space<vmem_shared>>
      %dma_wait3A_375 = arith.constant 0 : i32
      %dma_wait3A_376 = tpu.memref_slice %arg7[%add3A_155, %dma_wait3A_375] : memref<10112x128xf32, #tpu.memory_space<vmem_shared>> -> memref<64x128xf32, #tpu.memory_space<vmem_shared>>
      %dma_wait3A_377 = arith.constant 0 : i32
      %dma_wait3A_378 = arith.constant 0 : i32
      %dma_wait3A_379 = tpu.memref_slice %arg6[%run_scoped3A_156, %dma_wait3A_377, %dma_wait3A_378] : memref<5x64x128xf32, #tpu.memory_space<vmem>> -> memref<1x64x128xf32, #tpu.memory_space<vmem>>
      %dma_wait3A_380 = tpu.memref_squeeze %dma_wait3A_379 : memref<1x64x128xf32, #tpu.memory_space<vmem>> -> memref<64x128xf32, #tpu.memory_space<vmem>>
      tpu.wait_dma2 semaphore(%run_scoped3A_356 : memref<!tpu.dma_semaphore, #tpu.memory_space<semaphore_mem>>) src(%dma_wait3A_380 : memref<64x128xf32, #tpu.memory_space<vmem>>) dst(%dma_wait3A_376 : memref<64x128xf32, #tpu.memory_space<vmem_shared>>)
      tpu.yield
    }) : () -> ()
    %mul3A_157 = arith.constant 632 : i32
    %mul3A_158 = arith.muli %arg1, %mul3A_157 : i32
    %add3A_159 = arith.constant 448 : i32
    %add3A_160 = arith.addi %mul3A_158, %add3A_159 : i32
    %run_scoped3A_161 = arith.constant 0 : i32
    "tpu.region"() ({
      %run_scoped3A_356 = tpu.sem_alloc : memref<!tpu.dma_semaphore, #tpu.memory_space<semaphore_mem>>
      %dma_start3A_357 = arith.constant 0 : i32
      %dma_start3A_358 = arith.constant 0 : i32
      %dma_start3A_359 = tpu.memref_slice %arg6[%run_scoped3A_161, %dma_start3A_357, %dma_start3A_358] : memref<5x64x128xf32, #tpu.memory_space<vmem>> -> memref<1x64x128xf32, #tpu.memory_space<vmem>>
      %dma_start3A_360 = tpu.memref_squeeze %dma_start3A_359 : memref<1x64x128xf32, #tpu.memory_space<vmem>> -> memref<64x128xf32, #tpu.memory_space<vmem>>
      %dma_start3A_361 = arith.constant 0 : i32
      %dma_start3A_362 = tpu.memref_slice %arg7[%add3A_160, %dma_start3A_361] : memref<10112x128xf32, #tpu.memory_space<vmem_shared>> -> memref<64x128xf32, #tpu.memory_space<vmem_shared>>
      %dma_start3A_363 = arith.constant 0 : i32
      %dma_start3A_364 = tpu.memref_slice %arg7[%add3A_160, %dma_start3A_363] : memref<10112x128xf32, #tpu.memory_space<vmem_shared>> -> memref<64x128xf32, #tpu.memory_space<vmem_shared>>
      %dma_start3A_365 = arith.constant 0 : i32
      %dma_start3A_366 = arith.constant 0 : i32
      %dma_start3A_367 = tpu.memref_slice %arg6[%run_scoped3A_161, %dma_start3A_365, %dma_start3A_366] : memref<5x64x128xf32, #tpu.memory_space<vmem>> -> memref<1x64x128xf32, #tpu.memory_space<vmem>>
      %dma_start3A_368 = tpu.memref_squeeze %dma_start3A_367 : memref<1x64x128xf32, #tpu.memory_space<vmem>> -> memref<64x128xf32, #tpu.memory_space<vmem>>
      tpu.enqueue_dma source(%dma_start3A_368 : memref<64x128xf32, #tpu.memory_space<vmem>>) target(%dma_start3A_364 : memref<64x128xf32, #tpu.memory_space<vmem_shared>>) target_semaphore(%run_scoped3A_356 : memref<!tpu.dma_semaphore, #tpu.memory_space<semaphore_mem>>)
      %dma_wait3A_369 = arith.constant 0 : i32
      %dma_wait3A_370 = arith.constant 0 : i32
      %dma_wait3A_371 = tpu.memref_slice %arg6[%run_scoped3A_161, %dma_wait3A_369, %dma_wait3A_370] : memref<5x64x128xf32, #tpu.memory_space<vmem>> -> memref<1x64x128xf32, #tpu.memory_space<vmem>>
      %dma_wait3A_372 = tpu.memref_squeeze %dma_wait3A_371 : memref<1x64x128xf32, #tpu.memory_space<vmem>> -> memref<64x128xf32, #tpu.memory_space<vmem>>
      %dma_wait3A_373 = arith.constant 0 : i32
      %dma_wait3A_374 = tpu.memref_slice %arg7[%add3A_160, %dma_wait3A_373] : memref<10112x128xf32, #tpu.memory_space<vmem_shared>> -> memref<64x128xf32, #tpu.memory_space<vmem_shared>>
      %dma_wait3A_375 = arith.constant 0 : i32
      %dma_wait3A_376 = tpu.memref_slice %arg7[%add3A_160, %dma_wait3A_375] : memref<10112x128xf32, #tpu.memory_space<vmem_shared>> -> memref<64x128xf32, #tpu.memory_space<vmem_shared>>
      %dma_wait3A_377 = arith.constant 0 : i32
      %dma_wait3A_378 = arith.constant 0 : i32
      %dma_wait3A_379 = tpu.memref_slice %arg6[%run_scoped3A_161, %dma_wait3A_377, %dma_wait3A_378] : memref<5x64x128xf32, #tpu.memory_space<vmem>> -> memref<1x64x128xf32, #tpu.memory_space<vmem>>
      %dma_wait3A_380 = tpu.memref_squeeze %dma_wait3A_379 : memref<1x64x128xf32, #tpu.memory_space<vmem>> -> memref<64x128xf32, #tpu.memory_space<vmem>>
      tpu.wait_dma2 semaphore(%run_scoped3A_356 : memref<!tpu.dma_semaphore, #tpu.memory_space<semaphore_mem>>) src(%dma_wait3A_380 : memref<64x128xf32, #tpu.memory_space<vmem>>) dst(%dma_wait3A_376 : memref<64x128xf32, #tpu.memory_space<vmem_shared>>)
      tpu.yield
    }) : () -> ()
    %mul3A_162 = arith.constant 632 : i32
    %mul3A_163 = arith.muli %arg1, %mul3A_162 : i32
    %add3A_164 = arith.constant 512 : i32
    %add3A_165 = arith.addi %mul3A_163, %add3A_164 : i32
    %run_scoped3A_166 = arith.constant 0 : i32
    "tpu.region"() ({
      %run_scoped3A_356 = tpu.sem_alloc : memref<!tpu.dma_semaphore, #tpu.memory_space<semaphore_mem>>
      %dma_start3A_357 = arith.constant 0 : i32
      %dma_start3A_358 = arith.constant 0 : i32
      %dma_start3A_359 = tpu.memref_slice %arg6[%run_scoped3A_166, %dma_start3A_357, %dma_start3A_358] : memref<5x64x128xf32, #tpu.memory_space<vmem>> -> memref<1x64x128xf32, #tpu.memory_space<vmem>>
      %dma_start3A_360 = tpu.memref_squeeze %dma_start3A_359 : memref<1x64x128xf32, #tpu.memory_space<vmem>> -> memref<64x128xf32, #tpu.memory_space<vmem>>
      %dma_start3A_361 = arith.constant 0 : i32
      %dma_start3A_362 = tpu.memref_slice %arg7[%add3A_165, %dma_start3A_361] : memref<10112x128xf32, #tpu.memory_space<vmem_shared>> -> memref<64x128xf32, #tpu.memory_space<vmem_shared>>
      %dma_start3A_363 = arith.constant 0 : i32
      %dma_start3A_364 = tpu.memref_slice %arg7[%add3A_165, %dma_start3A_363] : memref<10112x128xf32, #tpu.memory_space<vmem_shared>> -> memref<64x128xf32, #tpu.memory_space<vmem_shared>>
      %dma_start3A_365 = arith.constant 0 : i32
      %dma_start3A_366 = arith.constant 0 : i32
      %dma_start3A_367 = tpu.memref_slice %arg6[%run_scoped3A_166, %dma_start3A_365, %dma_start3A_366] : memref<5x64x128xf32, #tpu.memory_space<vmem>> -> memref<1x64x128xf32, #tpu.memory_space<vmem>>
      %dma_start3A_368 = tpu.memref_squeeze %dma_start3A_367 : memref<1x64x128xf32, #tpu.memory_space<vmem>> -> memref<64x128xf32, #tpu.memory_space<vmem>>
      tpu.enqueue_dma source(%dma_start3A_368 : memref<64x128xf32, #tpu.memory_space<vmem>>) target(%dma_start3A_364 : memref<64x128xf32, #tpu.memory_space<vmem_shared>>) target_semaphore(%run_scoped3A_356 : memref<!tpu.dma_semaphore, #tpu.memory_space<semaphore_mem>>)
      %dma_wait3A_369 = arith.constant 0 : i32
      %dma_wait3A_370 = arith.constant 0 : i32
      %dma_wait3A_371 = tpu.memref_slice %arg6[%run_scoped3A_166, %dma_wait3A_369, %dma_wait3A_370] : memref<5x64x128xf32, #tpu.memory_space<vmem>> -> memref<1x64x128xf32, #tpu.memory_space<vmem>>
      %dma_wait3A_372 = tpu.memref_squeeze %dma_wait3A_371 : memref<1x64x128xf32, #tpu.memory_space<vmem>> -> memref<64x128xf32, #tpu.memory_space<vmem>>
      %dma_wait3A_373 = arith.constant 0 : i32
      %dma_wait3A_374 = tpu.memref_slice %arg7[%add3A_165, %dma_wait3A_373] : memref<10112x128xf32, #tpu.memory_space<vmem_shared>> -> memref<64x128xf32, #tpu.memory_space<vmem_shared>>
      %dma_wait3A_375 = arith.constant 0 : i32
      %dma_wait3A_376 = tpu.memref_slice %arg7[%add3A_165, %dma_wait3A_375] : memref<10112x128xf32, #tpu.memory_space<vmem_shared>> -> memref<64x128xf32, #tpu.memory_space<vmem_shared>>
      %dma_wait3A_377 = arith.constant 0 : i32
      %dma_wait3A_378 = arith.constant 0 : i32
      %dma_wait3A_379 = tpu.memref_slice %arg6[%run_scoped3A_166, %dma_wait3A_377, %dma_wait3A_378] : memref<5x64x128xf32, #tpu.memory_space<vmem>> -> memref<1x64x128xf32, #tpu.memory_space<vmem>>
      %dma_wait3A_380 = tpu.memref_squeeze %dma_wait3A_379 : memref<1x64x128xf32, #tpu.memory_space<vmem>> -> memref<64x128xf32, #tpu.memory_space<vmem>>
      tpu.wait_dma2 semaphore(%run_scoped3A_356 : memref<!tpu.dma_semaphore, #tpu.memory_space<semaphore_mem>>) src(%dma_wait3A_380 : memref<64x128xf32, #tpu.memory_space<vmem>>) dst(%dma_wait3A_376 : memref<64x128xf32, #tpu.memory_space<vmem_shared>>)
      tpu.yield
    }) : () -> ()
    %mul3A_167 = arith.constant 632 : i32
    %mul3A_168 = arith.muli %arg1, %mul3A_167 : i32
    %add3A_169 = arith.constant 576 : i32
    %add3A_170 = arith.addi %mul3A_168, %add3A_169 : i32
    %run_scoped3A_171 = arith.constant 0 : i32
    "tpu.region"() ({
      %run_scoped3A_356 = tpu.sem_alloc : memref<!tpu.dma_semaphore, #tpu.memory_space<semaphore_mem>>
      %dma_start3A_357 = arith.constant 0 : i32
      %dma_start3A_358 = arith.constant 0 : i32
      %dma_start3A_359 = tpu.memref_slice %arg6[%run_scoped3A_171, %dma_start3A_357, %dma_start3A_358] : memref<5x64x128xf32, #tpu.memory_space<vmem>> -> memref<1x56x128xf32, #tpu.memory_space<vmem>>
      %dma_start3A_360 = tpu.memref_squeeze %dma_start3A_359 : memref<1x56x128xf32, #tpu.memory_space<vmem>> -> memref<56x128xf32, #tpu.memory_space<vmem>>
      %dma_start3A_361 = arith.constant 0 : i32
      %dma_start3A_362 = tpu.memref_slice %arg7[%add3A_170, %dma_start3A_361] : memref<10112x128xf32, #tpu.memory_space<vmem_shared>> -> memref<56x128xf32, #tpu.memory_space<vmem_shared>>
      %dma_start3A_363 = arith.constant 0 : i32
      %dma_start3A_364 = tpu.memref_slice %arg7[%add3A_170, %dma_start3A_363] : memref<10112x128xf32, #tpu.memory_space<vmem_shared>> -> memref<56x128xf32, #tpu.memory_space<vmem_shared>>
      %dma_start3A_365 = arith.constant 0 : i32
      %dma_start3A_366 = arith.constant 0 : i32
      %dma_start3A_367 = tpu.memref_slice %arg6[%run_scoped3A_171, %dma_start3A_365, %dma_start3A_366] : memref<5x64x128xf32, #tpu.memory_space<vmem>> -> memref<1x56x128xf32, #tpu.memory_space<vmem>>
      %dma_start3A_368 = tpu.memref_squeeze %dma_start3A_367 : memref<1x56x128xf32, #tpu.memory_space<vmem>> -> memref<56x128xf32, #tpu.memory_space<vmem>>
      tpu.enqueue_dma source(%dma_start3A_368 : memref<56x128xf32, #tpu.memory_space<vmem>>) target(%dma_start3A_364 : memref<56x128xf32, #tpu.memory_space<vmem_shared>>) target_semaphore(%run_scoped3A_356 : memref<!tpu.dma_semaphore, #tpu.memory_space<semaphore_mem>>)
      %dma_wait3A_369 = arith.constant 0 : i32
      %dma_wait3A_370 = arith.constant 0 : i32
      %dma_wait3A_371 = tpu.memref_slice %arg6[%run_scoped3A_171, %dma_wait3A_369, %dma_wait3A_370] : memref<5x64x128xf32, #tpu.memory_space<vmem>> -> memref<1x56x128xf32, #tpu.memory_space<vmem>>
      %dma_wait3A_372 = tpu.memref_squeeze %dma_wait3A_371 : memref<1x56x128xf32, #tpu.memory_space<vmem>> -> memref<56x128xf32, #tpu.memory_space<vmem>>
      %dma_wait3A_373 = arith.constant 0 : i32
      %dma_wait3A_374 = tpu.memref_slice %arg7[%add3A_170, %dma_wait3A_373] : memref<10112x128xf32, #tpu.memory_space<vmem_shared>> -> memref<56x128xf32, #tpu.memory_space<vmem_shared>>
      %dma_wait3A_375 = arith.constant 0 : i32
      %dma_wait3A_376 = tpu.memref_slice %arg7[%add3A_170, %dma_wait3A_375] : memref<10112x128xf32, #tpu.memory_space<vmem_shared>> -> memref<56x128xf32, #tpu.memory_space<vmem_shared>>
      %dma_wait3A_377 = arith.constant 0 : i32
      %dma_wait3A_378 = arith.constant 0 : i32
      %dma_wait3A_379 = tpu.memref_slice %arg6[%run_scoped3A_171, %dma_wait3A_377, %dma_wait3A_378] : memref<5x64x128xf32, #tpu.memory_space<vmem>> -> memref<1x56x128xf32, #tpu.memory_space<vmem>>
      %dma_wait3A_380 = tpu.memref_squeeze %dma_wait3A_379 : memref<1x56x128xf32, #tpu.memory_space<vmem>> -> memref<56x128xf32, #tpu.memory_space<vmem>>
      tpu.wait_dma2 semaphore(%run_scoped3A_356 : memref<!tpu.dma_semaphore, #tpu.memory_space<semaphore_mem>>) src(%dma_wait3A_380 : memref<56x128xf32, #tpu.memory_space<vmem>>) dst(%dma_wait3A_376 : memref<56x128xf32, #tpu.memory_space<vmem_shared>>)
      tpu.yield
    }) : () -> ()
    %barrier3A = arith.constant 0 : index
    tpu.barrier barrier_id(%barrier3A)
    %add3A_172 = arith.constant 0 : i32
    %add3A_173 = arith.addi %select_n3A_8, %add3A_172 : i32
    %dma_wait3A = arith.constant 0 : i32
    %dma_wait3A_174 = arith.constant 0 : i32
    %dma_wait3A_175 = arith.constant 0 : i32
    %dma_wait3A_176 = arith.constant 0 : i32
    %dma_wait3A_177 = tpu.memref_slice %arg5[%dma_wait3A, %dma_wait3A_175, %dma_wait3A_176] : memref<6x2x64xi32, #tpu.memory_space<vmem>> -> memref<1x2x64xi32, #tpu.memory_space<vmem>>
    %dma_wait3A_178 = tpu.memref_squeeze %dma_wait3A_177 : memref<1x2x64xi32, #tpu.memory_space<vmem>> -> memref<2x64xi32, #tpu.memory_space<vmem>>
    %dma_wait3A_179 = arith.constant 0 : i32
    %dma_wait3A_180 = arith.constant 0 : i32
    %dma_wait3A_181 = tpu.memref_slice %arg3[%add3A_173, %dma_wait3A_179, %dma_wait3A_180] : memref<5024x2x64xi32, #tpu.memory_space<hbm>> -> memref<1x2x64xi32, #tpu.memory_space<hbm>>
    %dma_wait3A_182 = tpu.memref_squeeze %dma_wait3A_181 : memref<1x2x64xi32, #tpu.memory_space<hbm>> -> memref<2x64xi32, #tpu.memory_space<hbm>>
    %dma_wait3A_183 = tpu.memref_slice %arg8[%dma_wait3A_174] : memref<6x!tpu.dma_semaphore, #tpu.memory_space<semaphore_mem>> -> memref<1x!tpu.dma_semaphore, #tpu.memory_space<semaphore_mem>>
    %dma_wait3A_184 = tpu.memref_squeeze %dma_wait3A_183 : memref<1x!tpu.dma_semaphore, #tpu.memory_space<semaphore_mem>> -> memref<!tpu.dma_semaphore, #tpu.memory_space<semaphore_mem>>
    %dma_wait3A_185 = arith.constant 0 : i32
    %dma_wait3A_186 = arith.constant 0 : i32
    %dma_wait3A_187 = tpu.memref_slice %arg5[%dma_wait3A, %dma_wait3A_185, %dma_wait3A_186] : memref<6x2x64xi32, #tpu.memory_space<vmem>> -> memref<1x2x64xi32, #tpu.memory_space<vmem>>
    %dma_wait3A_188 = tpu.memref_squeeze %dma_wait3A_187 : memref<1x2x64xi32, #tpu.memory_space<vmem>> -> memref<2x64xi32, #tpu.memory_space<vmem>>
    %dma_wait3A_189 = arith.constant 0 : i32
    %dma_wait3A_190 = arith.constant 0 : i32
    %dma_wait3A_191 = tpu.memref_slice %arg3[%add3A_173, %dma_wait3A_189, %dma_wait3A_190] : memref<5024x2x64xi32, #tpu.memory_space<hbm>> -> memref<1x2x64xi32, #tpu.memory_space<hbm>>
    %dma_wait3A_192 = tpu.memref_squeeze %dma_wait3A_191 : memref<1x2x64xi32, #tpu.memory_space<hbm>> -> memref<2x64xi32, #tpu.memory_space<hbm>>
    tpu.wait_dma2 semaphore(%dma_wait3A_184 : memref<!tpu.dma_semaphore, #tpu.memory_space<semaphore_mem>>) src(%dma_wait3A_192 : memref<2x64xi32, #tpu.memory_space<hbm>>) dst(%dma_wait3A_188 : memref<2x64xi32, #tpu.memory_space<vmem>>)
    %dma_start3A_193 = arith.constant 0 : i32
    %dma_start3A_194 = arith.constant 0 : i32
    %dma_start3A_195 = arith.constant 0 : i32
    %dma_start3A_196 = arith.constant 0 : i32
    %dma_start3A_197 = arith.constant 0 : i32
    %dma_start3A_198 = arith.constant 0 : i32
    %dma_start3A_199 = tpu.memref_slice %arg6[%dma_start3A_195, %dma_start3A_197, %dma_start3A_198] : memref<5x64x128xf32, #tpu.memory_space<vmem>> -> memref<1x64x128xf32, #tpu.memory_space<vmem>>
    %dma_start3A_200 = tpu.memref_squeeze %dma_start3A_199 : memref<1x64x128xf32, #tpu.memory_space<vmem>> -> memref<64x128xf32, #tpu.memory_space<vmem>>
    %dma_start3A_201 = arith.constant 0 : i32
    %dma_start3A_202 = tpu.memref_slice %arg5[%dma_start3A_193, %dma_start3A_194, %dma_start3A_201] : memref<6x2x64xi32, #tpu.memory_space<vmem>> -> memref<1x1x64xi32, #tpu.memory_space<vmem>>
    %dma_start3A_203 = tpu.memref_squeeze %dma_start3A_202 : memref<1x1x64xi32, #tpu.memory_space<vmem>> -> memref<64xi32, #tpu.memory_space<vmem>>
    %dma_start3A_204 = arith.constant 0 : i32
    %dma_start3A_205 = arith.constant 0 : i32
    %dma_start3A_206 = tpu.memref_slice %arg2[%dma_start3A_204, %dma_start3A_205] : memref<10000x128xf32, #tpu.memory_space<hbm>> -> memref<10000x128xf32, #tpu.memory_space<hbm>>
    %dma_start3A_207 = tpu.memref_slice %arg9[%dma_start3A_196] : memref<5x!tpu.dma_semaphore, #tpu.memory_space<semaphore_mem>> -> memref<1x!tpu.dma_semaphore, #tpu.memory_space<semaphore_mem>>
    %dma_start3A_208 = tpu.memref_squeeze %dma_start3A_207 : memref<1x!tpu.dma_semaphore, #tpu.memory_space<semaphore_mem>> -> memref<!tpu.dma_semaphore, #tpu.memory_space<semaphore_mem>>
    tpu.enqueue_indirect_dma source(%dma_start3A_206 : memref<10000x128xf32, #tpu.memory_space<hbm>>) target(%dma_start3A_200 : memref<64x128xf32, #tpu.memory_space<vmem>>) offsets(%dma_start3A_203 : memref<64xi32, #tpu.memory_space<vmem>>) semaphore(%dma_start3A_208 : memref<!tpu.dma_semaphore, #tpu.memory_space<semaphore_mem>>)
    %add3A_209 = arith.constant 1 : i32
    %add3A_210 = arith.addi %select_n3A_8, %add3A_209 : i32
    %dma_wait3A_211 = arith.constant 1 : i32
    %dma_wait3A_212 = arith.constant 1 : i32
    %dma_wait3A_213 = arith.constant 0 : i32
    %dma_wait3A_214 = arith.constant 0 : i32
    %dma_wait3A_215 = tpu.memref_slice %arg5[%dma_wait3A_211, %dma_wait3A_213, %dma_wait3A_214] : memref<6x2x64xi32, #tpu.memory_space<vmem>> -> memref<1x2x64xi32, #tpu.memory_space<vmem>>
    %dma_wait3A_216 = tpu.memref_squeeze %dma_wait3A_215 : memref<1x2x64xi32, #tpu.memory_space<vmem>> -> memref<2x64xi32, #tpu.memory_space<vmem>>
    %dma_wait3A_217 = arith.constant 0 : i32
    %dma_wait3A_218 = arith.constant 0 : i32
    %dma_wait3A_219 = tpu.memref_slice %arg3[%add3A_210, %dma_wait3A_217, %dma_wait3A_218] : memref<5024x2x64xi32, #tpu.memory_space<hbm>> -> memref<1x2x64xi32, #tpu.memory_space<hbm>>
    %dma_wait3A_220 = tpu.memref_squeeze %dma_wait3A_219 : memref<1x2x64xi32, #tpu.memory_space<hbm>> -> memref<2x64xi32, #tpu.memory_space<hbm>>
    %dma_wait3A_221 = tpu.memref_slice %arg8[%dma_wait3A_212] : memref<6x!tpu.dma_semaphore, #tpu.memory_space<semaphore_mem>> -> memref<1x!tpu.dma_semaphore, #tpu.memory_space<semaphore_mem>>
    %dma_wait3A_222 = tpu.memref_squeeze %dma_wait3A_221 : memref<1x!tpu.dma_semaphore, #tpu.memory_space<semaphore_mem>> -> memref<!tpu.dma_semaphore, #tpu.memory_space<semaphore_mem>>
    %dma_wait3A_223 = arith.constant 0 : i32
    %dma_wait3A_224 = arith.constant 0 : i32
    %dma_wait3A_225 = tpu.memref_slice %arg5[%dma_wait3A_211, %dma_wait3A_223, %dma_wait3A_224] : memref<6x2x64xi32, #tpu.memory_space<vmem>> -> memref<1x2x64xi32, #tpu.memory_space<vmem>>
    %dma_wait3A_226 = tpu.memref_squeeze %dma_wait3A_225 : memref<1x2x64xi32, #tpu.memory_space<vmem>> -> memref<2x64xi32, #tpu.memory_space<vmem>>
    %dma_wait3A_227 = arith.constant 0 : i32
    %dma_wait3A_228 = arith.constant 0 : i32
    %dma_wait3A_229 = tpu.memref_slice %arg3[%add3A_210, %dma_wait3A_227, %dma_wait3A_228] : memref<5024x2x64xi32, #tpu.memory_space<hbm>> -> memref<1x2x64xi32, #tpu.memory_space<hbm>>
    %dma_wait3A_230 = tpu.memref_squeeze %dma_wait3A_229 : memref<1x2x64xi32, #tpu.memory_space<hbm>> -> memref<2x64xi32, #tpu.memory_space<hbm>>
    tpu.wait_dma2 semaphore(%dma_wait3A_222 : memref<!tpu.dma_semaphore, #tpu.memory_space<semaphore_mem>>) src(%dma_wait3A_230 : memref<2x64xi32, #tpu.memory_space<hbm>>) dst(%dma_wait3A_226 : memref<2x64xi32, #tpu.memory_space<vmem>>)
    %dma_start3A_231 = arith.constant 1 : i32
    %dma_start3A_232 = arith.constant 0 : i32
    %dma_start3A_233 = arith.constant 1 : i32
    %dma_start3A_234 = arith.constant 1 : i32
    %dma_start3A_235 = arith.constant 0 : i32
    %dma_start3A_236 = arith.constant 0 : i32
    %dma_start3A_237 = tpu.memref_slice %arg6[%dma_start3A_233, %dma_start3A_235, %dma_start3A_236] : memref<5x64x128xf32, #tpu.memory_space<vmem>> -> memref<1x64x128xf32, #tpu.memory_space<vmem>>
    %dma_start3A_238 = tpu.memref_squeeze %dma_start3A_237 : memref<1x64x128xf32, #tpu.memory_space<vmem>> -> memref<64x128xf32, #tpu.memory_space<vmem>>
    %dma_start3A_239 = arith.constant 0 : i32
    %dma_start3A_240 = tpu.memref_slice %arg5[%dma_start3A_231, %dma_start3A_232, %dma_start3A_239] : memref<6x2x64xi32, #tpu.memory_space<vmem>> -> memref<1x1x64xi32, #tpu.memory_space<vmem>>
    %dma_start3A_241 = tpu.memref_squeeze %dma_start3A_240 : memref<1x1x64xi32, #tpu.memory_space<vmem>> -> memref<64xi32, #tpu.memory_space<vmem>>
    %dma_start3A_242 = arith.constant 0 : i32
    %dma_start3A_243 = arith.constant 0 : i32
    %dma_start3A_244 = tpu.memref_slice %arg2[%dma_start3A_242, %dma_start3A_243] : memref<10000x128xf32, #tpu.memory_space<hbm>> -> memref<10000x128xf32, #tpu.memory_space<hbm>>
    %dma_start3A_245 = tpu.memref_slice %arg9[%dma_start3A_234] : memref<5x!tpu.dma_semaphore, #tpu.memory_space<semaphore_mem>> -> memref<1x!tpu.dma_semaphore, #tpu.memory_space<semaphore_mem>>
    %dma_start3A_246 = tpu.memref_squeeze %dma_start3A_245 : memref<1x!tpu.dma_semaphore, #tpu.memory_space<semaphore_mem>> -> memref<!tpu.dma_semaphore, #tpu.memory_space<semaphore_mem>>
    tpu.enqueue_indirect_dma source(%dma_start3A_244 : memref<10000x128xf32, #tpu.memory_space<hbm>>) target(%dma_start3A_238 : memref<64x128xf32, #tpu.memory_space<vmem>>) offsets(%dma_start3A_241 : memref<64xi32, #tpu.memory_space<vmem>>) semaphore(%dma_start3A_246 : memref<!tpu.dma_semaphore, #tpu.memory_space<semaphore_mem>>)
    %add3A_247 = arith.constant 2 : i32
    %add3A_248 = arith.addi %select_n3A_8, %add3A_247 : i32
    %dma_wait3A_249 = arith.constant 2 : i32
    %dma_wait3A_250 = arith.constant 2 : i32
    %dma_wait3A_251 = arith.constant 0 : i32
    %dma_wait3A_252 = arith.constant 0 : i32
    %dma_wait3A_253 = tpu.memref_slice %arg5[%dma_wait3A_249, %dma_wait3A_251, %dma_wait3A_252] : memref<6x2x64xi32, #tpu.memory_space<vmem>> -> memref<1x2x64xi32, #tpu.memory_space<vmem>>
    %dma_wait3A_254 = tpu.memref_squeeze %dma_wait3A_253 : memref<1x2x64xi32, #tpu.memory_space<vmem>> -> memref<2x64xi32, #tpu.memory_space<vmem>>
    %dma_wait3A_255 = arith.constant 0 : i32
    %dma_wait3A_256 = arith.constant 0 : i32
    %dma_wait3A_257 = tpu.memref_slice %arg3[%add3A_248, %dma_wait3A_255, %dma_wait3A_256] : memref<5024x2x64xi32, #tpu.memory_space<hbm>> -> memref<1x2x64xi32, #tpu.memory_space<hbm>>
    %dma_wait3A_258 = tpu.memref_squeeze %dma_wait3A_257 : memref<1x2x64xi32, #tpu.memory_space<hbm>> -> memref<2x64xi32, #tpu.memory_space<hbm>>
    %dma_wait3A_259 = tpu.memref_slice %arg8[%dma_wait3A_250] : memref<6x!tpu.dma_semaphore, #tpu.memory_space<semaphore_mem>> -> memref<1x!tpu.dma_semaphore, #tpu.memory_space<semaphore_mem>>
    %dma_wait3A_260 = tpu.memref_squeeze %dma_wait3A_259 : memref<1x!tpu.dma_semaphore, #tpu.memory_space<semaphore_mem>> -> memref<!tpu.dma_semaphore, #tpu.memory_space<semaphore_mem>>
    %dma_wait3A_261 = arith.constant 0 : i32
    %dma_wait3A_262 = arith.constant 0 : i32
    %dma_wait3A_263 = tpu.memref_slice %arg5[%dma_wait3A_249, %dma_wait3A_261, %dma_wait3A_262] : memref<6x2x64xi32, #tpu.memory_space<vmem>> -> memref<1x2x64xi32, #tpu.memory_space<vmem>>
    %dma_wait3A_264 = tpu.memref_squeeze %dma_wait3A_263 : memref<1x2x64xi32, #tpu.memory_space<vmem>> -> memref<2x64xi32, #tpu.memory_space<vmem>>
    %dma_wait3A_265 = arith.constant 0 : i32
    %dma_wait3A_266 = arith.constant 0 : i32
    %dma_wait3A_267 = tpu.memref_slice %arg3[%add3A_248, %dma_wait3A_265, %dma_wait3A_266] : memref<5024x2x64xi32, #tpu.memory_space<hbm>> -> memref<1x2x64xi32, #tpu.memory_space<hbm>>
    %dma_wait3A_268 = tpu.memref_squeeze %dma_wait3A_267 : memref<1x2x64xi32, #tpu.memory_space<hbm>> -> memref<2x64xi32, #tpu.memory_space<hbm>>
    tpu.wait_dma2 semaphore(%dma_wait3A_260 : memref<!tpu.dma_semaphore, #tpu.memory_space<semaphore_mem>>) src(%dma_wait3A_268 : memref<2x64xi32, #tpu.memory_space<hbm>>) dst(%dma_wait3A_264 : memref<2x64xi32, #tpu.memory_space<vmem>>)
    %dma_start3A_269 = arith.constant 2 : i32
    %dma_start3A_270 = arith.constant 0 : i32
    %dma_start3A_271 = arith.constant 2 : i32
    %dma_start3A_272 = arith.constant 2 : i32
    %dma_start3A_273 = arith.constant 0 : i32
    %dma_start3A_274 = arith.constant 0 : i32
    %dma_start3A_275 = tpu.memref_slice %arg6[%dma_start3A_271, %dma_start3A_273, %dma_start3A_274] : memref<5x64x128xf32, #tpu.memory_space<vmem>> -> memref<1x64x128xf32, #tpu.memory_space<vmem>>
    %dma_start3A_276 = tpu.memref_squeeze %dma_start3A_275 : memref<1x64x128xf32, #tpu.memory_space<vmem>> -> memref<64x128xf32, #tpu.memory_space<vmem>>
    %dma_start3A_277 = arith.constant 0 : i32
    %dma_start3A_278 = tpu.memref_slice %arg5[%dma_start3A_269, %dma_start3A_270, %dma_start3A_277] : memref<6x2x64xi32, #tpu.memory_space<vmem>> -> memref<1x1x64xi32, #tpu.memory_space<vmem>>
    %dma_start3A_279 = tpu.memref_squeeze %dma_start3A_278 : memref<1x1x64xi32, #tpu.memory_space<vmem>> -> memref<64xi32, #tpu.memory_space<vmem>>
    %dma_start3A_280 = arith.constant 0 : i32
    %dma_start3A_281 = arith.constant 0 : i32
    %dma_start3A_282 = tpu.memref_slice %arg2[%dma_start3A_280, %dma_start3A_281] : memref<10000x128xf32, #tpu.memory_space<hbm>> -> memref<10000x128xf32, #tpu.memory_space<hbm>>
    %dma_start3A_283 = tpu.memref_slice %arg9[%dma_start3A_272] : memref<5x!tpu.dma_semaphore, #tpu.memory_space<semaphore_mem>> -> memref<1x!tpu.dma_semaphore, #tpu.memory_space<semaphore_mem>>
    %dma_start3A_284 = tpu.memref_squeeze %dma_start3A_283 : memref<1x!tpu.dma_semaphore, #tpu.memory_space<semaphore_mem>> -> memref<!tpu.dma_semaphore, #tpu.memory_space<semaphore_mem>>
    tpu.enqueue_indirect_dma source(%dma_start3A_282 : memref<10000x128xf32, #tpu.memory_space<hbm>>) target(%dma_start3A_276 : memref<64x128xf32, #tpu.memory_space<vmem>>) offsets(%dma_start3A_279 : memref<64xi32, #tpu.memory_space<vmem>>) semaphore(%dma_start3A_284 : memref<!tpu.dma_semaphore, #tpu.memory_space<semaphore_mem>>)
    %add3A_285 = arith.constant 3 : i32
    %add3A_286 = arith.addi %select_n3A_8, %add3A_285 : i32
    %dma_wait3A_287 = arith.constant 3 : i32
    %dma_wait3A_288 = arith.constant 3 : i32
    %dma_wait3A_289 = arith.constant 0 : i32
    %dma_wait3A_290 = arith.constant 0 : i32
    %dma_wait3A_291 = tpu.memref_slice %arg5[%dma_wait3A_287, %dma_wait3A_289, %dma_wait3A_290] : memref<6x2x64xi32, #tpu.memory_space<vmem>> -> memref<1x2x64xi32, #tpu.memory_space<vmem>>
    %dma_wait3A_292 = tpu.memref_squeeze %dma_wait3A_291 : memref<1x2x64xi32, #tpu.memory_space<vmem>> -> memref<2x64xi32, #tpu.memory_space<vmem>>
    %dma_wait3A_293 = arith.constant 0 : i32
    %dma_wait3A_294 = arith.constant 0 : i32
    %dma_wait3A_295 = tpu.memref_slice %arg3[%add3A_286, %dma_wait3A_293, %dma_wait3A_294] : memref<5024x2x64xi32, #tpu.memory_space<hbm>> -> memref<1x2x64xi32, #tpu.memory_space<hbm>>
    %dma_wait3A_296 = tpu.memref_squeeze %dma_wait3A_295 : memref<1x2x64xi32, #tpu.memory_space<hbm>> -> memref<2x64xi32, #tpu.memory_space<hbm>>
    %dma_wait3A_297 = tpu.memref_slice %arg8[%dma_wait3A_288] : memref<6x!tpu.dma_semaphore, #tpu.memory_space<semaphore_mem>> -> memref<1x!tpu.dma_semaphore, #tpu.memory_space<semaphore_mem>>
    %dma_wait3A_298 = tpu.memref_squeeze %dma_wait3A_297 : memref<1x!tpu.dma_semaphore, #tpu.memory_space<semaphore_mem>> -> memref<!tpu.dma_semaphore, #tpu.memory_space<semaphore_mem>>
    %dma_wait3A_299 = arith.constant 0 : i32
    %dma_wait3A_300 = arith.constant 0 : i32
    %dma_wait3A_301 = tpu.memref_slice %arg5[%dma_wait3A_287, %dma_wait3A_299, %dma_wait3A_300] : memref<6x2x64xi32, #tpu.memory_space<vmem>> -> memref<1x2x64xi32, #tpu.memory_space<vmem>>
    %dma_wait3A_302 = tpu.memref_squeeze %dma_wait3A_301 : memref<1x2x64xi32, #tpu.memory_space<vmem>> -> memref<2x64xi32, #tpu.memory_space<vmem>>
    %dma_wait3A_303 = arith.constant 0 : i32
    %dma_wait3A_304 = arith.constant 0 : i32
    %dma_wait3A_305 = tpu.memref_slice %arg3[%add3A_286, %dma_wait3A_303, %dma_wait3A_304] : memref<5024x2x64xi32, #tpu.memory_space<hbm>> -> memref<1x2x64xi32, #tpu.memory_space<hbm>>
    %dma_wait3A_306 = tpu.memref_squeeze %dma_wait3A_305 : memref<1x2x64xi32, #tpu.memory_space<hbm>> -> memref<2x64xi32, #tpu.memory_space<hbm>>
    tpu.wait_dma2 semaphore(%dma_wait3A_298 : memref<!tpu.dma_semaphore, #tpu.memory_space<semaphore_mem>>) src(%dma_wait3A_306 : memref<2x64xi32, #tpu.memory_space<hbm>>) dst(%dma_wait3A_302 : memref<2x64xi32, #tpu.memory_space<vmem>>)
    %dma_start3A_307 = arith.constant 3 : i32
    %dma_start3A_308 = arith.constant 0 : i32
    %dma_start3A_309 = arith.constant 3 : i32
    %dma_start3A_310 = arith.constant 3 : i32
    %dma_start3A_311 = arith.constant 0 : i32
    %dma_start3A_312 = arith.constant 0 : i32
    %dma_start3A_313 = tpu.memref_slice %arg6[%dma_start3A_309, %dma_start3A_311, %dma_start3A_312] : memref<5x64x128xf32, #tpu.memory_space<vmem>> -> memref<1x64x128xf32, #tpu.memory_space<vmem>>
    %dma_start3A_314 = tpu.memref_squeeze %dma_start3A_313 : memref<1x64x128xf32, #tpu.memory_space<vmem>> -> memref<64x128xf32, #tpu.memory_space<vmem>>
    %dma_start3A_315 = arith.constant 0 : i32
    %dma_start3A_316 = tpu.memref_slice %arg5[%dma_start3A_307, %dma_start3A_308, %dma_start3A_315] : memref<6x2x64xi32, #tpu.memory_space<vmem>> -> memref<1x1x64xi32, #tpu.memory_space<vmem>>
    %dma_start3A_317 = tpu.memref_squeeze %dma_start3A_316 : memref<1x1x64xi32, #tpu.memory_space<vmem>> -> memref<64xi32, #tpu.memory_space<vmem>>
    %dma_start3A_318 = arith.constant 0 : i32
    %dma_start3A_319 = arith.constant 0 : i32
    %dma_start3A_320 = tpu.memref_slice %arg2[%dma_start3A_318, %dma_start3A_319] : memref<10000x128xf32, #tpu.memory_space<hbm>> -> memref<10000x128xf32, #tpu.memory_space<hbm>>
    %dma_start3A_321 = tpu.memref_slice %arg9[%dma_start3A_310] : memref<5x!tpu.dma_semaphore, #tpu.memory_space<semaphore_mem>> -> memref<1x!tpu.dma_semaphore, #tpu.memory_space<semaphore_mem>>
    %dma_start3A_322 = tpu.memref_squeeze %dma_start3A_321 : memref<1x!tpu.dma_semaphore, #tpu.memory_space<semaphore_mem>> -> memref<!tpu.dma_semaphore, #tpu.memory_space<semaphore_mem>>
    tpu.enqueue_indirect_dma source(%dma_start3A_320 : memref<10000x128xf32, #tpu.memory_space<hbm>>) target(%dma_start3A_314 : memref<64x128xf32, #tpu.memory_space<vmem>>) offsets(%dma_start3A_317 : memref<64xi32, #tpu.memory_space<vmem>>) semaphore(%dma_start3A_322 : memref<!tpu.dma_semaphore, #tpu.memory_space<semaphore_mem>>)
    %while3A = arith.constant 0 : i32
    %while3A_323 = arith.constant 0 : i32
    %while3A_324 = arith.subi %select_n3A, %while3A_323 : i32
    %while3A_325 = arith.addi %while3A_323, %while3A_324 : i32
    %while3A_326 = arith.constant 1 : i32
    %while3A_327 = arith.divsi %while3A_324, %while3A_326 : i32
    %while3A_328 = arith.muli %while3A_327, %while3A_326 : i32
    %while3A_329 = arith.addi %while3A_323, %while3A_328 : i32
    %while3A_330 = arith.constant 1 : i32
    scf.for %while3A_356 = %while3A_323 to %while3A_329 step %while3A_330  : i32 {
      %ge3A = arith.constant 1 : i32
      %ge3A_357 = arith.cmpi sge, %while3A_356, %ge3A : i32
      %convert_element_type3A = arith.extui %ge3A_357 : i1 to i32
      %cond3A = arith.constant 0 : i32
      %cond3A_358 = arith.cmpi ne, %convert_element_type3A, %cond3A : i32
      scf.if %cond3A_358 {
        %sub3A_402 = arith.constant 1 : i32
        %sub3A_403 = arith.subi %while3A_356, %sub3A_402 : i32
        %rem3A_404 = arith.constant 5 : i32
        %rem3A_405 = arith.remsi %sub3A_403, %rem3A_404 : i32
        %sub3A_406 = arith.constant 1 : i32
        %sub3A_407 = arith.subi %while3A_356, %sub3A_406 : i32
        %rem3A_408 = arith.constant 6 : i32
        %rem3A_409 = arith.remsi %sub3A_407, %rem3A_408 : i32
        %dma_wait3A_410 = arith.constant 1 : i32
        %dma_wait3A_411 = arith.constant 0 : i32
        %dma_wait3A_412 = arith.constant 0 : i32
        %dma_wait3A_413 = tpu.memref_slice %arg6[%rem3A_405, %dma_wait3A_411, %dma_wait3A_412] : memref<5x64x128xf32, #tpu.memory_space<vmem>> -> memref<1x64x128xf32, #tpu.memory_space<vmem>>
        %dma_wait3A_414 = tpu.memref_squeeze %dma_wait3A_413 : memref<1x64x128xf32, #tpu.memory_space<vmem>> -> memref<64x128xf32, #tpu.memory_space<vmem>>
        %dma_wait3A_415 = arith.constant 0 : i32
        %dma_wait3A_416 = tpu.memref_slice %arg5[%rem3A_409, %dma_wait3A_410, %dma_wait3A_415] : memref<6x2x64xi32, #tpu.memory_space<vmem>> -> memref<1x1x64xi32, #tpu.memory_space<vmem>>
        %dma_wait3A_417 = tpu.memref_squeeze %dma_wait3A_416 : memref<1x1x64xi32, #tpu.memory_space<vmem>> -> memref<64xi32, #tpu.memory_space<vmem>>
        %dma_wait3A_418 = arith.constant 0 : i32
        %dma_wait3A_419 = arith.constant 0 : i32
        %dma_wait3A_420 = tpu.memref_slice %arg7[%dma_wait3A_418, %dma_wait3A_419] : memref<10112x128xf32, #tpu.memory_space<vmem_shared>> -> memref<10112x128xf32, #tpu.memory_space<vmem_shared>>
        %dma_wait3A_421 = tpu.memref_slice %arg10[%rem3A_405] : memref<5x!tpu.dma_semaphore, #tpu.memory_space<semaphore_mem>> -> memref<1x!tpu.dma_semaphore, #tpu.memory_space<semaphore_mem>>
        %dma_wait3A_422 = tpu.memref_squeeze %dma_wait3A_421 : memref<1x!tpu.dma_semaphore, #tpu.memory_space<semaphore_mem>> -> memref<!tpu.dma_semaphore, #tpu.memory_space<semaphore_mem>>
        tpu.wait_indirect_dma semaphore(%dma_wait3A_422 : memref<!tpu.dma_semaphore, #tpu.memory_space<semaphore_mem>>) src(%dma_wait3A_414 : memref<64x128xf32, #tpu.memory_space<vmem>>) dst(%dma_wait3A_420 : memref<10112x128xf32, #tpu.memory_space<vmem_shared>>)
      } else {
      }
      %add3A_359 = arith.constant 4 : i32
      %add3A_360 = arith.addi %while3A_356, %add3A_359 : i32
      %add3A_361 = arith.constant 1 : i32
      %add3A_362 = arith.addi %add3A_360, %add3A_361 : i32
      %lt3A = arith.cmpi slt, %add3A_362, %select_n3A : i32
      %convert_element_type3A_363 = arith.extui %lt3A : i1 to i32
      %cond3A_364 = arith.constant 0 : i32
      %cond3A_365 = arith.cmpi ne, %convert_element_type3A_363, %cond3A_364 : i32
      scf.if %cond3A_365 {
        %add3A_402 = arith.constant 4 : i32
        %add3A_403 = arith.addi %while3A_356, %add3A_402 : i32
        %add3A_404 = arith.constant 1 : i32
        %add3A_405 = arith.addi %add3A_403, %add3A_404 : i32
        %rem3A_406 = arith.constant 6 : i32
        %rem3A_407 = arith.remsi %add3A_405, %rem3A_406 : i32
        %add3A_408 = arith.addi %select_n3A_8, %while3A_356 : i32
        %add3A_409 = arith.constant 4 : i32
        %add3A_410 = arith.addi %add3A_408, %add3A_409 : i32
        %add3A_411 = arith.constant 1 : i32
        %add3A_412 = arith.addi %add3A_410, %add3A_411 : i32
        %dma_start3A_413 = arith.constant 0 : i32
        %dma_start3A_414 = arith.constant 0 : i32
        %dma_start3A_415 = tpu.memref_slice %arg5[%rem3A_407, %dma_start3A_413, %dma_start3A_414] : memref<6x2x64xi32, #tpu.memory_space<vmem>> -> memref<1x2x64xi32, #tpu.memory_space<vmem>>
        %dma_start3A_416 = tpu.memref_squeeze %dma_start3A_415 : memref<1x2x64xi32, #tpu.memory_space<vmem>> -> memref<2x64xi32, #tpu.memory_space<vmem>>
        %dma_start3A_417 = arith.constant 0 : i32
        %dma_start3A_418 = arith.constant 0 : i32
        %dma_start3A_419 = tpu.memref_slice %arg3[%add3A_412, %dma_start3A_417, %dma_start3A_418] : memref<5024x2x64xi32, #tpu.memory_space<hbm>> -> memref<1x2x64xi32, #tpu.memory_space<hbm>>
        %dma_start3A_420 = tpu.memref_squeeze %dma_start3A_419 : memref<1x2x64xi32, #tpu.memory_space<hbm>> -> memref<2x64xi32, #tpu.memory_space<hbm>>
        %dma_start3A_421 = tpu.memref_slice %arg8[%rem3A_407] : memref<6x!tpu.dma_semaphore, #tpu.memory_space<semaphore_mem>> -> memref<1x!tpu.dma_semaphore, #tpu.memory_space<semaphore_mem>>
        %dma_start3A_422 = tpu.memref_squeeze %dma_start3A_421 : memref<1x!tpu.dma_semaphore, #tpu.memory_space<semaphore_mem>> -> memref<!tpu.dma_semaphore, #tpu.memory_space<semaphore_mem>>
        %dma_start3A_423 = arith.constant 0 : i32
        %dma_start3A_424 = arith.constant 0 : i32
        %dma_start3A_425 = tpu.memref_slice %arg5[%rem3A_407, %dma_start3A_423, %dma_start3A_424] : memref<6x2x64xi32, #tpu.memory_space<vmem>> -> memref<1x2x64xi32, #tpu.memory_space<vmem>>
        %dma_start3A_426 = tpu.memref_squeeze %dma_start3A_425 : memref<1x2x64xi32, #tpu.memory_space<vmem>> -> memref<2x64xi32, #tpu.memory_space<vmem>>
        %dma_start3A_427 = arith.constant 0 : i32
        %dma_start3A_428 = arith.constant 0 : i32
        %dma_start3A_429 = tpu.memref_slice %arg3[%add3A_412, %dma_start3A_427, %dma_start3A_428] : memref<5024x2x64xi32, #tpu.memory_space<hbm>> -> memref<1x2x64xi32, #tpu.memory_space<hbm>>
        %dma_start3A_430 = tpu.memref_squeeze %dma_start3A_429 : memref<1x2x64xi32, #tpu.memory_space<hbm>> -> memref<2x64xi32, #tpu.memory_space<hbm>>
        tpu.enqueue_dma source(%dma_start3A_430 : memref<2x64xi32, #tpu.memory_space<hbm>>) target(%dma_start3A_426 : memref<2x64xi32, #tpu.memory_space<vmem>>) target_semaphore(%dma_start3A_422 : memref<!tpu.dma_semaphore, #tpu.memory_space<semaphore_mem>>)
      } else {
      }
      %add3A_366 = arith.constant 4 : i32
      %add3A_367 = arith.addi %while3A_356, %add3A_366 : i32
      %lt3A_368 = arith.cmpi slt, %add3A_367, %select_n3A : i32
      %convert_element_type3A_369 = arith.extui %lt3A_368 : i1 to i32
      %cond3A_370 = arith.constant 0 : i32
      %cond3A_371 = arith.cmpi ne, %convert_element_type3A_369, %cond3A_370 : i32
      scf.if %cond3A_371 {
        %add3A_402 = arith.constant 4 : i32
        %add3A_403 = arith.addi %while3A_356, %add3A_402 : i32
        %rem3A_404 = arith.constant 5 : i32
        %rem3A_405 = arith.remsi %add3A_403, %rem3A_404 : i32
        %add3A_406 = arith.constant 4 : i32
        %add3A_407 = arith.addi %while3A_356, %add3A_406 : i32
        %rem3A_408 = arith.constant 6 : i32
        %rem3A_409 = arith.remsi %add3A_407, %rem3A_408 : i32
        %add3A_410 = arith.addi %select_n3A_8, %while3A_356 : i32
        %add3A_411 = arith.constant 4 : i32
        %add3A_412 = arith.addi %add3A_410, %add3A_411 : i32
        %dma_wait3A_413 = arith.constant 0 : i32
        %dma_wait3A_414 = arith.constant 0 : i32
        %dma_wait3A_415 = tpu.memref_slice %arg5[%rem3A_409, %dma_wait3A_413, %dma_wait3A_414] : memref<6x2x64xi32, #tpu.memory_space<vmem>> -> memref<1x2x64xi32, #tpu.memory_space<vmem>>
        %dma_wait3A_416 = tpu.memref_squeeze %dma_wait3A_415 : memref<1x2x64xi32, #tpu.memory_space<vmem>> -> memref<2x64xi32, #tpu.memory_space<vmem>>
        %dma_wait3A_417 = arith.constant 0 : i32
        %dma_wait3A_418 = arith.constant 0 : i32
        %dma_wait3A_419 = tpu.memref_slice %arg3[%add3A_412, %dma_wait3A_417, %dma_wait3A_418] : memref<5024x2x64xi32, #tpu.memory_space<hbm>> -> memref<1x2x64xi32, #tpu.memory_space<hbm>>
        %dma_wait3A_420 = tpu.memref_squeeze %dma_wait3A_419 : memref<1x2x64xi32, #tpu.memory_space<hbm>> -> memref<2x64xi32, #tpu.memory_space<hbm>>
        %dma_wait3A_421 = tpu.memref_slice %arg8[%rem3A_409] : memref<6x!tpu.dma_semaphore, #tpu.memory_space<semaphore_mem>> -> memref<1x!tpu.dma_semaphore, #tpu.memory_space<semaphore_mem>>
        %dma_wait3A_422 = tpu.memref_squeeze %dma_wait3A_421 : memref<1x!tpu.dma_semaphore, #tpu.memory_space<semaphore_mem>> -> memref<!tpu.dma_semaphore, #tpu.memory_space<semaphore_mem>>
        %dma_wait3A_423 = arith.constant 0 : i32
        %dma_wait3A_424 = arith.constant 0 : i32
        %dma_wait3A_425 = tpu.memref_slice %arg5[%rem3A_409, %dma_wait3A_423, %dma_wait3A_424] : memref<6x2x64xi32, #tpu.memory_space<vmem>> -> memref<1x2x64xi32, #tpu.memory_space<vmem>>
        %dma_wait3A_426 = tpu.memref_squeeze %dma_wait3A_425 : memref<1x2x64xi32, #tpu.memory_space<vmem>> -> memref<2x64xi32, #tpu.memory_space<vmem>>
        %dma_wait3A_427 = arith.constant 0 : i32
        %dma_wait3A_428 = arith.constant 0 : i32
        %dma_wait3A_429 = tpu.memref_slice %arg3[%add3A_412, %dma_wait3A_427, %dma_wait3A_428] : memref<5024x2x64xi32, #tpu.memory_space<hbm>> -> memref<1x2x64xi32, #tpu.memory_space<hbm>>
        %dma_wait3A_430 = tpu.memref_squeeze %dma_wait3A_429 : memref<1x2x64xi32, #tpu.memory_space<hbm>> -> memref<2x64xi32, #tpu.memory_space<hbm>>
        tpu.wait_dma2 semaphore(%dma_wait3A_422 : memref<!tpu.dma_semaphore, #tpu.memory_space<semaphore_mem>>) src(%dma_wait3A_430 : memref<2x64xi32, #tpu.memory_space<hbm>>) dst(%dma_wait3A_426 : memref<2x64xi32, #tpu.memory_space<vmem>>)
        %dma_start3A_431 = arith.constant 0 : i32
        %dma_start3A_432 = arith.constant 0 : i32
        %dma_start3A_433 = arith.constant 0 : i32
        %dma_start3A_434 = tpu.memref_slice %arg6[%rem3A_405, %dma_start3A_432, %dma_start3A_433] : memref<5x64x128xf32, #tpu.memory_space<vmem>> -> memref<1x64x128xf32, #tpu.memory_space<vmem>>
        %dma_start3A_435 = tpu.memref_squeeze %dma_start3A_434 : memref<1x64x128xf32, #tpu.memory_space<vmem>> -> memref<64x128xf32, #tpu.memory_space<vmem>>
        %dma_start3A_436 = arith.constant 0 : i32
        %dma_start3A_437 = tpu.memref_slice %arg5[%rem3A_409, %dma_start3A_431, %dma_start3A_436] : memref<6x2x64xi32, #tpu.memory_space<vmem>> -> memref<1x1x64xi32, #tpu.memory_space<vmem>>
        %dma_start3A_438 = tpu.memref_squeeze %dma_start3A_437 : memref<1x1x64xi32, #tpu.memory_space<vmem>> -> memref<64xi32, #tpu.memory_space<vmem>>
        %dma_start3A_439 = arith.constant 0 : i32
        %dma_start3A_440 = arith.constant 0 : i32
        %dma_start3A_441 = tpu.memref_slice %arg2[%dma_start3A_439, %dma_start3A_440] : memref<10000x128xf32, #tpu.memory_space<hbm>> -> memref<10000x128xf32, #tpu.memory_space<hbm>>
        %dma_start3A_442 = tpu.memref_slice %arg9[%rem3A_405] : memref<5x!tpu.dma_semaphore, #tpu.memory_space<semaphore_mem>> -> memref<1x!tpu.dma_semaphore, #tpu.memory_space<semaphore_mem>>
        %dma_start3A_443 = tpu.memref_squeeze %dma_start3A_442 : memref<1x!tpu.dma_semaphore, #tpu.memory_space<semaphore_mem>> -> memref<!tpu.dma_semaphore, #tpu.memory_space<semaphore_mem>>
        tpu.enqueue_indirect_dma source(%dma_start3A_441 : memref<10000x128xf32, #tpu.memory_space<hbm>>) target(%dma_start3A_435 : memref<64x128xf32, #tpu.memory_space<vmem>>) offsets(%dma_start3A_438 : memref<64xi32, #tpu.memory_space<vmem>>) semaphore(%dma_start3A_443 : memref<!tpu.dma_semaphore, #tpu.memory_space<semaphore_mem>>)
      } else {
      }
      %rem3A_372 = arith.constant 5 : i32
      %rem3A_373 = arith.remsi %while3A_356, %rem3A_372 : i32
      %rem3A_374 = arith.constant 6 : i32
      %rem3A_375 = arith.remsi %while3A_356, %rem3A_374 : i32
      %dma_wait3A_376 = arith.constant 0 : i32
      %dma_wait3A_377 = arith.constant 0 : i32
      %dma_wait3A_378 = arith.constant 0 : i32
      %dma_wait3A_379 = tpu.memref_slice %arg6[%rem3A_373, %dma_wait3A_377, %dma_wait3A_378] : memref<5x64x128xf32, #tpu.memory_space<vmem>> -> memref<1x64x128xf32, #tpu.memory_space<vmem>>
      %dma_wait3A_380 = tpu.memref_squeeze %dma_wait3A_379 : memref<1x64x128xf32, #tpu.memory_space<vmem>> -> memref<64x128xf32, #tpu.memory_space<vmem>>
      %dma_wait3A_381 = arith.constant 0 : i32
      %dma_wait3A_382 = tpu.memref_slice %arg5[%rem3A_375, %dma_wait3A_376, %dma_wait3A_381] : memref<6x2x64xi32, #tpu.memory_space<vmem>> -> memref<1x1x64xi32, #tpu.memory_space<vmem>>
      %dma_wait3A_383 = tpu.memref_squeeze %dma_wait3A_382 : memref<1x1x64xi32, #tpu.memory_space<vmem>> -> memref<64xi32, #tpu.memory_space<vmem>>
      %dma_wait3A_384 = arith.constant 0 : i32
      %dma_wait3A_385 = arith.constant 0 : i32
      %dma_wait3A_386 = tpu.memref_slice %arg2[%dma_wait3A_384, %dma_wait3A_385] : memref<10000x128xf32, #tpu.memory_space<hbm>> -> memref<10000x128xf32, #tpu.memory_space<hbm>>
      %dma_wait3A_387 = tpu.memref_slice %arg9[%rem3A_373] : memref<5x!tpu.dma_semaphore, #tpu.memory_space<semaphore_mem>> -> memref<1x!tpu.dma_semaphore, #tpu.memory_space<semaphore_mem>>
      %dma_wait3A_388 = tpu.memref_squeeze %dma_wait3A_387 : memref<1x!tpu.dma_semaphore, #tpu.memory_space<semaphore_mem>> -> memref<!tpu.dma_semaphore, #tpu.memory_space<semaphore_mem>>
      tpu.wait_indirect_dma semaphore(%dma_wait3A_388 : memref<!tpu.dma_semaphore, #tpu.memory_space<semaphore_mem>>) src(%dma_wait3A_386 : memref<10000x128xf32, #tpu.memory_space<hbm>>) dst(%dma_wait3A_380 : memref<64x128xf32, #tpu.memory_space<vmem>>)
      %dma_start3A_389 = arith.constant 1 : i32
      %dma_start3A_390 = arith.constant 0 : i32
      %dma_start3A_391 = arith.constant 0 : i32
      %dma_start3A_392 = tpu.memref_slice %arg6[%rem3A_373, %dma_start3A_390, %dma_start3A_391] : memref<5x64x128xf32, #tpu.memory_space<vmem>> -> memref<1x64x128xf32, #tpu.memory_space<vmem>>
      %dma_start3A_393 = tpu.memref_squeeze %dma_start3A_392 : memref<1x64x128xf32, #tpu.memory_space<vmem>> -> memref<64x128xf32, #tpu.memory_space<vmem>>
      %dma_start3A_394 = arith.constant 0 : i32
      %dma_start3A_395 = tpu.memref_slice %arg5[%rem3A_375, %dma_start3A_389, %dma_start3A_394] : memref<6x2x64xi32, #tpu.memory_space<vmem>> -> memref<1x1x64xi32, #tpu.memory_space<vmem>>
      %dma_start3A_396 = tpu.memref_squeeze %dma_start3A_395 : memref<1x1x64xi32, #tpu.memory_space<vmem>> -> memref<64xi32, #tpu.memory_space<vmem>>
      %dma_start3A_397 = arith.constant 0 : i32
      %dma_start3A_398 = arith.constant 0 : i32
      %dma_start3A_399 = tpu.memref_slice %arg7[%dma_start3A_397, %dma_start3A_398] : memref<10112x128xf32, #tpu.memory_space<vmem_shared>> -> memref<10112x128xf32, #tpu.memory_space<vmem_shared>>
      %dma_start3A_400 = tpu.memref_slice %arg10[%rem3A_373] : memref<5x!tpu.dma_semaphore, #tpu.memory_space<semaphore_mem>> -> memref<1x!tpu.dma_semaphore, #tpu.memory_space<semaphore_mem>>
      %dma_start3A_401 = tpu.memref_squeeze %dma_start3A_400 : memref<1x!tpu.dma_semaphore, #tpu.memory_space<semaphore_mem>> -> memref<!tpu.dma_semaphore, #tpu.memory_space<semaphore_mem>>
      tpu.enqueue_indirect_dma source(%dma_start3A_393 : memref<64x128xf32, #tpu.memory_space<vmem>>) target(%dma_start3A_399 : memref<10112x128xf32, #tpu.memory_space<vmem_shared>>) offsets(%dma_start3A_396 : memref<64xi32, #tpu.memory_space<vmem>>) semaphore(%dma_start3A_401 : memref<!tpu.dma_semaphore, #tpu.memory_space<semaphore_mem>>) {add = true}
    }
    %while3A_331 = arith.constant 1 : i32
    scf.for %while3A_356 = %while3A_329 to %while3A_325 step %while3A_331  : i32 {
      %ge3A = arith.constant 1 : i32
      %ge3A_357 = arith.cmpi sge, %while3A_356, %ge3A : i32
      %convert_element_type3A = arith.extui %ge3A_357 : i1 to i32
      %cond3A = arith.constant 0 : i32
      %cond3A_358 = arith.cmpi ne, %convert_element_type3A, %cond3A : i32
      scf.if %cond3A_358 {
        %sub3A_402 = arith.constant 1 : i32
        %sub3A_403 = arith.subi %while3A_356, %sub3A_402 : i32
        %rem3A_404 = arith.constant 5 : i32
        %rem3A_405 = arith.remsi %sub3A_403, %rem3A_404 : i32
        %sub3A_406 = arith.constant 1 : i32
        %sub3A_407 = arith.subi %while3A_356, %sub3A_406 : i32
        %rem3A_408 = arith.constant 6 : i32
        %rem3A_409 = arith.remsi %sub3A_407, %rem3A_408 : i32
        %dma_wait3A_410 = arith.constant 1 : i32
        %dma_wait3A_411 = arith.constant 0 : i32
        %dma_wait3A_412 = arith.constant 0 : i32
        %dma_wait3A_413 = tpu.memref_slice %arg6[%rem3A_405, %dma_wait3A_411, %dma_wait3A_412] : memref<5x64x128xf32, #tpu.memory_space<vmem>> -> memref<1x64x128xf32, #tpu.memory_space<vmem>>
        %dma_wait3A_414 = tpu.memref_squeeze %dma_wait3A_413 : memref<1x64x128xf32, #tpu.memory_space<vmem>> -> memref<64x128xf32, #tpu.memory_space<vmem>>
        %dma_wait3A_415 = arith.constant 0 : i32
        %dma_wait3A_416 = tpu.memref_slice %arg5[%rem3A_409, %dma_wait3A_410, %dma_wait3A_415] : memref<6x2x64xi32, #tpu.memory_space<vmem>> -> memref<1x1x64xi32, #tpu.memory_space<vmem>>
        %dma_wait3A_417 = tpu.memref_squeeze %dma_wait3A_416 : memref<1x1x64xi32, #tpu.memory_space<vmem>> -> memref<64xi32, #tpu.memory_space<vmem>>
        %dma_wait3A_418 = arith.constant 0 : i32
        %dma_wait3A_419 = arith.constant 0 : i32
        %dma_wait3A_420 = tpu.memref_slice %arg7[%dma_wait3A_418, %dma_wait3A_419] : memref<10112x128xf32, #tpu.memory_space<vmem_shared>> -> memref<10112x128xf32, #tpu.memory_space<vmem_shared>>
        %dma_wait3A_421 = tpu.memref_slice %arg10[%rem3A_405] : memref<5x!tpu.dma_semaphore, #tpu.memory_space<semaphore_mem>> -> memref<1x!tpu.dma_semaphore, #tpu.memory_space<semaphore_mem>>
        %dma_wait3A_422 = tpu.memref_squeeze %dma_wait3A_421 : memref<1x!tpu.dma_semaphore, #tpu.memory_space<semaphore_mem>> -> memref<!tpu.dma_semaphore, #tpu.memory_space<semaphore_mem>>
        tpu.wait_indirect_dma semaphore(%dma_wait3A_422 : memref<!tpu.dma_semaphore, #tpu.memory_space<semaphore_mem>>) src(%dma_wait3A_414 : memref<64x128xf32, #tpu.memory_space<vmem>>) dst(%dma_wait3A_420 : memref<10112x128xf32, #tpu.memory_space<vmem_shared>>)
      } else {
      }
      %add3A_359 = arith.constant 4 : i32
      %add3A_360 = arith.addi %while3A_356, %add3A_359 : i32
      %add3A_361 = arith.constant 1 : i32
      %add3A_362 = arith.addi %add3A_360, %add3A_361 : i32
      %lt3A = arith.cmpi slt, %add3A_362, %select_n3A : i32
      %convert_element_type3A_363 = arith.extui %lt3A : i1 to i32
      %cond3A_364 = arith.constant 0 : i32
      %cond3A_365 = arith.cmpi ne, %convert_element_type3A_363, %cond3A_364 : i32
      scf.if %cond3A_365 {
        %add3A_402 = arith.constant 4 : i32
        %add3A_403 = arith.addi %while3A_356, %add3A_402 : i32
        %add3A_404 = arith.constant 1 : i32
        %add3A_405 = arith.addi %add3A_403, %add3A_404 : i32
        %rem3A_406 = arith.constant 6 : i32
        %rem3A_407 = arith.remsi %add3A_405, %rem3A_406 : i32
        %add3A_408 = arith.addi %select_n3A_8, %while3A_356 : i32
        %add3A_409 = arith.constant 4 : i32
        %add3A_410 = arith.addi %add3A_408, %add3A_409 : i32
        %add3A_411 = arith.constant 1 : i32
        %add3A_412 = arith.addi %add3A_410, %add3A_411 : i32
        %dma_start3A_413 = arith.constant 0 : i32
        %dma_start3A_414 = arith.constant 0 : i32
        %dma_start3A_415 = tpu.memref_slice %arg5[%rem3A_407, %dma_start3A_413, %dma_start3A_414] : memref<6x2x64xi32, #tpu.memory_space<vmem>> -> memref<1x2x64xi32, #tpu.memory_space<vmem>>
        %dma_start3A_416 = tpu.memref_squeeze %dma_start3A_415 : memref<1x2x64xi32, #tpu.memory_space<vmem>> -> memref<2x64xi32, #tpu.memory_space<vmem>>
        %dma_start3A_417 = arith.constant 0 : i32
        %dma_start3A_418 = arith.constant 0 : i32
        %dma_start3A_419 = tpu.memref_slice %arg3[%add3A_412, %dma_start3A_417, %dma_start3A_418] : memref<5024x2x64xi32, #tpu.memory_space<hbm>> -> memref<1x2x64xi32, #tpu.memory_space<hbm>>
        %dma_start3A_420 = tpu.memref_squeeze %dma_start3A_419 : memref<1x2x64xi32, #tpu.memory_space<hbm>> -> memref<2x64xi32, #tpu.memory_space<hbm>>
        %dma_start3A_421 = tpu.memref_slice %arg8[%rem3A_407] : memref<6x!tpu.dma_semaphore, #tpu.memory_space<semaphore_mem>> -> memref<1x!tpu.dma_semaphore, #tpu.memory_space<semaphore_mem>>
        %dma_start3A_422 = tpu.memref_squeeze %dma_start3A_421 : memref<1x!tpu.dma_semaphore, #tpu.memory_space<semaphore_mem>> -> memref<!tpu.dma_semaphore, #tpu.memory_space<semaphore_mem>>
        %dma_start3A_423 = arith.constant 0 : i32
        %dma_start3A_424 = arith.constant 0 : i32
        %dma_start3A_425 = tpu.memref_slice %arg5[%rem3A_407, %dma_start3A_423, %dma_start3A_424] : memref<6x2x64xi32, #tpu.memory_space<vmem>> -> memref<1x2x64xi32, #tpu.memory_space<vmem>>
        %dma_start3A_426 = tpu.memref_squeeze %dma_start3A_425 : memref<1x2x64xi32, #tpu.memory_space<vmem>> -> memref<2x64xi32, #tpu.memory_space<vmem>>
        %dma_start3A_427 = arith.constant 0 : i32
        %dma_start3A_428 = arith.constant 0 : i32
        %dma_start3A_429 = tpu.memref_slice %arg3[%add3A_412, %dma_start3A_427, %dma_start3A_428] : memref<5024x2x64xi32, #tpu.memory_space<hbm>> -> memref<1x2x64xi32, #tpu.memory_space<hbm>>
        %dma_start3A_430 = tpu.memref_squeeze %dma_start3A_429 : memref<1x2x64xi32, #tpu.memory_space<hbm>> -> memref<2x64xi32, #tpu.memory_space<hbm>>
        tpu.enqueue_dma source(%dma_start3A_430 : memref<2x64xi32, #tpu.memory_space<hbm>>) target(%dma_start3A_426 : memref<2x64xi32, #tpu.memory_space<vmem>>) target_semaphore(%dma_start3A_422 : memref<!tpu.dma_semaphore, #tpu.memory_space<semaphore_mem>>)
      } else {
      }
      %add3A_366 = arith.constant 4 : i32
      %add3A_367 = arith.addi %while3A_356, %add3A_366 : i32
      %lt3A_368 = arith.cmpi slt, %add3A_367, %select_n3A : i32
      %convert_element_type3A_369 = arith.extui %lt3A_368 : i1 to i32
      %cond3A_370 = arith.constant 0 : i32
      %cond3A_371 = arith.cmpi ne, %convert_element_type3A_369, %cond3A_370 : i32
      scf.if %cond3A_371 {
        %add3A_402 = arith.constant 4 : i32
        %add3A_403 = arith.addi %while3A_356, %add3A_402 : i32
        %rem3A_404 = arith.constant 5 : i32
        %rem3A_405 = arith.remsi %add3A_403, %rem3A_404 : i32
        %add3A_406 = arith.constant 4 : i32
        %add3A_407 = arith.addi %while3A_356, %add3A_406 : i32
        %rem3A_408 = arith.constant 6 : i32
        %rem3A_409 = arith.remsi %add3A_407, %rem3A_408 : i32
        %add3A_410 = arith.addi %select_n3A_8, %while3A_356 : i32
        %add3A_411 = arith.constant 4 : i32
        %add3A_412 = arith.addi %add3A_410, %add3A_411 : i32
        %dma_wait3A_413 = arith.constant 0 : i32
        %dma_wait3A_414 = arith.constant 0 : i32
        %dma_wait3A_415 = tpu.memref_slice %arg5[%rem3A_409, %dma_wait3A_413, %dma_wait3A_414] : memref<6x2x64xi32, #tpu.memory_space<vmem>> -> memref<1x2x64xi32, #tpu.memory_space<vmem>>
        %dma_wait3A_416 = tpu.memref_squeeze %dma_wait3A_415 : memref<1x2x64xi32, #tpu.memory_space<vmem>> -> memref<2x64xi32, #tpu.memory_space<vmem>>
        %dma_wait3A_417 = arith.constant 0 : i32
        %dma_wait3A_418 = arith.constant 0 : i32
        %dma_wait3A_419 = tpu.memref_slice %arg3[%add3A_412, %dma_wait3A_417, %dma_wait3A_418] : memref<5024x2x64xi32, #tpu.memory_space<hbm>> -> memref<1x2x64xi32, #tpu.memory_space<hbm>>
        %dma_wait3A_420 = tpu.memref_squeeze %dma_wait3A_419 : memref<1x2x64xi32, #tpu.memory_space<hbm>> -> memref<2x64xi32, #tpu.memory_space<hbm>>
        %dma_wait3A_421 = tpu.memref_slice %arg8[%rem3A_409] : memref<6x!tpu.dma_semaphore, #tpu.memory_space<semaphore_mem>> -> memref<1x!tpu.dma_semaphore, #tpu.memory_space<semaphore_mem>>
        %dma_wait3A_422 = tpu.memref_squeeze %dma_wait3A_421 : memref<1x!tpu.dma_semaphore, #tpu.memory_space<semaphore_mem>> -> memref<!tpu.dma_semaphore, #tpu.memory_space<semaphore_mem>>
        %dma_wait3A_423 = arith.constant 0 : i32
        %dma_wait3A_424 = arith.constant 0 : i32
        %dma_wait3A_425 = tpu.memref_slice %arg5[%rem3A_409, %dma_wait3A_423, %dma_wait3A_424] : memref<6x2x64xi32, #tpu.memory_space<vmem>> -> memref<1x2x64xi32, #tpu.memory_space<vmem>>
        %dma_wait3A_426 = tpu.memref_squeeze %dma_wait3A_425 : memref<1x2x64xi32, #tpu.memory_space<vmem>> -> memref<2x64xi32, #tpu.memory_space<vmem>>
        %dma_wait3A_427 = arith.constant 0 : i32
        %dma_wait3A_428 = arith.constant 0 : i32
        %dma_wait3A_429 = tpu.memref_slice %arg3[%add3A_412, %dma_wait3A_427, %dma_wait3A_428] : memref<5024x2x64xi32, #tpu.memory_space<hbm>> -> memref<1x2x64xi32, #tpu.memory_space<hbm>>
        %dma_wait3A_430 = tpu.memref_squeeze %dma_wait3A_429 : memref<1x2x64xi32, #tpu.memory_space<hbm>> -> memref<2x64xi32, #tpu.memory_space<hbm>>
        tpu.wait_dma2 semaphore(%dma_wait3A_422 : memref<!tpu.dma_semaphore, #tpu.memory_space<semaphore_mem>>) src(%dma_wait3A_430 : memref<2x64xi32, #tpu.memory_space<hbm>>) dst(%dma_wait3A_426 : memref<2x64xi32, #tpu.memory_space<vmem>>)
        %dma_start3A_431 = arith.constant 0 : i32
        %dma_start3A_432 = arith.constant 0 : i32
        %dma_start3A_433 = arith.constant 0 : i32
        %dma_start3A_434 = tpu.memref_slice %arg6[%rem3A_405, %dma_start3A_432, %dma_start3A_433] : memref<5x64x128xf32, #tpu.memory_space<vmem>> -> memref<1x64x128xf32, #tpu.memory_space<vmem>>
        %dma_start3A_435 = tpu.memref_squeeze %dma_start3A_434 : memref<1x64x128xf32, #tpu.memory_space<vmem>> -> memref<64x128xf32, #tpu.memory_space<vmem>>
        %dma_start3A_436 = arith.constant 0 : i32
        %dma_start3A_437 = tpu.memref_slice %arg5[%rem3A_409, %dma_start3A_431, %dma_start3A_436] : memref<6x2x64xi32, #tpu.memory_space<vmem>> -> memref<1x1x64xi32, #tpu.memory_space<vmem>>
        %dma_start3A_438 = tpu.memref_squeeze %dma_start3A_437 : memref<1x1x64xi32, #tpu.memory_space<vmem>> -> memref<64xi32, #tpu.memory_space<vmem>>
        %dma_start3A_439 = arith.constant 0 : i32
        %dma_start3A_440 = arith.constant 0 : i32
        %dma_start3A_441 = tpu.memref_slice %arg2[%dma_start3A_439, %dma_start3A_440] : memref<10000x128xf32, #tpu.memory_space<hbm>> -> memref<10000x128xf32, #tpu.memory_space<hbm>>
        %dma_start3A_442 = tpu.memref_slice %arg9[%rem3A_405] : memref<5x!tpu.dma_semaphore, #tpu.memory_space<semaphore_mem>> -> memref<1x!tpu.dma_semaphore, #tpu.memory_space<semaphore_mem>>
        %dma_start3A_443 = tpu.memref_squeeze %dma_start3A_442 : memref<1x!tpu.dma_semaphore, #tpu.memory_space<semaphore_mem>> -> memref<!tpu.dma_semaphore, #tpu.memory_space<semaphore_mem>>
        tpu.enqueue_indirect_dma source(%dma_start3A_441 : memref<10000x128xf32, #tpu.memory_space<hbm>>) target(%dma_start3A_435 : memref<64x128xf32, #tpu.memory_space<vmem>>) offsets(%dma_start3A_438 : memref<64xi32, #tpu.memory_space<vmem>>) semaphore(%dma_start3A_443 : memref<!tpu.dma_semaphore, #tpu.memory_space<semaphore_mem>>)
      } else {
      }
      %rem3A_372 = arith.constant 5 : i32
      %rem3A_373 = arith.remsi %while3A_356, %rem3A_372 : i32
      %rem3A_374 = arith.constant 6 : i32
      %rem3A_375 = arith.remsi %while3A_356, %rem3A_374 : i32
      %dma_wait3A_376 = arith.constant 0 : i32
      %dma_wait3A_377 = arith.constant 0 : i32
      %dma_wait3A_378 = arith.constant 0 : i32
      %dma_wait3A_379 = tpu.memref_slice %arg6[%rem3A_373, %dma_wait3A_377, %dma_wait3A_378] : memref<5x64x128xf32, #tpu.memory_space<vmem>> -> memref<1x64x128xf32, #tpu.memory_space<vmem>>
      %dma_wait3A_380 = tpu.memref_squeeze %dma_wait3A_379 : memref<1x64x128xf32, #tpu.memory_space<vmem>> -> memref<64x128xf32, #tpu.memory_space<vmem>>
      %dma_wait3A_381 = arith.constant 0 : i32
      %dma_wait3A_382 = tpu.memref_slice %arg5[%rem3A_375, %dma_wait3A_376, %dma_wait3A_381] : memref<6x2x64xi32, #tpu.memory_space<vmem>> -> memref<1x1x64xi32, #tpu.memory_space<vmem>>
      %dma_wait3A_383 = tpu.memref_squeeze %dma_wait3A_382 : memref<1x1x64xi32, #tpu.memory_space<vmem>> -> memref<64xi32, #tpu.memory_space<vmem>>
      %dma_wait3A_384 = arith.constant 0 : i32
      %dma_wait3A_385 = arith.constant 0 : i32
      %dma_wait3A_386 = tpu.memref_slice %arg2[%dma_wait3A_384, %dma_wait3A_385] : memref<10000x128xf32, #tpu.memory_space<hbm>> -> memref<10000x128xf32, #tpu.memory_space<hbm>>
      %dma_wait3A_387 = tpu.memref_slice %arg9[%rem3A_373] : memref<5x!tpu.dma_semaphore, #tpu.memory_space<semaphore_mem>> -> memref<1x!tpu.dma_semaphore, #tpu.memory_space<semaphore_mem>>
      %dma_wait3A_388 = tpu.memref_squeeze %dma_wait3A_387 : memref<1x!tpu.dma_semaphore, #tpu.memory_space<semaphore_mem>> -> memref<!tpu.dma_semaphore, #tpu.memory_space<semaphore_mem>>
      tpu.wait_indirect_dma semaphore(%dma_wait3A_388 : memref<!tpu.dma_semaphore, #tpu.memory_space<semaphore_mem>>) src(%dma_wait3A_386 : memref<10000x128xf32, #tpu.memory_space<hbm>>) dst(%dma_wait3A_380 : memref<64x128xf32, #tpu.memory_space<vmem>>)
      %dma_start3A_389 = arith.constant 1 : i32
      %dma_start3A_390 = arith.constant 0 : i32
      %dma_start3A_391 = arith.constant 0 : i32
      %dma_start3A_392 = tpu.memref_slice %arg6[%rem3A_373, %dma_start3A_390, %dma_start3A_391] : memref<5x64x128xf32, #tpu.memory_space<vmem>> -> memref<1x64x128xf32, #tpu.memory_space<vmem>>
      %dma_start3A_393 = tpu.memref_squeeze %dma_start3A_392 : memref<1x64x128xf32, #tpu.memory_space<vmem>> -> memref<64x128xf32, #tpu.memory_space<vmem>>
      %dma_start3A_394 = arith.constant 0 : i32
      %dma_start3A_395 = tpu.memref_slice %arg5[%rem3A_375, %dma_start3A_389, %dma_start3A_394] : memref<6x2x64xi32, #tpu.memory_space<vmem>> -> memref<1x1x64xi32, #tpu.memory_space<vmem>>
      %dma_start3A_396 = tpu.memref_squeeze %dma_start3A_395 : memref<1x1x64xi32, #tpu.memory_space<vmem>> -> memref<64xi32, #tpu.memory_space<vmem>>
      %dma_start3A_397 = arith.constant 0 : i32
      %dma_start3A_398 = arith.constant 0 : i32
      %dma_start3A_399 = tpu.memref_slice %arg7[%dma_start3A_397, %dma_start3A_398] : memref<10112x128xf32, #tpu.memory_space<vmem_shared>> -> memref<10112x128xf32, #tpu.memory_space<vmem_shared>>
      %dma_start3A_400 = tpu.memref_slice %arg10[%rem3A_373] : memref<5x!tpu.dma_semaphore, #tpu.memory_space<semaphore_mem>> -> memref<1x!tpu.dma_semaphore, #tpu.memory_space<semaphore_mem>>
      %dma_start3A_401 = tpu.memref_squeeze %dma_start3A_400 : memref<1x!tpu.dma_semaphore, #tpu.memory_space<semaphore_mem>> -> memref<!tpu.dma_semaphore, #tpu.memory_space<semaphore_mem>>
      tpu.enqueue_indirect_dma source(%dma_start3A_393 : memref<64x128xf32, #tpu.memory_space<vmem>>) target(%dma_start3A_399 : memref<10112x128xf32, #tpu.memory_space<vmem_shared>>) offsets(%dma_start3A_396 : memref<64xi32, #tpu.memory_space<vmem>>) semaphore(%dma_start3A_401 : memref<!tpu.dma_semaphore, #tpu.memory_space<semaphore_mem>>) {add = true}
    }
    %sub3A = arith.constant 1 : i32
    %sub3A_332 = arith.subi %select_n3A, %sub3A : i32
    %rem3A = arith.constant 5 : i32
    %rem3A_333 = arith.remsi %sub3A_332, %rem3A : i32
    %rem3A_334 = arith.constant 6 : i32
    %rem3A_335 = arith.remsi %sub3A_332, %rem3A_334 : i32
    %rem3A_336 = arith.constant 5 : i32
    %rem3A_337 = arith.remsi %sub3A_332, %rem3A_336 : i32
    %dma_wait3A_338 = arith.constant 1 : i32
    %dma_wait3A_339 = arith.constant 0 : i32
    %dma_wait3A_340 = arith.constant 0 : i32
    %dma_wait3A_341 = tpu.memref_slice %arg6[%rem3A_333, %dma_wait3A_339, %dma_wait3A_340] : memref<5x64x128xf32, #tpu.memory_space<vmem>> -> memref<1x64x128xf32, #tpu.memory_space<vmem>>
    %dma_wait3A_342 = tpu.memref_squeeze %dma_wait3A_341 : memref<1x64x128xf32, #tpu.memory_space<vmem>> -> memref<64x128xf32, #tpu.memory_space<vmem>>
    %dma_wait3A_343 = arith.constant 0 : i32
    %dma_wait3A_344 = tpu.memref_slice %arg5[%rem3A_335, %dma_wait3A_338, %dma_wait3A_343] : memref<6x2x64xi32, #tpu.memory_space<vmem>> -> memref<1x1x64xi32, #tpu.memory_space<vmem>>
    %dma_wait3A_345 = tpu.memref_squeeze %dma_wait3A_344 : memref<1x1x64xi32, #tpu.memory_space<vmem>> -> memref<64xi32, #tpu.memory_space<vmem>>
    %dma_wait3A_346 = arith.constant 0 : i32
    %dma_wait3A_347 = arith.constant 0 : i32
    %dma_wait3A_348 = tpu.memref_slice %arg7[%dma_wait3A_346, %dma_wait3A_347] : memref<10112x128xf32, #tpu.memory_space<vmem_shared>> -> memref<10112x128xf32, #tpu.memory_space<vmem_shared>>
    %dma_wait3A_349 = tpu.memref_slice %arg10[%rem3A_337] : memref<5x!tpu.dma_semaphore, #tpu.memory_space<semaphore_mem>> -> memref<1x!tpu.dma_semaphore, #tpu.memory_space<semaphore_mem>>
    %dma_wait3A_350 = tpu.memref_squeeze %dma_wait3A_349 : memref<1x!tpu.dma_semaphore, #tpu.memory_space<semaphore_mem>> -> memref<!tpu.dma_semaphore, #tpu.memory_space<semaphore_mem>>
    tpu.wait_indirect_dma semaphore(%dma_wait3A_350 : memref<!tpu.dma_semaphore, #tpu.memory_space<semaphore_mem>>) src(%dma_wait3A_342 : memref<64x128xf32, #tpu.memory_space<vmem>>) dst(%dma_wait3A_348 : memref<10112x128xf32, #tpu.memory_space<vmem_shared>>)
    %barrier3A_351 = arith.constant 0 : index
    tpu.barrier barrier_id(%barrier3A_351)
    %mul3A_352 = arith.constant 632 : i32
    %mul3A_353 = arith.muli %arg1, %mul3A_352 : i32
    %mul3A_354 = arith.constant 632 : i32
    %mul3A_355 = arith.muli %arg1, %mul3A_354 : i32
    "tpu.region"() ({
      %run_scoped3A_356 = tpu.sem_alloc : memref<!tpu.dma_semaphore, #tpu.memory_space<semaphore_mem>>
      %dma_start3A_357 = arith.constant 0 : i32
      %dma_start3A_358 = tpu.memref_slice %arg4[%arg0, %mul3A_355, %dma_start3A_357] : memref<2x10112x128xf32, #tpu.memory_space<hbm>> -> memref<1x632x128xf32, #tpu.memory_space<hbm>>
      %dma_start3A_359 = tpu.memref_squeeze %dma_start3A_358 : memref<1x632x128xf32, #tpu.memory_space<hbm>> -> memref<632x128xf32, #tpu.memory_space<hbm>>
      %dma_start3A_360 = arith.constant 0 : i32
      %dma_start3A_361 = tpu.memref_slice %arg7[%mul3A_353, %dma_start3A_360] : memref<10112x128xf32, #tpu.memory_space<vmem_shared>> -> memref<632x128xf32, #tpu.memory_space<vmem_shared>>
      tpu.enqueue_dma source(%dma_start3A_361 : memref<632x128xf32, #tpu.memory_space<vmem_shared>>) target(%dma_start3A_359 : memref<632x128xf32, #tpu.memory_space<hbm>>) target_semaphore(%run_scoped3A_356 : memref<!tpu.dma_semaphore, #tpu.memory_space<semaphore_mem>>)
      %dma_wait3A_362 = arith.constant 0 : i32
      %dma_wait3A_363 = tpu.memref_slice %arg4[%arg0, %mul3A_355, %dma_wait3A_362] : memref<2x10112x128xf32, #tpu.memory_space<hbm>> -> memref<1x632x128xf32, #tpu.memory_space<hbm>>
      %dma_wait3A_364 = tpu.memref_squeeze %dma_wait3A_363 : memref<1x632x128xf32, #tpu.memory_space<hbm>> -> memref<632x128xf32, #tpu.memory_space<hbm>>
      %dma_wait3A_365 = arith.constant 0 : i32
      %dma_wait3A_366 = tpu.memref_slice %arg7[%mul3A_353, %dma_wait3A_365] : memref<10112x128xf32, #tpu.memory_space<vmem_shared>> -> memref<632x128xf32, #tpu.memory_space<vmem_shared>>
      tpu.wait_dma2 semaphore(%run_scoped3A_356 : memref<!tpu.dma_semaphore, #tpu.memory_space<semaphore_mem>>) src(%dma_wait3A_366 : memref<632x128xf32, #tpu.memory_space<vmem_shared>>) dst(%dma_wait3A_364 : memref<632x128xf32, #tpu.memory_space<hbm>>)
      tpu.yield
    }) : () -> ()
    return
  }
}

module attributes {stable_mosaic.version = 14 : i64} {
  func.func @body(%arg0: i32, %arg1: memref<1x1024x128xf32, #tpu.memory_space<vmem>>, %arg2: memref<1x1024x128xf32, #tpu.memory_space<vmem>>, %arg3: memref<1024x128xf32, #tpu.memory_space<vmem>>, %arg4: memref<1024x1xf32, #tpu.memory_space<vmem>>, %arg5: memref<1x128xf32, #tpu.memory_space<vmem>>, %arg6: memref<128x128xf32, #tpu.memory_space<vmem>>, %arg7: memref<1024x128xf32, #tpu.memory_space<vmem>>) attributes {dimension_semantics = [#tpu.dimension_semantics<arbitrary>], iteration_bounds = array<i64: 10>, scalar_prefetch = 0 : i64, scratch_operands = 0 : i64, tpu.core_type = #tpu.core_type<tc>, window_params = [{transform_indices = @transform_0, window_bounds = array<i64: 1, 1024, 128>}, {transform_indices = @transform_1, window_bounds = array<i64: 1, 1024, 128>}, {transform_indices = @transform_2, window_bounds = array<i64: 1024, 128>}, {transform_indices = @transform_3, window_bounds = array<i64: 1024, 1>}, {pipeline_mode = #tpu.pipeline_mode<synchronous>, transform_indices = @transform_4, window_bounds = array<i64: 1, 128>}, {pipeline_mode = #tpu.pipeline_mode<synchronous>, transform_indices = @transform_5, window_bounds = array<i64: 128, 128>}, {transform_indices = @transform_6, window_bounds = array<i64: 1024, 128>}]} {
    %get3A = arith.constant 0 : index
    %get3A_0 = arith.constant 0 : index
    %get3A_1 = arith.constant 0 : index
    %get3A_2 = vector.load %arg1[%get3A, %get3A_0, %get3A_1] : memref<1x1024x128xf32, #tpu.memory_space<vmem>>, vector<1x1024x128xf32>
    %get3A_3 = vector.shape_cast %get3A_2 : vector<1x1024x128xf32> to vector<1024x128xf32>
    %get3A_4 = arith.constant 0 : index
    %get3A_5 = arith.constant 0 : index
    %get3A_6 = arith.constant 0 : index
    %get3A_7 = vector.load %arg2[%get3A_4, %get3A_5, %get3A_6] : memref<1x1024x128xf32, #tpu.memory_space<vmem>>, vector<1x1024x128xf32>
    %get3A_8 = vector.shape_cast %get3A_7 : vector<1x1024x128xf32> to vector<1024x128xf32>
    %add3A = arith.addf %get3A_3, %get3A_8 : vector<1024x128xf32>
    %get3A_9 = arith.constant 0 : index
    %get3A_10 = arith.constant 0 : index
    %get3A_11 = vector.load %arg3[%get3A_9, %get3A_10] : memref<1024x128xf32, #tpu.memory_space<vmem>>, vector<1024x128xf32>
    %add3A_12 = arith.addf %add3A, %get3A_11 : vector<1024x128xf32>
    %get3A_13 = arith.constant 0 : index
    %get3A_14 = arith.constant 0 : index
    %get3A_15 = vector.load %arg4[%get3A_13, %get3A_14] : memref<1024x1xf32, #tpu.memory_space<vmem>>, vector<1024x1xf32>
    %mul3A = vector.broadcast %get3A_15 : vector<1024x1xf32> to vector<1024x128xf32>
    %mul3A_16 = arith.mulf %add3A_12, %mul3A : vector<1024x128xf32>
    %get3A_17 = arith.constant 0 : index
    %get3A_18 = arith.constant 0 : index
    %get3A_19 = vector.load %arg5[%get3A_17, %get3A_18] : memref<1x128xf32, #tpu.memory_space<vmem>>, vector<1x128xf32>
    %add3A_20 = vector.broadcast %get3A_19 : vector<1x128xf32> to vector<1024x128xf32>
    %add3A_21 = arith.addf %mul3A_16, %add3A_20 : vector<1024x128xf32>
    %max3A = arith.constant 0.000000e+00 : f32
    %max3A_22 = vector.broadcast %max3A : f32 to vector<1024x128xf32>
    %max3A_23 = arith.maximumf %add3A_21, %max3A_22 : vector<1024x128xf32>
    %get3A_24 = arith.constant 0 : index
    %get3A_25 = arith.constant 0 : index
    %get3A_26 = vector.load %arg6[%get3A_24, %get3A_25] : memref<128x128xf32, #tpu.memory_space<vmem>>, vector<128x128xf32>
    %dot_general3A = arith.constant dense<0.000000e+00> : vector<1024x128xf32>
    %dot_general3A_27 = tpu.matmul %max3A_23, %get3A_26, %dot_general3A {dimension_numbers = #tpu.dot_dimension_numbers<[1], [0], [0], [1], [0, 0, 1, 1], [], []>, transpose_lhs_hint = false} : vector<1024x128xf32>, vector<128x128xf32>, vector<1024x128xf32> -> vector<1024x128xf32>
    %get3A_28 = arith.constant 0 : index
    %get3A_29 = arith.constant 0 : index
    %get3A_30 = vector.load %arg4[%get3A_28, %get3A_29] : memref<1024x1xf32, #tpu.memory_space<vmem>>, vector<1024x1xf32>
    %mul3A_31 = vector.broadcast %get3A_30 : vector<1024x1xf32> to vector<1024x128xf32>
    %mul3A_32 = arith.mulf %dot_general3A_27, %mul3A_31 : vector<1024x128xf32>
    %swap3A = arith.constant 0 : index
    %swap3A_33 = arith.constant 0 : index
    %swap3A_34 = vector.load %arg7[%swap3A, %swap3A_33] : memref<1024x128xf32, #tpu.memory_space<vmem>>, vector<1024x128xf32>
    tpu.vector_store %arg7[%swap3A, %swap3A_33], %mul3A_32 {strides = array<i32>} : memref<1024x128xf32, #tpu.memory_space<vmem>>, vector<1024x128xf32>,
    return
  }
  func.func @transform_0(%arg0: i32) -> (i32, i32, i32) {
    %c0_i32 = arith.constant 0 : i32
    %c0_i32_0 = arith.constant 0 : i32
    %c0_i32_1 = arith.constant 0 : i32
    return %c0_i32, %arg0, %c0_i32_0 : i32, i32, i32
  }
  func.func @transform_1(%arg0: i32) -> (i32, i32, i32) {
    %c1_i32 = arith.constant 1 : i32
    %c0_i32 = arith.constant 0 : i32
    %c0_i32_0 = arith.constant 0 : i32
    return %c1_i32, %arg0, %c0_i32 : i32, i32, i32
  }
  func.func @transform_2(%arg0: i32) -> (i32, i32) {
    %c0_i32 = arith.constant 0 : i32
    %c0_i32_0 = arith.constant 0 : i32
    return %arg0, %c0_i32 : i32, i32
  }
  func.func @transform_3(%arg0: i32) -> (i32, i32) {
    %c0_i32 = arith.constant 0 : i32
    %c0_i32_0 = arith.constant 0 : i32
    return %arg0, %c0_i32 : i32, i32
  }
  func.func @transform_4(%arg0: i32) -> (i32, i32) {
    %c0_i32 = arith.constant 0 : i32
    %c0_i32_0 = arith.constant 0 : i32
    %c0_i32_1 = arith.constant 0 : i32
    return %c0_i32, %c0_i32_0 : i32, i32
  }
  func.func @transform_5(%arg0: i32) -> (i32, i32) {
    %c0_i32 = arith.constant 0 : i32
    %c0_i32_0 = arith.constant 0 : i32
    %c0_i32_1 = arith.constant 0 : i32
    return %c0_i32, %c0_i32_0 : i32, i32
  }
  func.func @transform_6(%arg0: i32) -> (i32, i32) {
    %c0_i32 = arith.constant 0 : i32
    %c0_i32_0 = arith.constant 0 : i32
    return %arg0, %c0_i32 : i32, i32
  }
}

module attributes {stable_mosaic.version = 14 : i64} {
  func.func @body(%arg0: i32, %arg1: memref<32x1024xf32, #tpu.memory_space<vmem>>, %arg2: memref<1024x128xf32, #tpu.memory_space<vmem>>, %arg3: memref<128x128xf32, #tpu.memory_space<vmem>>, %arg4: memref<1024x128xf32, #tpu.memory_space<vmem>>, %arg5: memref<1024x1xf32, #tpu.memory_space<vmem>>) attributes {dimension_semantics = [#tpu.dimension_semantics<arbitrary>], iteration_bounds = array<i64: 10>, scalar_prefetch = 0 : i64, scratch_operands = 0 : i64, tpu.core_type = #tpu.core_type<tc>, window_params = [{transform_indices = @transform_0, window_bounds = array<i64: 32, 1024>}, {transform_indices = @transform_1, window_bounds = array<i64: 1024, 128>}, {pipeline_mode = #tpu.pipeline_mode<synchronous>, transform_indices = @transform_2, window_bounds = array<i64: 128, 128>}, {transform_indices = @transform_3, window_bounds = array<i64: 1024, 128>}, {transform_indices = @transform_4, window_bounds = array<i64: 1024, 1>}]} {
    %get3A = arith.constant 0 : index
    %get3A_0 = arith.constant 0 : index
    %get3A_1 = vector.load %arg1[%get3A, %get3A_0] : memref<32x1024xf32, #tpu.memory_space<vmem>>, vector<32x1024xf32>
    %reduce_sum3A = arith.constant dense<0.000000e+00> : vector<1024xf32>
    %reduce_sum3A_2 = vector.multi_reduction <add>, %get3A_1, %reduce_sum3A [0] : vector<32x1024xf32> to vector<1024xf32>
    %add3A = arith.constant 1.000000e+00 : f32
    %add3A_3 = vector.broadcast %add3A : f32 to vector<1024xf32>
    %add3A_4 = arith.addf %reduce_sum3A_2, %add3A_3 : vector<1024xf32>
    %rsqrt3A = math.rsqrt %add3A_4 : vector<1024xf32>
    %get3A_5 = arith.constant 0 : index
    %get3A_6 = arith.constant 0 : index
    %get3A_7 = vector.load %arg2[%get3A_5, %get3A_6] : memref<1024x128xf32, #tpu.memory_space<vmem>>, vector<1024x128xf32>
    %get3A_8 = arith.constant 0 : index
    %get3A_9 = arith.constant 0 : index
    %get3A_10 = vector.load %arg3[%get3A_8, %get3A_9] : memref<128x128xf32, #tpu.memory_space<vmem>>, vector<128x128xf32>
    %dot_general3A = arith.constant dense<0.000000e+00> : vector<1024x128xf32>
    %dot_general3A_11 = tpu.matmul %get3A_7, %get3A_10, %dot_general3A {dimension_numbers = #tpu.dot_dimension_numbers<[1], [0], [0], [1], [0, 0, 1, 1], [], []>, transpose_lhs_hint = false} : vector<1024x128xf32>, vector<128x128xf32>, vector<1024x128xf32> -> vector<1024x128xf32>
    %broadcast_in_dim3A = vector.shape_cast %rsqrt3A : vector<1024xf32> to vector<1024x1xf32>
    %mul3A = vector.broadcast %broadcast_in_dim3A : vector<1024x1xf32> to vector<1024x128xf32>
    %mul3A_12 = arith.mulf %dot_general3A_11, %mul3A : vector<1024x128xf32>
    %swap3A = arith.constant 0 : index
    %swap3A_13 = arith.constant 0 : index
    %swap3A_14 = vector.load %arg4[%swap3A, %swap3A_13] : memref<1024x128xf32, #tpu.memory_space<vmem>>, vector<1024x128xf32>
    tpu.vector_store %arg4[%swap3A, %swap3A_13], %mul3A_12 {strides = array<i32>} : memref<1024x128xf32, #tpu.memory_space<vmem>>, vector<1024x128xf32>,
    %broadcast_in_dim3A_15 = vector.shape_cast %rsqrt3A : vector<1024xf32> to vector<1024x1xf32>
    %swap3A_16 = arith.constant 0 : index
    %swap3A_17 = arith.constant 0 : index
    %swap3A_18 = vector.load %arg5[%swap3A_16, %swap3A_17] : memref<1024x1xf32, #tpu.memory_space<vmem>>, vector<1024x1xf32>
    tpu.vector_store %arg5[%swap3A_16, %swap3A_17], %broadcast_in_dim3A_15 {strides = array<i32>} : memref<1024x1xf32, #tpu.memory_space<vmem>>, vector<1024x1xf32>,
    return
  }
  func.func @transform_0(%arg0: i32) -> (i32, i32) {
    %c0_i32 = arith.constant 0 : i32
    %c0_i32_0 = arith.constant 0 : i32
    return %c0_i32, %arg0 : i32, i32
  }
  func.func @transform_1(%arg0: i32) -> (i32, i32) {
    %c0_i32 = arith.constant 0 : i32
    %c0_i32_0 = arith.constant 0 : i32
    return %arg0, %c0_i32 : i32, i32
  }
  func.func @transform_2(%arg0: i32) -> (i32, i32) {
    %c0_i32 = arith.constant 0 : i32
    %c0_i32_0 = arith.constant 0 : i32
    %c0_i32_1 = arith.constant 0 : i32
    return %c0_i32, %c0_i32_0 : i32, i32
  }
  func.func @transform_3(%arg0: i32) -> (i32, i32) {
    %c0_i32 = arith.constant 0 : i32
    %c0_i32_0 = arith.constant 0 : i32
    return %arg0, %c0_i32 : i32, i32
  }
  func.func @transform_4(%arg0: i32) -> (i32, i32) {
    %c0_i32 = arith.constant 0 : i32
    %c0_i32_0 = arith.constant 0 : i32
    return %arg0, %c0_i32 : i32, i32
  }
}

module attributes {stable_mosaic.version = 14 : i64} {
  func.func @body(%arg0: i32, %arg1: memref<1x1024x128xf32, #tpu.memory_space<vmem>>, %arg2: memref<1x1024x128xf32, #tpu.memory_space<vmem>>, %arg3: memref<1024x128xf32, #tpu.memory_space<vmem>>, %arg4: memref<1024x1xf32, #tpu.memory_space<vmem>>, %arg5: memref<1x128xf32, #tpu.memory_space<vmem>>, %arg6: memref<1024x128xf32, #tpu.memory_space<vmem>>) attributes {dimension_semantics = [#tpu.dimension_semantics<arbitrary>], iteration_bounds = array<i64: 10>, scalar_prefetch = 0 : i64, scratch_operands = 0 : i64, tpu.core_type = #tpu.core_type<tc>, window_params = [{transform_indices = @transform_0, window_bounds = array<i64: 1, 1024, 128>}, {transform_indices = @transform_1, window_bounds = array<i64: 1, 1024, 128>}, {transform_indices = @transform_2, window_bounds = array<i64: 1024, 128>}, {transform_indices = @transform_3, window_bounds = array<i64: 1024, 1>}, {pipeline_mode = #tpu.pipeline_mode<synchronous>, transform_indices = @transform_4, window_bounds = array<i64: 1, 128>}, {transform_indices = @transform_5, window_bounds = array<i64: 1024, 128>}]} {
    %get3A = arith.constant 0 : index
    %get3A_0 = arith.constant 0 : index
    %get3A_1 = arith.constant 0 : index
    %get3A_2 = vector.load %arg1[%get3A, %get3A_0, %get3A_1] : memref<1x1024x128xf32, #tpu.memory_space<vmem>>, vector<1x1024x128xf32>
    %get3A_3 = vector.shape_cast %get3A_2 : vector<1x1024x128xf32> to vector<1024x128xf32>
    %get3A_4 = arith.constant 0 : index
    %get3A_5 = arith.constant 0 : index
    %get3A_6 = arith.constant 0 : index
    %get3A_7 = vector.load %arg2[%get3A_4, %get3A_5, %get3A_6] : memref<1x1024x128xf32, #tpu.memory_space<vmem>>, vector<1x1024x128xf32>
    %get3A_8 = vector.shape_cast %get3A_7 : vector<1x1024x128xf32> to vector<1024x128xf32>
    %add3A = arith.addf %get3A_3, %get3A_8 : vector<1024x128xf32>
    %get3A_9 = arith.constant 0 : index
    %get3A_10 = arith.constant 0 : index
    %get3A_11 = vector.load %arg3[%get3A_9, %get3A_10] : memref<1024x128xf32, #tpu.memory_space<vmem>>, vector<1024x128xf32>
    %add3A_12 = arith.addf %add3A, %get3A_11 : vector<1024x128xf32>
    %get3A_13 = arith.constant 0 : index
    %get3A_14 = arith.constant 0 : index
    %get3A_15 = vector.load %arg4[%get3A_13, %get3A_14] : memref<1024x1xf32, #tpu.memory_space<vmem>>, vector<1024x1xf32>
    %mul3A = vector.broadcast %get3A_15 : vector<1024x1xf32> to vector<1024x128xf32>
    %mul3A_16 = arith.mulf %add3A_12, %mul3A : vector<1024x128xf32>
    %get3A_17 = arith.constant 0 : index
    %get3A_18 = arith.constant 0 : index
    %get3A_19 = vector.load %arg5[%get3A_17, %get3A_18] : memref<1x128xf32, #tpu.memory_space<vmem>>, vector<1x128xf32>
    %add3A_20 = vector.broadcast %get3A_19 : vector<1x128xf32> to vector<1024x128xf32>
    %add3A_21 = arith.addf %mul3A_16, %add3A_20 : vector<1024x128xf32>
    %max3A = arith.constant 0.000000e+00 : f32
    %max3A_22 = vector.broadcast %max3A : f32 to vector<1024x128xf32>
    %max3A_23 = arith.maximumf %add3A_21, %max3A_22 : vector<1024x128xf32>
    %swap3A = arith.constant 0 : index
    %swap3A_24 = arith.constant 0 : index
    %swap3A_25 = vector.load %arg6[%swap3A, %swap3A_24] : memref<1024x128xf32, #tpu.memory_space<vmem>>, vector<1024x128xf32>
    tpu.vector_store %arg6[%swap3A, %swap3A_24], %max3A_23 {strides = array<i32>} : memref<1024x128xf32, #tpu.memory_space<vmem>>, vector<1024x128xf32>,
    return
  }
  func.func @transform_0(%arg0: i32) -> (i32, i32, i32) {
    %c0_i32 = arith.constant 0 : i32
    %c0_i32_0 = arith.constant 0 : i32
    %c0_i32_1 = arith.constant 0 : i32
    return %c0_i32, %arg0, %c0_i32_0 : i32, i32, i32
  }
  func.func @transform_1(%arg0: i32) -> (i32, i32, i32) {
    %c1_i32 = arith.constant 1 : i32
    %c0_i32 = arith.constant 0 : i32
    %c0_i32_0 = arith.constant 0 : i32
    return %c1_i32, %arg0, %c0_i32 : i32, i32, i32
  }
  func.func @transform_2(%arg0: i32) -> (i32, i32) {
    %c0_i32 = arith.constant 0 : i32
    %c0_i32_0 = arith.constant 0 : i32
    return %arg0, %c0_i32 : i32, i32
  }
  func.func @transform_3(%arg0: i32) -> (i32, i32) {
    %c0_i32 = arith.constant 0 : i32
    %c0_i32_0 = arith.constant 0 : i32
    return %arg0, %c0_i32 : i32, i32
  }
  func.func @transform_4(%arg0: i32) -> (i32, i32) {
    %c0_i32 = arith.constant 0 : i32
    %c0_i32_0 = arith.constant 0 : i32
    %c0_i32_1 = arith.constant 0 : i32
    return %c0_i32, %c0_i32_0 : i32, i32
  }
  func.func @transform_5(%arg0: i32) -> (i32, i32) {
    %c0_i32 = arith.constant 0 : i32
    %c0_i32_0 = arith.constant 0 : i32
    return %arg0, %c0_i32 : i32, i32
  }
}

</mosaic_0001>

<sc_bundles>
// kernel: kernel.10.cloned.1.call-start
scs
__scs_entry_jumppad:
0x0: {  	(pc) =	sbr.rel $0x88, $3  }
0x1: {  	(tag) =	ssettag $0x0;
	lr =	simm.s32 $0x1  }
0x2: {  	[smem:$0x3F99] =	sst lr;
	_ =	strace $0xD0000000  }
0x3: {  	_ = 	snop  }
0x4: {  	_ = 	snop  }
0x5: {  	_ = 	snop  }
0x6: {  	_ = 	snop  }
0x7: {  	_ = 	snop  }
__scs_overlays_trampoline_lowered:
0x8: {  	[smem:$0x3FA8] =	sst s0  }
0x9: {  	[smem:$0x3FA9] =	sst s1  }
0xa: {  	[smem:$0x3FAA] =	sst s2  }
0xb: {  	[smem:$0x3FAB] =	sst s3  }
0xc: {  	[smem:$0x3FAC] =	sst s4  }
0xd: {  	[smem:$0x3FAD] =	sst s5  }
0xe: {  	[smem:$0x3FAE] =	sst s6  }
0xf: {  	[smem:$0x3FAF] =	sst s7  }
0x10: {  	[smem:$0x3FB0] =	sst s8  }
0x11: {  	[smem:$0x3FB1] =	sst s9;
	s0 =	simm.s32 @!p0 $0x0  }
0x12: {  	s1 =	sld [smem:$0x3F97];
	s0 =	simm.s32 @p0 $0x1  }
0x13: {  	[smem:$0x3FB2] =	sst s0;
	s0 =	simm.s32 @!p1 $0x0  }
0x14: {  	s2 =	sld [smem:$0x3F96];
	s0 =	simm.s32 @p1 $0x1  }
0x15: {  	[smem:$0x3FB3] =	sst s0;
	s0 =	simm.s32 @!p2 $0x0  }
0x16: {  	s3 =	sld [smem:$0x3FDB];
	s0 =	simm.s32 @p2 $0x1  }
0x17: {  	s4 =	simm.s32 $0x1BF5;
	[smem:$0x3FB5] =	sst s0  }
0x18: {  	s0 =	sld [smem:$0x3F98];
	_ =	swait.ge [sflag:s4], $0x0  }
0x19: {  	s7 =	sld [smem:$0x3F99]  }
0x1a: {  	s8 =	sadd.s32 $0xFFFFE003, lr  }
0x1b: {  	s9 =	sadd.s32 $0xFFFFFEF7, lr;
	s5 =	simm.s32 $0xFFFFFFFF;
	p2 =	slt.u32 s8, $0xFFFFF086  }
0x1c: {  	p1 =	slt.u32 s9, $0xF7A;
	s5 =	simm.s32 @!p2 $0x0  }
0x1d: {  	s5 =	simm.s32 @p1 $0x1;
	p0 =	seq.s32 s7, s2  }
0x1e: {  	s7 =	smul.u32 @!p0 $0xF7A, s2;
	p2 =	seq.s32 @!p0 s5, $0x0  }
0x1f: {  	s9 =	smul.u32 $0xF7A, s1;
	s8 =	simm.s32 @!p0 $0x1BF5;
	p2 =	por !p2, p0  }
0x20: {  	[sflag:s8] =	ssyncset.s32 @!p0 $0xFFFFF086;
	s6 =	sadd.s32 @!p0 s3, s7;
	s7 =	simm.s32 @!p0 $0x108  }
0x21: {  	s3 =	sadd.s32 s3, s9;
	s6 =	sadd.s32 @!p0 $0x88, s6;
	s7 =	simm.s32 @p2 $0x1082  }
0x22: {  	[simem:s7], [sflag:s8] =	dma.local @!p0 [hbm:s6], $0xF7A  }
0x23: {  	s9 =	sor.u32 $0xD0000000, s2;
	s6 =	simm.s32 $0x108;
	_ =	swait.ge @!p0 [sflag:s8], $0x0  }
0x24: {  	s3 =	sadd.s32 $0x88, s3;
	s6 =	simm.s32 @!p1 $0x1082;
	[sflag:s4] =	ssyncset.s32 $0xFFFFF086  }
0x25: {  	[simem:s6], [sflag:s4] =	dma.local [hbm:s3], $0xF7A  }
0x26: {  	[smem:$0x3F99] =	sst s1;
	(tag) =	ssettag s2;
	_ =	strace s9  }
0x27: {  	s1 =	sld [smem:$0x3FA9]  }
0x28: {  	s2 =	sld [smem:$0x3FAA]  }
0x29: {  	s4 =	sld [smem:$0x3FAC]  }
0x2a: {  	p0 =	seq.s32 s5, $0x0;
	s5 =	sld [smem:$0x3FAD]  }
0x2b: {  	s6 =	sld [smem:$0x3FAE]  }
0x2c: {  	s7 =	sld [smem:$0x3FAF]  }
0x2d: {  	s3 =	simm.s32 $0x108;
	s8 =	sld [smem:$0x3FB0]  }
0x2e: {  	s3 =	simm.s32 @!p0 $0x1082;
	s9 =	sld [smem:$0x3FB1]  }
0x2f: {  	lr =	sadd.s32 s0, s3;
	s0 =	sld [smem:$0x3FA8]  }
0x30: {  	s3 =	sld [smem:$0x3FAB]  }
0x31: {  	[smem:$0x3FB4] =	sst s10  }
0x32: {  	s10 =	sld [smem:$0x3FB2];
	_ =	sdelay $0x3  }
0x33: {  	p0 =	seq.s32 s10, $0x1;
	s10 =	sld [smem:$0x3FB4];
	_ =	sdelay $0x3  }
0x34: {  	[smem:$0x3FB4] =	sst s10  }
0x35: {  	s10 =	sld [smem:$0x3FB3];
	_ =	sdelay $0x3  }
0x36: {  	p1 =	seq.s32 s10, $0x1;
	s10 =	sld [smem:$0x3FB4];
	_ =	sdelay $0x3  }
0x37: {  	[smem:$0x3FB4] =	sst s10  }
0x38: {  	s10 =	sld [smem:$0x3FB5]  }
0x39: {  	_ = 	snop;
	(pc) =	sbr.ind lr, $3  }
0x3a: {  	_ = 	snop  }
0x3b: {  	_ = 	snop  }
0x3c: {  	p2 =	seq.s32 s10, $0x1;
	s10 =	sld [smem:$0x3FB4]  }
0x3d: {  	_ =	shalt  }
0x3e: {  	_ =	shalt  }
0x3f: {  	_ =	shalt  }
0x40: {  	_ =	shalt  }
0x41: {  	_ =	shalt  }
0x42: {  	_ =	shalt  }
0x43: {  	_ =	shalt  }
0x44: {  	_ =	shalt  }
0x45: {  	_ =	shalt  }
0x46: {  	_ =	shalt  }
0x47: {  	_ =	shalt  }
0x48: {  	_ =	shalt  }
0x49: {  	_ =	shalt  }
0x4a: {  	_ =	shalt  }
0x4b: {  	_ =	shalt  }
0x4c: {  	_ =	shalt  }
0x4d: {  	_ =	shalt  }
0x4e: {  	_ =	shalt  }
0x4f: {  	_ =	shalt  }
0x50: {  	_ =	shalt  }
0x51: {  	_ =	shalt  }
0x52: {  	_ =	shalt  }
0x53: {  	_ =	shalt  }
0x54: {  	_ =	shalt  }
0x55: {  	_ =	shalt  }
0x56: {  	_ =	shalt  }
0x57: {  	_ =	shalt  }
0x58: {  	_ =	shalt  }
0x59: {  	_ =	shalt  }
0x5a: {  	_ =	shalt  }
0x5b: {  	_ =	shalt  }
0x5c: {  	_ =	shalt  }
0x5d: {  	_ =	shalt  }
0x5e: {  	_ =	shalt  }
0x5f: {  	_ =	shalt  }
0x60: {  	_ =	shalt  }
0x61: {  	_ =	shalt  }
0x62: {  	_ =	shalt  }
0x63: {  	_ =	shalt  }
0x64: {  	_ =	shalt  }
0x65: {  	_ =	shalt  }
0x66: {  	_ =	shalt  }
0x67: {  	_ =	shalt  }
0x68: {  	_ =	shalt  }
0x69: {  	_ =	shalt  }
0x6a: {  	_ =	shalt  }
0x6b: {  	_ =	shalt  }
0x6c: {  	_ =	shalt  }
0x6d: {  	_ =	shalt  }
0x6e: {  	_ =	shalt  }
0x6f: {  	_ =	shalt  }
0x70: {  	_ =	shalt  }
0x71: {  	_ =	shalt  }
0x72: {  	_ =	shalt  }
0x73: {  	_ =	shalt  }
0x74: {  	_ =	shalt  }
0x75: {  	_ =	shalt  }
0x76: {  	_ =	shalt  }
0x77: {  	_ =	shalt  }
0x78: {  	_ =	shalt  }
0x79: {  	_ =	shalt  }
0x7a: {  	_ =	shalt  }
0x7b: {  	_ =	shalt  }
0x7c: {  	_ =	shalt  }
0x7d: {  	_ =	shalt  }
0x7e: {  	_ =	shalt  }
0x7f: {  	_ =	shalt  }
0x80: {  	_ =	shalt  }
0x81: {  	_ =	shalt  }
0x82: {  	_ =	shalt  }
0x83: {  	_ =	shalt  }
0x84: {  	_ =	shalt  }
0x85: {  	_ =	shalt  }
0x86: {  	_ =	shalt  }
0x87: {  	_ =	shalt  }
.Lfunc_end0:
.L_simem_size_0:
called_computation_lowered:
.L_overlay_start_0:
0x88: {  	s2 =	sld [smem:$0x3FD9]  }
0x89: {  	s3 =	sld [smem:$0x3FFE];
	_ =	sdelay $0x1  }
0x8a: {  	s1 =	srdreg.scid  }
0x8b: {  	s0 =	sand.u32 $0x1, s1  }
0x8c: {  	s17 =	sshll.u32 s0, $0xA;
	s2 =	sadd.s32 s3, s2  }
0x8d: {  	s2 =	sadd.s32 s2, s17  }
0x8e: {  	[smem:$0x3FC0] =	sst s2  }
0x8f: {  	_ = 	snop  }
0x90: {  	s2 =	sld [smem:$0x3FD0];
	(tm) =	ssettm $0x1  }
0x91: {  	s18 =	sld [smem:$0x3FFB];
	_ =	sdelay $0x3  }
0x92: {  	_ =	strace s18  }
0x93: {  	s3 =	sld [smem:$0x3FFC];
	_ =	sdelay $0x3  }
0x94: {  	_ =	strace s3  }
0x95: {  	s3 =	sld [smem:$0x3FFD];
	_ =	sdelay $0x3  }
0x96: {  	_ =	strace s3  }
0x97: {  	_ =	strace $0x8FFFFFFF  }
0x98: {  	s19 =	sld [smem:$0x3FDB];
	_ =	sdelay $0x1  }
0x99: {  	s4 =	simm.s32 $_scs_section_size  }
0x9a: {  	s5 =	simm.s32 $_size__tile_overlayer_lowered;
	s6 =	simm.s32 $_tile_overlayer_lowered  }
0x9b: {  	s22 =	simm.s32 $0x1BFF;
	s21 =	sshll.u32 s6, $0x1;
	s3 =	sadd.s32 s4, s19  }
0x9c: {  	s7 =	simm.s32 $0x0;
	s20 =	sshll.u32 s5, $0x1;
	s5 =	sadd.s32 s21, s3  }
0x9d: {  	[timem:s7], [sflag:s22] =	dma.local [hbm:s5], s20  }
0x9e: {  	_ =	swait.ge [sflag:s22], s20  }
0x9f: {  	s4 =	ssub.s32 $0x0, s20;
	[sflag:s22] =	ssyncset.done $0x0  }
0xa0: {  	[sflag:s22] =	ssyncadd.s32 s4;
	_ =	sdelay $0x1  }
0xa1: {  	s23 =	simm.s32 $0x1B8B  }
0xa2: {  	_ =	swait.ge [sflag:s23], $0x1  }
0xa3: {  	[sflag:s23] =	ssyncset.done $0x0  }
0xa4: {  	s25 =	simm.s32 $0x1B8E;
	s24 =	sld [smem:$0x3FFE];
	[sflag:s23] =	ssyncadd.s32 $0xFFFFFFFF  }
0xa5: {  	s26 =	simm.s32 $execute0_lowered;
	[smem:$0x3FD2] =	sst s25  }
0xa6: {  	s5 =	sshll.u32 s26, $0x1;
	_ =	strace $0x80000046;
	[dreg:$0x1] =	wrdreg $0xFFFFFFFF  }
0xa7: {  	s28 =	simm.s32 $_size_execute0_lowered;
	s3 =	sadd.s32 s3, s5;
	[dreg:$0x0] =	wrdreg $0x0  }
0xa8: {  	s5 =	sshll.u32 s28, $0x1;
	[dreg:$0x2] =	wrdreg s3  }
0xa9: {  	[dreg:$0x3] =	wrdreg s5  }
0xaa: {  	[dreg:$0x4] =	wrdreg $0xC0  }
0xab: {  	_ =	task [dreg:s7], $0x5FFFF  }
0xac: {  	[dreg:$0x1] =	wrdreg $0xFFFFFFFF  }
0xad: {  	[dreg:$0x0] =	wrdreg $0x60  }
0xae: {  	[dreg:$0x2] =	wrdreg s24  }
0xaf: {  	[dreg:$0x3] =	wrdreg s2  }
0xb0: {  	[dreg:$0x4] =	wrdreg $0x9  }
0xb1: {  	_ =	task.clear_ibuf [dreg:s7], $0x5FFFF;
	_ =	strace $0x90000046  }
0xb2: {  	s29 =	simm.s32 $0x9;
	_ =	strace $0x80000048  }
0xb3: {  	_ =	swait.ge [sflag:s29], $0x1  }
0xb4: {  	[sflag:s29] =	ssyncadd.s32 $0xFFFFFFFF  }
0xb5: {  	_ =	strace $0x90000048  }
0xb6: {  	_ =	sfence  }
0xb7: {  	s30 =	sld [smem:$0x0];
	_ =	sdelay $0x2  }
0xb8: {  	s31 =	sshll.u32 s1, $0xD;
	s1 =	sshrl.u32 s1, $0x2  }
0xb9: {  	s3 =	sand.u32 $0x4000, s31;
	s1 =	sadd.s32 s1, s30  }
0xba: {  	s0 =	sor.u32 s3, s0;
	s1 =	sshll.u32 s1, $0x11  }
0xbb: {  	s0 =	sor.u32 s1, s0  }
0xbc: {  	s0 =	sadd.s32 $0x8F2B, s0  }
0xbd: {  	[sflag:s0] =	ssyncadd.remote.s32 $0x1  }
0xbe: {  	_ =	sfence.sel $0xFFFF  }
0xbf: {  	[dreg:$0x0] =	wrdreg $0xFFFFFFFF;
	(pc) =	sbr.abs _section_cstart, $3  }
0xc0: {  	[dreg:$0x1] =	wrdreg $0xFFFFFFFF  }
0xc1: {  	_ =	task.clear_ibuf [dreg:s7], $0x2FFFF;
	_ =	strace $0x9FFFFFFF  }
0xc2: {  	(tm) =	ssettm $0x7FFFFFFF  }
0xc3: {  	_ =	shalt  }
tec
execute0_lowered:
.L_overlay_start_1:
0x0: {  	(tag) =	ssettag $0x1  }
0x1: {  	s3 =	rddreg [dreg:$0x0]  }
0x2: {  	s1 =	srdreg.scid;
	s0 =	stileid.u32  }
0x3: {  	s4 =	rddreg [dreg:$0x1];
	s9 =	simm.s32 $0x400;
	s10 =	simm.s32 $0x0  }
0x4: {  	s5 =	sand.u32 $0x1, s1;
	s2 =	sshll.u32 s0, $0x1;
	s1 =	rddreg [dreg:$0x2]  }
0x5: {  	s7 =	sshrl.u32 s0, $0x2;
	s6 =	sor.u32 s5, s2;
	s2 =	simm.s32 $0x0  }
0x6: {  	s7 =	smul.u32 $0x14000, s7;
	s5 =	ssub.s32 $0x2, s5;
	s8 =	sshll.u32 s6, $0x7  }
0x7: {  	[smem:$0x7FF] =	sst s2;
	s6 =	smul.u32 $0x13A0, s6;
	s31 =	sshrl.u32 s5, $0x1  }
0x8: {  	s8 =	sand.u32 $0x380, s8;
	_ =	strace $0x80000047;
	s5 =	ssub.s32 s5, s31  }
0x9: {  	s7 =	sor.u32 s7, s8;
	s3 =	sadd.s32 s6, s3;
	s5 =	smax.u32 s5, $0x1  }
0xa: {  	s6 =	simm.s32 $0x1;
	s8 =	simm.s32 $0x80;
	s7 =	sshrl.u32 s7, $0x3  }
0xb: {  	v0 =	vimm.f32 $0.0e+00;
	v1 =	vimm.f32 $1.000000000e+00;
	s3 =	sadd.s32 $0x3200, s3;
	s4 =	sadd.s32 s4, s7;
	s7 =	simm.s32 $0x9D00  }
.LBB2_1:
0xc: {  	[tilespmem:s2], [sflag:$0x1] =	stream.linear.gather [hbm4b:s3+s2], $0x9D00, $0x38;
	[tilespmem:$0xC500] =	vst v63  }
0xd: {  	_ =	swait.ge [sflag:s6], $0x9D00  }
0xe: {  	[sflag:s6] =	ssyncset.done $0x0  }
0xf: {  	s11 =	simm.s32 $0x0;
	[sflag:s6] =	ssyncadd.s32 $0xFFFF6300  }
.LBB2_2:
0x10: {  	p0 =	sne.s32 s11, $0x9E40  }
.Ltmp0:
0x11: {  	_ = 	snop;
	(pc) =	sbr.rel @p0 .LBB2_2-.Ltmp0, $3  }
0x12: {  	_ =	sdelay $0x1  }
0x13: {  	s12 =	sshra.s32 s11, $0x2  }
0x14: {  	s11 =	sadd.s32 $0x40, s11;
	[tilespmem:s12+$0x9D00] =	vst v0  }
0x15: {  	s11 =	simm.s32 $0xFFFD8C00  }
.LBB2_4:
0x16: {  	s12 =	sshra.s32 s11, $0x2  }
0x17: {  	v2 =	vld [tilespmem:s12+$0x9D80];
	_ =	sdelay $0x7  }
0x18: {  	[tilespmem:v2+s7+$0x0] =	vst.idx.add.f32.msk $0xffff, v1  }
0x19: {  	v2 =	vld [tilespmem:s12+$0x9D90];
	_ =	sdelay $0x7  }
0x1a: {  	[tilespmem:v2+s7+$0x0] =	vst.idx.add.f32.msk $0xffff, v1  }
0x1b: {  	v2 =	vld [tilespmem:s12+$0x9DA0];
	_ =	sdelay $0x7  }
0x1c: {  	[tilespmem:v2+s7+$0x0] =	vst.idx.add.f32.msk $0xffff, v1  }
0x1d: {  	v2 =	vld [tilespmem:s12+$0x9DB0];
	_ =	sdelay $0x2  }
0x1e: {  	p0 =	sne.s32 s11, $0xFFFFFC00  }
.Ltmp1:
0x1f: {  	_ = 	snop;
	(pc) =	sbr.rel @p0 .LBB2_4-.Ltmp1, $2  }
0x20: {  	_ =	sdelay $0x2  }
0x21: {  	s11 =	sadd.s32 $0x400, s11;
	[tilespmem:v2+s7+$0x0] =	vst.idx.add.f32.msk $0xffff, v1  }
0x22: {  	s10 =	sadd.s32 $0x1, s10  }
0x23: {  	p0 =	sne.s32 s10, s5  }
.Ltmp2:
0x24: {  	_ = 	snop;
	(pc) =	sbr.rel @p0 .LBB2_1-.Ltmp2, $4  }
0x25: {  	[hbm4b:s4+s8] =	stream.strided.scatter [tilespmem:s7], [sflag:$0x1], $0x2800, s9, s8, $0x38;
	[tilespmem:$0xC500] =	vst v63  }
0x26: {  	_ =	swait.ge [sflag:s6], $0x2800  }
0x27: {  	[sflag:s6] =	ssyncset.done $0x0  }
0x28: {  	[sflag:s6] =	ssyncadd.s32 $0xFFFFD800  }
0x29: {  	_ =	sfence.sel $0x180000  }
0x2a: {  	[bflag:$0x0] =	sbarrier.arrive $0xFFFF  }
0x2b: {  	p0 =	sne.s32 s0, $0x0;
	_ =	strace $0x90000047  }
0x2c: {  	s0 =	sadd.s32 @!p0 $0x100000, s1;
	[bflag:$0x2] =	sbarrier.arrive $0xFFFF  }
0x2d: {  	[sflag:s0] =	ssyncadd.tile.s32 @!p0 $0x1;
	_ =	shalt  }
.Lfunc_end2:
_tile_overlayer_lowered:
.L_overlay_start_2:
0x2e: {  	(tag) =	ssettag $0x2  }
0x2f: {  	s0 =	rddreg [dreg:$0x0];
	s2 =	stileid.u32  }
0x30: {  	s1 =	rddreg [dreg:$0x1];
	p0 =	sne.s32 s2, $0x0  }
0x31: {  	s3 =	rddreg [dreg:$0x2];
	[bflag:$0x3] =	sbarrier.arrive $0xFFFF;
	s2 =	simm.s32 @!p0 $0x1C01  }
0x32: {  	[timem:s3], [sflag:s2] =	dma.local @!p0 [hbm:s0], s1  }
0x33: {  	s0 =	simm.s32 @!p0 $0x1  }
0x34: {  	_ =	swait.ge @!p0 [sflag:s0], s1  }
0x35: {  	s1 =	ssub.s32 @!p0 $0x0, s1;
	[sflag:s0] =	ssyncset.done @!p0 $0x0  }
0x36: {  	[sflag:s0] =	ssyncadd.s32 @!p0 s1  }
0x37: {  	[bflag:$0x3] =	sbarrier.arrive $0xFFFF  }
0x38: {  	_ =	shalt  }

// kernel: kernel.13.cloned.1.call-start
scs
__scs_entry_jumppad:
0x0: {  	(pc) =	sbr.rel $0x88, $3  }
0x1: {  	(tag) =	ssettag $0x0;
	lr =	simm.s32 $0x1  }
0x2: {  	[smem:$0x3F99] =	sst lr;
	_ =	strace $0xD0000000  }
0x3: {  	_ = 	snop  }
0x4: {  	_ = 	snop  }
0x5: {  	_ = 	snop  }
0x6: {  	_ = 	snop  }
0x7: {  	_ = 	snop  }
__scs_overlays_trampoline_lowered:
0x8: {  	[smem:$0x3FA8] =	sst s0  }
0x9: {  	[smem:$0x3FA9] =	sst s1  }
0xa: {  	[smem:$0x3FAA] =	sst s2  }
0xb: {  	[smem:$0x3FAB] =	sst s3  }
0xc: {  	[smem:$0x3FAC] =	sst s4  }
0xd: {  	[smem:$0x3FAD] =	sst s5  }
0xe: {  	[smem:$0x3FAE] =	sst s6  }
0xf: {  	[smem:$0x3FAF] =	sst s7  }
0x10: {  	[smem:$0x3FB0] =	sst s8  }
0x11: {  	[smem:$0x3FB1] =	sst s9;
	s0 =	simm.s32 @!p0 $0x0  }
0x12: {  	s1 =	sld [smem:$0x3F97];
	s0 =	simm.s32 @p0 $0x1  }
0x13: {  	[smem:$0x3FB2] =	sst s0;
	s0 =	simm.s32 @!p1 $0x0  }
0x14: {  	s2 =	sld [smem:$0x3F96];
	s0 =	simm.s32 @p1 $0x1  }
0x15: {  	[smem:$0x3FB3] =	sst s0;
	s0 =	simm.s32 @!p2 $0x0  }
0x16: {  	s3 =	sld [smem:$0x3FDB];
	s0 =	simm.s32 @p2 $0x1  }
0x17: {  	s4 =	simm.s32 $0x1BF5;
	[smem:$0x3FB5] =	sst s0  }
0x18: {  	s0 =	sld [smem:$0x3F98];
	_ =	swait.ge [sflag:s4], $0x0  }
0x19: {  	s7 =	sld [smem:$0x3F99]  }
0x1a: {  	s8 =	sadd.s32 $0xFFFFE003, lr  }
0x1b: {  	s9 =	sadd.s32 $0xFFFFFEF7, lr;
	s5 =	simm.s32 $0xFFFFFFFF;
	p2 =	slt.u32 s8, $0xFFFFF086  }
0x1c: {  	p1 =	slt.u32 s9, $0xF7A;
	s5 =	simm.s32 @!p2 $0x0  }
0x1d: {  	s5 =	simm.s32 @p1 $0x1;
	p0 =	seq.s32 s7, s2  }
0x1e: {  	s7 =	smul.u32 @!p0 $0xF7A, s2;
	p2 =	seq.s32 @!p0 s5, $0x0  }
0x1f: {  	s9 =	smul.u32 $0xF7A, s1;
	s8 =	simm.s32 @!p0 $0x1BF5;
	p2 =	por !p2, p0  }
0x20: {  	[sflag:s8] =	ssyncset.s32 @!p0 $0xFFFFF086;
	s6 =	sadd.s32 @!p0 s3, s7;
	s7 =	simm.s32 @!p0 $0x108  }
0x21: {  	s3 =	sadd.s32 s3, s9;
	s6 =	sadd.s32 @!p0 $0x88, s6;
	s7 =	simm.s32 @p2 $0x1082  }
0x22: {  	[simem:s7], [sflag:s8] =	dma.local @!p0 [hbm:s6], $0xF7A  }
0x23: {  	s9 =	sor.u32 $0xD0000000, s2;
	s6 =	simm.s32 $0x108;
	_ =	swait.ge @!p0 [sflag:s8], $0x0  }
0x24: {  	s3 =	sadd.s32 $0x88, s3;
	s6 =	simm.s32 @!p1 $0x1082;
	[sflag:s4] =	ssyncset.s32 $0xFFFFF086  }
0x25: {  	[simem:s6], [sflag:s4] =	dma.local [hbm:s3], $0xF7A  }
0x26: {  	[smem:$0x3F99] =	sst s1;
	(tag) =	ssettag s2;
	_ =	strace s9  }
0x27: {  	s1 =	sld [smem:$0x3FA9]  }
0x28: {  	s2 =	sld [smem:$0x3FAA]  }
0x29: {  	s4 =	sld [smem:$0x3FAC]  }
0x2a: {  	p0 =	seq.s32 s5, $0x0;
	s5 =	sld [smem:$0x3FAD]  }
0x2b: {  	s6 =	sld [smem:$0x3FAE]  }
0x2c: {  	s7 =	sld [smem:$0x3FAF]  }
0x2d: {  	s3 =	simm.s32 $0x108;
	s8 =	sld [smem:$0x3FB0]  }
0x2e: {  	s3 =	simm.s32 @!p0 $0x1082;
	s9 =	sld [smem:$0x3FB1]  }
0x2f: {  	lr =	sadd.s32 s0, s3;
	s0 =	sld [smem:$0x3FA8]  }
0x30: {  	s3 =	sld [smem:$0x3FAB]  }
0x31: {  	[smem:$0x3FB4] =	sst s10  }
0x32: {  	s10 =	sld [smem:$0x3FB2];
	_ =	sdelay $0x3  }
0x33: {  	p0 =	seq.s32 s10, $0x1;
	s10 =	sld [smem:$0x3FB4];
	_ =	sdelay $0x3  }
0x34: {  	[smem:$0x3FB4] =	sst s10  }
0x35: {  	s10 =	sld [smem:$0x3FB3];
	_ =	sdelay $0x3  }
0x36: {  	p1 =	seq.s32 s10, $0x1;
	s10 =	sld [smem:$0x3FB4];
	_ =	sdelay $0x3  }
0x37: {  	[smem:$0x3FB4] =	sst s10  }
0x38: {  	s10 =	sld [smem:$0x3FB5]  }
0x39: {  	_ = 	snop;
	(pc) =	sbr.ind lr, $3  }
0x3a: {  	_ = 	snop  }
0x3b: {  	_ = 	snop  }
0x3c: {  	p2 =	seq.s32 s10, $0x1;
	s10 =	sld [smem:$0x3FB4]  }
0x3d: {  	_ =	shalt  }
0x3e: {  	_ =	shalt  }
0x3f: {  	_ =	shalt  }
0x40: {  	_ =	shalt  }
0x41: {  	_ =	shalt  }
0x42: {  	_ =	shalt  }
0x43: {  	_ =	shalt  }
0x44: {  	_ =	shalt  }
0x45: {  	_ =	shalt  }
0x46: {  	_ =	shalt  }
0x47: {  	_ =	shalt  }
0x48: {  	_ =	shalt  }
0x49: {  	_ =	shalt  }
0x4a: {  	_ =	shalt  }
0x4b: {  	_ =	shalt  }
0x4c: {  	_ =	shalt  }
0x4d: {  	_ =	shalt  }
0x4e: {  	_ =	shalt  }
0x4f: {  	_ =	shalt  }
0x50: {  	_ =	shalt  }
0x51: {  	_ =	shalt  }
0x52: {  	_ =	shalt  }
0x53: {  	_ =	shalt  }
0x54: {  	_ =	shalt  }
0x55: {  	_ =	shalt  }
0x56: {  	_ =	shalt  }
0x57: {  	_ =	shalt  }
0x58: {  	_ =	shalt  }
0x59: {  	_ =	shalt  }
0x5a: {  	_ =	shalt  }
0x5b: {  	_ =	shalt  }
0x5c: {  	_ =	shalt  }
0x5d: {  	_ =	shalt  }
0x5e: {  	_ =	shalt  }
0x5f: {  	_ =	shalt  }
0x60: {  	_ =	shalt  }
0x61: {  	_ =	shalt  }
0x62: {  	_ =	shalt  }
0x63: {  	_ =	shalt  }
0x64: {  	_ =	shalt  }
0x65: {  	_ =	shalt  }
0x66: {  	_ =	shalt  }
0x67: {  	_ =	shalt  }
0x68: {  	_ =	shalt  }
0x69: {  	_ =	shalt  }
0x6a: {  	_ =	shalt  }
0x6b: {  	_ =	shalt  }
0x6c: {  	_ =	shalt  }
0x6d: {  	_ =	shalt  }
0x6e: {  	_ =	shalt  }
0x6f: {  	_ =	shalt  }
0x70: {  	_ =	shalt  }
0x71: {  	_ =	shalt  }
0x72: {  	_ =	shalt  }
0x73: {  	_ =	shalt  }
0x74: {  	_ =	shalt  }
0x75: {  	_ =	shalt  }
0x76: {  	_ =	shalt  }
0x77: {  	_ =	shalt  }
0x78: {  	_ =	shalt  }
0x79: {  	_ =	shalt  }
0x7a: {  	_ =	shalt  }
0x7b: {  	_ =	shalt  }
0x7c: {  	_ =	shalt  }
0x7d: {  	_ =	shalt  }
0x7e: {  	_ =	shalt  }
0x7f: {  	_ =	shalt  }
0x80: {  	_ =	shalt  }
0x81: {  	_ =	shalt  }
0x82: {  	_ =	shalt  }
0x83: {  	_ =	shalt  }
0x84: {  	_ =	shalt  }
0x85: {  	_ =	shalt  }
0x86: {  	_ =	shalt  }
0x87: {  	_ =	shalt  }
.Lfunc_end0:
.L_simem_size_0:
called_computation.1_lowered:
.L_overlay_start_0:
0x88: {  	s2 =	sld [smem:$0x3FD9]  }
0x89: {  	s3 =	sld [smem:$0x3FFE];
	_ =	sdelay $0x1  }
0x8a: {  	s1 =	srdreg.scid  }
0x8b: {  	s0 =	sand.u32 $0x1, s1  }
0x8c: {  	s17 =	sshll.u32 s0, $0xA;
	s2 =	sadd.s32 s3, s2  }
0x8d: {  	s2 =	sadd.s32 s2, s17  }
0x8e: {  	[smem:$0x3FC0] =	sst s2  }
0x8f: {  	_ = 	snop  }
0x90: {  	s2 =	sld [smem:$0x3FD0];
	(tm) =	ssettm $0x1  }
0x91: {  	s18 =	sld [smem:$0x3FFB];
	_ =	sdelay $0x3  }
0x92: {  	_ =	strace s18  }
0x93: {  	s3 =	sld [smem:$0x3FFC];
	_ =	sdelay $0x3  }
0x94: {  	_ =	strace s3  }
0x95: {  	s3 =	sld [smem:$0x3FFD];
	_ =	sdelay $0x3  }
0x96: {  	_ =	strace s3  }
0x97: {  	_ =	strace $0x8FFFFFFF  }
0x98: {  	s19 =	sld [smem:$0x3FDB];
	_ =	sdelay $0x1  }
0x99: {  	s4 =	simm.s32 $_scs_section_size  }
0x9a: {  	s5 =	simm.s32 $_size__tile_overlayer_lowered;
	s6 =	simm.s32 $_tile_overlayer_lowered  }
0x9b: {  	s22 =	simm.s32 $0x1BFF;
	s21 =	sshll.u32 s6, $0x1;
	s3 =	sadd.s32 s4, s19  }
0x9c: {  	s7 =	simm.s32 $0x0;
	s20 =	sshll.u32 s5, $0x1;
	s5 =	sadd.s32 s21, s3  }
0x9d: {  	[timem:s7], [sflag:s22] =	dma.local [hbm:s5], s20  }
0x9e: {  	_ =	swait.ge [sflag:s22], s20  }
0x9f: {  	s4 =	ssub.s32 $0x0, s20;
	[sflag:s22] =	ssyncset.done $0x0  }
0xa0: {  	[sflag:s22] =	ssyncadd.s32 s4;
	_ =	sdelay $0x1  }
0xa1: {  	s23 =	simm.s32 $0x1B8B  }
0xa2: {  	_ =	swait.ge [sflag:s23], $0x1  }
0xa3: {  	[sflag:s23] =	ssyncset.done $0x0  }
0xa4: {  	s25 =	simm.s32 $0x1B8E;
	s24 =	sld [smem:$0x3FFE];
	[sflag:s23] =	ssyncadd.s32 $0xFFFFFFFF  }
0xa5: {  	s26 =	simm.s32 $execute0_lowered;
	[smem:$0x3FD2] =	sst s25  }
0xa6: {  	s5 =	sshll.u32 s26, $0x1;
	_ =	strace $0x80000049;
	[dreg:$0x1] =	wrdreg $0xFFFFFFFF  }
0xa7: {  	s28 =	simm.s32 $_size_execute0_lowered;
	s3 =	sadd.s32 s3, s5;
	[dreg:$0x0] =	wrdreg $0x0  }
0xa8: {  	s5 =	sshll.u32 s28, $0x1;
	[dreg:$0x2] =	wrdreg s3  }
0xa9: {  	[dreg:$0x3] =	wrdreg s5  }
0xaa: {  	[dreg:$0x4] =	wrdreg $0xC0  }
0xab: {  	_ =	task [dreg:s7], $0x5FFFF  }
0xac: {  	[dreg:$0x1] =	wrdreg $0xFFFFFFFF  }
0xad: {  	[dreg:$0x0] =	wrdreg $0x60  }
0xae: {  	[dreg:$0x2] =	wrdreg s2  }
0xaf: {  	[dreg:$0x3] =	wrdreg s24  }
0xb0: {  	[dreg:$0x4] =	wrdreg $0xA6000  }
0xb1: {  	[dreg:$0x5] =	wrdreg $0x9  }
0xb2: {  	_ =	task.clear_ibuf [dreg:s7], $0x6FFFF;
	_ =	strace $0x90000049  }
0xb3: {  	s29 =	simm.s32 $0x9;
	_ =	strace $0x8000004B  }
0xb4: {  	_ =	swait.ge [sflag:s29], $0x1  }
0xb5: {  	[sflag:s29] =	ssyncadd.s32 $0xFFFFFFFF  }
0xb6: {  	_ =	strace $0x9000004B  }
0xb7: {  	_ =	sfence  }
0xb8: {  	s30 =	sld [smem:$0x0];
	_ =	sdelay $0x2  }
0xb9: {  	s31 =	sshll.u32 s1, $0xD;
	s1 =	sshrl.u32 s1, $0x2  }
0xba: {  	s3 =	sand.u32 $0x4000, s31;
	s1 =	sadd.s32 s1, s30  }
0xbb: {  	s0 =	sor.u32 s3, s0;
	s1 =	sshll.u32 s1, $0x11  }
0xbc: {  	s0 =	sor.u32 s1, s0  }
0xbd: {  	s0 =	sadd.s32 $0x8F2B, s0  }
0xbe: {  	[sflag:s0] =	ssyncadd.remote.s32 $0x1  }
0xbf: {  	_ =	sfence.sel $0xFFFF  }
0xc0: {  	[dreg:$0x0] =	wrdreg $0xFFFFFFFF;
	(pc) =	sbr.abs _section_cstart, $3  }
0xc1: {  	[dreg:$0x1] =	wrdreg $0xFFFFFFFF  }
0xc2: {  	_ =	task.clear_ibuf [dreg:s7], $0x2FFFF;
	_ =	strace $0x9FFFFFFF  }
0xc3: {  	(tm) =	ssettm $0x7FFFFFFF  }
tec
execute0_lowered:
.L_overlay_start_1:
0x0: {  	(tag) =	ssettag $0x1  }
0x1: {  	s21 =	rddreg [dreg:$0x0];
	s1 =	stileid.u32  }
0x2: {  	s0 =	rddreg [dreg:$0x1];
	s5 =	smul.u32 $0xE8, s1  }
0x3: {  	s2 =	srdreg.scid;
	s6 =	smul.u32 $0x52, s1  }
0x4: {  	s30 =	rddreg [dreg:$0x2];
	s8 =	smul.u32 $0x13C00, s1  }
0x5: {  	s3 =	simm.s32 $0x0;
	s2 =	sand.u32 $0x1, s2;
	s10 =	smul.u32 $0x4F000, s1  }
0x6: {  	[smem:$0x7FF] =	sst s3;
	s7 =	smul.u32 $0x13C000, s2  }
0x7: {  	p0 =	seq.s32 s2, $0x0;
	s2 =	ssub.s32 $0x2, s2;
	s6 =	sadd.s32 $0xE80, s6  }
0x8: {  	s6 =	smov.u32 @p0 s5;
	s3 =	sadd.s32 s8, s7;
	s8 =	sshrl.u32 s2, $0x1  }
0x9: {  	_ =	strace $0x8000004A;
	s5 =	sshll.u32 s6, $0x5;
	s2 =	ssub.s32 s2, s8  }
0xa: {  	s6 =	sshrl.u32 s3, $0x3;
	s8 =	sshrl.u32 s10, $0x2;
	s29 =	smax.u32 s2, $0x1  }
0xb: {  	s4 =	sadd.s32 s5, s0;
	s3 =	sadd.s32 s8, s30;
	[dreg:$0x16] =	wrdreg s29  }
0xc: {  	s11 =	sadd.s32 $0x3200, s4;
	[dreg:$0x9] =	wrdreg s3  }
0xd: {  	s13 =	sadd.s32 $0x3220, s4;
	[dreg:$0x5] =	wrdreg s11  }
0xe: {  	s14 =	sadd.s32 $0x3240, s4;
	[dreg:$0x6] =	wrdreg s13  }
0xf: {  	s15 =	sadd.s32 $0x3260, s4;
	[dreg:$0x7] =	wrdreg s14  }
0x10: {  	s1 =	simm.s32 $0x0;
	s16 =	sadd.s32 $0x3280, s4;
	[dreg:$0x8] =	wrdreg s15  }
0x11: {  	s5 =	simm.s32 $0xE8;
	s17 =	sadd.s32 $0x2000, s3;
	[dreg:$0xa] =	wrdreg s16  }
0x12: {  	s0 =	sadd.s32 s6, s0;
	s18 =	sadd.s32 $0x4000, s3;
	[dreg:$0xb] =	wrdreg s17  }
0x13: {  	s5 =	simm.s32 @!p0 $0x52;
	s19 =	sadd.s32 $0x6000, s3;
	[dreg:$0xc] =	wrdreg s18  }
0x14: {  	s20 =	sadd.s32 $0x8000, s3;
	s9 =	sadd.s32 $0xFFFFFFFF, s5;
	[dreg:$0xd] =	wrdreg s19  }
0x15: {  	s22 =	sadd.s32 $0xA000, s3;
	[dreg:$0xe] =	wrdreg s20;
	s12 =	smul.u32 $0xCD, s9  }
0x16: {  	s2 =	simm.s32 $0x100;
	s23 =	sadd.s32 $0xC000, s3;
	[dreg:$0xf] =	wrdreg s22  }
0x17: {  	s24 =	sadd.s32 $0xE000, s3;
	[dreg:$0x10] =	wrdreg s23;
	s6 =	sshrl.u32 s12, $0xA  }
0x18: {  	s25 =	sadd.s32 $0x10000, s3;
	[dreg:$0x11] =	wrdreg s24;
	s6 =	smul.u32 $0x5, s6  }
0x19: {  	s8 =	simm.s32 $0x11;
	s26 =	sadd.s32 $0x12000, s3;
	[dreg:$0x12] =	wrdreg s25  }
0x1a: {  	s0 =	sadd.s32 $0x2A600, s0;
	[dreg:$0x13] =	wrdreg s26;
	s6 =	ssub.s32 s9, s6  }
0x1b: {  	s31 =	sadd.s32 $0x32A0, s4;
	[dreg:$0x15] =	wrdreg s0;
	s6 =	sand.u32 $0xFF, s6  }
0x1c: {  	s4 =	simm.s32 $0x200;
	[dreg:$0x17] =	wrdreg s31;
	s28 =	sadd.s32 $0xC, s6  }
0x1d: {  	v0 =	vimm.f32 $0.0e+00;
	s9 =	simm.s32 $0x40;
	s6 =	simm.s32 $0x300;
	[dreg:$0x14] =	wrdreg s28  }
.LBB2_1:
0x1e: {  	s0 =	simm.s32 $0x0;
	s25 =	rddreg [dreg:$0x5]  }
0x1f: {  	[tilespmem:s0], [sflag:$0x1] =	stream.linear.gather [hbm4b:s25+s0], $0x100, $0x38;
	[tilespmem:$0x1E200] =	vst v63  }
0x20: {  	s26 =	rddreg [dreg:$0x6]  }
0x21: {  	[tilespmem:s2], [sflag:$0x2] =	stream.linear.gather [hbm4b:s26+s0], $0x100, $0x38;
	[tilespmem:$0x1E200] =	vst v63  }
0x22: {  	s28 =	rddreg [dreg:$0x7]  }
0x23: {  	[tilespmem:s4], [sflag:$0x3] =	stream.linear.gather [hbm4b:s28+s0], $0x100, $0x38;
	[tilespmem:$0x1E200] =	vst v63  }
0x24: {  	s29 =	rddreg [dreg:$0x8]  }
0x25: {  	[tilespmem:s6], [sflag:$0x4] =	stream.linear.gather [hbm4b:s29+s0], $0x100, $0x38;
	[tilespmem:$0x1E200] =	vst v63  }
0x26: {  	s31 =	rddreg [dreg:$0xa];
	s7 =	simm.s32 $0x400  }
0x27: {  	[tilespmem:s7], [sflag:$0x5] =	stream.linear.gather [hbm4b:s31+s0], $0x100, $0x38;
	[tilespmem:$0x1E200] =	vst v63  }
0x28: {  	[dreg:$0x18] =	wrdreg s1;
	s0 =	simm.s32 $0x0;
	s7 =	simm.s32 $0x200  }
.LBB2_2:
0x29: {  	p0 =	sne.s32 s7, $0x7E00;
	[tilespmem:s0+$0x670] =	vst v0  }
0x2a: {  	[tilespmem:s0+$0x600] =	vst v0  }
0x2b: {  	[tilespmem:s0+$0x610] =	vst v0  }
.Ltmp0:
0x2c: {  	[tilespmem:s0+$0x620] =	vst v0;
	(pc) =	sbr.rel @p0 .LBB2_2-.Ltmp0, $4  }
0x2d: {  	[tilespmem:s0+$0x630] =	vst v0  }
0x2e: {  	[tilespmem:s0+$0x640] =	vst v0  }
0x2f: {  	[tilespmem:s0+$0x650] =	vst v0  }
0x30: {  	[tilespmem:s0+$0x660] =	vst v0;
	s0 =	sshra.s32 s7, $0x2;
	s7 =	sadd.s32 $0x200, s7  }
0x31: {  	[tilespmem:s0+$0x670] =	vst v0  }
0x32: {  	[tilespmem:s0+$0x600] =	vst v0  }
0x33: {  	[tilespmem:s0+$0x610] =	vst v0  }
0x34: {  	[tilespmem:s0+$0x620] =	vst v0  }
0x35: {  	[tilespmem:s0+$0x630] =	vst v0  }
0x36: {  	[tilespmem:s0+$0x640] =	vst v0  }
0x37: {  	[tilespmem:s0+$0x650] =	vst v0  }
0x38: {  	[tilespmem:s0+$0x660] =	vst v0;
	s7 =	simm.s32 $0x600  }
0x39: {  	[spmem:s3] =	stream.linear.scatter [tilespmem:s7], [sflag:$0x11], $0x2000, $0x38;
	[tilespmem:$0x1E200] =	vst v63  }
0x3a: {  	_ =	swait.ge [sflag:s8], $0x2000  }
0x3b: {  	[sflag:s8] =	ssyncset.done $0x0  }
0x3c: {  	s14 =	rddreg [dreg:$0xb];
	[sflag:s8] =	ssyncadd.s32 $0xFFFFE000  }
0x3d: {  	[spmem:s14] =	stream.linear.scatter [tilespmem:s7], [sflag:$0x11], $0x2000, $0x38;
	[tilespmem:$0x1E200] =	vst v63  }
0x3e: {  	_ =	swait.ge [sflag:s8], $0x2000  }
0x3f: {  	[sflag:s8] =	ssyncset.done $0x0  }
0x40: {  	s15 =	rddreg [dreg:$0xc];
	[sflag:s8] =	ssyncadd.s32 $0xFFFFE000  }
0x41: {  	[spmem:s15] =	stream.linear.scatter [tilespmem:s7], [sflag:$0x11], $0x2000, $0x38;
	[tilespmem:$0x1E200] =	vst v63  }
0x42: {  	_ =	swait.ge [sflag:s8], $0x2000  }
0x43: {  	[sflag:s8] =	ssyncset.done $0x0  }
0x44: {  	s16 =	rddreg [dreg:$0xd];
	[sflag:s8] =	ssyncadd.s32 $0xFFFFE000  }
0x45: {  	[spmem:s16] =	stream.linear.scatter [tilespmem:s7], [sflag:$0x11], $0x2000, $0x38;
	[tilespmem:$0x1E200] =	vst v63  }
0x46: {  	_ =	swait.ge [sflag:s8], $0x2000  }
0x47: {  	[sflag:s8] =	ssyncset.done $0x0  }
0x48: {  	s17 =	rddreg [dreg:$0xe];
	[sflag:s8] =	ssyncadd.s32 $0xFFFFE000  }
0x49: {  	[spmem:s17] =	stream.linear.scatter [tilespmem:s7], [sflag:$0x11], $0x2000, $0x38;
	[tilespmem:$0x1E200] =	vst v63  }
0x4a: {  	_ =	swait.ge [sflag:s8], $0x2000  }
0x4b: {  	[sflag:s8] =	ssyncset.done $0x0  }
0x4c: {  	s18 =	rddreg [dreg:$0xf];
	[sflag:s8] =	ssyncadd.s32 $0xFFFFE000  }
0x4d: {  	[spmem:s18] =	stream.linear.scatter [tilespmem:s7], [sflag:$0x11], $0x2000, $0x38;
	[tilespmem:$0x1E200] =	vst v63  }
0x4e: {  	_ =	swait.ge [sflag:s8], $0x2000  }
0x4f: {  	[sflag:s8] =	ssyncset.done $0x0  }
0x50: {  	s19 =	rddreg [dreg:$0x10];
	[sflag:s8] =	ssyncadd.s32 $0xFFFFE000  }
0x51: {  	[spmem:s19] =	stream.linear.scatter [tilespmem:s7], [sflag:$0x11], $0x2000, $0x38;
	[tilespmem:$0x1E200] =	vst v63  }
0x52: {  	_ =	swait.ge [sflag:s8], $0x2000  }
0x53: {  	[sflag:s8] =	ssyncset.done $0x0  }
0x54: {  	s20 =	rddreg [dreg:$0x11];
	[sflag:s8] =	ssyncadd.s32 $0xFFFFE000  }
0x55: {  	[spmem:s20] =	stream.linear.scatter [tilespmem:s7], [sflag:$0x11], $0x2000, $0x38;
	[tilespmem:$0x1E200] =	vst v63  }
0x56: {  	_ =	swait.ge [sflag:s8], $0x2000  }
0x57: {  	[sflag:s8] =	ssyncset.done $0x0  }
0x58: {  	s24 =	simm.s32 $0x1;
	s22 =	rddreg [dreg:$0x12];
	[sflag:s8] =	ssyncadd.s32 $0xFFFFE000  }
0x59: {  	[spmem:s22] =	stream.linear.scatter [tilespmem:s7], [sflag:$0x11], $0x2000, $0x38;
	[tilespmem:$0x1E200] =	vst v63  }
0x5a: {  	s25 =	simm.s32 $0x0;
	s1 =	simm.s32 $0x2;
	_ =	swait.ge [sflag:s8], $0x2000  }
0x5b: {  	s26 =	simm.s32 $0x2600;
	s28 =	simm.s32 $0x3;
	[sflag:s8] =	ssyncset.done $0x0  }
0x5c: {  	s10 =	simm.s32 $0x4;
	s23 =	rddreg [dreg:$0x13];
	[sflag:s8] =	ssyncadd.s32 $0xFFFFE000  }
0x5d: {  	[spmem:s23] =	stream.linear.scatter [tilespmem:s7], [sflag:$0x11], $0x1C00, $0x38;
	[tilespmem:$0x1E200] =	vst v63  }
0x5e: {  	s13 =	simm.s32 $0xFFFFFFFF;
	s11 =	simm.s32 $0x400;
	_ =	swait.ge [sflag:s8], $0x1C00  }
0x5f: {  	p1 =	sne.s32 s5, $0x1;
	p3 =	por $0x1, $0x1;
	[sflag:s8] =	ssyncset.done $0x0  }
0x60: {  	p2 =	sle.u32 s5, $0x5;
	s12 =	smulhi.u32 $0xAAAAAAAB, s25;
	[sflag:s8] =	ssyncadd.s32 $0xFFFFE400  }
0x61: {  	p0 =	sle.u32 s5, $0x4;
	s0 =	smulhi.u32 $0xCCCCCCCD, s25;
	[bflag:$0x0] =	sbarrier.arrive $0xFFFF  }
0x62: {  	s3 =	simm.s32 $0x6600;
	s15 =	smulhi.u32 $0xCCCCCCCD, s13;
	_ =	swait.ge [sflag:s24], $0x100  }
0x63: {  	s0 =	sshrl.u32 s0, $0x2;
	s14 =	simm.s32 $0x6;
	[sflag:s24] =	ssyncset.done $0x0  }
0x64: {  	s16 =	simm.s32 $0x5;
	s17 =	sshrl.u32 s15, $0x2;
	[sflag:s24] =	ssyncadd.s32 $0xFFFFFF00  }
0x65: {  	[tilespmem:s7], [sflag:$0x7] =	stream.indirect.gather [hbm4b:s21+s9], $0x80, s25, s9, $0xb8;
	[tilespmem:$0x1E200] =	vst v63  }
0x66: {  	s15 =	simm.s32 $0x500;
	s18 =	smulhi.u32 $0xCCCCCCCD, s10;
	_ =	swait.ge [sflag:s1], $0x100  }
0x67: {  	s19 =	sshrl.u32 s12, $0x2;
	s22 =	smul.u32 $0xFFFD8000, s0;
	[sflag:s1] =	ssyncset.done $0x0  }
0x68: {  	s12 =	simm.s32 $0x2600;
	s23 =	smul.u32 $0xFFFFFFEC, s17;
	[sflag:s1] =	ssyncadd.s32 $0xFFFFFF00  }
0x69: {  	[tilespmem:s26], [sflag:$0x8] =	stream.indirect.gather [hbm4b:s21+s9], $0x80, s2, s9, $0xb8;
	[tilespmem:$0x1E200] =	vst v63  }
0x6a: {  	s0 =	smul.u32 $0xFFFFFFEC, s0;
	s22 =	sshra.s32 s22, $0x2;
	_ =	swait.ge [sflag:s28], $0x100  }
0x6b: {  	s17 =	simm.s32 $0xA600;
	s23 =	sshra.s32 s23, $0x2;
	[sflag:s28] =	ssyncset.done $0x0  }
0x6c: {  	s24 =	sshrl.u32 s18, $0x2;
	s2 =	simm.s32 $0x4600;
	[sflag:s28] =	ssyncadd.s32 $0xFFFFFF00  }
0x6d: {  	[tilespmem:s2], [sflag:$0x9] =	stream.indirect.gather [hbm4b:s21+s9], $0x80, s4, s9, $0xb8;
	[tilespmem:$0x1E200] =	vst v63  }
0x6e: {  	s8 =	simm.s32 $0x0;
	s18 =	simm.s32 $0x4;
	s2 =	smul.u32 $0xFFFFFFEC, s24  }
0x6f: {  	s4 =	simm.s32 $0x5;
	s24 =	smul.u32 $0xFFFD8000, s24;
	_ =	swait.ge [sflag:s10], $0x100  }
0x70: {  	s26 =	simm.s32 @!p2 $0x0;
	s20 =	smulhi.u32 $0xAAAAAAAB, s4;
	[sflag:s10] =	ssyncset.done $0x0  }
0x71: {  	s1 =	rddreg [dreg:$0x17];
	[sflag:s10] =	ssyncadd.s32 $0xFFFFFF00;
	s10 =	smulhi.u32 $0xAAAAAAAB, s10  }
0x72: {  	[tilespmem:s3], [sflag:$0xA] =	stream.indirect.gather [hbm4b:s21+s9], $0x80, s6, s9, $0xb8;
	[tilespmem:$0x1E200] =	vst v63  }
0x73: {  	s13 =	sadd.s32 $0x20, s1;
	s9 =	simm.s32 $0x1;
	s6 =	sshrl.u32 s20, $0x2  }
0x74: {  	s20 =	sshra.s32 s0, $0x2;
	s0 =	sadd.s32 $0xB, s23;
	s28 =	smul.u32 $0xFFFFFFE8, s6  }
0x75: {  	s10 =	sshrl.u32 s10, $0x2;
	s0 =	sadd.s32 @!p3 $0x0, s0;
	s29 =	smul.u32 $0xFFFFE800, s6  }
0x76: {  	s3 =	sshra.s32 s2, $0x2;
	s25 =	smul.u32 $0xFFFFFFE8, s10;
	_ =	swait.ge @!p3 [sflag:s0], $0x2000  }
0x77: {  	[sflag:s0] =	ssyncset.done @!p3 $0x0;
	s6 =	sshra.s32 s28, $0x2;
	s28 =	sshra.s32 @!p2 s29, $0x2  }
0x78: {  	[sflag:s0] =	ssyncadd.s32 @!p3 $0xFFFFE000;
	s4 =	sshra.s32 s25, $0x2;
	s0 =	sadd.s32 $0xB, s3  }
0x79: {  	s28 =	sadd.s32 @!p2 $0x400, s28;
	s25 =	sadd.s32 $0x6, s6;
	s23 =	sadd.s32 $0x5, s4  }
.Ltmp1:
0x7a: {  	s28 =	sadd.s32 @!p2 $0x100, s28;
	s25 =	sadd.s32 @!p2 $0x0, s25;
	(pc) =	sbr.rel @!p1 .LBB2_5-.Ltmp1, $4  }
0x7b: {  	[tilespmem:s28], [sflag:s25] =	stream.linear.gather @!p2 [hbm4b:s1+s26], $0x100, $0x38;
	[tilespmem:$0x1E200] =	vst v63  }
0x7c: {  	s0 =	sadd.s32 @!p0 $0x0, s0;
	s31 =	sadd.s32 @!p0 $0x0, s23;
	s23 =	simm.s32 @!p0 $0x40  }
0x7d: {  	s28 =	sshra.s32 s24, $0x2;
	s24 =	smul.u32 $0xFFFFE800, s10;
	s25 =	simm.s32 $0x0  }
0x7e: {  	s10 =	sadd.s32 $0x7, s20;
	s29 =	sadd.s32 $0x8600, s28;
	_ =	swait.ge @!p0 [sflag:s31], $0x100  }
.LBB2_4:
0x7f: {  	s19 =	smul.u32 $0xFFFFE800, s19  }
0x80: {  	[sflag:s31] =	ssyncset.done @!p0 $0x0;
	s4 =	smov.u32 s9;
	s28 =	smov.u32 s13  }
0x81: {  	s1 =	smov.u32 s17;
	s20 =	sadd.s32 $0xC, s20;
	s10 =	sadd.s32 s8, s10  }
0x82: {  	s9 =	sadd.s32 $0x1, s9;
	s7 =	sadd.s32 s22, s7;
	s22 =	smulhi.u32 $0xAAAAAAAB, s14  }
0x83: {  	s13 =	sadd.s32 $0x20, s13;
	s14 =	sadd.s32 $0x1, s14;
	s17 =	sadd.s32 $0x2000, s17  }
0x84: {  	p3 =	seq.s32 s18, $0x0;
	s2 =	smov.u32 s21;
	s24 =	sshra.s32 @!p0 s24, $0x2  }
0x85: {  	[dreg:$0x4] =	wrdreg s1;
	s6 =	sadd.s32 s8, s20;
	s20 =	smulhi.u32 $0xCCCCCCCD, s16  }
0x86: {  	[sflag:s31] =	ssyncadd.s32 @!p0 $0xFFFFFF00;
	p1 =	sne.s32 s9, s5;
	s26 =	smulhi.u32 $0xCCCCCCCD, s4  }
0x87: {  	s8 =	sshra.s32 s18, $0x2;
	s1 =	smulhi.u32 $0xAAAAAAAB, s16;
	s16 =	sadd.s32 $0x1, s16  }
0x88: {  	s24 =	sadd.s32 @!p0 s24, s11;
	s19 =	sshra.s32 s19, $0x2;
	s31 =	sshrl.u32 s22, $0x2  }
0x89: {  	[tilespmem:s29], [sflag:s0] =	stream.indirect.gather @!p0 [hbm4b:s21+s23], $0x80, s24, s23, $0xb8;
	[tilespmem:$0x1E200] =	vst v63  }
0x8a: {  	s22 =	sshra.s32 @!p3 s18, $0x2;
	s3 =	sadd.s32 s19, s11;
	s11 =	simm.s32 $0x40  }
0x8b: {  	s19 =	smulhi.u32 $0xAAAAAAAB, s4;
	s29 =	sadd.s32 $0x4, s4;
	s4 =	sadd.s32 $0x5, s4  }
0x8c: {  	s21 =	sshrl.u32 s1, $0x2;
	_ =	swait.ge [sflag:s10], $0x2000;
	s0 =	sadd.s32 $0xFFFFFC80, s3  }
0x8d: {  	s3 =	smulhi.u32 $0xCCCCCCCD, s25;
	p2 =	sge.u32 s4, s5;
	p0 =	sge.u32 s29, s5  }
0x8e: {  	s1 =	smul.u32 $0xFFFFFFE8, s21;
	s25 =	sadd.s32 $0x1, s25;
	[sflag:s10] =	ssyncset.done $0x0  }
0x8f: {  	[sflag:s10] =	ssyncadd.s32 $0xFFFFE000;
	s23 =	sshrl.u32 s3, $0x2;
	s3 =	smul.u32 $0xFFFFFFE8, s31  }
0x90: {  	[spmem:s30] =	stream.indirect.scatter.add.f32 [tilespmem:s7], [sflag:s6], $0x80, s0, s11, $0xb8;
	[tilespmem:$0x1E200] =	vst v63  }
0x91: {  	s19 =	sshrl.u32 s19, $0x2;
	s0 =	sshrl.u32 s26, $0x2;
	s23 =	smul.u32 $0xFFFFFFEC, s23  }
0x92: {  	s29 =	sshra.s32 @!p2 s18, $0x2;
	s10 =	sshrl.u32 s20, $0x2;
	s24 =	smul.u32 $0xFFFD8000, s0  }
0x93: {  	s6 =	smov.u32 s12;
	s11 =	smov.u32 s15;
	s0 =	smul.u32 $0xFFFFFFEC, s0  }
0x94: {  	s12 =	sadd.s32 $0x2000, s12;
	s7 =	sshra.s32 s23, $0x2;
	s23 =	smul.u32 $0xFFFFFFEC, s10  }
0x95: {  	s15 =	sadd.s32 $0x100, s15;
	s26 =	simm.s32 @!p2 $0x0;
	s10 =	smul.u32 $0xFFFD8000, s10  }
0x96: {  	s20 =	sshra.s32 s0, $0x2;
	s0 =	sadd.s32 $0xB, s7;
	s7 =	smov.u32 s5  }
0x97: {  	s5 =	smov.u32 s30;
	s30 =	sshra.s32 @!p0 s18, $0x2;
	s18 =	sadd.s32 $0x4, s18  }
0x98: {  	s0 =	sadd.s32 @!p3 s22, s0;
	s22 =	sshra.s32 s24, $0x2;
	s24 =	smul.u32 $0xFFFFE800, s31  }
0x99: {  	s4 =	sshra.s32 s23, $0x2;
	s23 =	sshra.s32 s1, $0x2;
	s1 =	sshra.s32 s3, $0x2  }
0x9a: {  	s10 =	sshra.s32 s10, $0x2;
	_ =	swait.ge @!p3 [sflag:s0], $0x2000;
	s23 =	sadd.s32 $0x5, s23  }
0x9b: {  	s4 =	sadd.s32 $0xB, s4;
	s1 =	sadd.s32 $0x6, s1;
	[sflag:s0] =	ssyncset.done @!p3 $0x0  }
0x9c: {  	s31 =	sadd.s32 @!p0 s30, s23;
	s23 =	simm.s32 @!p0 $0x40;
	s1 =	sadd.s32 @!p2 s29, s1  }
0x9d: {  	[sflag:s0] =	ssyncadd.s32 @!p3 $0xFFFFE000;
	s0 =	sshra.s32 @!p2 s24, $0x2;
	s24 =	smul.u32 $0xFFFFE800, s21  }
.Ltmp2:
0x9e: {  	s21 =	smov.u32 s2;
	s0 =	sadd.s32 @!p2 s0, s11;
	(pc) =	sbr.rel @p1 .LBB2_4-.Ltmp2, $4  }
0x9f: {  	s3 =	sadd.s32 @!p2 $0x100, s0;
	s0 =	sadd.s32 @!p0 s30, s4;
	s30 =	smov.u32 s5  }
0xa0: {  	[tilespmem:s3], [sflag:s1] =	stream.linear.gather @!p2 [hbm4b:s28+s26], $0x100, $0x38;
	[tilespmem:$0x1E200] =	vst v63  }
0xa1: {  	s5 =	smov.u32 s7;
	s7 =	smov.u32 s6;
	s28 =	rddreg [dreg:$0x4]  }
0xa2: {  	s29 =	sadd.s32 s10, s28;
	s10 =	sadd.s32 $0x7, s20;
	_ =	swait.ge @!p0 [sflag:s31], $0x100  }
.LBB2_5:
0xa3: {  	s1 =	smul.u32 $0xFFFFE800, s19;
	[sflag:s31] =	ssyncset.done @!p0 $0x0  }
0xa4: {  	s3 =	sshra.s32 @!p0 s24, $0x2;
	s4 =	sadd.s32 s8, s10;
	s20 =	sadd.s32 $0xC, s20  }
0xa5: {  	s2 =	simm.s32 $0x40;
	[sflag:s31] =	ssyncadd.s32 @!p0 $0xFFFFFF00;
	s3 =	sadd.s32 @!p0 s3, s11  }
0xa6: {  	[tilespmem:s29], [sflag:s0] =	stream.indirect.gather @!p0 [hbm4b:s21+s23], $0x80, s3, s23, $0xb8;
	[tilespmem:$0x1E200] =	vst v63  }
0xa7: {  	s1 =	sshra.s32 s1, $0x2;
	s23 =	sadd.s32 s22, s7;
	_ =	swait.ge [sflag:s4], $0x2000  }
0xa8: {  	s0 =	sadd.s32 s8, s20;
	s1 =	sadd.s32 s1, s11;
	[sflag:s4] =	ssyncset.done $0x0  }
0xa9: {  	s1 =	sadd.s32 $0xFFFFFC80, s1;
	s24 =	rddreg [dreg:$0x14];
	[sflag:s4] =	ssyncadd.s32 $0xFFFFE000  }
0xaa: {  	[spmem:s30] =	stream.indirect.scatter.add.f32 [tilespmem:s23], [sflag:s0], $0x80, s1, s2, $0xb8;
	[tilespmem:$0x1E200] =	vst v63  }
0xab: {  	_ =	swait.ge [sflag:s24], $0x2000  }
0xac: {  	[sflag:s24] =	ssyncset.done $0x0  }
0xad: {  	[sflag:s24] =	ssyncadd.s32 $0xFFFFE000  }
0xae: {  	s25 =	stileid.u32;
	[bflag:$0x0] =	sbarrier.arrive $0xFFFF  }
0xaf: {  	s8 =	simm.s32 $0x11;
	s0 =	sshll.u32 s25, $0x6;
	s3 =	rddreg [dreg:$0x9]  }
0xb0: {  	s0 =	sor.u32 $0x1C11, s0;
	s28 =	rddreg [dreg:$0x15];
	s26 =	sshrl.u32 s3, $0x3  }
0xb1: {  	[hbm:s28], [sflag:s0] =	dma.local [spmem:s26], $0x2780  }
0xb2: {  	_ =	swait.ge [sflag:s8], $0x2780  }
0xb3: {  	s29 =	rddreg [dreg:$0x18]  }
0xb4: {  	s31 =	rddreg [dreg:$0x16];
	s1 =	sadd.s32 $0x1, s29  }
0xb5: {  	p0 =	sne.s32 s1, s31  }
.Ltmp3:
0xb6: {  	_ = 	snop;
	(pc) =	sbr.rel @p0 .LBB2_1-.Ltmp3, $3  }
0xb7: {  	_ =	sdelay $0x1  }
0xb8: {  	s6 =	simm.s32 $0x300;
	s9 =	simm.s32 $0x40;
	[sflag:s8] =	ssyncset.done $0x0  }
0xb9: {  	s4 =	simm.s32 $0x200;
	s2 =	simm.s32 $0x100;
	[sflag:s8] =	ssyncadd.s32 $0xFFFFD880  }
0xba: {  	_ =	sfence.sel $0x180000  }
0xbb: {  	[bflag:$0x0] =	sbarrier.arrive $0xFFFF  }
0xbc: {  	_ =	strace $0x9000004A  }
0xbd: {  	s0 =	stileid.u32;
	[bflag:$0x2] =	sbarrier.arrive $0xFFFF  }
0xbe: {  	p0 =	sne.s32 s0, $0x0;
	s0 =	rddreg [dreg:$0x3]  }
0xbf: {  	s0 =	sadd.s32 @!p0 $0x100000, s0  }
0xc0: {  	[sflag:s0] =	ssyncadd.tile.s32 @!p0 $0x1;
	_ =	shalt  }
.Lfunc_end2:
_tile_overlayer_lowered:
.L_overlay_start_2:
0xc1: {  	(tag) =	ssettag $0x2  }
0xc2: {  	s0 =	rddreg [dreg:$0x0];
	s2 =	stileid.u32  }
0xc3: {  	s1 =	rddreg [dreg:$0x1];
	p0 =	sne.s32 s2, $0x0  }
0xc4: {  	s3 =	rddreg [dreg:$0x2];
	[bflag:$0x3] =	sbarrier.arrive $0xFFFF;
	s2 =	simm.s32 @!p0 $0x1C11  }
0xc5: {  	[timem:s3], [sflag:s2] =	dma.local @!p0 [hbm:s0], s1  }
0xc6: {  	s0 =	simm.s32 @!p0 $0x11  }
0xc7: {  	_ =	swait.ge @!p0 [sflag:s0], s1  }
0xc8: {  	s1 =	ssub.s32 @!p0 $0x0, s1;
	[sflag:s0] =	ssyncset.done @!p0 $0x0  }
0xc9: {  	[sflag:s0] =	ssyncadd.s32 @!p0 s1  }
0xca: {  	[bflag:$0x3] =	sbarrier.arrive $0xFFFF  }
0xcb: {  	_ =	shalt  }

// kernel: kernel.16.cloned.1.call-start
scs
__scs_entry_jumppad:
0x0: {  	(pc) =	sbr.rel $0x88, $3  }
0x1: {  	(tag) =	ssettag $0x0;
	lr =	simm.s32 $0x1  }
0x2: {  	[smem:$0x3F99] =	sst lr;
	_ =	strace $0xD0000000  }
0x3: {  	_ = 	snop  }
0x4: {  	_ = 	snop  }
0x5: {  	_ = 	snop  }
0x6: {  	_ = 	snop  }
0x7: {  	_ = 	snop  }
__scs_overlays_trampoline_lowered:
0x8: {  	[smem:$0x3FA8] =	sst s0  }
0x9: {  	[smem:$0x3FA9] =	sst s1  }
0xa: {  	[smem:$0x3FAA] =	sst s2  }
0xb: {  	[smem:$0x3FAB] =	sst s3  }
0xc: {  	[smem:$0x3FAC] =	sst s4  }
0xd: {  	[smem:$0x3FAD] =	sst s5  }
0xe: {  	[smem:$0x3FAE] =	sst s6  }
0xf: {  	[smem:$0x3FAF] =	sst s7  }
0x10: {  	[smem:$0x3FB0] =	sst s8  }
0x11: {  	[smem:$0x3FB1] =	sst s9;
	s0 =	simm.s32 @!p0 $0x0  }
0x12: {  	s1 =	sld [smem:$0x3F97];
	s0 =	simm.s32 @p0 $0x1  }
0x13: {  	[smem:$0x3FB2] =	sst s0;
	s0 =	simm.s32 @!p1 $0x0  }
0x14: {  	s2 =	sld [smem:$0x3F96];
	s0 =	simm.s32 @p1 $0x1  }
0x15: {  	[smem:$0x3FB3] =	sst s0;
	s0 =	simm.s32 @!p2 $0x0  }
0x16: {  	s3 =	sld [smem:$0x3FDB];
	s0 =	simm.s32 @p2 $0x1  }
0x17: {  	s4 =	simm.s32 $0x1BF5;
	[smem:$0x3FB5] =	sst s0  }
0x18: {  	s0 =	sld [smem:$0x3F98];
	_ =	swait.ge [sflag:s4], $0x0  }
0x19: {  	s7 =	sld [smem:$0x3F99]  }
0x1a: {  	s8 =	sadd.s32 $0xFFFFE003, lr  }
0x1b: {  	s9 =	sadd.s32 $0xFFFFFEF7, lr;
	s5 =	simm.s32 $0xFFFFFFFF;
	p2 =	slt.u32 s8, $0xFFFFF086  }
0x1c: {  	p1 =	slt.u32 s9, $0xF7A;
	s5 =	simm.s32 @!p2 $0x0  }
0x1d: {  	s5 =	simm.s32 @p1 $0x1;
	p0 =	seq.s32 s7, s2  }
0x1e: {  	s7 =	smul.u32 @!p0 $0xF7A, s2;
	p2 =	seq.s32 @!p0 s5, $0x0  }
0x1f: {  	s9 =	smul.u32 $0xF7A, s1;
	s8 =	simm.s32 @!p0 $0x1BF5;
	p2 =	por !p2, p0  }
0x20: {  	[sflag:s8] =	ssyncset.s32 @!p0 $0xFFFFF086;
	s6 =	sadd.s32 @!p0 s3, s7;
	s7 =	simm.s32 @!p0 $0x108  }
0x21: {  	s3 =	sadd.s32 s3, s9;
	s6 =	sadd.s32 @!p0 $0x88, s6;
	s7 =	simm.s32 @p2 $0x1082  }
0x22: {  	[simem:s7], [sflag:s8] =	dma.local @!p0 [hbm:s6], $0xF7A  }
0x23: {  	s9 =	sor.u32 $0xD0000000, s2;
	s6 =	simm.s32 $0x108;
	_ =	swait.ge @!p0 [sflag:s8], $0x0  }
0x24: {  	s3 =	sadd.s32 $0x88, s3;
	s6 =	simm.s32 @!p1 $0x1082;
	[sflag:s4] =	ssyncset.s32 $0xFFFFF086  }
0x25: {  	[simem:s6], [sflag:s4] =	dma.local [hbm:s3], $0xF7A  }
0x26: {  	[smem:$0x3F99] =	sst s1;
	(tag) =	ssettag s2;
	_ =	strace s9  }
0x27: {  	s1 =	sld [smem:$0x3FA9]  }
0x28: {  	s2 =	sld [smem:$0x3FAA]  }
0x29: {  	s4 =	sld [smem:$0x3FAC]  }
0x2a: {  	p0 =	seq.s32 s5, $0x0;
	s5 =	sld [smem:$0x3FAD]  }
0x2b: {  	s6 =	sld [smem:$0x3FAE]  }
0x2c: {  	s7 =	sld [smem:$0x3FAF]  }
0x2d: {  	s3 =	simm.s32 $0x108;
	s8 =	sld [smem:$0x3FB0]  }
0x2e: {  	s3 =	simm.s32 @!p0 $0x1082;
	s9 =	sld [smem:$0x3FB1]  }
0x2f: {  	lr =	sadd.s32 s0, s3;
	s0 =	sld [smem:$0x3FA8]  }
0x30: {  	s3 =	sld [smem:$0x3FAB]  }
0x31: {  	[smem:$0x3FB4] =	sst s10  }
0x32: {  	s10 =	sld [smem:$0x3FB2];
	_ =	sdelay $0x3  }
0x33: {  	p0 =	seq.s32 s10, $0x1;
	s10 =	sld [smem:$0x3FB4];
	_ =	sdelay $0x3  }
0x34: {  	[smem:$0x3FB4] =	sst s10  }
0x35: {  	s10 =	sld [smem:$0x3FB3];
	_ =	sdelay $0x3  }
0x36: {  	p1 =	seq.s32 s10, $0x1;
	s10 =	sld [smem:$0x3FB4];
	_ =	sdelay $0x3  }
0x37: {  	[smem:$0x3FB4] =	sst s10  }
0x38: {  	s10 =	sld [smem:$0x3FB5]  }
0x39: {  	_ = 	snop;
	(pc) =	sbr.ind lr, $3  }
0x3a: {  	_ = 	snop  }
0x3b: {  	_ = 	snop  }
0x3c: {  	p2 =	seq.s32 s10, $0x1;
	s10 =	sld [smem:$0x3FB4]  }
0x3d: {  	_ =	shalt  }
0x3e: {  	_ =	shalt  }
0x3f: {  	_ =	shalt  }
0x40: {  	_ =	shalt  }
0x41: {  	_ =	shalt  }
0x42: {  	_ =	shalt  }
0x43: {  	_ =	shalt  }
0x44: {  	_ =	shalt  }
0x45: {  	_ =	shalt  }
0x46: {  	_ =	shalt  }
0x47: {  	_ =	shalt  }
0x48: {  	_ =	shalt  }
0x49: {  	_ =	shalt  }
0x4a: {  	_ =	shalt  }
0x4b: {  	_ =	shalt  }
0x4c: {  	_ =	shalt  }
0x4d: {  	_ =	shalt  }
0x4e: {  	_ =	shalt  }
0x4f: {  	_ =	shalt  }
0x50: {  	_ =	shalt  }
0x51: {  	_ =	shalt  }
0x52: {  	_ =	shalt  }
0x53: {  	_ =	shalt  }
0x54: {  	_ =	shalt  }
0x55: {  	_ =	shalt  }
0x56: {  	_ =	shalt  }
0x57: {  	_ =	shalt  }
0x58: {  	_ =	shalt  }
0x59: {  	_ =	shalt  }
0x5a: {  	_ =	shalt  }
0x5b: {  	_ =	shalt  }
0x5c: {  	_ =	shalt  }
0x5d: {  	_ =	shalt  }
0x5e: {  	_ =	shalt  }
0x5f: {  	_ =	shalt  }
0x60: {  	_ =	shalt  }
0x61: {  	_ =	shalt  }
0x62: {  	_ =	shalt  }
0x63: {  	_ =	shalt  }
0x64: {  	_ =	shalt  }
0x65: {  	_ =	shalt  }
0x66: {  	_ =	shalt  }
0x67: {  	_ =	shalt  }
0x68: {  	_ =	shalt  }
0x69: {  	_ =	shalt  }
0x6a: {  	_ =	shalt  }
0x6b: {  	_ =	shalt  }
0x6c: {  	_ =	shalt  }
0x6d: {  	_ =	shalt  }
0x6e: {  	_ =	shalt  }
0x6f: {  	_ =	shalt  }
0x70: {  	_ =	shalt  }
0x71: {  	_ =	shalt  }
0x72: {  	_ =	shalt  }
0x73: {  	_ =	shalt  }
0x74: {  	_ =	shalt  }
0x75: {  	_ =	shalt  }
0x76: {  	_ =	shalt  }
0x77: {  	_ =	shalt  }
0x78: {  	_ =	shalt  }
0x79: {  	_ =	shalt  }
0x7a: {  	_ =	shalt  }
0x7b: {  	_ =	shalt  }
0x7c: {  	_ =	shalt  }
0x7d: {  	_ =	shalt  }
0x7e: {  	_ =	shalt  }
0x7f: {  	_ =	shalt  }
0x80: {  	_ =	shalt  }
0x81: {  	_ =	shalt  }
0x82: {  	_ =	shalt  }
0x83: {  	_ =	shalt  }
0x84: {  	_ =	shalt  }
0x85: {  	_ =	shalt  }
0x86: {  	_ =	shalt  }
0x87: {  	_ =	shalt  }
.Lfunc_end0:
.L_simem_size_0:
called_computation.2_lowered:
.L_overlay_start_0:
0x88: {  	s2 =	sld [smem:$0x3FD9]  }
0x89: {  	s3 =	sld [smem:$0x3FFE];
	_ =	sdelay $0x1  }
0x8a: {  	s1 =	srdreg.scid  }
0x8b: {  	s0 =	sand.u32 $0x1, s1  }
0x8c: {  	s17 =	sshll.u32 s0, $0xA;
	s2 =	sadd.s32 s3, s2  }
0x8d: {  	s2 =	sadd.s32 s2, s17  }
0x8e: {  	[smem:$0x3FC0] =	sst s2  }
0x8f: {  	_ = 	snop  }
0x90: {  	s2 =	sld [smem:$0x3FD0];
	(tm) =	ssettm $0x1  }
0x91: {  	s18 =	sld [smem:$0x3FFB];
	_ =	sdelay $0x3  }
0x92: {  	_ =	strace s18  }
0x93: {  	s3 =	sld [smem:$0x3FFC];
	_ =	sdelay $0x3  }
0x94: {  	_ =	strace s3  }
0x95: {  	s3 =	sld [smem:$0x3FFD];
	_ =	sdelay $0x3  }
0x96: {  	_ =	strace s3  }
0x97: {  	_ =	strace $0x8FFFFFFF  }
0x98: {  	s19 =	sld [smem:$0x3FDB];
	_ =	sdelay $0x1  }
0x99: {  	s4 =	simm.s32 $_scs_section_size  }
0x9a: {  	s5 =	simm.s32 $_size__tile_overlayer_lowered;
	s6 =	simm.s32 $_tile_overlayer_lowered  }
0x9b: {  	s22 =	simm.s32 $0x1BFF;
	s21 =	sshll.u32 s6, $0x1;
	s3 =	sadd.s32 s4, s19  }
0x9c: {  	s7 =	simm.s32 $0x0;
	s20 =	sshll.u32 s5, $0x1;
	s5 =	sadd.s32 s21, s3  }
0x9d: {  	[timem:s7], [sflag:s22] =	dma.local [hbm:s5], s20  }
0x9e: {  	_ =	swait.ge [sflag:s22], s20  }
0x9f: {  	s4 =	ssub.s32 $0x0, s20;
	[sflag:s22] =	ssyncset.done $0x0  }
0xa0: {  	[sflag:s22] =	ssyncadd.s32 s4;
	_ =	sdelay $0x1  }
0xa1: {  	s23 =	simm.s32 $0x1B8B  }
0xa2: {  	_ =	swait.ge [sflag:s23], $0x1  }
0xa3: {  	[sflag:s23] =	ssyncset.done $0x0  }
0xa4: {  	s25 =	simm.s32 $0x1B8E;
	s24 =	sld [smem:$0x3FFE];
	[sflag:s23] =	ssyncadd.s32 $0xFFFFFFFF  }
0xa5: {  	s26 =	simm.s32 $execute0_lowered;
	[smem:$0x3FD2] =	sst s25  }
0xa6: {  	s5 =	sshll.u32 s26, $0x1;
	_ =	strace $0x8000004C;
	[dreg:$0x1] =	wrdreg $0xFFFFFFFF  }
0xa7: {  	s28 =	simm.s32 $_size_execute0_lowered;
	s3 =	sadd.s32 s3, s5;
	[dreg:$0x0] =	wrdreg $0x0  }
0xa8: {  	s5 =	sshll.u32 s28, $0x1;
	[dreg:$0x2] =	wrdreg s3  }
0xa9: {  	[dreg:$0x3] =	wrdreg s5  }
0xaa: {  	[dreg:$0x4] =	wrdreg $0xC0  }
0xab: {  	_ =	task [dreg:s7], $0x5FFFF  }
0xac: {  	[dreg:$0x1] =	wrdreg $0xFFFFFFFF  }
0xad: {  	[dreg:$0x0] =	wrdreg $0x60  }
0xae: {  	[dreg:$0x2] =	wrdreg s2  }
0xaf: {  	[dreg:$0x3] =	wrdreg s24  }
0xb0: {  	[dreg:$0x4] =	wrdreg $0xA6000  }
0xb1: {  	[dreg:$0x5] =	wrdreg $0x9  }
0xb2: {  	_ =	task.clear_ibuf [dreg:s7], $0x6FFFF;
	_ =	strace $0x9000004C  }
0xb3: {  	s29 =	simm.s32 $0x9;
	_ =	strace $0x8000004E  }
0xb4: {  	_ =	swait.ge [sflag:s29], $0x1  }
0xb5: {  	[sflag:s29] =	ssyncadd.s32 $0xFFFFFFFF  }
0xb6: {  	_ =	strace $0x9000004E  }
0xb7: {  	_ =	sfence  }
0xb8: {  	s30 =	sld [smem:$0x0];
	_ =	sdelay $0x2  }
0xb9: {  	s31 =	sshll.u32 s1, $0xD;
	s1 =	sshrl.u32 s1, $0x2  }
0xba: {  	s3 =	sand.u32 $0x4000, s31;
	s1 =	sadd.s32 s1, s30  }
0xbb: {  	s0 =	sor.u32 s3, s0;
	s1 =	sshll.u32 s1, $0x11  }
0xbc: {  	s0 =	sor.u32 s1, s0  }
0xbd: {  	s0 =	sadd.s32 $0x8F2B, s0  }
0xbe: {  	[sflag:s0] =	ssyncadd.remote.s32 $0x1  }
0xbf: {  	_ =	sfence.sel $0xFFFF  }
0xc0: {  	[dreg:$0x0] =	wrdreg $0xFFFFFFFF;
	(pc) =	sbr.abs _section_cstart, $3  }
0xc1: {  	[dreg:$0x1] =	wrdreg $0xFFFFFFFF  }
0xc2: {  	_ =	task.clear_ibuf [dreg:s7], $0x2FFFF;
	_ =	strace $0x9FFFFFFF  }
0xc3: {  	(tm) =	ssettm $0x7FFFFFFF  }
tec
execute0_lowered:
.L_overlay_start_1:
0x0: {  	(tag) =	ssettag $0x1  }
0x1: {  	s21 =	rddreg [dreg:$0x0];
	s1 =	stileid.u32  }
0x2: {  	s0 =	rddreg [dreg:$0x1];
	s5 =	smul.u32 $0xE8, s1  }
0x3: {  	s2 =	srdreg.scid;
	s6 =	smul.u32 $0x52, s1  }
0x4: {  	s30 =	rddreg [dreg:$0x2];
	s8 =	smul.u32 $0x13C00, s1  }
0x5: {  	s3 =	simm.s32 $0x0;
	s2 =	sand.u32 $0x1, s2;
	s10 =	smul.u32 $0x4F000, s1  }
0x6: {  	[smem:$0x7FF] =	sst s3;
	s7 =	smul.u32 $0x13C000, s2  }
0x7: {  	p0 =	seq.s32 s2, $0x0;
	s2 =	ssub.s32 $0x2, s2;
	s6 =	sadd.s32 $0xE80, s6  }
0x8: {  	s6 =	smov.u32 @p0 s5;
	s3 =	sadd.s32 s8, s7;
	s8 =	sshrl.u32 s2, $0x1  }
0x9: {  	_ =	strace $0x8000004D;
	s5 =	sshll.u32 s6, $0x5;
	s2 =	ssub.s32 s2, s8  }
0xa: {  	s6 =	sshrl.u32 s3, $0x3;
	s8 =	sshrl.u32 s10, $0x2;
	s29 =	smax.u32 s2, $0x1  }
0xb: {  	s4 =	sadd.s32 s5, s0;
	s3 =	sadd.s32 s8, s30;
	[dreg:$0x16] =	wrdreg s29  }
0xc: {  	s11 =	sadd.s32 $0x3200, s4;
	[dreg:$0x9] =	wrdreg s3  }
0xd: {  	s13 =	sadd.s32 $0x3220, s4;
	[dreg:$0x5] =	wrdreg s11  }
0xe: {  	s14 =	sadd.s32 $0x3240, s4;
	[dreg:$0x6] =	wrdreg s13  }
0xf: {  	s15 =	sadd.s32 $0x3260, s4;
	[dreg:$0x7] =	wrdreg s14  }
0x10: {  	s1 =	simm.s32 $0x0;
	s16 =	sadd.s32 $0x3280, s4;
	[dreg:$0x8] =	wrdreg s15  }
0x11: {  	s5 =	simm.s32 $0xE8;
	s17 =	sadd.s32 $0x2000, s3;
	[dreg:$0xa] =	wrdreg s16  }
0x12: {  	s0 =	sadd.s32 s6, s0;
	s18 =	sadd.s32 $0x4000, s3;
	[dreg:$0xb] =	wrdreg s17  }
0x13: {  	s5 =	simm.s32 @!p0 $0x52;
	s19 =	sadd.s32 $0x6000, s3;
	[dreg:$0xc] =	wrdreg s18  }
0x14: {  	s20 =	sadd.s32 $0x8000, s3;
	s9 =	sadd.s32 $0xFFFFFFFF, s5;
	[dreg:$0xd] =	wrdreg s19  }
0x15: {  	s22 =	sadd.s32 $0xA000, s3;
	[dreg:$0xe] =	wrdreg s20;
	s12 =	smul.u32 $0xCD, s9  }
0x16: {  	s2 =	simm.s32 $0x100;
	s23 =	sadd.s32 $0xC000, s3;
	[dreg:$0xf] =	wrdreg s22  }
0x17: {  	s24 =	sadd.s32 $0xE000, s3;
	[dreg:$0x10] =	wrdreg s23;
	s6 =	sshrl.u32 s12, $0xA  }
0x18: {  	s25 =	sadd.s32 $0x10000, s3;
	[dreg:$0x11] =	wrdreg s24;
	s6 =	smul.u32 $0x5, s6  }
0x19: {  	s8 =	simm.s32 $0x11;
	s26 =	sadd.s32 $0x12000, s3;
	[dreg:$0x12] =	wrdreg s25  }
0x1a: {  	s0 =	sadd.s32 $0x2A600, s0;
	[dreg:$0x13] =	wrdreg s26;
	s6 =	ssub.s32 s9, s6  }
0x1b: {  	s31 =	sadd.s32 $0x32A0, s4;
	[dreg:$0x15] =	wrdreg s0;
	s6 =	sand.u32 $0xFF, s6  }
0x1c: {  	s4 =	simm.s32 $0x200;
	[dreg:$0x17] =	wrdreg s31;
	s28 =	sadd.s32 $0xC, s6  }
0x1d: {  	v0 =	vimm.f32 $0.0e+00;
	s9 =	simm.s32 $0x40;
	s6 =	simm.s32 $0x300;
	[dreg:$0x14] =	wrdreg s28  }
.LBB2_1:
0x1e: {  	s0 =	simm.s32 $0x0;
	s25 =	rddreg [dreg:$0x5]  }
0x1f: {  	[tilespmem:s0], [sflag:$0x1] =	stream.linear.gather [hbm4b:s25+s0], $0x100, $0x38;
	[tilespmem:$0x1E200] =	vst v63  }
0x20: {  	s26 =	rddreg [dreg:$0x6]  }
0x21: {  	[tilespmem:s2], [sflag:$0x2] =	stream.linear.gather [hbm4b:s26+s0], $0x100, $0x38;
	[tilespmem:$0x1E200] =	vst v63  }
0x22: {  	s28 =	rddreg [dreg:$0x7]  }
0x23: {  	[tilespmem:s4], [sflag:$0x3] =	stream.linear.gather [hbm4b:s28+s0], $0x100, $0x38;
	[tilespmem:$0x1E200] =	vst v63  }
0x24: {  	s29 =	rddreg [dreg:$0x8]  }
0x25: {  	[tilespmem:s6], [sflag:$0x4] =	stream.linear.gather [hbm4b:s29+s0], $0x100, $0x38;
	[tilespmem:$0x1E200] =	vst v63  }
0x26: {  	s31 =	rddreg [dreg:$0xa];
	s7 =	simm.s32 $0x400  }
0x27: {  	[tilespmem:s7], [sflag:$0x5] =	stream.linear.gather [hbm4b:s31+s0], $0x100, $0x38;
	[tilespmem:$0x1E200] =	vst v63  }
0x28: {  	[dreg:$0x18] =	wrdreg s1;
	s0 =	simm.s32 $0x0;
	s7 =	simm.s32 $0x200  }
.LBB2_2:
0x29: {  	p0 =	sne.s32 s7, $0x7E00;
	[tilespmem:s0+$0x670] =	vst v0  }
0x2a: {  	[tilespmem:s0+$0x600] =	vst v0  }
0x2b: {  	[tilespmem:s0+$0x610] =	vst v0  }
.Ltmp0:
0x2c: {  	[tilespmem:s0+$0x620] =	vst v0;
	(pc) =	sbr.rel @p0 .LBB2_2-.Ltmp0, $4  }
0x2d: {  	[tilespmem:s0+$0x630] =	vst v0  }
0x2e: {  	[tilespmem:s0+$0x640] =	vst v0  }
0x2f: {  	[tilespmem:s0+$0x650] =	vst v0  }
0x30: {  	[tilespmem:s0+$0x660] =	vst v0;
	s0 =	sshra.s32 s7, $0x2;
	s7 =	sadd.s32 $0x200, s7  }
0x31: {  	[tilespmem:s0+$0x670] =	vst v0  }
0x32: {  	[tilespmem:s0+$0x600] =	vst v0  }
0x33: {  	[tilespmem:s0+$0x610] =	vst v0  }
0x34: {  	[tilespmem:s0+$0x620] =	vst v0  }
0x35: {  	[tilespmem:s0+$0x630] =	vst v0  }
0x36: {  	[tilespmem:s0+$0x640] =	vst v0  }
0x37: {  	[tilespmem:s0+$0x650] =	vst v0  }
0x38: {  	[tilespmem:s0+$0x660] =	vst v0;
	s7 =	simm.s32 $0x600  }
0x39: {  	[spmem:s3] =	stream.linear.scatter [tilespmem:s7], [sflag:$0x11], $0x2000, $0x38;
	[tilespmem:$0x1E200] =	vst v63  }
0x3a: {  	_ =	swait.ge [sflag:s8], $0x2000  }
0x3b: {  	[sflag:s8] =	ssyncset.done $0x0  }
0x3c: {  	s14 =	rddreg [dreg:$0xb];
	[sflag:s8] =	ssyncadd.s32 $0xFFFFE000  }
0x3d: {  	[spmem:s14] =	stream.linear.scatter [tilespmem:s7], [sflag:$0x11], $0x2000, $0x38;
	[tilespmem:$0x1E200] =	vst v63  }
0x3e: {  	_ =	swait.ge [sflag:s8], $0x2000  }
0x3f: {  	[sflag:s8] =	ssyncset.done $0x0  }
0x40: {  	s15 =	rddreg [dreg:$0xc];
	[sflag:s8] =	ssyncadd.s32 $0xFFFFE000  }
0x41: {  	[spmem:s15] =	stream.linear.scatter [tilespmem:s7], [sflag:$0x11], $0x2000, $0x38;
	[tilespmem:$0x1E200] =	vst v63  }
0x42: {  	_ =	swait.ge [sflag:s8], $0x2000  }
0x43: {  	[sflag:s8] =	ssyncset.done $0x0  }
0x44: {  	s16 =	rddreg [dreg:$0xd];
	[sflag:s8] =	ssyncadd.s32 $0xFFFFE000  }
0x45: {  	[spmem:s16] =	stream.linear.scatter [tilespmem:s7], [sflag:$0x11], $0x2000, $0x38;
	[tilespmem:$0x1E200] =	vst v63  }
0x46: {  	_ =	swait.ge [sflag:s8], $0x2000  }
0x47: {  	[sflag:s8] =	ssyncset.done $0x0  }
0x48: {  	s17 =	rddreg [dreg:$0xe];
	[sflag:s8] =	ssyncadd.s32 $0xFFFFE000  }
0x49: {  	[spmem:s17] =	stream.linear.scatter [tilespmem:s7], [sflag:$0x11], $0x2000, $0x38;
	[tilespmem:$0x1E200] =	vst v63  }
0x4a: {  	_ =	swait.ge [sflag:s8], $0x2000  }
0x4b: {  	[sflag:s8] =	ssyncset.done $0x0  }
0x4c: {  	s18 =	rddreg [dreg:$0xf];
	[sflag:s8] =	ssyncadd.s32 $0xFFFFE000  }
0x4d: {  	[spmem:s18] =	stream.linear.scatter [tilespmem:s7], [sflag:$0x11], $0x2000, $0x38;
	[tilespmem:$0x1E200] =	vst v63  }
0x4e: {  	_ =	swait.ge [sflag:s8], $0x2000  }
0x4f: {  	[sflag:s8] =	ssyncset.done $0x0  }
0x50: {  	s19 =	rddreg [dreg:$0x10];
	[sflag:s8] =	ssyncadd.s32 $0xFFFFE000  }
0x51: {  	[spmem:s19] =	stream.linear.scatter [tilespmem:s7], [sflag:$0x11], $0x2000, $0x38;
	[tilespmem:$0x1E200] =	vst v63  }
0x52: {  	_ =	swait.ge [sflag:s8], $0x2000  }
0x53: {  	[sflag:s8] =	ssyncset.done $0x0  }
0x54: {  	s20 =	rddreg [dreg:$0x11];
	[sflag:s8] =	ssyncadd.s32 $0xFFFFE000  }
0x55: {  	[spmem:s20] =	stream.linear.scatter [tilespmem:s7], [sflag:$0x11], $0x2000, $0x38;
	[tilespmem:$0x1E200] =	vst v63  }
0x56: {  	_ =	swait.ge [sflag:s8], $0x2000  }
0x57: {  	[sflag:s8] =	ssyncset.done $0x0  }
0x58: {  	s24 =	simm.s32 $0x1;
	s22 =	rddreg [dreg:$0x12];
	[sflag:s8] =	ssyncadd.s32 $0xFFFFE000  }
0x59: {  	[spmem:s22] =	stream.linear.scatter [tilespmem:s7], [sflag:$0x11], $0x2000, $0x38;
	[tilespmem:$0x1E200] =	vst v63  }
0x5a: {  	s25 =	simm.s32 $0x0;
	s1 =	simm.s32 $0x2;
	_ =	swait.ge [sflag:s8], $0x2000  }
0x5b: {  	s26 =	simm.s32 $0x2600;
	s28 =	simm.s32 $0x3;
	[sflag:s8] =	ssyncset.done $0x0  }
0x5c: {  	s10 =	simm.s32 $0x4;
	s23 =	rddreg [dreg:$0x13];
	[sflag:s8] =	ssyncadd.s32 $0xFFFFE000  }
0x5d: {  	[spmem:s23] =	stream.linear.scatter [tilespmem:s7], [sflag:$0x11], $0x1C00, $0x38;
	[tilespmem:$0x1E200] =	vst v63  }
0x5e: {  	s13 =	simm.s32 $0xFFFFFFFF;
	s11 =	simm.s32 $0x400;
	_ =	swait.ge [sflag:s8], $0x1C00  }
0x5f: {  	p1 =	sne.s32 s5, $0x1;
	p3 =	por $0x1, $0x1;
	[sflag:s8] =	ssyncset.done $0x0  }
0x60: {  	p2 =	sle.u32 s5, $0x5;
	s12 =	smulhi.u32 $0xAAAAAAAB, s25;
	[sflag:s8] =	ssyncadd.s32 $0xFFFFE400  }
0x61: {  	p0 =	sle.u32 s5, $0x4;
	s0 =	smulhi.u32 $0xCCCCCCCD, s25;
	[bflag:$0x0] =	sbarrier.arrive $0xFFFF  }
0x62: {  	s3 =	simm.s32 $0x6600;
	s15 =	smulhi.u32 $0xCCCCCCCD, s13;
	_ =	swait.ge [sflag:s24], $0x100  }
0x63: {  	s0 =	sshrl.u32 s0, $0x2;
	s14 =	simm.s32 $0x6;
	[sflag:s24] =	ssyncset.done $0x0  }
0x64: {  	s16 =	simm.s32 $0x5;
	s17 =	sshrl.u32 s15, $0x2;
	[sflag:s24] =	ssyncadd.s32 $0xFFFFFF00  }
0x65: {  	[tilespmem:s7], [sflag:$0x7] =	stream.indirect.gather [hbm4b:s21+s9], $0x80, s25, s9, $0xb8;
	[tilespmem:$0x1E200] =	vst v63  }
0x66: {  	s15 =	simm.s32 $0x500;
	s18 =	smulhi.u32 $0xCCCCCCCD, s10;
	_ =	swait.ge [sflag:s1], $0x100  }
0x67: {  	s19 =	sshrl.u32 s12, $0x2;
	s22 =	smul.u32 $0xFFFD8000, s0;
	[sflag:s1] =	ssyncset.done $0x0  }
0x68: {  	s12 =	simm.s32 $0x2600;
	s23 =	smul.u32 $0xFFFFFFEC, s17;
	[sflag:s1] =	ssyncadd.s32 $0xFFFFFF00  }
0x69: {  	[tilespmem:s26], [sflag:$0x8] =	stream.indirect.gather [hbm4b:s21+s9], $0x80, s2, s9, $0xb8;
	[tilespmem:$0x1E200] =	vst v63  }
0x6a: {  	s0 =	smul.u32 $0xFFFFFFEC, s0;
	s22 =	sshra.s32 s22, $0x2;
	_ =	swait.ge [sflag:s28], $0x100  }
0x6b: {  	s17 =	simm.s32 $0xA600;
	s23 =	sshra.s32 s23, $0x2;
	[sflag:s28] =	ssyncset.done $0x0  }
0x6c: {  	s24 =	sshrl.u32 s18, $0x2;
	s2 =	simm.s32 $0x4600;
	[sflag:s28] =	ssyncadd.s32 $0xFFFFFF00  }
0x6d: {  	[tilespmem:s2], [sflag:$0x9] =	stream.indirect.gather [hbm4b:s21+s9], $0x80, s4, s9, $0xb8;
	[tilespmem:$0x1E200] =	vst v63  }
0x6e: {  	s8 =	simm.s32 $0x0;
	s18 =	simm.s32 $0x4;
	s2 =	smul.u32 $0xFFFFFFEC, s24  }
0x6f: {  	s4 =	simm.s32 $0x5;
	s24 =	smul.u32 $0xFFFD8000, s24;
	_ =	swait.ge [sflag:s10], $0x100  }
0x70: {  	s26 =	simm.s32 @!p2 $0x0;
	s20 =	smulhi.u32 $0xAAAAAAAB, s4;
	[sflag:s10] =	ssyncset.done $0x0  }
0x71: {  	s1 =	rddreg [dreg:$0x17];
	[sflag:s10] =	ssyncadd.s32 $0xFFFFFF00;
	s10 =	smulhi.u32 $0xAAAAAAAB, s10  }
0x72: {  	[tilespmem:s3], [sflag:$0xA] =	stream.indirect.gather [hbm4b:s21+s9], $0x80, s6, s9, $0xb8;
	[tilespmem:$0x1E200] =	vst v63  }
0x73: {  	s13 =	sadd.s32 $0x20, s1;
	s9 =	simm.s32 $0x1;
	s6 =	sshrl.u32 s20, $0x2  }
0x74: {  	s20 =	sshra.s32 s0, $0x2;
	s0 =	sadd.s32 $0xB, s23;
	s28 =	smul.u32 $0xFFFFFFE8, s6  }
0x75: {  	s10 =	sshrl.u32 s10, $0x2;
	s0 =	sadd.s32 @!p3 $0x0, s0;
	s29 =	smul.u32 $0xFFFFE800, s6  }
0x76: {  	s3 =	sshra.s32 s2, $0x2;
	s25 =	smul.u32 $0xFFFFFFE8, s10;
	_ =	swait.ge @!p3 [sflag:s0], $0x2000  }
0x77: {  	[sflag:s0] =	ssyncset.done @!p3 $0x0;
	s6 =	sshra.s32 s28, $0x2;
	s28 =	sshra.s32 @!p2 s29, $0x2  }
0x78: {  	[sflag:s0] =	ssyncadd.s32 @!p3 $0xFFFFE000;
	s4 =	sshra.s32 s25, $0x2;
	s0 =	sadd.s32 $0xB, s3  }
0x79: {  	s28 =	sadd.s32 @!p2 $0x400, s28;
	s25 =	sadd.s32 $0x6, s6;
	s23 =	sadd.s32 $0x5, s4  }
.Ltmp1:
0x7a: {  	s28 =	sadd.s32 @!p2 $0x100, s28;
	s25 =	sadd.s32 @!p2 $0x0, s25;
	(pc) =	sbr.rel @!p1 .LBB2_5-.Ltmp1, $4  }
0x7b: {  	[tilespmem:s28], [sflag:s25] =	stream.linear.gather @!p2 [hbm4b:s1+s26], $0x100, $0x38;
	[tilespmem:$0x1E200] =	vst v63  }
0x7c: {  	s0 =	sadd.s32 @!p0 $0x0, s0;
	s31 =	sadd.s32 @!p0 $0x0, s23;
	s23 =	simm.s32 @!p0 $0x40  }
0x7d: {  	s28 =	sshra.s32 s24, $0x2;
	s24 =	smul.u32 $0xFFFFE800, s10;
	s25 =	simm.s32 $0x0  }
0x7e: {  	s10 =	sadd.s32 $0x7, s20;
	s29 =	sadd.s32 $0x8600, s28;
	_ =	swait.ge @!p0 [sflag:s31], $0x100  }
.LBB2_4:
0x7f: {  	s19 =	smul.u32 $0xFFFFE800, s19  }
0x80: {  	[sflag:s31] =	ssyncset.done @!p0 $0x0;
	s4 =	smov.u32 s9;
	s28 =	smov.u32 s13  }
0x81: {  	s1 =	smov.u32 s17;
	s20 =	sadd.s32 $0xC, s20;
	s10 =	sadd.s32 s8, s10  }
0x82: {  	s9 =	sadd.s32 $0x1, s9;
	s7 =	sadd.s32 s22, s7;
	s22 =	smulhi.u32 $0xAAAAAAAB, s14  }
0x83: {  	s13 =	sadd.s32 $0x20, s13;
	s14 =	sadd.s32 $0x1, s14;
	s17 =	sadd.s32 $0x2000, s17  }
0x84: {  	p3 =	seq.s32 s18, $0x0;
	s2 =	smov.u32 s21;
	s24 =	sshra.s32 @!p0 s24, $0x2  }
0x85: {  	[dreg:$0x4] =	wrdreg s1;
	s6 =	sadd.s32 s8, s20;
	s20 =	smulhi.u32 $0xCCCCCCCD, s16  }
0x86: {  	[sflag:s31] =	ssyncadd.s32 @!p0 $0xFFFFFF00;
	p1 =	sne.s32 s9, s5;
	s26 =	smulhi.u32 $0xCCCCCCCD, s4  }
0x87: {  	s8 =	sshra.s32 s18, $0x2;
	s1 =	smulhi.u32 $0xAAAAAAAB, s16;
	s16 =	sadd.s32 $0x1, s16  }
0x88: {  	s24 =	sadd.s32 @!p0 s24, s11;
	s19 =	sshra.s32 s19, $0x2;
	s31 =	sshrl.u32 s22, $0x2  }
0x89: {  	[tilespmem:s29], [sflag:s0] =	stream.indirect.gather @!p0 [hbm4b:s21+s23], $0x80, s24, s23, $0xb8;
	[tilespmem:$0x1E200] =	vst v63  }
0x8a: {  	s22 =	sshra.s32 @!p3 s18, $0x2;
	s3 =	sadd.s32 s19, s11;
	s11 =	simm.s32 $0x40  }
0x8b: {  	s19 =	smulhi.u32 $0xAAAAAAAB, s4;
	s29 =	sadd.s32 $0x4, s4;
	s4 =	sadd.s32 $0x5, s4  }
0x8c: {  	s21 =	sshrl.u32 s1, $0x2;
	_ =	swait.ge [sflag:s10], $0x2000;
	s0 =	sadd.s32 $0xFFFFFC80, s3  }
0x8d: {  	s3 =	smulhi.u32 $0xCCCCCCCD, s25;
	p2 =	sge.u32 s4, s5;
	p0 =	sge.u32 s29, s5  }
0x8e: {  	s1 =	smul.u32 $0xFFFFFFE8, s21;
	s25 =	sadd.s32 $0x1, s25;
	[sflag:s10] =	ssyncset.done $0x0  }
0x8f: {  	[sflag:s10] =	ssyncadd.s32 $0xFFFFE000;
	s23 =	sshrl.u32 s3, $0x2;
	s3 =	smul.u32 $0xFFFFFFE8, s31  }
0x90: {  	[spmem:s30] =	stream.indirect.scatter.add.f32 [tilespmem:s7], [sflag:s6], $0x80, s0, s11, $0xb8;
	[tilespmem:$0x1E200] =	vst v63  }
0x91: {  	s19 =	sshrl.u32 s19, $0x2;
	s0 =	sshrl.u32 s26, $0x2;
	s23 =	smul.u32 $0xFFFFFFEC, s23  }
0x92: {  	s29 =	sshra.s32 @!p2 s18, $0x2;
	s10 =	sshrl.u32 s20, $0x2;
	s24 =	smul.u32 $0xFFFD8000, s0  }
0x93: {  	s6 =	smov.u32 s12;
	s11 =	smov.u32 s15;
	s0 =	smul.u32 $0xFFFFFFEC, s0  }
0x94: {  	s12 =	sadd.s32 $0x2000, s12;
	s7 =	sshra.s32 s23, $0x2;
	s23 =	smul.u32 $0xFFFFFFEC, s10  }
0x95: {  	s15 =	sadd.s32 $0x100, s15;
	s26 =	simm.s32 @!p2 $0x0;
	s10 =	smul.u32 $0xFFFD8000, s10  }
0x96: {  	s20 =	sshra.s32 s0, $0x2;
	s0 =	sadd.s32 $0xB, s7;
	s7 =	smov.u32 s5  }
0x97: {  	s5 =	smov.u32 s30;
	s30 =	sshra.s32 @!p0 s18, $0x2;
	s18 =	sadd.s32 $0x4, s18  }
0x98: {  	s0 =	sadd.s32 @!p3 s22, s0;
	s22 =	sshra.s32 s24, $0x2;
	s24 =	smul.u32 $0xFFFFE800, s31  }
0x99: {  	s4 =	sshra.s32 s23, $0x2;
	s23 =	sshra.s32 s1, $0x2;
	s1 =	sshra.s32 s3, $0x2  }
0x9a: {  	s10 =	sshra.s32 s10, $0x2;
	_ =	swait.ge @!p3 [sflag:s0], $0x2000;
	s23 =	sadd.s32 $0x5, s23  }
0x9b: {  	s4 =	sadd.s32 $0xB, s4;
	s1 =	sadd.s32 $0x6, s1;
	[sflag:s0] =	ssyncset.done @!p3 $0x0  }
0x9c: {  	s31 =	sadd.s32 @!p0 s30, s23;
	s23 =	simm.s32 @!p0 $0x40;
	s1 =	sadd.s32 @!p2 s29, s1  }
0x9d: {  	[sflag:s0] =	ssyncadd.s32 @!p3 $0xFFFFE000;
	s0 =	sshra.s32 @!p2 s24, $0x2;
	s24 =	smul.u32 $0xFFFFE800, s21  }
.Ltmp2:
0x9e: {  	s21 =	smov.u32 s2;
	s0 =	sadd.s32 @!p2 s0, s11;
	(pc) =	sbr.rel @p1 .LBB2_4-.Ltmp2, $4  }
0x9f: {  	s3 =	sadd.s32 @!p2 $0x100, s0;
	s0 =	sadd.s32 @!p0 s30, s4;
	s30 =	smov.u32 s5  }
0xa0: {  	[tilespmem:s3], [sflag:s1] =	stream.linear.gather @!p2 [hbm4b:s28+s26], $0x100, $0x38;
	[tilespmem:$0x1E200] =	vst v63  }
0xa1: {  	s5 =	smov.u32 s7;
	s7 =	smov.u32 s6;
	s28 =	rddreg [dreg:$0x4]  }
0xa2: {  	s29 =	sadd.s32 s10, s28;
	s10 =	sadd.s32 $0x7, s20;
	_ =	swait.ge @!p0 [sflag:s31], $0x100  }
.LBB2_5:
0xa3: {  	s1 =	smul.u32 $0xFFFFE800, s19;
	[sflag:s31] =	ssyncset.done @!p0 $0x0  }
0xa4: {  	s3 =	sshra.s32 @!p0 s24, $0x2;
	s4 =	sadd.s32 s8, s10;
	s20 =	sadd.s32 $0xC, s20  }
0xa5: {  	s2 =	simm.s32 $0x40;
	[sflag:s31] =	ssyncadd.s32 @!p0 $0xFFFFFF00;
	s3 =	sadd.s32 @!p0 s3, s11  }
0xa6: {  	[tilespmem:s29], [sflag:s0] =	stream.indirect.gather @!p0 [hbm4b:s21+s23], $0x80, s3, s23, $0xb8;
	[tilespmem:$0x1E200] =	vst v63  }
0xa7: {  	s1 =	sshra.s32 s1, $0x2;
	s23 =	sadd.s32 s22, s7;
	_ =	swait.ge [sflag:s4], $0x2000  }
0xa8: {  	s0 =	sadd.s32 s8, s20;
	s1 =	sadd.s32 s1, s11;
	[sflag:s4] =	ssyncset.done $0x0  }
0xa9: {  	s1 =	sadd.s32 $0xFFFFFC80, s1;
	s24 =	rddreg [dreg:$0x14];
	[sflag:s4] =	ssyncadd.s32 $0xFFFFE000  }
0xaa: {  	[spmem:s30] =	stream.indirect.scatter.add.f32 [tilespmem:s23], [sflag:s0], $0x80, s1, s2, $0xb8;
	[tilespmem:$0x1E200] =	vst v63  }
0xab: {  	_ =	swait.ge [sflag:s24], $0x2000  }
0xac: {  	[sflag:s24] =	ssyncset.done $0x0  }
0xad: {  	[sflag:s24] =	ssyncadd.s32 $0xFFFFE000  }
0xae: {  	s25 =	stileid.u32;
	[bflag:$0x0] =	sbarrier.arrive $0xFFFF  }
0xaf: {  	s8 =	simm.s32 $0x11;
	s0 =	sshll.u32 s25, $0x6;
	s3 =	rddreg [dreg:$0x9]  }
0xb0: {  	s0 =	sor.u32 $0x1C11, s0;
	s28 =	rddreg [dreg:$0x15];
	s26 =	sshrl.u32 s3, $0x3  }
0xb1: {  	[hbm:s28], [sflag:s0] =	dma.local [spmem:s26], $0x2780  }
0xb2: {  	_ =	swait.ge [sflag:s8], $0x2780  }
0xb3: {  	s29 =	rddreg [dreg:$0x18]  }
0xb4: {  	s31 =	rddreg [dreg:$0x16];
	s1 =	sadd.s32 $0x1, s29  }
0xb5: {  	p0 =	sne.s32 s1, s31  }
.Ltmp3:
0xb6: {  	_ = 	snop;
	(pc) =	sbr.rel @p0 .LBB2_1-.Ltmp3, $3  }
0xb7: {  	_ =	sdelay $0x1  }
0xb8: {  	s6 =	simm.s32 $0x300;
	s9 =	simm.s32 $0x40;
	[sflag:s8] =	ssyncset.done $0x0  }
0xb9: {  	s4 =	simm.s32 $0x200;
	s2 =	simm.s32 $0x100;
	[sflag:s8] =	ssyncadd.s32 $0xFFFFD880  }
0xba: {  	_ =	sfence.sel $0x180000  }
0xbb: {  	[bflag:$0x0] =	sbarrier.arrive $0xFFFF  }
0xbc: {  	_ =	strace $0x9000004D  }
0xbd: {  	s0 =	stileid.u32;
	[bflag:$0x2] =	sbarrier.arrive $0xFFFF  }
0xbe: {  	p0 =	sne.s32 s0, $0x0;
	s0 =	rddreg [dreg:$0x3]  }
0xbf: {  	s0 =	sadd.s32 @!p0 $0x100000, s0  }
0xc0: {  	[sflag:s0] =	ssyncadd.tile.s32 @!p0 $0x1;
	_ =	shalt  }
.Lfunc_end2:
_tile_overlayer_lowered:
.L_overlay_start_2:
0xc1: {  	(tag) =	ssettag $0x2  }
0xc2: {  	s0 =	rddreg [dreg:$0x0];
	s2 =	stileid.u32  }
0xc3: {  	s1 =	rddreg [dreg:$0x1];
	p0 =	sne.s32 s2, $0x0  }
0xc4: {  	s3 =	rddreg [dreg:$0x2];
	[bflag:$0x3] =	sbarrier.arrive $0xFFFF;
	s2 =	simm.s32 @!p0 $0x1C11  }
0xc5: {  	[timem:s3], [sflag:s2] =	dma.local @!p0 [hbm:s0], s1  }
0xc6: {  	s0 =	simm.s32 @!p0 $0x11  }
0xc7: {  	_ =	swait.ge @!p0 [sflag:s0], s1  }
0xc8: {  	s1 =	ssub.s32 @!p0 $0x0, s1;
	[sflag:s0] =	ssyncset.done @!p0 $0x0  }
0xc9: {  	[sflag:s0] =	ssyncadd.s32 @!p0 s1  }
0xca: {  	[bflag:$0x3] =	sbarrier.arrive $0xFFFF  }
0xcb: {  	_ =	shalt  }

// kernel: kernel.19.cloned.1.call-start
scs
__scs_entry_jumppad:
0x0: {  	(pc) =	sbr.rel $0x88, $3  }
0x1: {  	(tag) =	ssettag $0x0;
	lr =	simm.s32 $0x1  }
0x2: {  	[smem:$0x3F99] =	sst lr;
	_ =	strace $0xD0000000  }
0x3: {  	_ = 	snop  }
0x4: {  	_ = 	snop  }
0x5: {  	_ = 	snop  }
0x6: {  	_ = 	snop  }
0x7: {  	_ = 	snop  }
__scs_overlays_trampoline_lowered:
0x8: {  	[smem:$0x3FA8] =	sst s0  }
0x9: {  	[smem:$0x3FA9] =	sst s1  }
0xa: {  	[smem:$0x3FAA] =	sst s2  }
0xb: {  	[smem:$0x3FAB] =	sst s3  }
0xc: {  	[smem:$0x3FAC] =	sst s4  }
0xd: {  	[smem:$0x3FAD] =	sst s5  }
0xe: {  	[smem:$0x3FAE] =	sst s6  }
0xf: {  	[smem:$0x3FAF] =	sst s7  }
0x10: {  	[smem:$0x3FB0] =	sst s8  }
0x11: {  	[smem:$0x3FB1] =	sst s9;
	s0 =	simm.s32 @!p0 $0x0  }
0x12: {  	s1 =	sld [smem:$0x3F97];
	s0 =	simm.s32 @p0 $0x1  }
0x13: {  	[smem:$0x3FB2] =	sst s0;
	s0 =	simm.s32 @!p1 $0x0  }
0x14: {  	s2 =	sld [smem:$0x3F96];
	s0 =	simm.s32 @p1 $0x1  }
0x15: {  	[smem:$0x3FB3] =	sst s0;
	s0 =	simm.s32 @!p2 $0x0  }
0x16: {  	s3 =	sld [smem:$0x3FDB];
	s0 =	simm.s32 @p2 $0x1  }
0x17: {  	s4 =	simm.s32 $0x1BF5;
	[smem:$0x3FB5] =	sst s0  }
0x18: {  	s0 =	sld [smem:$0x3F98];
	_ =	swait.ge [sflag:s4], $0x0  }
0x19: {  	s7 =	sld [smem:$0x3F99]  }
0x1a: {  	s8 =	sadd.s32 $0xFFFFE003, lr  }
0x1b: {  	s9 =	sadd.s32 $0xFFFFFEF7, lr;
	s5 =	simm.s32 $0xFFFFFFFF;
	p2 =	slt.u32 s8, $0xFFFFF086  }
0x1c: {  	p1 =	slt.u32 s9, $0xF7A;
	s5 =	simm.s32 @!p2 $0x0  }
0x1d: {  	s5 =	simm.s32 @p1 $0x1;
	p0 =	seq.s32 s7, s2  }
0x1e: {  	s7 =	smul.u32 @!p0 $0xF7A, s2;
	p2 =	seq.s32 @!p0 s5, $0x0  }
0x1f: {  	s9 =	smul.u32 $0xF7A, s1;
	s8 =	simm.s32 @!p0 $0x1BF5;
	p2 =	por !p2, p0  }
0x20: {  	[sflag:s8] =	ssyncset.s32 @!p0 $0xFFFFF086;
	s6 =	sadd.s32 @!p0 s3, s7;
	s7 =	simm.s32 @!p0 $0x108  }
0x21: {  	s3 =	sadd.s32 s3, s9;
	s6 =	sadd.s32 @!p0 $0x88, s6;
	s7 =	simm.s32 @p2 $0x1082  }
0x22: {  	[simem:s7], [sflag:s8] =	dma.local @!p0 [hbm:s6], $0xF7A  }
0x23: {  	s9 =	sor.u32 $0xD0000000, s2;
	s6 =	simm.s32 $0x108;
	_ =	swait.ge @!p0 [sflag:s8], $0x0  }
0x24: {  	s3 =	sadd.s32 $0x88, s3;
	s6 =	simm.s32 @!p1 $0x1082;
	[sflag:s4] =	ssyncset.s32 $0xFFFFF086  }
0x25: {  	[simem:s6], [sflag:s4] =	dma.local [hbm:s3], $0xF7A  }
0x26: {  	[smem:$0x3F99] =	sst s1;
	(tag) =	ssettag s2;
	_ =	strace s9  }
0x27: {  	s1 =	sld [smem:$0x3FA9]  }
0x28: {  	s2 =	sld [smem:$0x3FAA]  }
0x29: {  	s4 =	sld [smem:$0x3FAC]  }
0x2a: {  	p0 =	seq.s32 s5, $0x0;
	s5 =	sld [smem:$0x3FAD]  }
0x2b: {  	s6 =	sld [smem:$0x3FAE]  }
0x2c: {  	s7 =	sld [smem:$0x3FAF]  }
0x2d: {  	s3 =	simm.s32 $0x108;
	s8 =	sld [smem:$0x3FB0]  }
0x2e: {  	s3 =	simm.s32 @!p0 $0x1082;
	s9 =	sld [smem:$0x3FB1]  }
0x2f: {  	lr =	sadd.s32 s0, s3;
	s0 =	sld [smem:$0x3FA8]  }
0x30: {  	s3 =	sld [smem:$0x3FAB]  }
0x31: {  	[smem:$0x3FB4] =	sst s10  }
0x32: {  	s10 =	sld [smem:$0x3FB2];
	_ =	sdelay $0x3  }
0x33: {  	p0 =	seq.s32 s10, $0x1;
	s10 =	sld [smem:$0x3FB4];
	_ =	sdelay $0x3  }
0x34: {  	[smem:$0x3FB4] =	sst s10  }
0x35: {  	s10 =	sld [smem:$0x3FB3];
	_ =	sdelay $0x3  }
0x36: {  	p1 =	seq.s32 s10, $0x1;
	s10 =	sld [smem:$0x3FB4];
	_ =	sdelay $0x3  }
0x37: {  	[smem:$0x3FB4] =	sst s10  }
0x38: {  	s10 =	sld [smem:$0x3FB5]  }
0x39: {  	_ = 	snop;
	(pc) =	sbr.ind lr, $3  }
0x3a: {  	_ = 	snop  }
0x3b: {  	_ = 	snop  }
0x3c: {  	p2 =	seq.s32 s10, $0x1;
	s10 =	sld [smem:$0x3FB4]  }
0x3d: {  	_ =	shalt  }
0x3e: {  	_ =	shalt  }
0x3f: {  	_ =	shalt  }
0x40: {  	_ =	shalt  }
0x41: {  	_ =	shalt  }
0x42: {  	_ =	shalt  }
0x43: {  	_ =	shalt  }
0x44: {  	_ =	shalt  }
0x45: {  	_ =	shalt  }
0x46: {  	_ =	shalt  }
0x47: {  	_ =	shalt  }
0x48: {  	_ =	shalt  }
0x49: {  	_ =	shalt  }
0x4a: {  	_ =	shalt  }
0x4b: {  	_ =	shalt  }
0x4c: {  	_ =	shalt  }
0x4d: {  	_ =	shalt  }
0x4e: {  	_ =	shalt  }
0x4f: {  	_ =	shalt  }
0x50: {  	_ =	shalt  }
0x51: {  	_ =	shalt  }
0x52: {  	_ =	shalt  }
0x53: {  	_ =	shalt  }
0x54: {  	_ =	shalt  }
0x55: {  	_ =	shalt  }
0x56: {  	_ =	shalt  }
0x57: {  	_ =	shalt  }
0x58: {  	_ =	shalt  }
0x59: {  	_ =	shalt  }
0x5a: {  	_ =	shalt  }
0x5b: {  	_ =	shalt  }
0x5c: {  	_ =	shalt  }
0x5d: {  	_ =	shalt  }
0x5e: {  	_ =	shalt  }
0x5f: {  	_ =	shalt  }
0x60: {  	_ =	shalt  }
0x61: {  	_ =	shalt  }
0x62: {  	_ =	shalt  }
0x63: {  	_ =	shalt  }
0x64: {  	_ =	shalt  }
0x65: {  	_ =	shalt  }
0x66: {  	_ =	shalt  }
0x67: {  	_ =	shalt  }
0x68: {  	_ =	shalt  }
0x69: {  	_ =	shalt  }
0x6a: {  	_ =	shalt  }
0x6b: {  	_ =	shalt  }
0x6c: {  	_ =	shalt  }
0x6d: {  	_ =	shalt  }
0x6e: {  	_ =	shalt  }
0x6f: {  	_ =	shalt  }
0x70: {  	_ =	shalt  }
0x71: {  	_ =	shalt  }
0x72: {  	_ =	shalt  }
0x73: {  	_ =	shalt  }
0x74: {  	_ =	shalt  }
0x75: {  	_ =	shalt  }
0x76: {  	_ =	shalt  }
0x77: {  	_ =	shalt  }
0x78: {  	_ =	shalt  }
0x79: {  	_ =	shalt  }
0x7a: {  	_ =	shalt  }
0x7b: {  	_ =	shalt  }
0x7c: {  	_ =	shalt  }
0x7d: {  	_ =	shalt  }
0x7e: {  	_ =	shalt  }
0x7f: {  	_ =	shalt  }
0x80: {  	_ =	shalt  }
0x81: {  	_ =	shalt  }
0x82: {  	_ =	shalt  }
0x83: {  	_ =	shalt  }
0x84: {  	_ =	shalt  }
0x85: {  	_ =	shalt  }
0x86: {  	_ =	shalt  }
0x87: {  	_ =	shalt  }
.Lfunc_end0:
.L_simem_size_0:
called_computation.3_lowered:
.L_overlay_start_0:
0x88: {  	s2 =	sld [smem:$0x3FD9]  }
0x89: {  	s3 =	sld [smem:$0x3FFE];
	_ =	sdelay $0x1  }
0x8a: {  	s1 =	srdreg.scid  }
0x8b: {  	s0 =	sand.u32 $0x1, s1  }
0x8c: {  	s17 =	sshll.u32 s0, $0xA;
	s2 =	sadd.s32 s3, s2  }
0x8d: {  	s2 =	sadd.s32 s2, s17  }
0x8e: {  	[smem:$0x3FC0] =	sst s2  }
0x8f: {  	_ = 	snop  }
0x90: {  	s2 =	sld [smem:$0x3FD0];
	(tm) =	ssettm $0x1  }
0x91: {  	s18 =	sld [smem:$0x3FFB];
	_ =	sdelay $0x3  }
0x92: {  	_ =	strace s18  }
0x93: {  	s3 =	sld [smem:$0x3FFC];
	_ =	sdelay $0x3  }
0x94: {  	_ =	strace s3  }
0x95: {  	s3 =	sld [smem:$0x3FFD];
	_ =	sdelay $0x3  }
0x96: {  	_ =	strace s3  }
0x97: {  	_ =	strace $0x8FFFFFFF  }
0x98: {  	s19 =	sld [smem:$0x3FDB];
	_ =	sdelay $0x1  }
0x99: {  	s4 =	simm.s32 $_scs_section_size  }
0x9a: {  	s5 =	simm.s32 $_size__tile_overlayer_lowered;
	s6 =	simm.s32 $_tile_overlayer_lowered  }
0x9b: {  	s22 =	simm.s32 $0x1BFF;
	s21 =	sshll.u32 s6, $0x1;
	s3 =	sadd.s32 s4, s19  }
0x9c: {  	s7 =	simm.s32 $0x0;
	s20 =	sshll.u32 s5, $0x1;
	s5 =	sadd.s32 s21, s3  }
0x9d: {  	[timem:s7], [sflag:s22] =	dma.local [hbm:s5], s20  }
0x9e: {  	_ =	swait.ge [sflag:s22], s20  }
0x9f: {  	s4 =	ssub.s32 $0x0, s20;
	[sflag:s22] =	ssyncset.done $0x0  }
0xa0: {  	[sflag:s22] =	ssyncadd.s32 s4;
	_ =	sdelay $0x1  }
0xa1: {  	s23 =	simm.s32 $0x1B8B  }
0xa2: {  	_ =	swait.ge [sflag:s23], $0x1  }
0xa3: {  	[sflag:s23] =	ssyncset.done $0x0  }
0xa4: {  	s25 =	simm.s32 $0x1B8E;
	s24 =	sld [smem:$0x3FFE];
	[sflag:s23] =	ssyncadd.s32 $0xFFFFFFFF  }
0xa5: {  	s26 =	simm.s32 $execute0_lowered;
	[smem:$0x3FD2] =	sst s25  }
0xa6: {  	s5 =	sshll.u32 s26, $0x1;
	_ =	strace $0x8000004F;
	[dreg:$0x1] =	wrdreg $0xFFFFFFFF  }
0xa7: {  	s28 =	simm.s32 $_size_execute0_lowered;
	s3 =	sadd.s32 s3, s5;
	[dreg:$0x0] =	wrdreg $0x0  }
0xa8: {  	s5 =	sshll.u32 s28, $0x1;
	[dreg:$0x2] =	wrdreg s3  }
0xa9: {  	[dreg:$0x3] =	wrdreg s5  }
0xaa: {  	[dreg:$0x4] =	wrdreg $0xC0  }
0xab: {  	_ =	task [dreg:s7], $0x5FFFF  }
0xac: {  	[dreg:$0x1] =	wrdreg $0xFFFFFFFF  }
0xad: {  	[dreg:$0x0] =	wrdreg $0x60  }
0xae: {  	[dreg:$0x2] =	wrdreg s2  }
0xaf: {  	[dreg:$0x3] =	wrdreg s24  }
0xb0: {  	[dreg:$0x4] =	wrdreg $0xA6000  }
0xb1: {  	[dreg:$0x5] =	wrdreg $0x9  }
0xb2: {  	_ =	task.clear_ibuf [dreg:s7], $0x6FFFF;
	_ =	strace $0x9000004F  }
0xb3: {  	s29 =	simm.s32 $0x9;
	_ =	strace $0x80000051  }
0xb4: {  	_ =	swait.ge [sflag:s29], $0x1  }
0xb5: {  	[sflag:s29] =	ssyncadd.s32 $0xFFFFFFFF  }
0xb6: {  	_ =	strace $0x90000051  }
0xb7: {  	_ =	sfence  }
0xb8: {  	s30 =	sld [smem:$0x0];
	_ =	sdelay $0x2  }
0xb9: {  	s31 =	sshll.u32 s1, $0xD;
	s1 =	sshrl.u32 s1, $0x2  }
0xba: {  	s3 =	sand.u32 $0x4000, s31;
	s1 =	sadd.s32 s1, s30  }
0xbb: {  	s0 =	sor.u32 s3, s0;
	s1 =	sshll.u32 s1, $0x11  }
0xbc: {  	s0 =	sor.u32 s1, s0  }
0xbd: {  	s0 =	sadd.s32 $0x8F2B, s0  }
0xbe: {  	[sflag:s0] =	ssyncadd.remote.s32 $0x1  }
0xbf: {  	_ =	sfence.sel $0xFFFF  }
0xc0: {  	[dreg:$0x0] =	wrdreg $0xFFFFFFFF;
	(pc) =	sbr.abs _section_cstart, $3  }
0xc1: {  	[dreg:$0x1] =	wrdreg $0xFFFFFFFF  }
0xc2: {  	_ =	task.clear_ibuf [dreg:s7], $0x2FFFF;
	_ =	strace $0x9FFFFFFF  }
0xc3: {  	(tm) =	ssettm $0x7FFFFFFF  }
tec
execute0_lowered:
.L_overlay_start_1:
0x0: {  	(tag) =	ssettag $0x1  }
0x1: {  	s21 =	rddreg [dreg:$0x0];
	s1 =	stileid.u32  }
0x2: {  	s0 =	rddreg [dreg:$0x1];
	s5 =	smul.u32 $0xE8, s1  }
0x3: {  	s2 =	srdreg.scid;
	s6 =	smul.u32 $0x52, s1  }
0x4: {  	s30 =	rddreg [dreg:$0x2];
	s8 =	smul.u32 $0x13C00, s1  }
0x5: {  	s3 =	simm.s32 $0x0;
	s2 =	sand.u32 $0x1, s2;
	s10 =	smul.u32 $0x4F000, s1  }
0x6: {  	[smem:$0x7FF] =	sst s3;
	s7 =	smul.u32 $0x13C000, s2  }
0x7: {  	p0 =	seq.s32 s2, $0x0;
	s2 =	ssub.s32 $0x2, s2;
	s6 =	sadd.s32 $0xE80, s6  }
0x8: {  	s6 =	smov.u32 @p0 s5;
	s3 =	sadd.s32 s8, s7;
	s8 =	sshrl.u32 s2, $0x1  }
0x9: {  	_ =	strace $0x80000050;
	s5 =	sshll.u32 s6, $0x5;
	s2 =	ssub.s32 s2, s8  }
0xa: {  	s6 =	sshrl.u32 s3, $0x3;
	s8 =	sshrl.u32 s10, $0x2;
	s29 =	smax.u32 s2, $0x1  }
0xb: {  	s4 =	sadd.s32 s5, s0;
	s3 =	sadd.s32 s8, s30;
	[dreg:$0x16] =	wrdreg s29  }
0xc: {  	s11 =	sadd.s32 $0x3200, s4;
	[dreg:$0x9] =	wrdreg s3  }
0xd: {  	s13 =	sadd.s32 $0x3220, s4;
	[dreg:$0x5] =	wrdreg s11  }
0xe: {  	s14 =	sadd.s32 $0x3240, s4;
	[dreg:$0x6] =	wrdreg s13  }
0xf: {  	s15 =	sadd.s32 $0x3260, s4;
	[dreg:$0x7] =	wrdreg s14  }
0x10: {  	s1 =	simm.s32 $0x0;
	s16 =	sadd.s32 $0x3280, s4;
	[dreg:$0x8] =	wrdreg s15  }
0x11: {  	s5 =	simm.s32 $0xE8;
	s17 =	sadd.s32 $0x2000, s3;
	[dreg:$0xa] =	wrdreg s16  }
0x12: {  	s0 =	sadd.s32 s6, s0;
	s18 =	sadd.s32 $0x4000, s3;
	[dreg:$0xb] =	wrdreg s17  }
0x13: {  	s5 =	simm.s32 @!p0 $0x52;
	s19 =	sadd.s32 $0x6000, s3;
	[dreg:$0xc] =	wrdreg s18  }
0x14: {  	s20 =	sadd.s32 $0x8000, s3;
	s9 =	sadd.s32 $0xFFFFFFFF, s5;
	[dreg:$0xd] =	wrdreg s19  }
0x15: {  	s22 =	sadd.s32 $0xA000, s3;
	[dreg:$0xe] =	wrdreg s20;
	s12 =	smul.u32 $0xCD, s9  }
0x16: {  	s2 =	simm.s32 $0x100;
	s23 =	sadd.s32 $0xC000, s3;
	[dreg:$0xf] =	wrdreg s22  }
0x17: {  	s24 =	sadd.s32 $0xE000, s3;
	[dreg:$0x10] =	wrdreg s23;
	s6 =	sshrl.u32 s12, $0xA  }
0x18: {  	s25 =	sadd.s32 $0x10000, s3;
	[dreg:$0x11] =	wrdreg s24;
	s6 =	smul.u32 $0x5, s6  }
0x19: {  	s8 =	simm.s32 $0x11;
	s26 =	sadd.s32 $0x12000, s3;
	[dreg:$0x12] =	wrdreg s25  }
0x1a: {  	s0 =	sadd.s32 $0x2A600, s0;
	[dreg:$0x13] =	wrdreg s26;
	s6 =	ssub.s32 s9, s6  }
0x1b: {  	s31 =	sadd.s32 $0x32A0, s4;
	[dreg:$0x15] =	wrdreg s0;
	s6 =	sand.u32 $0xFF, s6  }
0x1c: {  	s4 =	simm.s32 $0x200;
	[dreg:$0x17] =	wrdreg s31;
	s28 =	sadd.s32 $0xC, s6  }
0x1d: {  	v0 =	vimm.f32 $0.0e+00;
	s9 =	simm.s32 $0x40;
	s6 =	simm.s32 $0x300;
	[dreg:$0x14] =	wrdreg s28  }
.LBB2_1:
0x1e: {  	s0 =	simm.s32 $0x0;
	s25 =	rddreg [dreg:$0x5]  }
0x1f: {  	[tilespmem:s0], [sflag:$0x1] =	stream.linear.gather [hbm4b:s25+s0], $0x100, $0x38;
	[tilespmem:$0x1E200] =	vst v63  }
0x20: {  	s26 =	rddreg [dreg:$0x6]  }
0x21: {  	[tilespmem:s2], [sflag:$0x2] =	stream.linear.gather [hbm4b:s26+s0], $0x100, $0x38;
	[tilespmem:$0x1E200] =	vst v63  }
0x22: {  	s28 =	rddreg [dreg:$0x7]  }
0x23: {  	[tilespmem:s4], [sflag:$0x3] =	stream.linear.gather [hbm4b:s28+s0], $0x100, $0x38;
	[tilespmem:$0x1E200] =	vst v63  }
0x24: {  	s29 =	rddreg [dreg:$0x8]  }
0x25: {  	[tilespmem:s6], [sflag:$0x4] =	stream.linear.gather [hbm4b:s29+s0], $0x100, $0x38;
	[tilespmem:$0x1E200] =	vst v63  }
0x26: {  	s31 =	rddreg [dreg:$0xa];
	s7 =	simm.s32 $0x400  }
0x27: {  	[tilespmem:s7], [sflag:$0x5] =	stream.linear.gather [hbm4b:s31+s0], $0x100, $0x38;
	[tilespmem:$0x1E200] =	vst v63  }
0x28: {  	[dreg:$0x18] =	wrdreg s1;
	s0 =	simm.s32 $0x0;
	s7 =	simm.s32 $0x200  }
.LBB2_2:
0x29: {  	p0 =	sne.s32 s7, $0x7E00;
	[tilespmem:s0+$0x670] =	vst v0  }
0x2a: {  	[tilespmem:s0+$0x600] =	vst v0  }
0x2b: {  	[tilespmem:s0+$0x610] =	vst v0  }
.Ltmp0:
0x2c: {  	[tilespmem:s0+$0x620] =	vst v0;
	(pc) =	sbr.rel @p0 .LBB2_2-.Ltmp0, $4  }
0x2d: {  	[tilespmem:s0+$0x630] =	vst v0  }
0x2e: {  	[tilespmem:s0+$0x640] =	vst v0  }
0x2f: {  	[tilespmem:s0+$0x650] =	vst v0  }
0x30: {  	[tilespmem:s0+$0x660] =	vst v0;
	s0 =	sshra.s32 s7, $0x2;
	s7 =	sadd.s32 $0x200, s7  }
0x31: {  	[tilespmem:s0+$0x670] =	vst v0  }
0x32: {  	[tilespmem:s0+$0x600] =	vst v0  }
0x33: {  	[tilespmem:s0+$0x610] =	vst v0  }
0x34: {  	[tilespmem:s0+$0x620] =	vst v0  }
0x35: {  	[tilespmem:s0+$0x630] =	vst v0  }
0x36: {  	[tilespmem:s0+$0x640] =	vst v0  }
0x37: {  	[tilespmem:s0+$0x650] =	vst v0  }
0x38: {  	[tilespmem:s0+$0x660] =	vst v0;
	s7 =	simm.s32 $0x600  }
0x39: {  	[spmem:s3] =	stream.linear.scatter [tilespmem:s7], [sflag:$0x11], $0x2000, $0x38;
	[tilespmem:$0x1E200] =	vst v63  }
0x3a: {  	_ =	swait.ge [sflag:s8], $0x2000  }
0x3b: {  	[sflag:s8] =	ssyncset.done $0x0  }
0x3c: {  	s14 =	rddreg [dreg:$0xb];
	[sflag:s8] =	ssyncadd.s32 $0xFFFFE000  }
0x3d: {  	[spmem:s14] =	stream.linear.scatter [tilespmem:s7], [sflag:$0x11], $0x2000, $0x38;
	[tilespmem:$0x1E200] =	vst v63  }
0x3e: {  	_ =	swait.ge [sflag:s8], $0x2000  }
0x3f: {  	[sflag:s8] =	ssyncset.done $0x0  }
0x40: {  	s15 =	rddreg [dreg:$0xc];
	[sflag:s8] =	ssyncadd.s32 $0xFFFFE000  }
0x41: {  	[spmem:s15] =	stream.linear.scatter [tilespmem:s7], [sflag:$0x11], $0x2000, $0x38;
	[tilespmem:$0x1E200] =	vst v63  }
0x42: {  	_ =	swait.ge [sflag:s8], $0x2000  }
0x43: {  	[sflag:s8] =	ssyncset.done $0x0  }
0x44: {  	s16 =	rddreg [dreg:$0xd];
	[sflag:s8] =	ssyncadd.s32 $0xFFFFE000  }
0x45: {  	[spmem:s16] =	stream.linear.scatter [tilespmem:s7], [sflag:$0x11], $0x2000, $0x38;
	[tilespmem:$0x1E200] =	vst v63  }
0x46: {  	_ =	swait.ge [sflag:s8], $0x2000  }
0x47: {  	[sflag:s8] =	ssyncset.done $0x0  }
0x48: {  	s17 =	rddreg [dreg:$0xe];
	[sflag:s8] =	ssyncadd.s32 $0xFFFFE000  }
0x49: {  	[spmem:s17] =	stream.linear.scatter [tilespmem:s7], [sflag:$0x11], $0x2000, $0x38;
	[tilespmem:$0x1E200] =	vst v63  }
0x4a: {  	_ =	swait.ge [sflag:s8], $0x2000  }
0x4b: {  	[sflag:s8] =	ssyncset.done $0x0  }
0x4c: {  	s18 =	rddreg [dreg:$0xf];
	[sflag:s8] =	ssyncadd.s32 $0xFFFFE000  }
0x4d: {  	[spmem:s18] =	stream.linear.scatter [tilespmem:s7], [sflag:$0x11], $0x2000, $0x38;
	[tilespmem:$0x1E200] =	vst v63  }
0x4e: {  	_ =	swait.ge [sflag:s8], $0x2000  }
0x4f: {  	[sflag:s8] =	ssyncset.done $0x0  }
0x50: {  	s19 =	rddreg [dreg:$0x10];
	[sflag:s8] =	ssyncadd.s32 $0xFFFFE000  }
0x51: {  	[spmem:s19] =	stream.linear.scatter [tilespmem:s7], [sflag:$0x11], $0x2000, $0x38;
	[tilespmem:$0x1E200] =	vst v63  }
0x52: {  	_ =	swait.ge [sflag:s8], $0x2000  }
0x53: {  	[sflag:s8] =	ssyncset.done $0x0  }
0x54: {  	s20 =	rddreg [dreg:$0x11];
	[sflag:s8] =	ssyncadd.s32 $0xFFFFE000  }
0x55: {  	[spmem:s20] =	stream.linear.scatter [tilespmem:s7], [sflag:$0x11], $0x2000, $0x38;
	[tilespmem:$0x1E200] =	vst v63  }
0x56: {  	_ =	swait.ge [sflag:s8], $0x2000  }
0x57: {  	[sflag:s8] =	ssyncset.done $0x0  }
0x58: {  	s24 =	simm.s32 $0x1;
	s22 =	rddreg [dreg:$0x12];
	[sflag:s8] =	ssyncadd.s32 $0xFFFFE000  }
0x59: {  	[spmem:s22] =	stream.linear.scatter [tilespmem:s7], [sflag:$0x11], $0x2000, $0x38;
	[tilespmem:$0x1E200] =	vst v63  }
0x5a: {  	s25 =	simm.s32 $0x0;
	s1 =	simm.s32 $0x2;
	_ =	swait.ge [sflag:s8], $0x2000  }
0x5b: {  	s26 =	simm.s32 $0x2600;
	s28 =	simm.s32 $0x3;
	[sflag:s8] =	ssyncset.done $0x0  }
0x5c: {  	s10 =	simm.s32 $0x4;
	s23 =	rddreg [dreg:$0x13];
	[sflag:s8] =	ssyncadd.s32 $0xFFFFE000  }
0x5d: {  	[spmem:s23] =	stream.linear.scatter [tilespmem:s7], [sflag:$0x11], $0x1C00, $0x38;
	[tilespmem:$0x1E200] =	vst v63  }
0x5e: {  	s13 =	simm.s32 $0xFFFFFFFF;
	s11 =	simm.s32 $0x400;
	_ =	swait.ge [sflag:s8], $0x1C00  }
0x5f: {  	p1 =	sne.s32 s5, $0x1;
	p3 =	por $0x1, $0x1;
	[sflag:s8] =	ssyncset.done $0x0  }
0x60: {  	p2 =	sle.u32 s5, $0x5;
	s12 =	smulhi.u32 $0xAAAAAAAB, s25;
	[sflag:s8] =	ssyncadd.s32 $0xFFFFE400  }
0x61: {  	p0 =	sle.u32 s5, $0x4;
	s0 =	smulhi.u32 $0xCCCCCCCD, s25;
	[bflag:$0x0] =	sbarrier.arrive $0xFFFF  }
0x62: {  	s3 =	simm.s32 $0x6600;
	s15 =	smulhi.u32 $0xCCCCCCCD, s13;
	_ =	swait.ge [sflag:s24], $0x100  }
0x63: {  	s0 =	sshrl.u32 s0, $0x2;
	s14 =	simm.s32 $0x6;
	[sflag:s24] =	ssyncset.done $0x0  }
0x64: {  	s16 =	simm.s32 $0x5;
	s17 =	sshrl.u32 s15, $0x2;
	[sflag:s24] =	ssyncadd.s32 $0xFFFFFF00  }
0x65: {  	[tilespmem:s7], [sflag:$0x7] =	stream.indirect.gather [hbm4b:s21+s9], $0x80, s25, s9, $0xb8;
	[tilespmem:$0x1E200] =	vst v63  }
0x66: {  	s15 =	simm.s32 $0x500;
	s18 =	smulhi.u32 $0xCCCCCCCD, s10;
	_ =	swait.ge [sflag:s1], $0x100  }
0x67: {  	s19 =	sshrl.u32 s12, $0x2;
	s22 =	smul.u32 $0xFFFD8000, s0;
	[sflag:s1] =	ssyncset.done $0x0  }
0x68: {  	s12 =	simm.s32 $0x2600;
	s23 =	smul.u32 $0xFFFFFFEC, s17;
	[sflag:s1] =	ssyncadd.s32 $0xFFFFFF00  }
0x69: {  	[tilespmem:s26], [sflag:$0x8] =	stream.indirect.gather [hbm4b:s21+s9], $0x80, s2, s9, $0xb8;
	[tilespmem:$0x1E200] =	vst v63  }
0x6a: {  	s0 =	smul.u32 $0xFFFFFFEC, s0;
	s22 =	sshra.s32 s22, $0x2;
	_ =	swait.ge [sflag:s28], $0x100  }
0x6b: {  	s17 =	simm.s32 $0xA600;
	s23 =	sshra.s32 s23, $0x2;
	[sflag:s28] =	ssyncset.done $0x0  }
0x6c: {  	s24 =	sshrl.u32 s18, $0x2;
	s2 =	simm.s32 $0x4600;
	[sflag:s28] =	ssyncadd.s32 $0xFFFFFF00  }
0x6d: {  	[tilespmem:s2], [sflag:$0x9] =	stream.indirect.gather [hbm4b:s21+s9], $0x80, s4, s9, $0xb8;
	[tilespmem:$0x1E200] =	vst v63  }
0x6e: {  	s8 =	simm.s32 $0x0;
	s18 =	simm.s32 $0x4;
	s2 =	smul.u32 $0xFFFFFFEC, s24  }
0x6f: {  	s4 =	simm.s32 $0x5;
	s24 =	smul.u32 $0xFFFD8000, s24;
	_ =	swait.ge [sflag:s10], $0x100  }
0x70: {  	s26 =	simm.s32 @!p2 $0x0;
	s20 =	smulhi.u32 $0xAAAAAAAB, s4;
	[sflag:s10] =	ssyncset.done $0x0  }
0x71: {  	s1 =	rddreg [dreg:$0x17];
	[sflag:s10] =	ssyncadd.s32 $0xFFFFFF00;
	s10 =	smulhi.u32 $0xAAAAAAAB, s10  }
0x72: {  	[tilespmem:s3], [sflag:$0xA] =	stream.indirect.gather [hbm4b:s21+s9], $0x80, s6, s9, $0xb8;
	[tilespmem:$0x1E200] =	vst v63  }
0x73: {  	s13 =	sadd.s32 $0x20, s1;
	s9 =	simm.s32 $0x1;
	s6 =	sshrl.u32 s20, $0x2  }
0x74: {  	s20 =	sshra.s32 s0, $0x2;
	s0 =	sadd.s32 $0xB, s23;
	s28 =	smul.u32 $0xFFFFFFE8, s6  }
0x75: {  	s10 =	sshrl.u32 s10, $0x2;
	s0 =	sadd.s32 @!p3 $0x0, s0;
	s29 =	smul.u32 $0xFFFFE800, s6  }
0x76: {  	s3 =	sshra.s32 s2, $0x2;
	s25 =	smul.u32 $0xFFFFFFE8, s10;
	_ =	swait.ge @!p3 [sflag:s0], $0x2000  }
0x77: {  	[sflag:s0] =	ssyncset.done @!p3 $0x0;
	s6 =	sshra.s32 s28, $0x2;
	s28 =	sshra.s32 @!p2 s29, $0x2  }
0x78: {  	[sflag:s0] =	ssyncadd.s32 @!p3 $0xFFFFE000;
	s4 =	sshra.s32 s25, $0x2;
	s0 =	sadd.s32 $0xB, s3  }
0x79: {  	s28 =	sadd.s32 @!p2 $0x400, s28;
	s25 =	sadd.s32 $0x6, s6;
	s23 =	sadd.s32 $0x5, s4  }
.Ltmp1:
0x7a: {  	s28 =	sadd.s32 @!p2 $0x100, s28;
	s25 =	sadd.s32 @!p2 $0x0, s25;
	(pc) =	sbr.rel @!p1 .LBB2_5-.Ltmp1, $4  }
0x7b: {  	[tilespmem:s28], [sflag:s25] =	stream.linear.gather @!p2 [hbm4b:s1+s26], $0x100, $0x38;
	[tilespmem:$0x1E200] =	vst v63  }
0x7c: {  	s0 =	sadd.s32 @!p0 $0x0, s0;
	s31 =	sadd.s32 @!p0 $0x0, s23;
	s23 =	simm.s32 @!p0 $0x40  }
0x7d: {  	s28 =	sshra.s32 s24, $0x2;
	s24 =	smul.u32 $0xFFFFE800, s10;
	s25 =	simm.s32 $0x0  }
0x7e: {  	s10 =	sadd.s32 $0x7, s20;
	s29 =	sadd.s32 $0x8600, s28;
	_ =	swait.ge @!p0 [sflag:s31], $0x100  }
.LBB2_4:
0x7f: {  	s19 =	smul.u32 $0xFFFFE800, s19  }
0x80: {  	[sflag:s31] =	ssyncset.done @!p0 $0x0;
	s4 =	smov.u32 s9;
	s28 =	smov.u32 s13  }
0x81: {  	s1 =	smov.u32 s17;
	s20 =	sadd.s32 $0xC, s20;
	s10 =	sadd.s32 s8, s10  }
0x82: {  	s9 =	sadd.s32 $0x1, s9;
	s7 =	sadd.s32 s22, s7;
	s22 =	smulhi.u32 $0xAAAAAAAB, s14  }
0x83: {  	s13 =	sadd.s32 $0x20, s13;
	s14 =	sadd.s32 $0x1, s14;
	s17 =	sadd.s32 $0x2000, s17  }
0x84: {  	p3 =	seq.s32 s18, $0x0;
	s2 =	smov.u32 s21;
	s24 =	sshra.s32 @!p0 s24, $0x2  }
0x85: {  	[dreg:$0x4] =	wrdreg s1;
	s6 =	sadd.s32 s8, s20;
	s20 =	smulhi.u32 $0xCCCCCCCD, s16  }
0x86: {  	[sflag:s31] =	ssyncadd.s32 @!p0 $0xFFFFFF00;
	p1 =	sne.s32 s9, s5;
	s26 =	smulhi.u32 $0xCCCCCCCD, s4  }
0x87: {  	s8 =	sshra.s32 s18, $0x2;
	s1 =	smulhi.u32 $0xAAAAAAAB, s16;
	s16 =	sadd.s32 $0x1, s16  }
0x88: {  	s24 =	sadd.s32 @!p0 s24, s11;
	s19 =	sshra.s32 s19, $0x2;
	s31 =	sshrl.u32 s22, $0x2  }
0x89: {  	[tilespmem:s29], [sflag:s0] =	stream.indirect.gather @!p0 [hbm4b:s21+s23], $0x80, s24, s23, $0xb8;
	[tilespmem:$0x1E200] =	vst v63  }
0x8a: {  	s22 =	sshra.s32 @!p3 s18, $0x2;
	s3 =	sadd.s32 s19, s11;
	s11 =	simm.s32 $0x40  }
0x8b: {  	s19 =	smulhi.u32 $0xAAAAAAAB, s4;
	s29 =	sadd.s32 $0x4, s4;
	s4 =	sadd.s32 $0x5, s4  }
0x8c: {  	s21 =	sshrl.u32 s1, $0x2;
	_ =	swait.ge [sflag:s10], $0x2000;
	s0 =	sadd.s32 $0xFFFFFC80, s3  }
0x8d: {  	s3 =	smulhi.u32 $0xCCCCCCCD, s25;
	p2 =	sge.u32 s4, s5;
	p0 =	sge.u32 s29, s5  }
0x8e: {  	s1 =	smul.u32 $0xFFFFFFE8, s21;
	s25 =	sadd.s32 $0x1, s25;
	[sflag:s10] =	ssyncset.done $0x0  }
0x8f: {  	[sflag:s10] =	ssyncadd.s32 $0xFFFFE000;
	s23 =	sshrl.u32 s3, $0x2;
	s3 =	smul.u32 $0xFFFFFFE8, s31  }
0x90: {  	[spmem:s30] =	stream.indirect.scatter.add.f32 [tilespmem:s7], [sflag:s6], $0x80, s0, s11, $0xb8;
	[tilespmem:$0x1E200] =	vst v63  }
0x91: {  	s19 =	sshrl.u32 s19, $0x2;
	s0 =	sshrl.u32 s26, $0x2;
	s23 =	smul.u32 $0xFFFFFFEC, s23  }
0x92: {  	s29 =	sshra.s32 @!p2 s18, $0x2;
	s10 =	sshrl.u32 s20, $0x2;
	s24 =	smul.u32 $0xFFFD8000, s0  }
0x93: {  	s6 =	smov.u32 s12;
	s11 =	smov.u32 s15;
	s0 =	smul.u32 $0xFFFFFFEC, s0  }
0x94: {  	s12 =	sadd.s32 $0x2000, s12;
	s7 =	sshra.s32 s23, $0x2;
	s23 =	smul.u32 $0xFFFFFFEC, s10  }
0x95: {  	s15 =	sadd.s32 $0x100, s15;
	s26 =	simm.s32 @!p2 $0x0;
	s10 =	smul.u32 $0xFFFD8000, s10  }
0x96: {  	s20 =	sshra.s32 s0, $0x2;
	s0 =	sadd.s32 $0xB, s7;
	s7 =	smov.u32 s5  }
0x97: {  	s5 =	smov.u32 s30;
	s30 =	sshra.s32 @!p0 s18, $0x2;
	s18 =	sadd.s32 $0x4, s18  }
0x98: {  	s0 =	sadd.s32 @!p3 s22, s0;
	s22 =	sshra.s32 s24, $0x2;
	s24 =	smul.u32 $0xFFFFE800, s31  }
0x99: {  	s4 =	sshra.s32 s23, $0x2;
	s23 =	sshra.s32 s1, $0x2;
	s1 =	sshra.s32 s3, $0x2  }
0x9a: {  	s10 =	sshra.s32 s10, $0x2;
	_ =	swait.ge @!p3 [sflag:s0], $0x2000;
	s23 =	sadd.s32 $0x5, s23  }
0x9b: {  	s4 =	sadd.s32 $0xB, s4;
	s1 =	sadd.s32 $0x6, s1;
	[sflag:s0] =	ssyncset.done @!p3 $0x0  }
0x9c: {  	s31 =	sadd.s32 @!p0 s30, s23;
	s23 =	simm.s32 @!p0 $0x40;
	s1 =	sadd.s32 @!p2 s29, s1  }
0x9d: {  	[sflag:s0] =	ssyncadd.s32 @!p3 $0xFFFFE000;
	s0 =	sshra.s32 @!p2 s24, $0x2;
	s24 =	smul.u32 $0xFFFFE800, s21  }
.Ltmp2:
0x9e: {  	s21 =	smov.u32 s2;
	s0 =	sadd.s32 @!p2 s0, s11;
	(pc) =	sbr.rel @p1 .LBB2_4-.Ltmp2, $4  }
0x9f: {  	s3 =	sadd.s32 @!p2 $0x100, s0;
	s0 =	sadd.s32 @!p0 s30, s4;
	s30 =	smov.u32 s5  }
0xa0: {  	[tilespmem:s3], [sflag:s1] =	stream.linear.gather @!p2 [hbm4b:s28+s26], $0x100, $0x38;
	[tilespmem:$0x1E200] =	vst v63  }
0xa1: {  	s5 =	smov.u32 s7;
	s7 =	smov.u32 s6;
	s28 =	rddreg [dreg:$0x4]  }
0xa2: {  	s29 =	sadd.s32 s10, s28;
	s10 =	sadd.s32 $0x7, s20;
	_ =	swait.ge @!p0 [sflag:s31], $0x100  }
.LBB2_5:
0xa3: {  	s1 =	smul.u32 $0xFFFFE800, s19;
	[sflag:s31] =	ssyncset.done @!p0 $0x0  }
0xa4: {  	s3 =	sshra.s32 @!p0 s24, $0x2;
	s4 =	sadd.s32 s8, s10;
	s20 =	sadd.s32 $0xC, s20  }
0xa5: {  	s2 =	simm.s32 $0x40;
	[sflag:s31] =	ssyncadd.s32 @!p0 $0xFFFFFF00;
	s3 =	sadd.s32 @!p0 s3, s11  }
0xa6: {  	[tilespmem:s29], [sflag:s0] =	stream.indirect.gather @!p0 [hbm4b:s21+s23], $0x80, s3, s23, $0xb8;
	[tilespmem:$0x1E200] =	vst v63  }
0xa7: {  	s1 =	sshra.s32 s1, $0x2;
	s23 =	sadd.s32 s22, s7;
	_ =	swait.ge [sflag:s4], $0x2000  }
0xa8: {  	s0 =	sadd.s32 s8, s20;
	s1 =	sadd.s32 s1, s11;
	[sflag:s4] =	ssyncset.done $0x0  }
0xa9: {  	s1 =	sadd.s32 $0xFFFFFC80, s1;
	s24 =	rddreg [dreg:$0x14];
	[sflag:s4] =	ssyncadd.s32 $0xFFFFE000  }
0xaa: {  	[spmem:s30] =	stream.indirect.scatter.add.f32 [tilespmem:s23], [sflag:s0], $0x80, s1, s2, $0xb8;
	[tilespmem:$0x1E200] =	vst v63  }
0xab: {  	_ =	swait.ge [sflag:s24], $0x2000  }
0xac: {  	[sflag:s24] =	ssyncset.done $0x0  }
0xad: {  	[sflag:s24] =	ssyncadd.s32 $0xFFFFE000  }
0xae: {  	s25 =	stileid.u32;
	[bflag:$0x0] =	sbarrier.arrive $0xFFFF  }
0xaf: {  	s8 =	simm.s32 $0x11;
	s0 =	sshll.u32 s25, $0x6;
	s3 =	rddreg [dreg:$0x9]  }
0xb0: {  	s0 =	sor.u32 $0x1C11, s0;
	s28 =	rddreg [dreg:$0x15];
	s26 =	sshrl.u32 s3, $0x3  }
0xb1: {  	[hbm:s28], [sflag:s0] =	dma.local [spmem:s26], $0x2780  }
0xb2: {  	_ =	swait.ge [sflag:s8], $0x2780  }
0xb3: {  	s29 =	rddreg [dreg:$0x18]  }
0xb4: {  	s31 =	rddreg [dreg:$0x16];
	s1 =	sadd.s32 $0x1, s29  }
0xb5: {  	p0 =	sne.s32 s1, s31  }
.Ltmp3:
0xb6: {  	_ = 	snop;
	(pc) =	sbr.rel @p0 .LBB2_1-.Ltmp3, $3  }
0xb7: {  	_ =	sdelay $0x1  }
0xb8: {  	s6 =	simm.s32 $0x300;
	s9 =	simm.s32 $0x40;
	[sflag:s8] =	ssyncset.done $0x0  }
0xb9: {  	s4 =	simm.s32 $0x200;
	s2 =	simm.s32 $0x100;
	[sflag:s8] =	ssyncadd.s32 $0xFFFFD880  }
0xba: {  	_ =	sfence.sel $0x180000  }
0xbb: {  	[bflag:$0x0] =	sbarrier.arrive $0xFFFF  }
0xbc: {  	_ =	strace $0x90000050  }
0xbd: {  	s0 =	stileid.u32;
	[bflag:$0x2] =	sbarrier.arrive $0xFFFF  }
0xbe: {  	p0 =	sne.s32 s0, $0x0;
	s0 =	rddreg [dreg:$0x3]  }
0xbf: {  	s0 =	sadd.s32 @!p0 $0x100000, s0  }
0xc0: {  	[sflag:s0] =	ssyncadd.tile.s32 @!p0 $0x1;
	_ =	shalt  }
.Lfunc_end2:
_tile_overlayer_lowered:
.L_overlay_start_2:
0xc1: {  	(tag) =	ssettag $0x2  }
0xc2: {  	s0 =	rddreg [dreg:$0x0];
	s2 =	stileid.u32  }
0xc3: {  	s1 =	rddreg [dreg:$0x1];
	p0 =	sne.s32 s2, $0x0  }
0xc4: {  	s3 =	rddreg [dreg:$0x2];
	[bflag:$0x3] =	sbarrier.arrive $0xFFFF;
	s2 =	simm.s32 @!p0 $0x1C11  }
0xc5: {  	[timem:s3], [sflag:s2] =	dma.local @!p0 [hbm:s0], s1  }
0xc6: {  	s0 =	simm.s32 @!p0 $0x11  }
0xc7: {  	_ =	swait.ge @!p0 [sflag:s0], s1  }
0xc8: {  	s1 =	ssub.s32 @!p0 $0x0, s1;
	[sflag:s0] =	ssyncset.done @!p0 $0x0  }
0xc9: {  	[sflag:s0] =	ssyncadd.s32 @!p0 s1  }
0xca: {  	[bflag:$0x3] =	sbarrier.arrive $0xFFFF  }
0xcb: {  	_ =	shalt  }

</sc_bundles>
